<compile_context>
chip_gen: v7x
topology: tpu7x:2x2x1
jax: 0.10.2.dev20260603
libtpu: 0.0.44.dev20260713+nightly
codegen_flags: <defaults>
</compile_context>

<pallas_src>
import functools

import jax
import jax.numpy as jnp
from jax import lax
from jax.experimental import pallas as pl
from jax.experimental.pallas import tpu as pltpu
from jax.experimental.pallas import tpu_sc as plsc

_MAXN = 1.0 - 1e-5


def _rsqrt(x):
    i = lax.bitcast_convert_type(x, jnp.int32)
    i = jnp.int32(0x5F3759DF) - (i >> 1)
    y = lax.bitcast_convert_type(i, jnp.float32)
    for _ in range(3):
        y = y * (1.5 - 0.5 * x * y * y)
    return y


def _sqrt(x):
    return x * _rsqrt(jnp.maximum(x, 1e-30))


def _tanh(u):
    e = jnp.exp(jnp.minimum(2.0 * u, 88.0))
    return 1.0 - 2.0 / (e + 1.0)


def _log(q):
    i = lax.bitcast_convert_type(q, jnp.int32)
    ex = (i >> 23) - 127
    m = lax.bitcast_convert_type(
        (i & jnp.int32(0x007FFFFF)) | jnp.int32(0x3F800000), jnp.float32)
    big = m > 1.4142135
    m = jnp.where(big, m * 0.5, m)
    ex = jnp.where(big, ex + 1, ex)
    w = (m - 1.0) / (m + 1.0)
    w2 = w * w
    lnm = 2.0 * w * (1.0 + w2 * (1.0 / 3 + w2 * (0.2 + w2 * (1.0 / 7 + w2 / 9))))
    return ex.astype(jnp.float32) * 0.6931471805599453 + lnm


def _neg_dist(x2, y2, r2, xr, xy, ry):
    sh = jnp.minimum(1.0, _MAXN * _rsqrt(jnp.maximum(x2, 1e-30)))
    x2 = x2 * sh * sh
    xr = xr * sh
    xy = xy * sh
    st = jnp.minimum(1.0, _MAXN * _rsqrt(jnp.maximum(y2, 1e-30)))
    y2 = y2 * st * st
    ry = ry * st
    xy = xy * st
    v2 = 0.01 * r2
    xv = 0.1 * xr
    vy = 0.1 * ry
    vn = _sqrt(jnp.maximum(v2, 1e-30))
    u = vn / jnp.maximum(1.0 - x2, 1e-15)
    alpha = _tanh(u) / vn
    s2 = alpha * alpha * v2
    xs = alpha * xv
    stt = alpha * vy
    P = 1.0 + 2.0 * xs + s2
    Q = 1.0 - x2
    inv1 = 1.0 / jnp.maximum(1.0 + 2.0 * xs + x2 * s2, 1e-15)
    hr2 = (P * P * x2 + 2.0 * P * Q * xs + Q * Q * s2) * inv1 * inv1
    hrt = (P * xy + Q * stt) * inv1
    sc = jnp.minimum(1.0, _MAXN * _rsqrt(jnp.maximum(hr2, 1e-30)))
    x2p = hr2 * sc * sc
    xyp = hrt * sc
    A = 1.0 - 2.0 * xyp + y2
    Bq = 1.0 - x2p
    inv2 = 1.0 / jnp.maximum(1.0 - 2.0 * xyp + x2p * y2, 1e-15)
    d2 = (A * A * x2p - 2.0 * A * Bq * xyp + Bq * Bq * y2) * inv2 * inv2
    dn = _sqrt(jnp.maximum(d2, 0.0))
    z = jnp.minimum(dn, 1.0 - 1e-5)
    return -_log((1.0 + z) / (1.0 - z))


@functools.lru_cache(maxsize=None)
def _make_sc_kernel(n_ent, n_rel, d, b):
    info = plsc.get_sparse_core_info()
    nc, ns = info.num_cores, info.num_subcores
    nw = nc * ns
    bpw = b // nw
    ng = bpw // 16
    mesh = plsc.VectorSubcoreMesh(core_axis_name="c", subcore_axis_name="s")

    @functools.partial(
        pl.kernel,
        mesh=mesh,
        compiler_params=pltpu.CompilerParams(use_tc_tiling_on_sc=False),
        out_type=jax.ShapeDtypeStruct((b,), jnp.float32),
        scratch_types=[
            pltpu.VMEM((bpw,), jnp.int32),
            pltpu.VMEM((bpw,), jnp.int32),
            pltpu.VMEM((bpw,), jnp.int32),
            pltpu.VMEM((bpw, d), jnp.float32),
            pltpu.VMEM((bpw, d), jnp.float32),
            pltpu.VMEM((bpw, d), jnp.float32),
            pltpu.VMEM((bpw,), jnp.float32),
            pltpu.SemaphoreType.DMA,
            pltpu.SemaphoreType.DMA,
            pltpu.SemaphoreType.DMA,
        ],
    )
    def kern(ent, rel, heads, rels, tails, out_hbm,
             hi_v, ri_v, ti_v, hr_v, rr_v, tr_v, out_v, sem_h, sem_r, sem_t):
        wid = lax.axis_index("s") * nc + lax.axis_index("c")
        base = wid * bpw
        pltpu.sync_copy(heads.at[pl.ds(base, bpw)], hi_v)
        pltpu.sync_copy(rels.at[pl.ds(base, bpw)], ri_v)
        pltpu.sync_copy(tails.at[pl.ds(base, bpw)], ti_v)

        cp_h = pltpu.async_copy(ent.at[hi_v], hr_v, sem_h)
        cp_r = pltpu.async_copy(rel.at[ri_v], rr_v, sem_r)
        cp_t = pltpu.async_copy(ent.at[ti_v], tr_v, sem_t)
        cp_h.wait()
        cp_r.wait()
        cp_t.wait()

        lanes = lax.iota(jnp.int32, 16)
        masks = [lanes == s for s in range(16)]
        roll_idx = [(lanes + k) & 15 for k in (8, 4, 2, 1)]
        dnums = lax.GatherDimensionNumbers(
            offset_dims=(), collapsed_slice_dims=(0,), start_index_map=(0,))

        def _allsum(v):
            for idx in roll_idx:
                v = v + lax.gather(
                    v, idx[:, None], dnums, (1,),
                    mode=lax.GatherScatterMode.PROMISE_IN_BOUNDS)
            return v

        nh = d // 16

        def compute(g, _):
            zero = jnp.zeros((16,), jnp.float32)
            x2 = zero
            y2 = zero
            r2 = zero
            xr = zero
            xy = zero
            ry = zero
            for s in range(16):
                row = g * 16 + s
                hs = [hr_v[row, pl.ds(16 * p, 16)] for p in range(nh)]
                rs = [rr_v[row, pl.ds(16 * p, 16)] for p in range(nh)]
                ts = [tr_v[row, pl.ds(16 * p, 16)] for p in range(nh)]
                hh = _allsum(sum(a * a for a in hs))
                tt = _allsum(sum(a * a for a in ts))
                rr = _allsum(sum(a * a for a in rs))
                hr = _allsum(sum(a * b for a, b in zip(hs, rs)))
                ht = _allsum(sum(a * b for a, b in zip(hs, ts)))
                rt = _allsum(sum(a * b for a, b in zip(rs, ts)))
                x2 = jnp.where(masks[s], hh, x2)
                y2 = jnp.where(masks[s], tt, y2)
                r2 = jnp.where(masks[s], rr, r2)
                xr = jnp.where(masks[s], hr, xr)
                xy = jnp.where(masks[s], ht, xy)
                ry = jnp.where(masks[s], rt, ry)
            out_v[pl.ds(g * 16, 16)] = _neg_dist(x2, y2, r2, xr, xy, ry)
            return 0

        lax.fori_loop(0, ng, compute, 0)
        pltpu.sync_copy(out_v, out_hbm.at[pl.ds(base, bpw)])

    return kern


def kernel(entity_embeddings, relation_embeddings, heads, relations, tails):
    n_ent, d = entity_embeddings.shape
    n_rel = relation_embeddings.shape[0]
    b = heads.shape[0]
    kern = _make_sc_kernel(n_ent, n_rel, d, b)
    return kern(entity_embeddings, relation_embeddings,
                heads.astype(jnp.int32), relations.astype(jnp.int32),
                tails.astype(jnp.int32))

# --- scband reference (transcript-rebuilt; emitter-appended) ---
"""Pipeline reference for scband-hyperbolic-kge-7576322310243 (READ-ONLY COPY).

The authoritative reference and input builder live on the scoring server;
editing this copy changes nothing except your own understanding.
"""

import jax, jax.numpy as jnp
import numpy as np

C = 1.0  # ball curvature magnitude (module curvature=-1.0)
EPS = 1e-5
N_ENT = 1000000
N_REL = 1000
D = 32
B = 16384


def project(x):
    norm = jnp.clip(jnp.linalg.norm(x, axis=-1, keepdims=True), 1e-15)
    maxnorm = (1.0 - EPS) / jnp.sqrt(C)
    return jnp.where(norm > maxnorm, x / norm * maxnorm, x)


def mobius_add(x, y):
    x2 = jnp.sum(x * x, axis=-1, keepdims=True)
    y2 = jnp.sum(y * y, axis=-1, keepdims=True)
    xy = jnp.sum(x * y, axis=-1, keepdims=True)
    num = (1.0 + 2.0 * C * xy + C * y2) * x + (1.0 - C * x2) * y
    denom = 1.0 + 2.0 * C * xy + C * C * x2 * y2
    return num / jnp.clip(denom, 1e-15)


def expmap(x, v):
    sqrt_c = jnp.sqrt(C)
    v_norm = jnp.clip(jnp.linalg.norm(v, axis=-1, keepdims=True), 1e-15)
    x2 = jnp.sum(x * x, axis=-1, keepdims=True)
    lam = 2.0 / jnp.clip(1.0 - C * x2, 1e-15)
    second = jnp.tanh(sqrt_c * lam * v_norm / 2.0) * v / (sqrt_c * v_norm)
    return project(mobius_add(x, second))


def distance(x, y):
    sqrt_c = jnp.sqrt(C)
    diff = mobius_add(-x, y)
    dn = jnp.linalg.norm(diff, axis=-1)
    return (2.0 / sqrt_c) * jnp.arctanh(jnp.clip(sqrt_c * dn, 0.0, 1.0 - EPS))


def setup_inputs(seed: int = 0) -> dict:
    key = jax.random.key(seed)
    k1, k2, k3, k4, k5 = jax.random.split(key, 5)
    entity_embeddings = project(jax.random.normal(k1, (N_ENT, D), dtype=jnp.float32) * 0.01)
    relation_embeddings = jax.random.normal(k2, (N_REL, D), dtype=jnp.float32) * 0.01
    heads = jax.random.randint(k3, (B,), 0, N_ENT, dtype=jnp.int64 if jax.config.jax_enable_x64 else jnp.int32)
    relations = jax.random.randint(k4, (B,), 0, N_REL, dtype=jnp.int64 if jax.config.jax_enable_x64 else jnp.int32)
    tails = jax.random.randint(k5, (B,), 0, N_ENT, dtype=jnp.int64 if jax.config.jax_enable_x64 else jnp.int32)
    return {
        "entity_embeddings": entity_embeddings,
        "relation_embeddings": relation_embeddings,
        "heads": heads,
        "relations": relations,
        "tails": tails,
    }


def reference(entity_embeddings, relation_embeddings, heads, relations, tails):
    h = project(jnp.take(entity_embeddings, heads, axis=0))
    r = jnp.take(relation_embeddings, relations, axis=0)
    t = project(jnp.take(entity_embeddings, tails, axis=0))
    h_r = expmap(h, r * 0.1)
    dist = distance(h_r, t)
    return -dist

if __name__ == "__main__":
    import jax
    _d = setup_inputs()
    print(jax.jit(kernel)(*tuple(_d.values())))

</pallas_src>

<mosaic_0001>
#map = affine_map<(d0, d1) -> (0, 0)>
#map1 = affine_map<(d0, d1) -> (0)>
module attributes {stable_mosaic.version = 14 : i64} {
  func.func @kern(%arg0: i32, %arg1: i32, %arg2: memref<1000000x32xf32, #tpu.memory_space<hbm>>, %arg3: memref<1000x32xf32, #tpu.memory_space<hbm>>, %arg4: memref<16384xi32, #tpu.memory_space<hbm>>, %arg5: memref<16384xi32, #tpu.memory_space<hbm>>, %arg6: memref<16384xi32, #tpu.memory_space<hbm>>, %arg7: memref<16384xf32, #tpu.memory_space<hbm>>, %arg8: memref<512xi32, #tpu.memory_space<vmem>>, %arg9: memref<512xi32, #tpu.memory_space<vmem>>, %arg10: memref<512xi32, #tpu.memory_space<vmem>>, %arg11: memref<512x32xf32, #tpu.memory_space<vmem>>, %arg12: memref<512x32xf32, #tpu.memory_space<vmem>>, %arg13: memref<512x32xf32, #tpu.memory_space<vmem>>, %arg14: memref<512xf32, #tpu.memory_space<vmem>>, %arg15: memref<!tpu.dma_semaphore, #tpu.memory_space<semaphore_mem>>, %arg16: memref<!tpu.dma_semaphore, #tpu.memory_space<semaphore_mem>>, %arg17: memref<!tpu.dma_semaphore, #tpu.memory_space<semaphore_mem>>) attributes {dimension_semantics = [#tpu.dimension_semantics<core_parallel>, #tpu.dimension_semantics<subcore_parallel>], iteration_bounds = array<i64: 2, 16>, scalar_prefetch = 0 : i64, scratch_operands = 10 : i64, tpu.core_type = #tpu.core_type<sc_vector_subcore>, window_params = [{transform_indices = #map}, {transform_indices = #map}, {transform_indices = #map1}, {transform_indices = #map1}, {transform_indices = #map1}, {transform_indices = #map1}]} {
    %mul3A = arith.constant 2 : i32
    %mul3A_0 = arith.muli %arg1, %mul3A : i32
    %add3A = arith.addi %mul3A_0, %arg0 : i32
    %mul3A_1 = arith.constant 512 : i32
    %mul3A_2 = arith.muli %add3A, %mul3A_1 : i32
    "tpu.region"() ({
      %run_scoped3A = tpu.sem_alloc : memref<!tpu.dma_semaphore, #tpu.memory_space<semaphore_mem>>
      %dma_start3A_95 = tpu.memref_slice %arg4[%mul3A_2] : memref<16384xi32, #tpu.memory_space<hbm>> -> memref<512xi32, #tpu.memory_space<hbm>>
      %dma_start3A_96 = tpu.memref_slice %arg4[%mul3A_2] : memref<16384xi32, #tpu.memory_space<hbm>> -> memref<512xi32, #tpu.memory_space<hbm>>
      tpu.enqueue_dma source(%dma_start3A_96 : memref<512xi32, #tpu.memory_space<hbm>>) target(%arg8 : memref<512xi32, #tpu.memory_space<vmem>>) target_semaphore(%run_scoped3A : memref<!tpu.dma_semaphore, #tpu.memory_space<semaphore_mem>>)
      %dma_wait3A_97 = tpu.memref_slice %arg4[%mul3A_2] : memref<16384xi32, #tpu.memory_space<hbm>> -> memref<512xi32, #tpu.memory_space<hbm>>
      %dma_wait3A_98 = tpu.memref_slice %arg4[%mul3A_2] : memref<16384xi32, #tpu.memory_space<hbm>> -> memref<512xi32, #tpu.memory_space<hbm>>
      tpu.wait_dma2 semaphore(%run_scoped3A : memref<!tpu.dma_semaphore, #tpu.memory_space<semaphore_mem>>) src(%dma_wait3A_98 : memref<512xi32, #tpu.memory_space<hbm>>) dst(%arg8 : memref<512xi32, #tpu.memory_space<vmem>>)
      tpu.yield
    }) : () -> ()
    "tpu.region"() ({
      %run_scoped3A = tpu.sem_alloc : memref<!tpu.dma_semaphore, #tpu.memory_space<semaphore_mem>>
      %dma_start3A_95 = tpu.memref_slice %arg5[%mul3A_2] : memref<16384xi32, #tpu.memory_space<hbm>> -> memref<512xi32, #tpu.memory_space<hbm>>
      %dma_start3A_96 = tpu.memref_slice %arg5[%mul3A_2] : memref<16384xi32, #tpu.memory_space<hbm>> -> memref<512xi32, #tpu.memory_space<hbm>>
      tpu.enqueue_dma source(%dma_start3A_96 : memref<512xi32, #tpu.memory_space<hbm>>) target(%arg9 : memref<512xi32, #tpu.memory_space<vmem>>) target_semaphore(%run_scoped3A : memref<!tpu.dma_semaphore, #tpu.memory_space<semaphore_mem>>)
      %dma_wait3A_97 = tpu.memref_slice %arg5[%mul3A_2] : memref<16384xi32, #tpu.memory_space<hbm>> -> memref<512xi32, #tpu.memory_space<hbm>>
      %dma_wait3A_98 = tpu.memref_slice %arg5[%mul3A_2] : memref<16384xi32, #tpu.memory_space<hbm>> -> memref<512xi32, #tpu.memory_space<hbm>>
      tpu.wait_dma2 semaphore(%run_scoped3A : memref<!tpu.dma_semaphore, #tpu.memory_space<semaphore_mem>>) src(%dma_wait3A_98 : memref<512xi32, #tpu.memory_space<hbm>>) dst(%arg9 : memref<512xi32, #tpu.memory_space<vmem>>)
      tpu.yield
    }) : () -> ()
    "tpu.region"() ({
      %run_scoped3A = tpu.sem_alloc : memref<!tpu.dma_semaphore, #tpu.memory_space<semaphore_mem>>
      %dma_start3A_95 = tpu.memref_slice %arg6[%mul3A_2] : memref<16384xi32, #tpu.memory_space<hbm>> -> memref<512xi32, #tpu.memory_space<hbm>>
      %dma_start3A_96 = tpu.memref_slice %arg6[%mul3A_2] : memref<16384xi32, #tpu.memory_space<hbm>> -> memref<512xi32, #tpu.memory_space<hbm>>
      tpu.enqueue_dma source(%dma_start3A_96 : memref<512xi32, #tpu.memory_space<hbm>>) target(%arg10 : memref<512xi32, #tpu.memory_space<vmem>>) target_semaphore(%run_scoped3A : memref<!tpu.dma_semaphore, #tpu.memory_space<semaphore_mem>>)
      %dma_wait3A_97 = tpu.memref_slice %arg6[%mul3A_2] : memref<16384xi32, #tpu.memory_space<hbm>> -> memref<512xi32, #tpu.memory_space<hbm>>
      %dma_wait3A_98 = tpu.memref_slice %arg6[%mul3A_2] : memref<16384xi32, #tpu.memory_space<hbm>> -> memref<512xi32, #tpu.memory_space<hbm>>
      tpu.wait_dma2 semaphore(%run_scoped3A : memref<!tpu.dma_semaphore, #tpu.memory_space<semaphore_mem>>) src(%dma_wait3A_98 : memref<512xi32, #tpu.memory_space<hbm>>) dst(%arg10 : memref<512xi32, #tpu.memory_space<vmem>>)
      tpu.yield
    }) : () -> ()
    %dma_start3A = arith.constant 0 : i32
    %dma_start3A_3 = arith.constant 0 : i32
    %dma_start3A_4 = tpu.memref_slice %arg2[%dma_start3A, %dma_start3A_3] : memref<1000000x32xf32, #tpu.memory_space<hbm>> -> memref<1000000x32xf32, #tpu.memory_space<hbm>>
    tpu.enqueue_indirect_dma source(%dma_start3A_4 : memref<1000000x32xf32, #tpu.memory_space<hbm>>) target(%arg11 : memref<512x32xf32, #tpu.memory_space<vmem>>) offsets(%arg8 : memref<512xi32, #tpu.memory_space<vmem>>) semaphore(%arg15 : memref<!tpu.dma_semaphore, #tpu.memory_space<semaphore_mem>>)
    %dma_start3A_5 = arith.constant 0 : i32
    %dma_start3A_6 = arith.constant 0 : i32
    %dma_start3A_7 = tpu.memref_slice %arg3[%dma_start3A_5, %dma_start3A_6] : memref<1000x32xf32, #tpu.memory_space<hbm>> -> memref<1000x32xf32, #tpu.memory_space<hbm>>
    tpu.enqueue_indirect_dma source(%dma_start3A_7 : memref<1000x32xf32, #tpu.memory_space<hbm>>) target(%arg12 : memref<512x32xf32, #tpu.memory_space<vmem>>) offsets(%arg9 : memref<512xi32, #tpu.memory_space<vmem>>) semaphore(%arg16 : memref<!tpu.dma_semaphore, #tpu.memory_space<semaphore_mem>>)
    %dma_start3A_8 = arith.constant 0 : i32
    %dma_start3A_9 = arith.constant 0 : i32
    %dma_start3A_10 = tpu.memref_slice %arg2[%dma_start3A_8, %dma_start3A_9] : memref<1000000x32xf32, #tpu.memory_space<hbm>> -> memref<1000000x32xf32, #tpu.memory_space<hbm>>
    tpu.enqueue_indirect_dma source(%dma_start3A_10 : memref<1000000x32xf32, #tpu.memory_space<hbm>>) target(%arg13 : memref<512x32xf32, #tpu.memory_space<vmem>>) offsets(%arg10 : memref<512xi32, #tpu.memory_space<vmem>>) semaphore(%arg17 : memref<!tpu.dma_semaphore, #tpu.memory_space<semaphore_mem>>)
    %dma_wait3A = arith.constant 0 : i32
    %dma_wait3A_11 = arith.constant 0 : i32
    %dma_wait3A_12 = tpu.memref_slice %arg2[%dma_wait3A, %dma_wait3A_11] : memref<1000000x32xf32, #tpu.memory_space<hbm>> -> memref<1000000x32xf32, #tpu.memory_space<hbm>>
    tpu.wait_indirect_dma semaphore(%arg15 : memref<!tpu.dma_semaphore, #tpu.memory_space<semaphore_mem>>) src(%dma_wait3A_12 : memref<1000000x32xf32, #tpu.memory_space<hbm>>) dst(%arg11 : memref<512x32xf32, #tpu.memory_space<vmem>>)
    %dma_wait3A_13 = arith.constant 0 : i32
    %dma_wait3A_14 = arith.constant 0 : i32
    %dma_wait3A_15 = tpu.memref_slice %arg3[%dma_wait3A_13, %dma_wait3A_14] : memref<1000x32xf32, #tpu.memory_space<hbm>> -> memref<1000x32xf32, #tpu.memory_space<hbm>>
    tpu.wait_indirect_dma semaphore(%arg16 : memref<!tpu.dma_semaphore, #tpu.memory_space<semaphore_mem>>) src(%dma_wait3A_15 : memref<1000x32xf32, #tpu.memory_space<hbm>>) dst(%arg12 : memref<512x32xf32, #tpu.memory_space<vmem>>)
    %dma_wait3A_16 = arith.constant 0 : i32
    %dma_wait3A_17 = arith.constant 0 : i32
    %dma_wait3A_18 = tpu.memref_slice %arg2[%dma_wait3A_16, %dma_wait3A_17] : memref<1000000x32xf32, #tpu.memory_space<hbm>> -> memref<1000000x32xf32, #tpu.memory_space<hbm>>
    tpu.wait_indirect_dma semaphore(%arg17 : memref<!tpu.dma_semaphore, #tpu.memory_space<semaphore_mem>>) src(%dma_wait3A_18 : memref<1000000x32xf32, #tpu.memory_space<hbm>>) dst(%arg13 : memref<512x32xf32, #tpu.memory_space<vmem>>)
    %iota3A = tpu.iota {dimensions = array<i32: 0>} : vector<16xi32>
    %eq3A = arith.constant 0 : i32
    %eq3A_19 = vector.broadcast %eq3A : i32 to vector<16xi32>
    %eq3A_20 = arith.cmpi eq, %iota3A, %eq3A_19 : vector<16xi32>
    %eq3A_21 = arith.constant 1 : i32
    %eq3A_22 = vector.broadcast %eq3A_21 : i32 to vector<16xi32>
    %eq3A_23 = arith.cmpi eq, %iota3A, %eq3A_22 : vector<16xi32>
    %eq3A_24 = arith.constant 2 : i32
    %eq3A_25 = vector.broadcast %eq3A_24 : i32 to vector<16xi32>
    %eq3A_26 = arith.cmpi eq, %iota3A, %eq3A_25 : vector<16xi32>
    %eq3A_27 = arith.constant 3 : i32
    %eq3A_28 = vector.broadcast %eq3A_27 : i32 to vector<16xi32>
    %eq3A_29 = arith.cmpi eq, %iota3A, %eq3A_28 : vector<16xi32>
    %eq3A_30 = arith.constant 4 : i32
    %eq3A_31 = vector.broadcast %eq3A_30 : i32 to vector<16xi32>
    %eq3A_32 = arith.cmpi eq, %iota3A, %eq3A_31 : vector<16xi32>
    %eq3A_33 = arith.constant 5 : i32
    %eq3A_34 = vector.broadcast %eq3A_33 : i32 to vector<16xi32>
    %eq3A_35 = arith.cmpi eq, %iota3A, %eq3A_34 : vector<16xi32>
    %eq3A_36 = arith.constant 6 : i32
    %eq3A_37 = vector.broadcast %eq3A_36 : i32 to vector<16xi32>
    %eq3A_38 = arith.cmpi eq, %iota3A, %eq3A_37 : vector<16xi32>
    %eq3A_39 = arith.constant 7 : i32
    %eq3A_40 = vector.broadcast %eq3A_39 : i32 to vector<16xi32>
    %eq3A_41 = arith.cmpi eq, %iota3A, %eq3A_40 : vector<16xi32>
    %eq3A_42 = arith.constant 8 : i32
    %eq3A_43 = vector.broadcast %eq3A_42 : i32 to vector<16xi32>
    %eq3A_44 = arith.cmpi eq, %iota3A, %eq3A_43 : vector<16xi32>
    %eq3A_45 = arith.constant 9 : i32
    %eq3A_46 = vector.broadcast %eq3A_45 : i32 to vector<16xi32>
    %eq3A_47 = arith.cmpi eq, %iota3A, %eq3A_46 : vector<16xi32>
    %eq3A_48 = arith.constant 10 : i32
    %eq3A_49 = vector.broadcast %eq3A_48 : i32 to vector<16xi32>
    %eq3A_50 = arith.cmpi eq, %iota3A, %eq3A_49 : vector<16xi32>
    %eq3A_51 = arith.constant 11 : i32
    %eq3A_52 = vector.broadcast %eq3A_51 : i32 to vector<16xi32>
    %eq3A_53 = arith.cmpi eq, %iota3A, %eq3A_52 : vector<16xi32>
    %eq3A_54 = arith.constant 12 : i32
    %eq3A_55 = vector.broadcast %eq3A_54 : i32 to vector<16xi32>
    %eq3A_56 = arith.cmpi eq, %iota3A, %eq3A_55 : vector<16xi32>
    %eq3A_57 = arith.constant 13 : i32
    %eq3A_58 = vector.broadcast %eq3A_57 : i32 to vector<16xi32>
    %eq3A_59 = arith.cmpi eq, %iota3A, %eq3A_58 : vector<16xi32>
    %eq3A_60 = arith.constant 14 : i32
    %eq3A_61 = vector.broadcast %eq3A_60 : i32 to vector<16xi32>
    %eq3A_62 = arith.cmpi eq, %iota3A, %eq3A_61 : vector<16xi32>
    %eq3A_63 = arith.constant 15 : i32
    %eq3A_64 = vector.broadcast %eq3A_63 : i32 to vector<16xi32>
    %eq3A_65 = arith.cmpi eq, %iota3A, %eq3A_64 : vector<16xi32>
    %add3A_66 = arith.constant 8 : i32
    %add3A_67 = vector.broadcast %add3A_66 : i32 to vector<16xi32>
    %add3A_68 = arith.addi %iota3A, %add3A_67 : vector<16xi32>
    %and3A = arith.constant 15 : i32
    %and3A_69 = vector.broadcast %and3A : i32 to vector<16xi32>
    %and3A_70 = arith.andi %add3A_68, %and3A_69 : vector<16xi32>
    %add3A_71 = arith.constant 4 : i32
    %add3A_72 = vector.broadcast %add3A_71 : i32 to vector<16xi32>
    %add3A_73 = arith.addi %iota3A, %add3A_72 : vector<16xi32>
    %and3A_74 = arith.constant 15 : i32
    %and3A_75 = vector.broadcast %and3A_74 : i32 to vector<16xi32>
    %and3A_76 = arith.andi %add3A_73, %and3A_75 : vector<16xi32>
    %add3A_77 = arith.constant 2 : i32
    %add3A_78 = vector.broadcast %add3A_77 : i32 to vector<16xi32>
    %add3A_79 = arith.addi %iota3A, %add3A_78 : vector<16xi32>
    %and3A_80 = arith.constant 15 : i32
    %and3A_81 = vector.broadcast %and3A_80 : i32 to vector<16xi32>
    %and3A_82 = arith.andi %add3A_79, %and3A_81 : vector<16xi32>
    %add3A_83 = arith.constant 1 : i32
    %add3A_84 = vector.broadcast %add3A_83 : i32 to vector<16xi32>
    %add3A_85 = arith.addi %iota3A, %add3A_84 : vector<16xi32>
    %and3A_86 = arith.constant 15 : i32
    %and3A_87 = vector.broadcast %and3A_86 : i32 to vector<16xi32>
    %and3A_88 = arith.andi %add3A_85, %and3A_87 : vector<16xi32>
    %scan3A = arith.constant 0 : i32
    %scan3A_89 = arith.constant 0 : i32
    %scan3A_90 = arith.constant 32 : i32
    %scan3A_91 = arith.addi %scan3A_89, %scan3A_90 : i32
    %scan3A_92 = arith.constant 1 : i32
    %scan3A_93 = scf.for %scan3A_95 = %scan3A_89 to %scan3A_91 step %scan3A_92 iter_args(%scan3A_96 = %scan3A) -> (i32)  : i32 {
      %broadcast_in_dim3A = arith.constant 0.000000e+00 : f32
      %broadcast_in_dim3A_97 = vector.broadcast %broadcast_in_dim3A : f32 to vector<16xf32>
      %mul3A_98 = arith.constant 16 : i32
      %mul3A_99 = arith.muli %scan3A_95, %mul3A_98 : i32
      %add3A_100 = arith.constant 0 : i32
      %add3A_101 = arith.addi %mul3A_99, %add3A_100 : i32
      %get3A = arith.index_cast %add3A_101 : i32 to index
      %get3A_102 = arith.constant 0 : index
      %get3A_103 = tpu.vector_load %arg11[%get3A, %get3A_102] {strides = array<i32>} : memref<512x32xf32, #tpu.memory_space<vmem>>, vector<1x16xf32>,
      %get3A_104 = vector.shape_cast %get3A_103 : vector<1x16xf32> to vector<16xf32>
      %get3A_105 = arith.index_cast %add3A_101 : i32 to index
      %get3A_106 = arith.constant 16 : index
      %get3A_107 = tpu.vector_load %arg11[%get3A_105, %get3A_106] {strides = array<i32>} : memref<512x32xf32, #tpu.memory_space<vmem>>, vector<1x16xf32>,
      %get3A_108 = vector.shape_cast %get3A_107 : vector<1x16xf32> to vector<16xf32>
      %get3A_109 = arith.index_cast %add3A_101 : i32 to index
      %get3A_110 = arith.constant 0 : index
      %get3A_111 = tpu.vector_load %arg12[%get3A_109, %get3A_110] {strides = array<i32>} : memref<512x32xf32, #tpu.memory_space<vmem>>, vector<1x16xf32>,
      %get3A_112 = vector.shape_cast %get3A_111 : vector<1x16xf32> to vector<16xf32>
      %get3A_113 = arith.index_cast %add3A_101 : i32 to index
      %get3A_114 = arith.constant 16 : index
      %get3A_115 = tpu.vector_load %arg12[%get3A_113, %get3A_114] {strides = array<i32>} : memref<512x32xf32, #tpu.memory_space<vmem>>, vector<1x16xf32>,
      %get3A_116 = vector.shape_cast %get3A_115 : vector<1x16xf32> to vector<16xf32>
      %get3A_117 = arith.index_cast %add3A_101 : i32 to index
      %get3A_118 = arith.constant 0 : index
      %get3A_119 = tpu.vector_load %arg13[%get3A_117, %get3A_118] {strides = array<i32>} : memref<512x32xf32, #tpu.memory_space<vmem>>, vector<1x16xf32>,
      %get3A_120 = vector.shape_cast %get3A_119 : vector<1x16xf32> to vector<16xf32>
      %get3A_121 = arith.index_cast %add3A_101 : i32 to index
      %get3A_122 = arith.constant 16 : index
      %get3A_123 = tpu.vector_load %arg13[%get3A_121, %get3A_122] {strides = array<i32>} : memref<512x32xf32, #tpu.memory_space<vmem>>, vector<1x16xf32>,
      %get3A_124 = vector.shape_cast %get3A_123 : vector<1x16xf32> to vector<16xf32>
      %mul3A_125 = arith.mulf %get3A_104, %get3A_104 : vector<16xf32>
      %add3A_126 = arith.constant 0.000000e+00 : f32
      %add3A_127 = vector.broadcast %add3A_126 : f32 to vector<16xf32>
      %add3A_128 = arith.addf %add3A_127, %mul3A_125 : vector<16xf32>
      %mul3A_129 = arith.mulf %get3A_108, %get3A_108 : vector<16xf32>
      %add3A_130 = arith.addf %add3A_128, %mul3A_129 : vector<16xf32>
      %broadcast_in_dim3A_131 = vector.shape_cast %and3A_70 : vector<16xi32> to vector<16x1xi32>
      %gather3A = vector.shape_cast %broadcast_in_dim3A_131 : vector<16x1xi32> to vector<16xi32>
      %gather3A_132 = tpu.dynamic_gather %add3A_130[%gather3A] in [0] : vector<16xf32>, vector<16xi32> -> vector<16xf32>
      %add3A_133 = arith.addf %add3A_130, %gather3A_132 : vector<16xf32>
      %broadcast_in_dim3A_134 = vector.shape_cast %and3A_76 : vector<16xi32> to vector<16x1xi32>
      %gather3A_135 = vector.shape_cast %broadcast_in_dim3A_134 : vector<16x1xi32> to vector<16xi32>
      %gather3A_136 = tpu.dynamic_gather %add3A_133[%gather3A_135] in [0] : vector<16xf32>, vector<16xi32> -> vector<16xf32>
      %add3A_137 = arith.addf %add3A_133, %gather3A_136 : vector<16xf32>
      %broadcast_in_dim3A_138 = vector.shape_cast %and3A_82 : vector<16xi32> to vector<16x1xi32>
      %gather3A_139 = vector.shape_cast %broadcast_in_dim3A_138 : vector<16x1xi32> to vector<16xi32>
      %gather3A_140 = tpu.dynamic_gather %add3A_137[%gather3A_139] in [0] : vector<16xf32>, vector<16xi32> -> vector<16xf32>
      %add3A_141 = arith.addf %add3A_137, %gather3A_140 : vector<16xf32>
      %broadcast_in_dim3A_142 = vector.shape_cast %and3A_88 : vector<16xi32> to vector<16x1xi32>
      %gather3A_143 = vector.shape_cast %broadcast_in_dim3A_142 : vector<16x1xi32> to vector<16xi32>
      %gather3A_144 = tpu.dynamic_gather %add3A_141[%gather3A_143] in [0] : vector<16xf32>, vector<16xi32> -> vector<16xf32>
      %add3A_145 = arith.addf %add3A_141, %gather3A_144 : vector<16xf32>
      %mul3A_146 = arith.mulf %get3A_120, %get3A_120 : vector<16xf32>
      %add3A_147 = arith.constant 0.000000e+00 : f32
      %add3A_148 = vector.broadcast %add3A_147 : f32 to vector<16xf32>
      %add3A_149 = arith.addf %add3A_148, %mul3A_146 : vector<16xf32>
      %mul3A_150 = arith.mulf %get3A_124, %get3A_124 : vector<16xf32>
      %add3A_151 = arith.addf %add3A_149, %mul3A_150 : vector<16xf32>
      %broadcast_in_dim3A_152 = vector.shape_cast %and3A_70 : vector<16xi32> to vector<16x1xi32>
      %gather3A_153 = vector.shape_cast %broadcast_in_dim3A_152 : vector<16x1xi32> to vector<16xi32>
      %gather3A_154 = tpu.dynamic_gather %add3A_151[%gather3A_153] in [0] : vector<16xf32>, vector<16xi32> -> vector<16xf32>
      %add3A_155 = arith.addf %add3A_151, %gather3A_154 : vector<16xf32>
      %broadcast_in_dim3A_156 = vector.shape_cast %and3A_76 : vector<16xi32> to vector<16x1xi32>
      %gather3A_157 = vector.shape_cast %broadcast_in_dim3A_156 : vector<16x1xi32> to vector<16xi32>
      %gather3A_158 = tpu.dynamic_gather %add3A_155[%gather3A_157] in [0] : vector<16xf32>, vector<16xi32> -> vector<16xf32>
      %add3A_159 = arith.addf %add3A_155, %gather3A_158 : vector<16xf32>
      %broadcast_in_dim3A_160 = vector.shape_cast %and3A_82 : vector<16xi32> to vector<16x1xi32>
      %gather3A_161 = vector.shape_cast %broadcast_in_dim3A_160 : vector<16x1xi32> to vector<16xi32>
      %gather3A_162 = tpu.dynamic_gather %add3A_159[%gather3A_161] in [0] : vector<16xf32>, vector<16xi32> -> vector<16xf32>
      %add3A_163 = arith.addf %add3A_159, %gather3A_162 : vector<16xf32>
      %broadcast_in_dim3A_164 = vector.shape_cast %and3A_88 : vector<16xi32> to vector<16x1xi32>
      %gather3A_165 = vector.shape_cast %broadcast_in_dim3A_164 : vector<16x1xi32> to vector<16xi32>
      %gather3A_166 = tpu.dynamic_gather %add3A_163[%gather3A_165] in [0] : vector<16xf32>, vector<16xi32> -> vector<16xf32>
      %add3A_167 = arith.addf %add3A_163, %gather3A_166 : vector<16xf32>
      %mul3A_168 = arith.mulf %get3A_112, %get3A_112 : vector<16xf32>
      %add3A_169 = arith.constant 0.000000e+00 : f32
      %add3A_170 = vector.broadcast %add3A_169 : f32 to vector<16xf32>
      %add3A_171 = arith.addf %add3A_170, %mul3A_168 : vector<16xf32>
      %mul3A_172 = arith.mulf %get3A_116, %get3A_116 : vector<16xf32>
      %add3A_173 = arith.addf %add3A_171, %mul3A_172 : vector<16xf32>
      %broadcast_in_dim3A_174 = vector.shape_cast %and3A_70 : vector<16xi32> to vector<16x1xi32>
      %gather3A_175 = vector.shape_cast %broadcast_in_dim3A_174 : vector<16x1xi32> to vector<16xi32>
      %gather3A_176 = tpu.dynamic_gather %add3A_173[%gather3A_175] in [0] : vector<16xf32>, vector<16xi32> -> vector<16xf32>
      %add3A_177 = arith.addf %add3A_173, %gather3A_176 : vector<16xf32>
      %broadcast_in_dim3A_178 = vector.shape_cast %and3A_76 : vector<16xi32> to vector<16x1xi32>
      %gather3A_179 = vector.shape_cast %broadcast_in_dim3A_178 : vector<16x1xi32> to vector<16xi32>
      %gather3A_180 = tpu.dynamic_gather %add3A_177[%gather3A_179] in [0] : vector<16xf32>, vector<16xi32> -> vector<16xf32>
      %add3A_181 = arith.addf %add3A_177, %gather3A_180 : vector<16xf32>
      %broadcast_in_dim3A_182 = vector.shape_cast %and3A_82 : vector<16xi32> to vector<16x1xi32>
      %gather3A_183 = vector.shape_cast %broadcast_in_dim3A_182 : vector<16x1xi32> to vector<16xi32>
      %gather3A_184 = tpu.dynamic_gather %add3A_181[%gather3A_183] in [0] : vector<16xf32>, vector<16xi32> -> vector<16xf32>
      %add3A_185 = arith.addf %add3A_181, %gather3A_184 : vector<16xf32>
      %broadcast_in_dim3A_186 = vector.shape_cast %and3A_88 : vector<16xi32> to vector<16x1xi32>
      %gather3A_187 = vector.shape_cast %broadcast_in_dim3A_186 : vector<16x1xi32> to vector<16xi32>
      %gather3A_188 = tpu.dynamic_gather %add3A_185[%gather3A_187] in [0] : vector<16xf32>, vector<16xi32> -> vector<16xf32>
      %add3A_189 = arith.addf %add3A_185, %gather3A_188 : vector<16xf32>
      %mul3A_190 = arith.mulf %get3A_104, %get3A_112 : vector<16xf32>
      %add3A_191 = arith.constant 0.000000e+00 : f32
      %add3A_192 = vector.broadcast %add3A_191 : f32 to vector<16xf32>
      %add3A_193 = arith.addf %add3A_192, %mul3A_190 : vector<16xf32>
      %mul3A_194 = arith.mulf %get3A_108, %get3A_116 : vector<16xf32>
      %add3A_195 = arith.addf %add3A_193, %mul3A_194 : vector<16xf32>
      %broadcast_in_dim3A_196 = vector.shape_cast %and3A_70 : vector<16xi32> to vector<16x1xi32>
      %gather3A_197 = vector.shape_cast %broadcast_in_dim3A_196 : vector<16x1xi32> to vector<16xi32>
      %gather3A_198 = tpu.dynamic_gather %add3A_195[%gather3A_197] in [0] : vector<16xf32>, vector<16xi32> -> vector<16xf32>
      %add3A_199 = arith.addf %add3A_195, %gather3A_198 : vector<16xf32>
      %broadcast_in_dim3A_200 = vector.shape_cast %and3A_76 : vector<16xi32> to vector<16x1xi32>
      %gather3A_201 = vector.shape_cast %broadcast_in_dim3A_200 : vector<16x1xi32> to vector<16xi32>
      %gather3A_202 = tpu.dynamic_gather %add3A_199[%gather3A_201] in [0] : vector<16xf32>, vector<16xi32> -> vector<16xf32>
      %add3A_203 = arith.addf %add3A_199, %gather3A_202 : vector<16xf32>
      %broadcast_in_dim3A_204 = vector.shape_cast %and3A_82 : vector<16xi32> to vector<16x1xi32>
      %gather3A_205 = vector.shape_cast %broadcast_in_dim3A_204 : vector<16x1xi32> to vector<16xi32>
      %gather3A_206 = tpu.dynamic_gather %add3A_203[%gather3A_205] in [0] : vector<16xf32>, vector<16xi32> -> vector<16xf32>
      %add3A_207 = arith.addf %add3A_203, %gather3A_206 : vector<16xf32>
      %broadcast_in_dim3A_208 = vector.shape_cast %and3A_88 : vector<16xi32> to vector<16x1xi32>
      %gather3A_209 = vector.shape_cast %broadcast_in_dim3A_208 : vector<16x1xi32> to vector<16xi32>
      %gather3A_210 = tpu.dynamic_gather %add3A_207[%gather3A_209] in [0] : vector<16xf32>, vector<16xi32> -> vector<16xf32>
      %add3A_211 = arith.addf %add3A_207, %gather3A_210 : vector<16xf32>
      %mul3A_212 = arith.mulf %get3A_104, %get3A_120 : vector<16xf32>
      %add3A_213 = arith.constant 0.000000e+00 : f32
      %add3A_214 = vector.broadcast %add3A_213 : f32 to vector<16xf32>
      %add3A_215 = arith.addf %add3A_214, %mul3A_212 : vector<16xf32>
      %mul3A_216 = arith.mulf %get3A_108, %get3A_124 : vector<16xf32>
      %add3A_217 = arith.addf %add3A_215, %mul3A_216 : vector<16xf32>
      %broadcast_in_dim3A_218 = vector.shape_cast %and3A_70 : vector<16xi32> to vector<16x1xi32>
      %gather3A_219 = vector.shape_cast %broadcast_in_dim3A_218 : vector<16x1xi32> to vector<16xi32>
      %gather3A_220 = tpu.dynamic_gather %add3A_217[%gather3A_219] in [0] : vector<16xf32>, vector<16xi32> -> vector<16xf32>
      %add3A_221 = arith.addf %add3A_217, %gather3A_220 : vector<16xf32>
      %broadcast_in_dim3A_222 = vector.shape_cast %and3A_76 : vector<16xi32> to vector<16x1xi32>
      %gather3A_223 = vector.shape_cast %broadcast_in_dim3A_222 : vector<16x1xi32> to vector<16xi32>
      %gather3A_224 = tpu.dynamic_gather %add3A_221[%gather3A_223] in [0] : vector<16xf32>, vector<16xi32> -> vector<16xf32>
      %add3A_225 = arith.addf %add3A_221, %gather3A_224 : vector<16xf32>
      %broadcast_in_dim3A_226 = vector.shape_cast %and3A_82 : vector<16xi32> to vector<16x1xi32>
      %gather3A_227 = vector.shape_cast %broadcast_in_dim3A_226 : vector<16x1xi32> to vector<16xi32>
      %gather3A_228 = tpu.dynamic_gather %add3A_225[%gather3A_227] in [0] : vector<16xf32>, vector<16xi32> -> vector<16xf32>
      %add3A_229 = arith.addf %add3A_225, %gather3A_228 : vector<16xf32>
      %broadcast_in_dim3A_230 = vector.shape_cast %and3A_88 : vector<16xi32> to vector<16x1xi32>
      %gather3A_231 = vector.shape_cast %broadcast_in_dim3A_230 : vector<16x1xi32> to vector<16xi32>
      %gather3A_232 = tpu.dynamic_gather %add3A_229[%gather3A_231] in [0] : vector<16xf32>, vector<16xi32> -> vector<16xf32>
      %add3A_233 = arith.addf %add3A_229, %gather3A_232 : vector<16xf32>
      %mul3A_234 = arith.mulf %get3A_112, %get3A_120 : vector<16xf32>
      %add3A_235 = arith.constant 0.000000e+00 : f32
      %add3A_236 = vector.broadcast %add3A_235 : f32 to vector<16xf32>
      %add3A_237 = arith.addf %add3A_236, %mul3A_234 : vector<16xf32>
      %mul3A_238 = arith.mulf %get3A_116, %get3A_124 : vector<16xf32>
      %add3A_239 = arith.addf %add3A_237, %mul3A_238 : vector<16xf32>
      %broadcast_in_dim3A_240 = vector.shape_cast %and3A_70 : vector<16xi32> to vector<16x1xi32>
      %gather3A_241 = vector.shape_cast %broadcast_in_dim3A_240 : vector<16x1xi32> to vector<16xi32>
      %gather3A_242 = tpu.dynamic_gather %add3A_239[%gather3A_241] in [0] : vector<16xf32>, vector<16xi32> -> vector<16xf32>
      %add3A_243 = arith.addf %add3A_239, %gather3A_242 : vector<16xf32>
      %broadcast_in_dim3A_244 = vector.shape_cast %and3A_76 : vector<16xi32> to vector<16x1xi32>
      %gather3A_245 = vector.shape_cast %broadcast_in_dim3A_244 : vector<16x1xi32> to vector<16xi32>
      %gather3A_246 = tpu.dynamic_gather %add3A_243[%gather3A_245] in [0] : vector<16xf32>, vector<16xi32> -> vector<16xf32>
      %add3A_247 = arith.addf %add3A_243, %gather3A_246 : vector<16xf32>
      %broadcast_in_dim3A_248 = vector.shape_cast %and3A_82 : vector<16xi32> to vector<16x1xi32>
      %gather3A_249 = vector.shape_cast %broadcast_in_dim3A_248 : vector<16x1xi32> to vector<16xi32>
      %gather3A_250 = tpu.dynamic_gather %add3A_247[%gather3A_249] in [0] : vector<16xf32>, vector<16xi32> -> vector<16xf32>
      %add3A_251 = arith.addf %add3A_247, %gather3A_250 : vector<16xf32>
      %broadcast_in_dim3A_252 = vector.shape_cast %and3A_88 : vector<16xi32> to vector<16x1xi32>
      %gather3A_253 = vector.shape_cast %broadcast_in_dim3A_252 : vector<16x1xi32> to vector<16xi32>
      %gather3A_254 = tpu.dynamic_gather %add3A_251[%gather3A_253] in [0] : vector<16xf32>, vector<16xi32> -> vector<16xf32>
      %add3A_255 = arith.addf %add3A_251, %gather3A_254 : vector<16xf32>
      %select_n3A = arith.select %eq3A_20, %add3A_145, %broadcast_in_dim3A_97 : vector<16xi1>, vector<16xf32>
      %select_n3A_256 = arith.select %eq3A_20, %add3A_167, %broadcast_in_dim3A_97 : vector<16xi1>, vector<16xf32>
      %select_n3A_257 = arith.select %eq3A_20, %add3A_189, %broadcast_in_dim3A_97 : vector<16xi1>, vector<16xf32>
      %select_n3A_258 = arith.select %eq3A_20, %add3A_211, %broadcast_in_dim3A_97 : vector<16xi1>, vector<16xf32>
      %select_n3A_259 = arith.select %eq3A_20, %add3A_233, %broadcast_in_dim3A_97 : vector<16xi1>, vector<16xf32>
      %select_n3A_260 = arith.select %eq3A_20, %add3A_255, %broadcast_in_dim3A_97 : vector<16xi1>, vector<16xf32>
      %mul3A_261 = arith.constant 16 : i32
      %mul3A_262 = arith.muli %scan3A_95, %mul3A_261 : i32
      %add3A_263 = arith.constant 1 : i32
      %add3A_264 = arith.addi %mul3A_262, %add3A_263 : i32
      %get3A_265 = arith.index_cast %add3A_264 : i32 to index
      %get3A_266 = arith.constant 0 : index
      %get3A_267 = tpu.vector_load %arg11[%get3A_265, %get3A_266] {strides = array<i32>} : memref<512x32xf32, #tpu.memory_space<vmem>>, vector<1x16xf32>,
      %get3A_268 = vector.shape_cast %get3A_267 : vector<1x16xf32> to vector<16xf32>
      %get3A_269 = arith.index_cast %add3A_264 : i32 to index
      %get3A_270 = arith.constant 16 : index
      %get3A_271 = tpu.vector_load %arg11[%get3A_269, %get3A_270] {strides = array<i32>} : memref<512x32xf32, #tpu.memory_space<vmem>>, vector<1x16xf32>,
      %get3A_272 = vector.shape_cast %get3A_271 : vector<1x16xf32> to vector<16xf32>
      %get3A_273 = arith.index_cast %add3A_264 : i32 to index
      %get3A_274 = arith.constant 0 : index
      %get3A_275 = tpu.vector_load %arg12[%get3A_273, %get3A_274] {strides = array<i32>} : memref<512x32xf32, #tpu.memory_space<vmem>>, vector<1x16xf32>,
      %get3A_276 = vector.shape_cast %get3A_275 : vector<1x16xf32> to vector<16xf32>
      %get3A_277 = arith.index_cast %add3A_264 : i32 to index
      %get3A_278 = arith.constant 16 : index
      %get3A_279 = tpu.vector_load %arg12[%get3A_277, %get3A_278] {strides = array<i32>} : memref<512x32xf32, #tpu.memory_space<vmem>>, vector<1x16xf32>,
      %get3A_280 = vector.shape_cast %get3A_279 : vector<1x16xf32> to vector<16xf32>
      %get3A_281 = arith.index_cast %add3A_264 : i32 to index
      %get3A_282 = arith.constant 0 : index
      %get3A_283 = tpu.vector_load %arg13[%get3A_281, %get3A_282] {strides = array<i32>} : memref<512x32xf32, #tpu.memory_space<vmem>>, vector<1x16xf32>,
      %get3A_284 = vector.shape_cast %get3A_283 : vector<1x16xf32> to vector<16xf32>
      %get3A_285 = arith.index_cast %add3A_264 : i32 to index
      %get3A_286 = arith.constant 16 : index
      %get3A_287 = tpu.vector_load %arg13[%get3A_285, %get3A_286] {strides = array<i32>} : memref<512x32xf32, #tpu.memory_space<vmem>>, vector<1x16xf32>,
      %get3A_288 = vector.shape_cast %get3A_287 : vector<1x16xf32> to vector<16xf32>
      %mul3A_289 = arith.mulf %get3A_268, %get3A_268 : vector<16xf32>
      %add3A_290 = arith.constant 0.000000e+00 : f32
      %add3A_291 = vector.broadcast %add3A_290 : f32 to vector<16xf32>
      %add3A_292 = arith.addf %add3A_291, %mul3A_289 : vector<16xf32>
      %mul3A_293 = arith.mulf %get3A_272, %get3A_272 : vector<16xf32>
      %add3A_294 = arith.addf %add3A_292, %mul3A_293 : vector<16xf32>
      %broadcast_in_dim3A_295 = vector.shape_cast %and3A_70 : vector<16xi32> to vector<16x1xi32>
      %gather3A_296 = vector.shape_cast %broadcast_in_dim3A_295 : vector<16x1xi32> to vector<16xi32>
      %gather3A_297 = tpu.dynamic_gather %add3A_294[%gather3A_296] in [0] : vector<16xf32>, vector<16xi32> -> vector<16xf32>
      %add3A_298 = arith.addf %add3A_294, %gather3A_297 : vector<16xf32>
      %broadcast_in_dim3A_299 = vector.shape_cast %and3A_76 : vector<16xi32> to vector<16x1xi32>
      %gather3A_300 = vector.shape_cast %broadcast_in_dim3A_299 : vector<16x1xi32> to vector<16xi32>
      %gather3A_301 = tpu.dynamic_gather %add3A_298[%gather3A_300] in [0] : vector<16xf32>, vector<16xi32> -> vector<16xf32>
      %add3A_302 = arith.addf %add3A_298, %gather3A_301 : vector<16xf32>
      %broadcast_in_dim3A_303 = vector.shape_cast %and3A_82 : vector<16xi32> to vector<16x1xi32>
      %gather3A_304 = vector.shape_cast %broadcast_in_dim3A_303 : vector<16x1xi32> to vector<16xi32>
      %gather3A_305 = tpu.dynamic_gather %add3A_302[%gather3A_304] in [0] : vector<16xf32>, vector<16xi32> -> vector<16xf32>
      %add3A_306 = arith.addf %add3A_302, %gather3A_305 : vector<16xf32>
      %broadcast_in_dim3A_307 = vector.shape_cast %and3A_88 : vector<16xi32> to vector<16x1xi32>
      %gather3A_308 = vector.shape_cast %broadcast_in_dim3A_307 : vector<16x1xi32> to vector<16xi32>
      %gather3A_309 = tpu.dynamic_gather %add3A_306[%gather3A_308] in [0] : vector<16xf32>, vector<16xi32> -> vector<16xf32>
      %add3A_310 = arith.addf %add3A_306, %gather3A_309 : vector<16xf32>
      %mul3A_311 = arith.mulf %get3A_284, %get3A_284 : vector<16xf32>
      %add3A_312 = arith.constant 0.000000e+00 : f32
      %add3A_313 = vector.broadcast %add3A_312 : f32 to vector<16xf32>
      %add3A_314 = arith.addf %add3A_313, %mul3A_311 : vector<16xf32>
      %mul3A_315 = arith.mulf %get3A_288, %get3A_288 : vector<16xf32>
      %add3A_316 = arith.addf %add3A_314, %mul3A_315 : vector<16xf32>
      %broadcast_in_dim3A_317 = vector.shape_cast %and3A_70 : vector<16xi32> to vector<16x1xi32>
      %gather3A_318 = vector.shape_cast %broadcast_in_dim3A_317 : vector<16x1xi32> to vector<16xi32>
      %gather3A_319 = tpu.dynamic_gather %add3A_316[%gather3A_318] in [0] : vector<16xf32>, vector<16xi32> -> vector<16xf32>
      %add3A_320 = arith.addf %add3A_316, %gather3A_319 : vector<16xf32>
      %broadcast_in_dim3A_321 = vector.shape_cast %and3A_76 : vector<16xi32> to vector<16x1xi32>
      %gather3A_322 = vector.shape_cast %broadcast_in_dim3A_321 : vector<16x1xi32> to vector<16xi32>
      %gather3A_323 = tpu.dynamic_gather %add3A_320[%gather3A_322] in [0] : vector<16xf32>, vector<16xi32> -> vector<16xf32>
      %add3A_324 = arith.addf %add3A_320, %gather3A_323 : vector<16xf32>
      %broadcast_in_dim3A_325 = vector.shape_cast %and3A_82 : vector<16xi32> to vector<16x1xi32>
      %gather3A_326 = vector.shape_cast %broadcast_in_dim3A_325 : vector<16x1xi32> to vector<16xi32>
      %gather3A_327 = tpu.dynamic_gather %add3A_324[%gather3A_326] in [0] : vector<16xf32>, vector<16xi32> -> vector<16xf32>
      %add3A_328 = arith.addf %add3A_324, %gather3A_327 : vector<16xf32>
      %broadcast_in_dim3A_329 = vector.shape_cast %and3A_88 : vector<16xi32> to vector<16x1xi32>
      %gather3A_330 = vector.shape_cast %broadcast_in_dim3A_329 : vector<16x1xi32> to vector<16xi32>
      %gather3A_331 = tpu.dynamic_gather %add3A_328[%gather3A_330] in [0] : vector<16xf32>, vector<16xi32> -> vector<16xf32>
      %add3A_332 = arith.addf %add3A_328, %gather3A_331 : vector<16xf32>
      %mul3A_333 = arith.mulf %get3A_276, %get3A_276 : vector<16xf32>
      %add3A_334 = arith.constant 0.000000e+00 : f32
      %add3A_335 = vector.broadcast %add3A_334 : f32 to vector<16xf32>
      %add3A_336 = arith.addf %add3A_335, %mul3A_333 : vector<16xf32>
      %mul3A_337 = arith.mulf %get3A_280, %get3A_280 : vector<16xf32>
      %add3A_338 = arith.addf %add3A_336, %mul3A_337 : vector<16xf32>
      %broadcast_in_dim3A_339 = vector.shape_cast %and3A_70 : vector<16xi32> to vector<16x1xi32>
      %gather3A_340 = vector.shape_cast %broadcast_in_dim3A_339 : vector<16x1xi32> to vector<16xi32>
      %gather3A_341 = tpu.dynamic_gather %add3A_338[%gather3A_340] in [0] : vector<16xf32>, vector<16xi32> -> vector<16xf32>
      %add3A_342 = arith.addf %add3A_338, %gather3A_341 : vector<16xf32>
      %broadcast_in_dim3A_343 = vector.shape_cast %and3A_76 : vector<16xi32> to vector<16x1xi32>
      %gather3A_344 = vector.shape_cast %broadcast_in_dim3A_343 : vector<16x1xi32> to vector<16xi32>
      %gather3A_345 = tpu.dynamic_gather %add3A_342[%gather3A_344] in [0] : vector<16xf32>, vector<16xi32> -> vector<16xf32>
      %add3A_346 = arith.addf %add3A_342, %gather3A_345 : vector<16xf32>
      %broadcast_in_dim3A_347 = vector.shape_cast %and3A_82 : vector<16xi32> to vector<16x1xi32>
      %gather3A_348 = vector.shape_cast %broadcast_in_dim3A_347 : vector<16x1xi32> to vector<16xi32>
      %gather3A_349 = tpu.dynamic_gather %add3A_346[%gather3A_348] in [0] : vector<16xf32>, vector<16xi32> -> vector<16xf32>
      %add3A_350 = arith.addf %add3A_346, %gather3A_349 : vector<16xf32>
      %broadcast_in_dim3A_351 = vector.shape_cast %and3A_88 : vector<16xi32> to vector<16x1xi32>
      %gather3A_352 = vector.shape_cast %broadcast_in_dim3A_351 : vector<16x1xi32> to vector<16xi32>
      %gather3A_353 = tpu.dynamic_gather %add3A_350[%gather3A_352] in [0] : vector<16xf32>, vector<16xi32> -> vector<16xf32>
      %add3A_354 = arith.addf %add3A_350, %gather3A_353 : vector<16xf32>
      %mul3A_355 = arith.mulf %get3A_268, %get3A_276 : vector<16xf32>
      %add3A_356 = arith.constant 0.000000e+00 : f32
      %add3A_357 = vector.broadcast %add3A_356 : f32 to vector<16xf32>
      %add3A_358 = arith.addf %add3A_357, %mul3A_355 : vector<16xf32>
      %mul3A_359 = arith.mulf %get3A_272, %get3A_280 : vector<16xf32>
      %add3A_360 = arith.addf %add3A_358, %mul3A_359 : vector<16xf32>
      %broadcast_in_dim3A_361 = vector.shape_cast %and3A_70 : vector<16xi32> to vector<16x1xi32>
      %gather3A_362 = vector.shape_cast %broadcast_in_dim3A_361 : vector<16x1xi32> to vector<16xi32>
      %gather3A_363 = tpu.dynamic_gather %add3A_360[%gather3A_362] in [0] : vector<16xf32>, vector<16xi32> -> vector<16xf32>
      %add3A_364 = arith.addf %add3A_360, %gather3A_363 : vector<16xf32>
      %broadcast_in_dim3A_365 = vector.shape_cast %and3A_76 : vector<16xi32> to vector<16x1xi32>
      %gather3A_366 = vector.shape_cast %broadcast_in_dim3A_365 : vector<16x1xi32> to vector<16xi32>
      %gather3A_367 = tpu.dynamic_gather %add3A_364[%gather3A_366] in [0] : vector<16xf32>, vector<16xi32> -> vector<16xf32>
      %add3A_368 = arith.addf %add3A_364, %gather3A_367 : vector<16xf32>
      %broadcast_in_dim3A_369 = vector.shape_cast %and3A_82 : vector<16xi32> to vector<16x1xi32>
      %gather3A_370 = vector.shape_cast %broadcast_in_dim3A_369 : vector<16x1xi32> to vector<16xi32>
      %gather3A_371 = tpu.dynamic_gather %add3A_368[%gather3A_370] in [0] : vector<16xf32>, vector<16xi32> -> vector<16xf32>
      %add3A_372 = arith.addf %add3A_368, %gather3A_371 : vector<16xf32>
      %broadcast_in_dim3A_373 = vector.shape_cast %and3A_88 : vector<16xi32> to vector<16x1xi32>
      %gather3A_374 = vector.shape_cast %broadcast_in_dim3A_373 : vector<16x1xi32> to vector<16xi32>
      %gather3A_375 = tpu.dynamic_gather %add3A_372[%gather3A_374] in [0] : vector<16xf32>, vector<16xi32> -> vector<16xf32>
      %add3A_376 = arith.addf %add3A_372, %gather3A_375 : vector<16xf32>
      %mul3A_377 = arith.mulf %get3A_268, %get3A_284 : vector<16xf32>
      %add3A_378 = arith.constant 0.000000e+00 : f32
      %add3A_379 = vector.broadcast %add3A_378 : f32 to vector<16xf32>
      %add3A_380 = arith.addf %add3A_379, %mul3A_377 : vector<16xf32>
      %mul3A_381 = arith.mulf %get3A_272, %get3A_288 : vector<16xf32>
      %add3A_382 = arith.addf %add3A_380, %mul3A_381 : vector<16xf32>
      %broadcast_in_dim3A_383 = vector.shape_cast %and3A_70 : vector<16xi32> to vector<16x1xi32>
      %gather3A_384 = vector.shape_cast %broadcast_in_dim3A_383 : vector<16x1xi32> to vector<16xi32>
      %gather3A_385 = tpu.dynamic_gather %add3A_382[%gather3A_384] in [0] : vector<16xf32>, vector<16xi32> -> vector<16xf32>
      %add3A_386 = arith.addf %add3A_382, %gather3A_385 : vector<16xf32>
      %broadcast_in_dim3A_387 = vector.shape_cast %and3A_76 : vector<16xi32> to vector<16x1xi32>
      %gather3A_388 = vector.shape_cast %broadcast_in_dim3A_387 : vector<16x1xi32> to vector<16xi32>
      %gather3A_389 = tpu.dynamic_gather %add3A_386[%gather3A_388] in [0] : vector<16xf32>, vector<16xi32> -> vector<16xf32>
      %add3A_390 = arith.addf %add3A_386, %gather3A_389 : vector<16xf32>
      %broadcast_in_dim3A_391 = vector.shape_cast %and3A_82 : vector<16xi32> to vector<16x1xi32>
      %gather3A_392 = vector.shape_cast %broadcast_in_dim3A_391 : vector<16x1xi32> to vector<16xi32>
      %gather3A_393 = tpu.dynamic_gather %add3A_390[%gather3A_392] in [0] : vector<16xf32>, vector<16xi32> -> vector<16xf32>
      %add3A_394 = arith.addf %add3A_390, %gather3A_393 : vector<16xf32>
      %broadcast_in_dim3A_395 = vector.shape_cast %and3A_88 : vector<16xi32> to vector<16x1xi32>
      %gather3A_396 = vector.shape_cast %broadcast_in_dim3A_395 : vector<16x1xi32> to vector<16xi32>
      %gather3A_397 = tpu.dynamic_gather %add3A_394[%gather3A_396] in [0] : vector<16xf32>, vector<16xi32> -> vector<16xf32>
      %add3A_398 = arith.addf %add3A_394, %gather3A_397 : vector<16xf32>
      %mul3A_399 = arith.mulf %get3A_276, %get3A_284 : vector<16xf32>
      %add3A_400 = arith.constant 0.000000e+00 : f32
      %add3A_401 = vector.broadcast %add3A_400 : f32 to vector<16xf32>
      %add3A_402 = arith.addf %add3A_401, %mul3A_399 : vector<16xf32>
      %mul3A_403 = arith.mulf %get3A_280, %get3A_288 : vector<16xf32>
      %add3A_404 = arith.addf %add3A_402, %mul3A_403 : vector<16xf32>
      %broadcast_in_dim3A_405 = vector.shape_cast %and3A_70 : vector<16xi32> to vector<16x1xi32>
      %gather3A_406 = vector.shape_cast %broadcast_in_dim3A_405 : vector<16x1xi32> to vector<16xi32>
      %gather3A_407 = tpu.dynamic_gather %add3A_404[%gather3A_406] in [0] : vector<16xf32>, vector<16xi32> -> vector<16xf32>
      %add3A_408 = arith.addf %add3A_404, %gather3A_407 : vector<16xf32>
      %broadcast_in_dim3A_409 = vector.shape_cast %and3A_76 : vector<16xi32> to vector<16x1xi32>
      %gather3A_410 = vector.shape_cast %broadcast_in_dim3A_409 : vector<16x1xi32> to vector<16xi32>
      %gather3A_411 = tpu.dynamic_gather %add3A_408[%gather3A_410] in [0] : vector<16xf32>, vector<16xi32> -> vector<16xf32>
      %add3A_412 = arith.addf %add3A_408, %gather3A_411 : vector<16xf32>
      %broadcast_in_dim3A_413 = vector.shape_cast %and3A_82 : vector<16xi32> to vector<16x1xi32>
      %gather3A_414 = vector.shape_cast %broadcast_in_dim3A_413 : vector<16x1xi32> to vector<16xi32>
      %gather3A_415 = tpu.dynamic_gather %add3A_412[%gather3A_414] in [0] : vector<16xf32>, vector<16xi32> -> vector<16xf32>
      %add3A_416 = arith.addf %add3A_412, %gather3A_415 : vector<16xf32>
      %broadcast_in_dim3A_417 = vector.shape_cast %and3A_88 : vector<16xi32> to vector<16x1xi32>
      %gather3A_418 = vector.shape_cast %broadcast_in_dim3A_417 : vector<16x1xi32> to vector<16xi32>
      %gather3A_419 = tpu.dynamic_gather %add3A_416[%gather3A_418] in [0] : vector<16xf32>, vector<16xi32> -> vector<16xf32>
      %add3A_420 = arith.addf %add3A_416, %gather3A_419 : vector<16xf32>
      %select_n3A_421 = arith.select %eq3A_23, %add3A_310, %select_n3A : vector<16xi1>, vector<16xf32>
      %select_n3A_422 = arith.select %eq3A_23, %add3A_332, %select_n3A_256 : vector<16xi1>, vector<16xf32>
      %select_n3A_423 = arith.select %eq3A_23, %add3A_354, %select_n3A_257 : vector<16xi1>, vector<16xf32>
      %select_n3A_424 = arith.select %eq3A_23, %add3A_376, %select_n3A_258 : vector<16xi1>, vector<16xf32>
      %select_n3A_425 = arith.select %eq3A_23, %add3A_398, %select_n3A_259 : vector<16xi1>, vector<16xf32>
      %select_n3A_426 = arith.select %eq3A_23, %add3A_420, %select_n3A_260 : vector<16xi1>, vector<16xf32>
      %mul3A_427 = arith.constant 16 : i32
      %mul3A_428 = arith.muli %scan3A_95, %mul3A_427 : i32
      %add3A_429 = arith.constant 2 : i32
      %add3A_430 = arith.addi %mul3A_428, %add3A_429 : i32
      %get3A_431 = arith.index_cast %add3A_430 : i32 to index
      %get3A_432 = arith.constant 0 : index
      %get3A_433 = tpu.vector_load %arg11[%get3A_431, %get3A_432] {strides = array<i32>} : memref<512x32xf32, #tpu.memory_space<vmem>>, vector<1x16xf32>,
      %get3A_434 = vector.shape_cast %get3A_433 : vector<1x16xf32> to vector<16xf32>
      %get3A_435 = arith.index_cast %add3A_430 : i32 to index
      %get3A_436 = arith.constant 16 : index
      %get3A_437 = tpu.vector_load %arg11[%get3A_435, %get3A_436] {strides = array<i32>} : memref<512x32xf32, #tpu.memory_space<vmem>>, vector<1x16xf32>,
      %get3A_438 = vector.shape_cast %get3A_437 : vector<1x16xf32> to vector<16xf32>
      %get3A_439 = arith.index_cast %add3A_430 : i32 to index
      %get3A_440 = arith.constant 0 : index
      %get3A_441 = tpu.vector_load %arg12[%get3A_439, %get3A_440] {strides = array<i32>} : memref<512x32xf32, #tpu.memory_space<vmem>>, vector<1x16xf32>,
      %get3A_442 = vector.shape_cast %get3A_441 : vector<1x16xf32> to vector<16xf32>
      %get3A_443 = arith.index_cast %add3A_430 : i32 to index
      %get3A_444 = arith.constant 16 : index
      %get3A_445 = tpu.vector_load %arg12[%get3A_443, %get3A_444] {strides = array<i32>} : memref<512x32xf32, #tpu.memory_space<vmem>>, vector<1x16xf32>,
      %get3A_446 = vector.shape_cast %get3A_445 : vector<1x16xf32> to vector<16xf32>
      %get3A_447 = arith.index_cast %add3A_430 : i32 to index
      %get3A_448 = arith.constant 0 : index
      %get3A_449 = tpu.vector_load %arg13[%get3A_447, %get3A_448] {strides = array<i32>} : memref<512x32xf32, #tpu.memory_space<vmem>>, vector<1x16xf32>,
      %get3A_450 = vector.shape_cast %get3A_449 : vector<1x16xf32> to vector<16xf32>
      %get3A_451 = arith.index_cast %add3A_430 : i32 to index
      %get3A_452 = arith.constant 16 : index
      %get3A_453 = tpu.vector_load %arg13[%get3A_451, %get3A_452] {strides = array<i32>} : memref<512x32xf32, #tpu.memory_space<vmem>>, vector<1x16xf32>,
      %get3A_454 = vector.shape_cast %get3A_453 : vector<1x16xf32> to vector<16xf32>
      %mul3A_455 = arith.mulf %get3A_434, %get3A_434 : vector<16xf32>
      %add3A_456 = arith.constant 0.000000e+00 : f32
      %add3A_457 = vector.broadcast %add3A_456 : f32 to vector<16xf32>
      %add3A_458 = arith.addf %add3A_457, %mul3A_455 : vector<16xf32>
      %mul3A_459 = arith.mulf %get3A_438, %get3A_438 : vector<16xf32>
      %add3A_460 = arith.addf %add3A_458, %mul3A_459 : vector<16xf32>
      %broadcast_in_dim3A_461 = vector.shape_cast %and3A_70 : vector<16xi32> to vector<16x1xi32>
      %gather3A_462 = vector.shape_cast %broadcast_in_dim3A_461 : vector<16x1xi32> to vector<16xi32>
      %gather3A_463 = tpu.dynamic_gather %add3A_460[%gather3A_462] in [0] : vector<16xf32>, vector<16xi32> -> vector<16xf32>
      %add3A_464 = arith.addf %add3A_460, %gather3A_463 : vector<16xf32>
      %broadcast_in_dim3A_465 = vector.shape_cast %and3A_76 : vector<16xi32> to vector<16x1xi32>
      %gather3A_466 = vector.shape_cast %broadcast_in_dim3A_465 : vector<16x1xi32> to vector<16xi32>
      %gather3A_467 = tpu.dynamic_gather %add3A_464[%gather3A_466] in [0] : vector<16xf32>, vector<16xi32> -> vector<16xf32>
      %add3A_468 = arith.addf %add3A_464, %gather3A_467 : vector<16xf32>
      %broadcast_in_dim3A_469 = vector.shape_cast %and3A_82 : vector<16xi32> to vector<16x1xi32>
      %gather3A_470 = vector.shape_cast %broadcast_in_dim3A_469 : vector<16x1xi32> to vector<16xi32>
      %gather3A_471 = tpu.dynamic_gather %add3A_468[%gather3A_470] in [0] : vector<16xf32>, vector<16xi32> -> vector<16xf32>
      %add3A_472 = arith.addf %add3A_468, %gather3A_471 : vector<16xf32>
      %broadcast_in_dim3A_473 = vector.shape_cast %and3A_88 : vector<16xi32> to vector<16x1xi32>
      %gather3A_474 = vector.shape_cast %broadcast_in_dim3A_473 : vector<16x1xi32> to vector<16xi32>
      %gather3A_475 = tpu.dynamic_gather %add3A_472[%gather3A_474] in [0] : vector<16xf32>, vector<16xi32> -> vector<16xf32>
      %add3A_476 = arith.addf %add3A_472, %gather3A_475 : vector<16xf32>
      %mul3A_477 = arith.mulf %get3A_450, %get3A_450 : vector<16xf32>
      %add3A_478 = arith.constant 0.000000e+00 : f32
      %add3A_479 = vector.broadcast %add3A_478 : f32 to vector<16xf32>
      %add3A_480 = arith.addf %add3A_479, %mul3A_477 : vector<16xf32>
      %mul3A_481 = arith.mulf %get3A_454, %get3A_454 : vector<16xf32>
      %add3A_482 = arith.addf %add3A_480, %mul3A_481 : vector<16xf32>
      %broadcast_in_dim3A_483 = vector.shape_cast %and3A_70 : vector<16xi32> to vector<16x1xi32>
      %gather3A_484 = vector.shape_cast %broadcast_in_dim3A_483 : vector<16x1xi32> to vector<16xi32>
      %gather3A_485 = tpu.dynamic_gather %add3A_482[%gather3A_484] in [0] : vector<16xf32>, vector<16xi32> -> vector<16xf32>
      %add3A_486 = arith.addf %add3A_482, %gather3A_485 : vector<16xf32>
      %broadcast_in_dim3A_487 = vector.shape_cast %and3A_76 : vector<16xi32> to vector<16x1xi32>
      %gather3A_488 = vector.shape_cast %broadcast_in_dim3A_487 : vector<16x1xi32> to vector<16xi32>
      %gather3A_489 = tpu.dynamic_gather %add3A_486[%gather3A_488] in [0] : vector<16xf32>, vector<16xi32> -> vector<16xf32>
      %add3A_490 = arith.addf %add3A_486, %gather3A_489 : vector<16xf32>
      %broadcast_in_dim3A_491 = vector.shape_cast %and3A_82 : vector<16xi32> to vector<16x1xi32>
      %gather3A_492 = vector.shape_cast %broadcast_in_dim3A_491 : vector<16x1xi32> to vector<16xi32>
      %gather3A_493 = tpu.dynamic_gather %add3A_490[%gather3A_492] in [0] : vector<16xf32>, vector<16xi32> -> vector<16xf32>
      %add3A_494 = arith.addf %add3A_490, %gather3A_493 : vector<16xf32>
      %broadcast_in_dim3A_495 = vector.shape_cast %and3A_88 : vector<16xi32> to vector<16x1xi32>
      %gather3A_496 = vector.shape_cast %broadcast_in_dim3A_495 : vector<16x1xi32> to vector<16xi32>
      %gather3A_497 = tpu.dynamic_gather %add3A_494[%gather3A_496] in [0] : vector<16xf32>, vector<16xi32> -> vector<16xf32>
      %add3A_498 = arith.addf %add3A_494, %gather3A_497 : vector<16xf32>
      %mul3A_499 = arith.mulf %get3A_442, %get3A_442 : vector<16xf32>
      %add3A_500 = arith.constant 0.000000e+00 : f32
      %add3A_501 = vector.broadcast %add3A_500 : f32 to vector<16xf32>
      %add3A_502 = arith.addf %add3A_501, %mul3A_499 : vector<16xf32>
      %mul3A_503 = arith.mulf %get3A_446, %get3A_446 : vector<16xf32>
      %add3A_504 = arith.addf %add3A_502, %mul3A_503 : vector<16xf32>
      %broadcast_in_dim3A_505 = vector.shape_cast %and3A_70 : vector<16xi32> to vector<16x1xi32>
      %gather3A_506 = vector.shape_cast %broadcast_in_dim3A_505 : vector<16x1xi32> to vector<16xi32>
      %gather3A_507 = tpu.dynamic_gather %add3A_504[%gather3A_506] in [0] : vector<16xf32>, vector<16xi32> -> vector<16xf32>
      %add3A_508 = arith.addf %add3A_504, %gather3A_507 : vector<16xf32>
      %broadcast_in_dim3A_509 = vector.shape_cast %and3A_76 : vector<16xi32> to vector<16x1xi32>
      %gather3A_510 = vector.shape_cast %broadcast_in_dim3A_509 : vector<16x1xi32> to vector<16xi32>
      %gather3A_511 = tpu.dynamic_gather %add3A_508[%gather3A_510] in [0] : vector<16xf32>, vector<16xi32> -> vector<16xf32>
      %add3A_512 = arith.addf %add3A_508, %gather3A_511 : vector<16xf32>
      %broadcast_in_dim3A_513 = vector.shape_cast %and3A_82 : vector<16xi32> to vector<16x1xi32>
      %gather3A_514 = vector.shape_cast %broadcast_in_dim3A_513 : vector<16x1xi32> to vector<16xi32>
      %gather3A_515 = tpu.dynamic_gather %add3A_512[%gather3A_514] in [0] : vector<16xf32>, vector<16xi32> -> vector<16xf32>
      %add3A_516 = arith.addf %add3A_512, %gather3A_515 : vector<16xf32>
      %broadcast_in_dim3A_517 = vector.shape_cast %and3A_88 : vector<16xi32> to vector<16x1xi32>
      %gather3A_518 = vector.shape_cast %broadcast_in_dim3A_517 : vector<16x1xi32> to vector<16xi32>
      %gather3A_519 = tpu.dynamic_gather %add3A_516[%gather3A_518] in [0] : vector<16xf32>, vector<16xi32> -> vector<16xf32>
      %add3A_520 = arith.addf %add3A_516, %gather3A_519 : vector<16xf32>
      %mul3A_521 = arith.mulf %get3A_434, %get3A_442 : vector<16xf32>
      %add3A_522 = arith.constant 0.000000e+00 : f32
      %add3A_523 = vector.broadcast %add3A_522 : f32 to vector<16xf32>
      %add3A_524 = arith.addf %add3A_523, %mul3A_521 : vector<16xf32>
      %mul3A_525 = arith.mulf %get3A_438, %get3A_446 : vector<16xf32>
      %add3A_526 = arith.addf %add3A_524, %mul3A_525 : vector<16xf32>
      %broadcast_in_dim3A_527 = vector.shape_cast %and3A_70 : vector<16xi32> to vector<16x1xi32>
      %gather3A_528 = vector.shape_cast %broadcast_in_dim3A_527 : vector<16x1xi32> to vector<16xi32>
      %gather3A_529 = tpu.dynamic_gather %add3A_526[%gather3A_528] in [0] : vector<16xf32>, vector<16xi32> -> vector<16xf32>
      %add3A_530 = arith.addf %add3A_526, %gather3A_529 : vector<16xf32>
      %broadcast_in_dim3A_531 = vector.shape_cast %and3A_76 : vector<16xi32> to vector<16x1xi32>
      %gather3A_532 = vector.shape_cast %broadcast_in_dim3A_531 : vector<16x1xi32> to vector<16xi32>
      %gather3A_533 = tpu.dynamic_gather %add3A_530[%gather3A_532] in [0] : vector<16xf32>, vector<16xi32> -> vector<16xf32>
      %add3A_534 = arith.addf %add3A_530, %gather3A_533 : vector<16xf32>
      %broadcast_in_dim3A_535 = vector.shape_cast %and3A_82 : vector<16xi32> to vector<16x1xi32>
      %gather3A_536 = vector.shape_cast %broadcast_in_dim3A_535 : vector<16x1xi32> to vector<16xi32>
      %gather3A_537 = tpu.dynamic_gather %add3A_534[%gather3A_536] in [0] : vector<16xf32>, vector<16xi32> -> vector<16xf32>
      %add3A_538 = arith.addf %add3A_534, %gather3A_537 : vector<16xf32>
      %broadcast_in_dim3A_539 = vector.shape_cast %and3A_88 : vector<16xi32> to vector<16x1xi32>
      %gather3A_540 = vector.shape_cast %broadcast_in_dim3A_539 : vector<16x1xi32> to vector<16xi32>
      %gather3A_541 = tpu.dynamic_gather %add3A_538[%gather3A_540] in [0] : vector<16xf32>, vector<16xi32> -> vector<16xf32>
      %add3A_542 = arith.addf %add3A_538, %gather3A_541 : vector<16xf32>
      %mul3A_543 = arith.mulf %get3A_434, %get3A_450 : vector<16xf32>
      %add3A_544 = arith.constant 0.000000e+00 : f32
      %add3A_545 = vector.broadcast %add3A_544 : f32 to vector<16xf32>
      %add3A_546 = arith.addf %add3A_545, %mul3A_543 : vector<16xf32>
      %mul3A_547 = arith.mulf %get3A_438, %get3A_454 : vector<16xf32>
      %add3A_548 = arith.addf %add3A_546, %mul3A_547 : vector<16xf32>
      %broadcast_in_dim3A_549 = vector.shape_cast %and3A_70 : vector<16xi32> to vector<16x1xi32>
      %gather3A_550 = vector.shape_cast %broadcast_in_dim3A_549 : vector<16x1xi32> to vector<16xi32>
      %gather3A_551 = tpu.dynamic_gather %add3A_548[%gather3A_550] in [0] : vector<16xf32>, vector<16xi32> -> vector<16xf32>
      %add3A_552 = arith.addf %add3A_548, %gather3A_551 : vector<16xf32>
      %broadcast_in_dim3A_553 = vector.shape_cast %and3A_76 : vector<16xi32> to vector<16x1xi32>
      %gather3A_554 = vector.shape_cast %broadcast_in_dim3A_553 : vector<16x1xi32> to vector<16xi32>
      %gather3A_555 = tpu.dynamic_gather %add3A_552[%gather3A_554] in [0] : vector<16xf32>, vector<16xi32> -> vector<16xf32>
      %add3A_556 = arith.addf %add3A_552, %gather3A_555 : vector<16xf32>
      %broadcast_in_dim3A_557 = vector.shape_cast %and3A_82 : vector<16xi32> to vector<16x1xi32>
      %gather3A_558 = vector.shape_cast %broadcast_in_dim3A_557 : vector<16x1xi32> to vector<16xi32>
      %gather3A_559 = tpu.dynamic_gather %add3A_556[%gather3A_558] in [0] : vector<16xf32>, vector<16xi32> -> vector<16xf32>
      %add3A_560 = arith.addf %add3A_556, %gather3A_559 : vector<16xf32>
      %broadcast_in_dim3A_561 = vector.shape_cast %and3A_88 : vector<16xi32> to vector<16x1xi32>
      %gather3A_562 = vector.shape_cast %broadcast_in_dim3A_561 : vector<16x1xi32> to vector<16xi32>
      %gather3A_563 = tpu.dynamic_gather %add3A_560[%gather3A_562] in [0] : vector<16xf32>, vector<16xi32> -> vector<16xf32>
      %add3A_564 = arith.addf %add3A_560, %gather3A_563 : vector<16xf32>
      %mul3A_565 = arith.mulf %get3A_442, %get3A_450 : vector<16xf32>
      %add3A_566 = arith.constant 0.000000e+00 : f32
      %add3A_567 = vector.broadcast %add3A_566 : f32 to vector<16xf32>
      %add3A_568 = arith.addf %add3A_567, %mul3A_565 : vector<16xf32>
      %mul3A_569 = arith.mulf %get3A_446, %get3A_454 : vector<16xf32>
      %add3A_570 = arith.addf %add3A_568, %mul3A_569 : vector<16xf32>
      %broadcast_in_dim3A_571 = vector.shape_cast %and3A_70 : vector<16xi32> to vector<16x1xi32>
      %gather3A_572 = vector.shape_cast %broadcast_in_dim3A_571 : vector<16x1xi32> to vector<16xi32>
      %gather3A_573 = tpu.dynamic_gather %add3A_570[%gather3A_572] in [0] : vector<16xf32>, vector<16xi32> -> vector<16xf32>
      %add3A_574 = arith.addf %add3A_570, %gather3A_573 : vector<16xf32>
      %broadcast_in_dim3A_575 = vector.shape_cast %and3A_76 : vector<16xi32> to vector<16x1xi32>
      %gather3A_576 = vector.shape_cast %broadcast_in_dim3A_575 : vector<16x1xi32> to vector<16xi32>
      %gather3A_577 = tpu.dynamic_gather %add3A_574[%gather3A_576] in [0] : vector<16xf32>, vector<16xi32> -> vector<16xf32>
      %add3A_578 = arith.addf %add3A_574, %gather3A_577 : vector<16xf32>
      %broadcast_in_dim3A_579 = vector.shape_cast %and3A_82 : vector<16xi32> to vector<16x1xi32>
      %gather3A_580 = vector.shape_cast %broadcast_in_dim3A_579 : vector<16x1xi32> to vector<16xi32>
      %gather3A_581 = tpu.dynamic_gather %add3A_578[%gather3A_580] in [0] : vector<16xf32>, vector<16xi32> -> vector<16xf32>
      %add3A_582 = arith.addf %add3A_578, %gather3A_581 : vector<16xf32>
      %broadcast_in_dim3A_583 = vector.shape_cast %and3A_88 : vector<16xi32> to vector<16x1xi32>
      %gather3A_584 = vector.shape_cast %broadcast_in_dim3A_583 : vector<16x1xi32> to vector<16xi32>
      %gather3A_585 = tpu.dynamic_gather %add3A_582[%gather3A_584] in [0] : vector<16xf32>, vector<16xi32> -> vector<16xf32>
      %add3A_586 = arith.addf %add3A_582, %gather3A_585 : vector<16xf32>
      %select_n3A_587 = arith.select %eq3A_26, %add3A_476, %select_n3A_421 : vector<16xi1>, vector<16xf32>
      %select_n3A_588 = arith.select %eq3A_26, %add3A_498, %select_n3A_422 : vector<16xi1>, vector<16xf32>
      %select_n3A_589 = arith.select %eq3A_26, %add3A_520, %select_n3A_423 : vector<16xi1>, vector<16xf32>
      %select_n3A_590 = arith.select %eq3A_26, %add3A_542, %select_n3A_424 : vector<16xi1>, vector<16xf32>
      %select_n3A_591 = arith.select %eq3A_26, %add3A_564, %select_n3A_425 : vector<16xi1>, vector<16xf32>
      %select_n3A_592 = arith.select %eq3A_26, %add3A_586, %select_n3A_426 : vector<16xi1>, vector<16xf32>
      %mul3A_593 = arith.constant 16 : i32
      %mul3A_594 = arith.muli %scan3A_95, %mul3A_593 : i32
      %add3A_595 = arith.constant 3 : i32
      %add3A_596 = arith.addi %mul3A_594, %add3A_595 : i32
      %get3A_597 = arith.index_cast %add3A_596 : i32 to index
      %get3A_598 = arith.constant 0 : index
      %get3A_599 = tpu.vector_load %arg11[%get3A_597, %get3A_598] {strides = array<i32>} : memref<512x32xf32, #tpu.memory_space<vmem>>, vector<1x16xf32>,
      %get3A_600 = vector.shape_cast %get3A_599 : vector<1x16xf32> to vector<16xf32>
      %get3A_601 = arith.index_cast %add3A_596 : i32 to index
      %get3A_602 = arith.constant 16 : index
      %get3A_603 = tpu.vector_load %arg11[%get3A_601, %get3A_602] {strides = array<i32>} : memref<512x32xf32, #tpu.memory_space<vmem>>, vector<1x16xf32>,
      %get3A_604 = vector.shape_cast %get3A_603 : vector<1x16xf32> to vector<16xf32>
      %get3A_605 = arith.index_cast %add3A_596 : i32 to index
      %get3A_606 = arith.constant 0 : index
      %get3A_607 = tpu.vector_load %arg12[%get3A_605, %get3A_606] {strides = array<i32>} : memref<512x32xf32, #tpu.memory_space<vmem>>, vector<1x16xf32>,
      %get3A_608 = vector.shape_cast %get3A_607 : vector<1x16xf32> to vector<16xf32>
      %get3A_609 = arith.index_cast %add3A_596 : i32 to index
      %get3A_610 = arith.constant 16 : index
      %get3A_611 = tpu.vector_load %arg12[%get3A_609, %get3A_610] {strides = array<i32>} : memref<512x32xf32, #tpu.memory_space<vmem>>, vector<1x16xf32>,
      %get3A_612 = vector.shape_cast %get3A_611 : vector<1x16xf32> to vector<16xf32>
      %get3A_613 = arith.index_cast %add3A_596 : i32 to index
      %get3A_614 = arith.constant 0 : index
      %get3A_615 = tpu.vector_load %arg13[%get3A_613, %get3A_614] {strides = array<i32>} : memref<512x32xf32, #tpu.memory_space<vmem>>, vector<1x16xf32>,
      %get3A_616 = vector.shape_cast %get3A_615 : vector<1x16xf32> to vector<16xf32>
      %get3A_617 = arith.index_cast %add3A_596 : i32 to index
      %get3A_618 = arith.constant 16 : index
      %get3A_619 = tpu.vector_load %arg13[%get3A_617, %get3A_618] {strides = array<i32>} : memref<512x32xf32, #tpu.memory_space<vmem>>, vector<1x16xf32>,
      %get3A_620 = vector.shape_cast %get3A_619 : vector<1x16xf32> to vector<16xf32>
      %mul3A_621 = arith.mulf %get3A_600, %get3A_600 : vector<16xf32>
      %add3A_622 = arith.constant 0.000000e+00 : f32
      %add3A_623 = vector.broadcast %add3A_622 : f32 to vector<16xf32>
      %add3A_624 = arith.addf %add3A_623, %mul3A_621 : vector<16xf32>
      %mul3A_625 = arith.mulf %get3A_604, %get3A_604 : vector<16xf32>
      %add3A_626 = arith.addf %add3A_624, %mul3A_625 : vector<16xf32>
      %broadcast_in_dim3A_627 = vector.shape_cast %and3A_70 : vector<16xi32> to vector<16x1xi32>
      %gather3A_628 = vector.shape_cast %broadcast_in_dim3A_627 : vector<16x1xi32> to vector<16xi32>
      %gather3A_629 = tpu.dynamic_gather %add3A_626[%gather3A_628] in [0] : vector<16xf32>, vector<16xi32> -> vector<16xf32>
      %add3A_630 = arith.addf %add3A_626, %gather3A_629 : vector<16xf32>
      %broadcast_in_dim3A_631 = vector.shape_cast %and3A_76 : vector<16xi32> to vector<16x1xi32>
      %gather3A_632 = vector.shape_cast %broadcast_in_dim3A_631 : vector<16x1xi32> to vector<16xi32>
      %gather3A_633 = tpu.dynamic_gather %add3A_630[%gather3A_632] in [0] : vector<16xf32>, vector<16xi32> -> vector<16xf32>
      %add3A_634 = arith.addf %add3A_630, %gather3A_633 : vector<16xf32>
      %broadcast_in_dim3A_635 = vector.shape_cast %and3A_82 : vector<16xi32> to vector<16x1xi32>
      %gather3A_636 = vector.shape_cast %broadcast_in_dim3A_635 : vector<16x1xi32> to vector<16xi32>
      %gather3A_637 = tpu.dynamic_gather %add3A_634[%gather3A_636] in [0] : vector<16xf32>, vector<16xi32> -> vector<16xf32>
      %add3A_638 = arith.addf %add3A_634, %gather3A_637 : vector<16xf32>
      %broadcast_in_dim3A_639 = vector.shape_cast %and3A_88 : vector<16xi32> to vector<16x1xi32>
      %gather3A_640 = vector.shape_cast %broadcast_in_dim3A_639 : vector<16x1xi32> to vector<16xi32>
      %gather3A_641 = tpu.dynamic_gather %add3A_638[%gather3A_640] in [0] : vector<16xf32>, vector<16xi32> -> vector<16xf32>
      %add3A_642 = arith.addf %add3A_638, %gather3A_641 : vector<16xf32>
      %mul3A_643 = arith.mulf %get3A_616, %get3A_616 : vector<16xf32>
      %add3A_644 = arith.constant 0.000000e+00 : f32
      %add3A_645 = vector.broadcast %add3A_644 : f32 to vector<16xf32>
      %add3A_646 = arith.addf %add3A_645, %mul3A_643 : vector<16xf32>
      %mul3A_647 = arith.mulf %get3A_620, %get3A_620 : vector<16xf32>
      %add3A_648 = arith.addf %add3A_646, %mul3A_647 : vector<16xf32>
      %broadcast_in_dim3A_649 = vector.shape_cast %and3A_70 : vector<16xi32> to vector<16x1xi32>
      %gather3A_650 = vector.shape_cast %broadcast_in_dim3A_649 : vector<16x1xi32> to vector<16xi32>
      %gather3A_651 = tpu.dynamic_gather %add3A_648[%gather3A_650] in [0] : vector<16xf32>, vector<16xi32> -> vector<16xf32>
      %add3A_652 = arith.addf %add3A_648, %gather3A_651 : vector<16xf32>
      %broadcast_in_dim3A_653 = vector.shape_cast %and3A_76 : vector<16xi32> to vector<16x1xi32>
      %gather3A_654 = vector.shape_cast %broadcast_in_dim3A_653 : vector<16x1xi32> to vector<16xi32>
      %gather3A_655 = tpu.dynamic_gather %add3A_652[%gather3A_654] in [0] : vector<16xf32>, vector<16xi32> -> vector<16xf32>
      %add3A_656 = arith.addf %add3A_652, %gather3A_655 : vector<16xf32>
      %broadcast_in_dim3A_657 = vector.shape_cast %and3A_82 : vector<16xi32> to vector<16x1xi32>
      %gather3A_658 = vector.shape_cast %broadcast_in_dim3A_657 : vector<16x1xi32> to vector<16xi32>
      %gather3A_659 = tpu.dynamic_gather %add3A_656[%gather3A_658] in [0] : vector<16xf32>, vector<16xi32> -> vector<16xf32>
      %add3A_660 = arith.addf %add3A_656, %gather3A_659 : vector<16xf32>
      %broadcast_in_dim3A_661 = vector.shape_cast %and3A_88 : vector<16xi32> to vector<16x1xi32>
      %gather3A_662 = vector.shape_cast %broadcast_in_dim3A_661 : vector<16x1xi32> to vector<16xi32>
      %gather3A_663 = tpu.dynamic_gather %add3A_660[%gather3A_662] in [0] : vector<16xf32>, vector<16xi32> -> vector<16xf32>
      %add3A_664 = arith.addf %add3A_660, %gather3A_663 : vector<16xf32>
      %mul3A_665 = arith.mulf %get3A_608, %get3A_608 : vector<16xf32>
      %add3A_666 = arith.constant 0.000000e+00 : f32
      %add3A_667 = vector.broadcast %add3A_666 : f32 to vector<16xf32>
      %add3A_668 = arith.addf %add3A_667, %mul3A_665 : vector<16xf32>
      %mul3A_669 = arith.mulf %get3A_612, %get3A_612 : vector<16xf32>
      %add3A_670 = arith.addf %add3A_668, %mul3A_669 : vector<16xf32>
      %broadcast_in_dim3A_671 = vector.shape_cast %and3A_70 : vector<16xi32> to vector<16x1xi32>
      %gather3A_672 = vector.shape_cast %broadcast_in_dim3A_671 : vector<16x1xi32> to vector<16xi32>
      %gather3A_673 = tpu.dynamic_gather %add3A_670[%gather3A_672] in [0] : vector<16xf32>, vector<16xi32> -> vector<16xf32>
      %add3A_674 = arith.addf %add3A_670, %gather3A_673 : vector<16xf32>
      %broadcast_in_dim3A_675 = vector.shape_cast %and3A_76 : vector<16xi32> to vector<16x1xi32>
      %gather3A_676 = vector.shape_cast %broadcast_in_dim3A_675 : vector<16x1xi32> to vector<16xi32>
      %gather3A_677 = tpu.dynamic_gather %add3A_674[%gather3A_676] in [0] : vector<16xf32>, vector<16xi32> -> vector<16xf32>
      %add3A_678 = arith.addf %add3A_674, %gather3A_677 : vector<16xf32>
      %broadcast_in_dim3A_679 = vector.shape_cast %and3A_82 : vector<16xi32> to vector<16x1xi32>
      %gather3A_680 = vector.shape_cast %broadcast_in_dim3A_679 : vector<16x1xi32> to vector<16xi32>
      %gather3A_681 = tpu.dynamic_gather %add3A_678[%gather3A_680] in [0] : vector<16xf32>, vector<16xi32> -> vector<16xf32>
      %add3A_682 = arith.addf %add3A_678, %gather3A_681 : vector<16xf32>
      %broadcast_in_dim3A_683 = vector.shape_cast %and3A_88 : vector<16xi32> to vector<16x1xi32>
      %gather3A_684 = vector.shape_cast %broadcast_in_dim3A_683 : vector<16x1xi32> to vector<16xi32>
      %gather3A_685 = tpu.dynamic_gather %add3A_682[%gather3A_684] in [0] : vector<16xf32>, vector<16xi32> -> vector<16xf32>
      %add3A_686 = arith.addf %add3A_682, %gather3A_685 : vector<16xf32>
      %mul3A_687 = arith.mulf %get3A_600, %get3A_608 : vector<16xf32>
      %add3A_688 = arith.constant 0.000000e+00 : f32
      %add3A_689 = vector.broadcast %add3A_688 : f32 to vector<16xf32>
      %add3A_690 = arith.addf %add3A_689, %mul3A_687 : vector<16xf32>
      %mul3A_691 = arith.mulf %get3A_604, %get3A_612 : vector<16xf32>
      %add3A_692 = arith.addf %add3A_690, %mul3A_691 : vector<16xf32>
      %broadcast_in_dim3A_693 = vector.shape_cast %and3A_70 : vector<16xi32> to vector<16x1xi32>
      %gather3A_694 = vector.shape_cast %broadcast_in_dim3A_693 : vector<16x1xi32> to vector<16xi32>
      %gather3A_695 = tpu.dynamic_gather %add3A_692[%gather3A_694] in [0] : vector<16xf32>, vector<16xi32> -> vector<16xf32>
      %add3A_696 = arith.addf %add3A_692, %gather3A_695 : vector<16xf32>
      %broadcast_in_dim3A_697 = vector.shape_cast %and3A_76 : vector<16xi32> to vector<16x1xi32>
      %gather3A_698 = vector.shape_cast %broadcast_in_dim3A_697 : vector<16x1xi32> to vector<16xi32>
      %gather3A_699 = tpu.dynamic_gather %add3A_696[%gather3A_698] in [0] : vector<16xf32>, vector<16xi32> -> vector<16xf32>
      %add3A_700 = arith.addf %add3A_696, %gather3A_699 : vector<16xf32>
      %broadcast_in_dim3A_701 = vector.shape_cast %and3A_82 : vector<16xi32> to vector<16x1xi32>
      %gather3A_702 = vector.shape_cast %broadcast_in_dim3A_701 : vector<16x1xi32> to vector<16xi32>
      %gather3A_703 = tpu.dynamic_gather %add3A_700[%gather3A_702] in [0] : vector<16xf32>, vector<16xi32> -> vector<16xf32>
      %add3A_704 = arith.addf %add3A_700, %gather3A_703 : vector<16xf32>
      %broadcast_in_dim3A_705 = vector.shape_cast %and3A_88 : vector<16xi32> to vector<16x1xi32>
      %gather3A_706 = vector.shape_cast %broadcast_in_dim3A_705 : vector<16x1xi32> to vector<16xi32>
      %gather3A_707 = tpu.dynamic_gather %add3A_704[%gather3A_706] in [0] : vector<16xf32>, vector<16xi32> -> vector<16xf32>
      %add3A_708 = arith.addf %add3A_704, %gather3A_707 : vector<16xf32>
      %mul3A_709 = arith.mulf %get3A_600, %get3A_616 : vector<16xf32>
      %add3A_710 = arith.constant 0.000000e+00 : f32
      %add3A_711 = vector.broadcast %add3A_710 : f32 to vector<16xf32>
      %add3A_712 = arith.addf %add3A_711, %mul3A_709 : vector<16xf32>
      %mul3A_713 = arith.mulf %get3A_604, %get3A_620 : vector<16xf32>
      %add3A_714 = arith.addf %add3A_712, %mul3A_713 : vector<16xf32>
      %broadcast_in_dim3A_715 = vector.shape_cast %and3A_70 : vector<16xi32> to vector<16x1xi32>
      %gather3A_716 = vector.shape_cast %broadcast_in_dim3A_715 : vector<16x1xi32> to vector<16xi32>
      %gather3A_717 = tpu.dynamic_gather %add3A_714[%gather3A_716] in [0] : vector<16xf32>, vector<16xi32> -> vector<16xf32>
      %add3A_718 = arith.addf %add3A_714, %gather3A_717 : vector<16xf32>
      %broadcast_in_dim3A_719 = vector.shape_cast %and3A_76 : vector<16xi32> to vector<16x1xi32>
      %gather3A_720 = vector.shape_cast %broadcast_in_dim3A_719 : vector<16x1xi32> to vector<16xi32>
      %gather3A_721 = tpu.dynamic_gather %add3A_718[%gather3A_720] in [0] : vector<16xf32>, vector<16xi32> -> vector<16xf32>
      %add3A_722 = arith.addf %add3A_718, %gather3A_721 : vector<16xf32>
      %broadcast_in_dim3A_723 = vector.shape_cast %and3A_82 : vector<16xi32> to vector<16x1xi32>
      %gather3A_724 = vector.shape_cast %broadcast_in_dim3A_723 : vector<16x1xi32> to vector<16xi32>
      %gather3A_725 = tpu.dynamic_gather %add3A_722[%gather3A_724] in [0] : vector<16xf32>, vector<16xi32> -> vector<16xf32>
      %add3A_726 = arith.addf %add3A_722, %gather3A_725 : vector<16xf32>
      %broadcast_in_dim3A_727 = vector.shape_cast %and3A_88 : vector<16xi32> to vector<16x1xi32>
      %gather3A_728 = vector.shape_cast %broadcast_in_dim3A_727 : vector<16x1xi32> to vector<16xi32>
      %gather3A_729 = tpu.dynamic_gather %add3A_726[%gather3A_728] in [0] : vector<16xf32>, vector<16xi32> -> vector<16xf32>
      %add3A_730 = arith.addf %add3A_726, %gather3A_729 : vector<16xf32>
      %mul3A_731 = arith.mulf %get3A_608, %get3A_616 : vector<16xf32>
      %add3A_732 = arith.constant 0.000000e+00 : f32
      %add3A_733 = vector.broadcast %add3A_732 : f32 to vector<16xf32>
      %add3A_734 = arith.addf %add3A_733, %mul3A_731 : vector<16xf32>
      %mul3A_735 = arith.mulf %get3A_612, %get3A_620 : vector<16xf32>
      %add3A_736 = arith.addf %add3A_734, %mul3A_735 : vector<16xf32>
      %broadcast_in_dim3A_737 = vector.shape_cast %and3A_70 : vector<16xi32> to vector<16x1xi32>
      %gather3A_738 = vector.shape_cast %broadcast_in_dim3A_737 : vector<16x1xi32> to vector<16xi32>
      %gather3A_739 = tpu.dynamic_gather %add3A_736[%gather3A_738] in [0] : vector<16xf32>, vector<16xi32> -> vector<16xf32>
      %add3A_740 = arith.addf %add3A_736, %gather3A_739 : vector<16xf32>
      %broadcast_in_dim3A_741 = vector.shape_cast %and3A_76 : vector<16xi32> to vector<16x1xi32>
      %gather3A_742 = vector.shape_cast %broadcast_in_dim3A_741 : vector<16x1xi32> to vector<16xi32>
      %gather3A_743 = tpu.dynamic_gather %add3A_740[%gather3A_742] in [0] : vector<16xf32>, vector<16xi32> -> vector<16xf32>
      %add3A_744 = arith.addf %add3A_740, %gather3A_743 : vector<16xf32>
      %broadcast_in_dim3A_745 = vector.shape_cast %and3A_82 : vector<16xi32> to vector<16x1xi32>
      %gather3A_746 = vector.shape_cast %broadcast_in_dim3A_745 : vector<16x1xi32> to vector<16xi32>
      %gather3A_747 = tpu.dynamic_gather %add3A_744[%gather3A_746] in [0] : vector<16xf32>, vector<16xi32> -> vector<16xf32>
      %add3A_748 = arith.addf %add3A_744, %gather3A_747 : vector<16xf32>
      %broadcast_in_dim3A_749 = vector.shape_cast %and3A_88 : vector<16xi32> to vector<16x1xi32>
      %gather3A_750 = vector.shape_cast %broadcast_in_dim3A_749 : vector<16x1xi32> to vector<16xi32>
      %gather3A_751 = tpu.dynamic_gather %add3A_748[%gather3A_750] in [0] : vector<16xf32>, vector<16xi32> -> vector<16xf32>
      %add3A_752 = arith.addf %add3A_748, %gather3A_751 : vector<16xf32>
      %select_n3A_753 = arith.select %eq3A_29, %add3A_642, %select_n3A_587 : vector<16xi1>, vector<16xf32>
      %select_n3A_754 = arith.select %eq3A_29, %add3A_664, %select_n3A_588 : vector<16xi1>, vector<16xf32>
      %select_n3A_755 = arith.select %eq3A_29, %add3A_686, %select_n3A_589 : vector<16xi1>, vector<16xf32>
      %select_n3A_756 = arith.select %eq3A_29, %add3A_708, %select_n3A_590 : vector<16xi1>, vector<16xf32>
      %select_n3A_757 = arith.select %eq3A_29, %add3A_730, %select_n3A_591 : vector<16xi1>, vector<16xf32>
      %select_n3A_758 = arith.select %eq3A_29, %add3A_752, %select_n3A_592 : vector<16xi1>, vector<16xf32>
      %mul3A_759 = arith.constant 16 : i32
      %mul3A_760 = arith.muli %scan3A_95, %mul3A_759 : i32
      %add3A_761 = arith.constant 4 : i32
      %add3A_762 = arith.addi %mul3A_760, %add3A_761 : i32
      %get3A_763 = arith.index_cast %add3A_762 : i32 to index
      %get3A_764 = arith.constant 0 : index
      %get3A_765 = tpu.vector_load %arg11[%get3A_763, %get3A_764] {strides = array<i32>} : memref<512x32xf32, #tpu.memory_space<vmem>>, vector<1x16xf32>,
      %get3A_766 = vector.shape_cast %get3A_765 : vector<1x16xf32> to vector<16xf32>
      %get3A_767 = arith.index_cast %add3A_762 : i32 to index
      %get3A_768 = arith.constant 16 : index
      %get3A_769 = tpu.vector_load %arg11[%get3A_767, %get3A_768] {strides = array<i32>} : memref<512x32xf32, #tpu.memory_space<vmem>>, vector<1x16xf32>,
      %get3A_770 = vector.shape_cast %get3A_769 : vector<1x16xf32> to vector<16xf32>
      %get3A_771 = arith.index_cast %add3A_762 : i32 to index
      %get3A_772 = arith.constant 0 : index
      %get3A_773 = tpu.vector_load %arg12[%get3A_771, %get3A_772] {strides = array<i32>} : memref<512x32xf32, #tpu.memory_space<vmem>>, vector<1x16xf32>,
      %get3A_774 = vector.shape_cast %get3A_773 : vector<1x16xf32> to vector<16xf32>
      %get3A_775 = arith.index_cast %add3A_762 : i32 to index
      %get3A_776 = arith.constant 16 : index
      %get3A_777 = tpu.vector_load %arg12[%get3A_775, %get3A_776] {strides = array<i32>} : memref<512x32xf32, #tpu.memory_space<vmem>>, vector<1x16xf32>,
      %get3A_778 = vector.shape_cast %get3A_777 : vector<1x16xf32> to vector<16xf32>
      %get3A_779 = arith.index_cast %add3A_762 : i32 to index
      %get3A_780 = arith.constant 0 : index
      %get3A_781 = tpu.vector_load %arg13[%get3A_779, %get3A_780] {strides = array<i32>} : memref<512x32xf32, #tpu.memory_space<vmem>>, vector<1x16xf32>,
      %get3A_782 = vector.shape_cast %get3A_781 : vector<1x16xf32> to vector<16xf32>
      %get3A_783 = arith.index_cast %add3A_762 : i32 to index
      %get3A_784 = arith.constant 16 : index
      %get3A_785 = tpu.vector_load %arg13[%get3A_783, %get3A_784] {strides = array<i32>} : memref<512x32xf32, #tpu.memory_space<vmem>>, vector<1x16xf32>,
      %get3A_786 = vector.shape_cast %get3A_785 : vector<1x16xf32> to vector<16xf32>
      %mul3A_787 = arith.mulf %get3A_766, %get3A_766 : vector<16xf32>
      %add3A_788 = arith.constant 0.000000e+00 : f32
      %add3A_789 = vector.broadcast %add3A_788 : f32 to vector<16xf32>
      %add3A_790 = arith.addf %add3A_789, %mul3A_787 : vector<16xf32>
      %mul3A_791 = arith.mulf %get3A_770, %get3A_770 : vector<16xf32>
      %add3A_792 = arith.addf %add3A_790, %mul3A_791 : vector<16xf32>
      %broadcast_in_dim3A_793 = vector.shape_cast %and3A_70 : vector<16xi32> to vector<16x1xi32>
      %gather3A_794 = vector.shape_cast %broadcast_in_dim3A_793 : vector<16x1xi32> to vector<16xi32>
      %gather3A_795 = tpu.dynamic_gather %add3A_792[%gather3A_794] in [0] : vector<16xf32>, vector<16xi32> -> vector<16xf32>
      %add3A_796 = arith.addf %add3A_792, %gather3A_795 : vector<16xf32>
      %broadcast_in_dim3A_797 = vector.shape_cast %and3A_76 : vector<16xi32> to vector<16x1xi32>
      %gather3A_798 = vector.shape_cast %broadcast_in_dim3A_797 : vector<16x1xi32> to vector<16xi32>
      %gather3A_799 = tpu.dynamic_gather %add3A_796[%gather3A_798] in [0] : vector<16xf32>, vector<16xi32> -> vector<16xf32>
      %add3A_800 = arith.addf %add3A_796, %gather3A_799 : vector<16xf32>
      %broadcast_in_dim3A_801 = vector.shape_cast %and3A_82 : vector<16xi32> to vector<16x1xi32>
      %gather3A_802 = vector.shape_cast %broadcast_in_dim3A_801 : vector<16x1xi32> to vector<16xi32>
      %gather3A_803 = tpu.dynamic_gather %add3A_800[%gather3A_802] in [0] : vector<16xf32>, vector<16xi32> -> vector<16xf32>
      %add3A_804 = arith.addf %add3A_800, %gather3A_803 : vector<16xf32>
      %broadcast_in_dim3A_805 = vector.shape_cast %and3A_88 : vector<16xi32> to vector<16x1xi32>
      %gather3A_806 = vector.shape_cast %broadcast_in_dim3A_805 : vector<16x1xi32> to vector<16xi32>
      %gather3A_807 = tpu.dynamic_gather %add3A_804[%gather3A_806] in [0] : vector<16xf32>, vector<16xi32> -> vector<16xf32>
      %add3A_808 = arith.addf %add3A_804, %gather3A_807 : vector<16xf32>
      %mul3A_809 = arith.mulf %get3A_782, %get3A_782 : vector<16xf32>
      %add3A_810 = arith.constant 0.000000e+00 : f32
      %add3A_811 = vector.broadcast %add3A_810 : f32 to vector<16xf32>
      %add3A_812 = arith.addf %add3A_811, %mul3A_809 : vector<16xf32>
      %mul3A_813 = arith.mulf %get3A_786, %get3A_786 : vector<16xf32>
      %add3A_814 = arith.addf %add3A_812, %mul3A_813 : vector<16xf32>
      %broadcast_in_dim3A_815 = vector.shape_cast %and3A_70 : vector<16xi32> to vector<16x1xi32>
      %gather3A_816 = vector.shape_cast %broadcast_in_dim3A_815 : vector<16x1xi32> to vector<16xi32>
      %gather3A_817 = tpu.dynamic_gather %add3A_814[%gather3A_816] in [0] : vector<16xf32>, vector<16xi32> -> vector<16xf32>
      %add3A_818 = arith.addf %add3A_814, %gather3A_817 : vector<16xf32>
      %broadcast_in_dim3A_819 = vector.shape_cast %and3A_76 : vector<16xi32> to vector<16x1xi32>
      %gather3A_820 = vector.shape_cast %broadcast_in_dim3A_819 : vector<16x1xi32> to vector<16xi32>
      %gather3A_821 = tpu.dynamic_gather %add3A_818[%gather3A_820] in [0] : vector<16xf32>, vector<16xi32> -> vector<16xf32>
      %add3A_822 = arith.addf %add3A_818, %gather3A_821 : vector<16xf32>
      %broadcast_in_dim3A_823 = vector.shape_cast %and3A_82 : vector<16xi32> to vector<16x1xi32>
      %gather3A_824 = vector.shape_cast %broadcast_in_dim3A_823 : vector<16x1xi32> to vector<16xi32>
      %gather3A_825 = tpu.dynamic_gather %add3A_822[%gather3A_824] in [0] : vector<16xf32>, vector<16xi32> -> vector<16xf32>
      %add3A_826 = arith.addf %add3A_822, %gather3A_825 : vector<16xf32>
      %broadcast_in_dim3A_827 = vector.shape_cast %and3A_88 : vector<16xi32> to vector<16x1xi32>
      %gather3A_828 = vector.shape_cast %broadcast_in_dim3A_827 : vector<16x1xi32> to vector<16xi32>
      %gather3A_829 = tpu.dynamic_gather %add3A_826[%gather3A_828] in [0] : vector<16xf32>, vector<16xi32> -> vector<16xf32>
      %add3A_830 = arith.addf %add3A_826, %gather3A_829 : vector<16xf32>
      %mul3A_831 = arith.mulf %get3A_774, %get3A_774 : vector<16xf32>
      %add3A_832 = arith.constant 0.000000e+00 : f32
      %add3A_833 = vector.broadcast %add3A_832 : f32 to vector<16xf32>
      %add3A_834 = arith.addf %add3A_833, %mul3A_831 : vector<16xf32>
      %mul3A_835 = arith.mulf %get3A_778, %get3A_778 : vector<16xf32>
      %add3A_836 = arith.addf %add3A_834, %mul3A_835 : vector<16xf32>
      %broadcast_in_dim3A_837 = vector.shape_cast %and3A_70 : vector<16xi32> to vector<16x1xi32>
      %gather3A_838 = vector.shape_cast %broadcast_in_dim3A_837 : vector<16x1xi32> to vector<16xi32>
      %gather3A_839 = tpu.dynamic_gather %add3A_836[%gather3A_838] in [0] : vector<16xf32>, vector<16xi32> -> vector<16xf32>
      %add3A_840 = arith.addf %add3A_836, %gather3A_839 : vector<16xf32>
      %broadcast_in_dim3A_841 = vector.shape_cast %and3A_76 : vector<16xi32> to vector<16x1xi32>
      %gather3A_842 = vector.shape_cast %broadcast_in_dim3A_841 : vector<16x1xi32> to vector<16xi32>
      %gather3A_843 = tpu.dynamic_gather %add3A_840[%gather3A_842] in [0] : vector<16xf32>, vector<16xi32> -> vector<16xf32>
      %add3A_844 = arith.addf %add3A_840, %gather3A_843 : vector<16xf32>
      %broadcast_in_dim3A_845 = vector.shape_cast %and3A_82 : vector<16xi32> to vector<16x1xi32>
      %gather3A_846 = vector.shape_cast %broadcast_in_dim3A_845 : vector<16x1xi32> to vector<16xi32>
      %gather3A_847 = tpu.dynamic_gather %add3A_844[%gather3A_846] in [0] : vector<16xf32>, vector<16xi32> -> vector<16xf32>
      %add3A_848 = arith.addf %add3A_844, %gather3A_847 : vector<16xf32>
      %broadcast_in_dim3A_849 = vector.shape_cast %and3A_88 : vector<16xi32> to vector<16x1xi32>
      %gather3A_850 = vector.shape_cast %broadcast_in_dim3A_849 : vector<16x1xi32> to vector<16xi32>
      %gather3A_851 = tpu.dynamic_gather %add3A_848[%gather3A_850] in [0] : vector<16xf32>, vector<16xi32> -> vector<16xf32>
      %add3A_852 = arith.addf %add3A_848, %gather3A_851 : vector<16xf32>
      %mul3A_853 = arith.mulf %get3A_766, %get3A_774 : vector<16xf32>
      %add3A_854 = arith.constant 0.000000e+00 : f32
      %add3A_855 = vector.broadcast %add3A_854 : f32 to vector<16xf32>
      %add3A_856 = arith.addf %add3A_855, %mul3A_853 : vector<16xf32>
      %mul3A_857 = arith.mulf %get3A_770, %get3A_778 : vector<16xf32>
      %add3A_858 = arith.addf %add3A_856, %mul3A_857 : vector<16xf32>
      %broadcast_in_dim3A_859 = vector.shape_cast %and3A_70 : vector<16xi32> to vector<16x1xi32>
      %gather3A_860 = vector.shape_cast %broadcast_in_dim3A_859 : vector<16x1xi32> to vector<16xi32>
      %gather3A_861 = tpu.dynamic_gather %add3A_858[%gather3A_860] in [0] : vector<16xf32>, vector<16xi32> -> vector<16xf32>
      %add3A_862 = arith.addf %add3A_858, %gather3A_861 : vector<16xf32>
      %broadcast_in_dim3A_863 = vector.shape_cast %and3A_76 : vector<16xi32> to vector<16x1xi32>
      %gather3A_864 = vector.shape_cast %broadcast_in_dim3A_863 : vector<16x1xi32> to vector<16xi32>
      %gather3A_865 = tpu.dynamic_gather %add3A_862[%gather3A_864] in [0] : vector<16xf32>, vector<16xi32> -> vector<16xf32>
      %add3A_866 = arith.addf %add3A_862, %gather3A_865 : vector<16xf32>
      %broadcast_in_dim3A_867 = vector.shape_cast %and3A_82 : vector<16xi32> to vector<16x1xi32>
      %gather3A_868 = vector.shape_cast %broadcast_in_dim3A_867 : vector<16x1xi32> to vector<16xi32>
      %gather3A_869 = tpu.dynamic_gather %add3A_866[%gather3A_868] in [0] : vector<16xf32>, vector<16xi32> -> vector<16xf32>
      %add3A_870 = arith.addf %add3A_866, %gather3A_869 : vector<16xf32>
      %broadcast_in_dim3A_871 = vector.shape_cast %and3A_88 : vector<16xi32> to vector<16x1xi32>
      %gather3A_872 = vector.shape_cast %broadcast_in_dim3A_871 : vector<16x1xi32> to vector<16xi32>
      %gather3A_873 = tpu.dynamic_gather %add3A_870[%gather3A_872] in [0] : vector<16xf32>, vector<16xi32> -> vector<16xf32>
      %add3A_874 = arith.addf %add3A_870, %gather3A_873 : vector<16xf32>
      %mul3A_875 = arith.mulf %get3A_766, %get3A_782 : vector<16xf32>
      %add3A_876 = arith.constant 0.000000e+00 : f32
      %add3A_877 = vector.broadcast %add3A_876 : f32 to vector<16xf32>
      %add3A_878 = arith.addf %add3A_877, %mul3A_875 : vector<16xf32>
      %mul3A_879 = arith.mulf %get3A_770, %get3A_786 : vector<16xf32>
      %add3A_880 = arith.addf %add3A_878, %mul3A_879 : vector<16xf32>
      %broadcast_in_dim3A_881 = vector.shape_cast %and3A_70 : vector<16xi32> to vector<16x1xi32>
      %gather3A_882 = vector.shape_cast %broadcast_in_dim3A_881 : vector<16x1xi32> to vector<16xi32>
      %gather3A_883 = tpu.dynamic_gather %add3A_880[%gather3A_882] in [0] : vector<16xf32>, vector<16xi32> -> vector<16xf32>
      %add3A_884 = arith.addf %add3A_880, %gather3A_883 : vector<16xf32>
      %broadcast_in_dim3A_885 = vector.shape_cast %and3A_76 : vector<16xi32> to vector<16x1xi32>
      %gather3A_886 = vector.shape_cast %broadcast_in_dim3A_885 : vector<16x1xi32> to vector<16xi32>
      %gather3A_887 = tpu.dynamic_gather %add3A_884[%gather3A_886] in [0] : vector<16xf32>, vector<16xi32> -> vector<16xf32>
      %add3A_888 = arith.addf %add3A_884, %gather3A_887 : vector<16xf32>
      %broadcast_in_dim3A_889 = vector.shape_cast %and3A_82 : vector<16xi32> to vector<16x1xi32>
      %gather3A_890 = vector.shape_cast %broadcast_in_dim3A_889 : vector<16x1xi32> to vector<16xi32>
      %gather3A_891 = tpu.dynamic_gather %add3A_888[%gather3A_890] in [0] : vector<16xf32>, vector<16xi32> -> vector<16xf32>
      %add3A_892 = arith.addf %add3A_888, %gather3A_891 : vector<16xf32>
      %broadcast_in_dim3A_893 = vector.shape_cast %and3A_88 : vector<16xi32> to vector<16x1xi32>
      %gather3A_894 = vector.shape_cast %broadcast_in_dim3A_893 : vector<16x1xi32> to vector<16xi32>
      %gather3A_895 = tpu.dynamic_gather %add3A_892[%gather3A_894] in [0] : vector<16xf32>, vector<16xi32> -> vector<16xf32>
      %add3A_896 = arith.addf %add3A_892, %gather3A_895 : vector<16xf32>
      %mul3A_897 = arith.mulf %get3A_774, %get3A_782 : vector<16xf32>
      %add3A_898 = arith.constant 0.000000e+00 : f32
      %add3A_899 = vector.broadcast %add3A_898 : f32 to vector<16xf32>
      %add3A_900 = arith.addf %add3A_899, %mul3A_897 : vector<16xf32>
      %mul3A_901 = arith.mulf %get3A_778, %get3A_786 : vector<16xf32>
      %add3A_902 = arith.addf %add3A_900, %mul3A_901 : vector<16xf32>
      %broadcast_in_dim3A_903 = vector.shape_cast %and3A_70 : vector<16xi32> to vector<16x1xi32>
      %gather3A_904 = vector.shape_cast %broadcast_in_dim3A_903 : vector<16x1xi32> to vector<16xi32>
      %gather3A_905 = tpu.dynamic_gather %add3A_902[%gather3A_904] in [0] : vector<16xf32>, vector<16xi32> -> vector<16xf32>
      %add3A_906 = arith.addf %add3A_902, %gather3A_905 : vector<16xf32>
      %broadcast_in_dim3A_907 = vector.shape_cast %and3A_76 : vector<16xi32> to vector<16x1xi32>
      %gather3A_908 = vector.shape_cast %broadcast_in_dim3A_907 : vector<16x1xi32> to vector<16xi32>
      %gather3A_909 = tpu.dynamic_gather %add3A_906[%gather3A_908] in [0] : vector<16xf32>, vector<16xi32> -> vector<16xf32>
      %add3A_910 = arith.addf %add3A_906, %gather3A_909 : vector<16xf32>
      %broadcast_in_dim3A_911 = vector.shape_cast %and3A_82 : vector<16xi32> to vector<16x1xi32>
      %gather3A_912 = vector.shape_cast %broadcast_in_dim3A_911 : vector<16x1xi32> to vector<16xi32>
      %gather3A_913 = tpu.dynamic_gather %add3A_910[%gather3A_912] in [0] : vector<16xf32>, vector<16xi32> -> vector<16xf32>
      %add3A_914 = arith.addf %add3A_910, %gather3A_913 : vector<16xf32>
      %broadcast_in_dim3A_915 = vector.shape_cast %and3A_88 : vector<16xi32> to vector<16x1xi32>
      %gather3A_916 = vector.shape_cast %broadcast_in_dim3A_915 : vector<16x1xi32> to vector<16xi32>
      %gather3A_917 = tpu.dynamic_gather %add3A_914[%gather3A_916] in [0] : vector<16xf32>, vector<16xi32> -> vector<16xf32>
      %add3A_918 = arith.addf %add3A_914, %gather3A_917 : vector<16xf32>
      %select_n3A_919 = arith.select %eq3A_32, %add3A_808, %select_n3A_753 : vector<16xi1>, vector<16xf32>
      %select_n3A_920 = arith.select %eq3A_32, %add3A_830, %select_n3A_754 : vector<16xi1>, vector<16xf32>
      %select_n3A_921 = arith.select %eq3A_32, %add3A_852, %select_n3A_755 : vector<16xi1>, vector<16xf32>
      %select_n3A_922 = arith.select %eq3A_32, %add3A_874, %select_n3A_756 : vector<16xi1>, vector<16xf32>
      %select_n3A_923 = arith.select %eq3A_32, %add3A_896, %select_n3A_757 : vector<16xi1>, vector<16xf32>
      %select_n3A_924 = arith.select %eq3A_32, %add3A_918, %select_n3A_758 : vector<16xi1>, vector<16xf32>
      %mul3A_925 = arith.constant 16 : i32
      %mul3A_926 = arith.muli %scan3A_95, %mul3A_925 : i32
      %add3A_927 = arith.constant 5 : i32
      %add3A_928 = arith.addi %mul3A_926, %add3A_927 : i32
      %get3A_929 = arith.index_cast %add3A_928 : i32 to index
      %get3A_930 = arith.constant 0 : index
      %get3A_931 = tpu.vector_load %arg11[%get3A_929, %get3A_930] {strides = array<i32>} : memref<512x32xf32, #tpu.memory_space<vmem>>, vector<1x16xf32>,
      %get3A_932 = vector.shape_cast %get3A_931 : vector<1x16xf32> to vector<16xf32>
      %get3A_933 = arith.index_cast %add3A_928 : i32 to index
      %get3A_934 = arith.constant 16 : index
      %get3A_935 = tpu.vector_load %arg11[%get3A_933, %get3A_934] {strides = array<i32>} : memref<512x32xf32, #tpu.memory_space<vmem>>, vector<1x16xf32>,
      %get3A_936 = vector.shape_cast %get3A_935 : vector<1x16xf32> to vector<16xf32>
      %get3A_937 = arith.index_cast %add3A_928 : i32 to index
      %get3A_938 = arith.constant 0 : index
      %get3A_939 = tpu.vector_load %arg12[%get3A_937, %get3A_938] {strides = array<i32>} : memref<512x32xf32, #tpu.memory_space<vmem>>, vector<1x16xf32>,
      %get3A_940 = vector.shape_cast %get3A_939 : vector<1x16xf32> to vector<16xf32>
      %get3A_941 = arith.index_cast %add3A_928 : i32 to index
      %get3A_942 = arith.constant 16 : index
      %get3A_943 = tpu.vector_load %arg12[%get3A_941, %get3A_942] {strides = array<i32>} : memref<512x32xf32, #tpu.memory_space<vmem>>, vector<1x16xf32>,
      %get3A_944 = vector.shape_cast %get3A_943 : vector<1x16xf32> to vector<16xf32>
      %get3A_945 = arith.index_cast %add3A_928 : i32 to index
      %get3A_946 = arith.constant 0 : index
      %get3A_947 = tpu.vector_load %arg13[%get3A_945, %get3A_946] {strides = array<i32>} : memref<512x32xf32, #tpu.memory_space<vmem>>, vector<1x16xf32>,
      %get3A_948 = vector.shape_cast %get3A_947 : vector<1x16xf32> to vector<16xf32>
      %get3A_949 = arith.index_cast %add3A_928 : i32 to index
      %get3A_950 = arith.constant 16 : index
      %get3A_951 = tpu.vector_load %arg13[%get3A_949, %get3A_950] {strides = array<i32>} : memref<512x32xf32, #tpu.memory_space<vmem>>, vector<1x16xf32>,
      %get3A_952 = vector.shape_cast %get3A_951 : vector<1x16xf32> to vector<16xf32>
      %mul3A_953 = arith.mulf %get3A_932, %get3A_932 : vector<16xf32>
      %add3A_954 = arith.constant 0.000000e+00 : f32
      %add3A_955 = vector.broadcast %add3A_954 : f32 to vector<16xf32>
      %add3A_956 = arith.addf %add3A_955, %mul3A_953 : vector<16xf32>
      %mul3A_957 = arith.mulf %get3A_936, %get3A_936 : vector<16xf32>
      %add3A_958 = arith.addf %add3A_956, %mul3A_957 : vector<16xf32>
      %broadcast_in_dim3A_959 = vector.shape_cast %and3A_70 : vector<16xi32> to vector<16x1xi32>
      %gather3A_960 = vector.shape_cast %broadcast_in_dim3A_959 : vector<16x1xi32> to vector<16xi32>
      %gather3A_961 = tpu.dynamic_gather %add3A_958[%gather3A_960] in [0] : vector<16xf32>, vector<16xi32> -> vector<16xf32>
      %add3A_962 = arith.addf %add3A_958, %gather3A_961 : vector<16xf32>
      %broadcast_in_dim3A_963 = vector.shape_cast %and3A_76 : vector<16xi32> to vector<16x1xi32>
      %gather3A_964 = vector.shape_cast %broadcast_in_dim3A_963 : vector<16x1xi32> to vector<16xi32>
      %gather3A_965 = tpu.dynamic_gather %add3A_962[%gather3A_964] in [0] : vector<16xf32>, vector<16xi32> -> vector<16xf32>
      %add3A_966 = arith.addf %add3A_962, %gather3A_965 : vector<16xf32>
      %broadcast_in_dim3A_967 = vector.shape_cast %and3A_82 : vector<16xi32> to vector<16x1xi32>
      %gather3A_968 = vector.shape_cast %broadcast_in_dim3A_967 : vector<16x1xi32> to vector<16xi32>
      %gather3A_969 = tpu.dynamic_gather %add3A_966[%gather3A_968] in [0] : vector<16xf32>, vector<16xi32> -> vector<16xf32>
      %add3A_970 = arith.addf %add3A_966, %gather3A_969 : vector<16xf32>
      %broadcast_in_dim3A_971 = vector.shape_cast %and3A_88 : vector<16xi32> to vector<16x1xi32>
      %gather3A_972 = vector.shape_cast %broadcast_in_dim3A_971 : vector<16x1xi32> to vector<16xi32>
      %gather3A_973 = tpu.dynamic_gather %add3A_970[%gather3A_972] in [0] : vector<16xf32>, vector<16xi32> -> vector<16xf32>
      %add3A_974 = arith.addf %add3A_970, %gather3A_973 : vector<16xf32>
      %mul3A_975 = arith.mulf %get3A_948, %get3A_948 : vector<16xf32>
      %add3A_976 = arith.constant 0.000000e+00 : f32
      %add3A_977 = vector.broadcast %add3A_976 : f32 to vector<16xf32>
      %add3A_978 = arith.addf %add3A_977, %mul3A_975 : vector<16xf32>
      %mul3A_979 = arith.mulf %get3A_952, %get3A_952 : vector<16xf32>
      %add3A_980 = arith.addf %add3A_978, %mul3A_979 : vector<16xf32>
      %broadcast_in_dim3A_981 = vector.shape_cast %and3A_70 : vector<16xi32> to vector<16x1xi32>
      %gather3A_982 = vector.shape_cast %broadcast_in_dim3A_981 : vector<16x1xi32> to vector<16xi32>
      %gather3A_983 = tpu.dynamic_gather %add3A_980[%gather3A_982] in [0] : vector<16xf32>, vector<16xi32> -> vector<16xf32>
      %add3A_984 = arith.addf %add3A_980, %gather3A_983 : vector<16xf32>
      %broadcast_in_dim3A_985 = vector.shape_cast %and3A_76 : vector<16xi32> to vector<16x1xi32>
      %gather3A_986 = vector.shape_cast %broadcast_in_dim3A_985 : vector<16x1xi32> to vector<16xi32>
      %gather3A_987 = tpu.dynamic_gather %add3A_984[%gather3A_986] in [0] : vector<16xf32>, vector<16xi32> -> vector<16xf32>
      %add3A_988 = arith.addf %add3A_984, %gather3A_987 : vector<16xf32>
      %broadcast_in_dim3A_989 = vector.shape_cast %and3A_82 : vector<16xi32> to vector<16x1xi32>
      %gather3A_990 = vector.shape_cast %broadcast_in_dim3A_989 : vector<16x1xi32> to vector<16xi32>
      %gather3A_991 = tpu.dynamic_gather %add3A_988[%gather3A_990] in [0] : vector<16xf32>, vector<16xi32> -> vector<16xf32>
      %add3A_992 = arith.addf %add3A_988, %gather3A_991 : vector<16xf32>
      %broadcast_in_dim3A_993 = vector.shape_cast %and3A_88 : vector<16xi32> to vector<16x1xi32>
      %gather3A_994 = vector.shape_cast %broadcast_in_dim3A_993 : vector<16x1xi32> to vector<16xi32>
      %gather3A_995 = tpu.dynamic_gather %add3A_992[%gather3A_994] in [0] : vector<16xf32>, vector<16xi32> -> vector<16xf32>
      %add3A_996 = arith.addf %add3A_992, %gather3A_995 : vector<16xf32>
      %mul3A_997 = arith.mulf %get3A_940, %get3A_940 : vector<16xf32>
      %add3A_998 = arith.constant 0.000000e+00 : f32
      %add3A_999 = vector.broadcast %add3A_998 : f32 to vector<16xf32>
      %add3A_1000 = arith.addf %add3A_999, %mul3A_997 : vector<16xf32>
      %mul3A_1001 = arith.mulf %get3A_944, %get3A_944 : vector<16xf32>
      %add3A_1002 = arith.addf %add3A_1000, %mul3A_1001 : vector<16xf32>
      %broadcast_in_dim3A_1003 = vector.shape_cast %and3A_70 : vector<16xi32> to vector<16x1xi32>
      %gather3A_1004 = vector.shape_cast %broadcast_in_dim3A_1003 : vector<16x1xi32> to vector<16xi32>
      %gather3A_1005 = tpu.dynamic_gather %add3A_1002[%gather3A_1004] in [0] : vector<16xf32>, vector<16xi32> -> vector<16xf32>
      %add3A_1006 = arith.addf %add3A_1002, %gather3A_1005 : vector<16xf32>
      %broadcast_in_dim3A_1007 = vector.shape_cast %and3A_76 : vector<16xi32> to vector<16x1xi32>
      %gather3A_1008 = vector.shape_cast %broadcast_in_dim3A_1007 : vector<16x1xi32> to vector<16xi32>
      %gather3A_1009 = tpu.dynamic_gather %add3A_1006[%gather3A_1008] in [0] : vector<16xf32>, vector<16xi32> -> vector<16xf32>
      %add3A_1010 = arith.addf %add3A_1006, %gather3A_1009 : vector<16xf32>
      %broadcast_in_dim3A_1011 = vector.shape_cast %and3A_82 : vector<16xi32> to vector<16x1xi32>
      %gather3A_1012 = vector.shape_cast %broadcast_in_dim3A_1011 : vector<16x1xi32> to vector<16xi32>
      %gather3A_1013 = tpu.dynamic_gather %add3A_1010[%gather3A_1012] in [0] : vector<16xf32>, vector<16xi32> -> vector<16xf32>
      %add3A_1014 = arith.addf %add3A_1010, %gather3A_1013 : vector<16xf32>
      %broadcast_in_dim3A_1015 = vector.shape_cast %and3A_88 : vector<16xi32> to vector<16x1xi32>
      %gather3A_1016 = vector.shape_cast %broadcast_in_dim3A_1015 : vector<16x1xi32> to vector<16xi32>
      %gather3A_1017 = tpu.dynamic_gather %add3A_1014[%gather3A_1016] in [0] : vector<16xf32>, vector<16xi32> -> vector<16xf32>
      %add3A_1018 = arith.addf %add3A_1014, %gather3A_1017 : vector<16xf32>
      %mul3A_1019 = arith.mulf %get3A_932, %get3A_940 : vector<16xf32>
      %add3A_1020 = arith.constant 0.000000e+00 : f32
      %add3A_1021 = vector.broadcast %add3A_1020 : f32 to vector<16xf32>
      %add3A_1022 = arith.addf %add3A_1021, %mul3A_1019 : vector<16xf32>
      %mul3A_1023 = arith.mulf %get3A_936, %get3A_944 : vector<16xf32>
      %add3A_1024 = arith.addf %add3A_1022, %mul3A_1023 : vector<16xf32>
      %broadcast_in_dim3A_1025 = vector.shape_cast %and3A_70 : vector<16xi32> to vector<16x1xi32>
      %gather3A_1026 = vector.shape_cast %broadcast_in_dim3A_1025 : vector<16x1xi32> to vector<16xi32>
      %gather3A_1027 = tpu.dynamic_gather %add3A_1024[%gather3A_1026] in [0] : vector<16xf32>, vector<16xi32> -> vector<16xf32>
      %add3A_1028 = arith.addf %add3A_1024, %gather3A_1027 : vector<16xf32>
      %broadcast_in_dim3A_1029 = vector.shape_cast %and3A_76 : vector<16xi32> to vector<16x1xi32>
      %gather3A_1030 = vector.shape_cast %broadcast_in_dim3A_1029 : vector<16x1xi32> to vector<16xi32>
      %gather3A_1031 = tpu.dynamic_gather %add3A_1028[%gather3A_1030] in [0] : vector<16xf32>, vector<16xi32> -> vector<16xf32>
      %add3A_1032 = arith.addf %add3A_1028, %gather3A_1031 : vector<16xf32>
      %broadcast_in_dim3A_1033 = vector.shape_cast %and3A_82 : vector<16xi32> to vector<16x1xi32>
      %gather3A_1034 = vector.shape_cast %broadcast_in_dim3A_1033 : vector<16x1xi32> to vector<16xi32>
      %gather3A_1035 = tpu.dynamic_gather %add3A_1032[%gather3A_1034] in [0] : vector<16xf32>, vector<16xi32> -> vector<16xf32>
      %add3A_1036 = arith.addf %add3A_1032, %gather3A_1035 : vector<16xf32>
      %broadcast_in_dim3A_1037 = vector.shape_cast %and3A_88 : vector<16xi32> to vector<16x1xi32>
      %gather3A_1038 = vector.shape_cast %broadcast_in_dim3A_1037 : vector<16x1xi32> to vector<16xi32>
      %gather3A_1039 = tpu.dynamic_gather %add3A_1036[%gather3A_1038] in [0] : vector<16xf32>, vector<16xi32> -> vector<16xf32>
      %add3A_1040 = arith.addf %add3A_1036, %gather3A_1039 : vector<16xf32>
      %mul3A_1041 = arith.mulf %get3A_932, %get3A_948 : vector<16xf32>
      %add3A_1042 = arith.constant 0.000000e+00 : f32
      %add3A_1043 = vector.broadcast %add3A_1042 : f32 to vector<16xf32>
      %add3A_1044 = arith.addf %add3A_1043, %mul3A_1041 : vector<16xf32>
      %mul3A_1045 = arith.mulf %get3A_936, %get3A_952 : vector<16xf32>
      %add3A_1046 = arith.addf %add3A_1044, %mul3A_1045 : vector<16xf32>
      %broadcast_in_dim3A_1047 = vector.shape_cast %and3A_70 : vector<16xi32> to vector<16x1xi32>
      %gather3A_1048 = vector.shape_cast %broadcast_in_dim3A_1047 : vector<16x1xi32> to vector<16xi32>
      %gather3A_1049 = tpu.dynamic_gather %add3A_1046[%gather3A_1048] in [0] : vector<16xf32>, vector<16xi32> -> vector<16xf32>
      %add3A_1050 = arith.addf %add3A_1046, %gather3A_1049 : vector<16xf32>
      %broadcast_in_dim3A_1051 = vector.shape_cast %and3A_76 : vector<16xi32> to vector<16x1xi32>
      %gather3A_1052 = vector.shape_cast %broadcast_in_dim3A_1051 : vector<16x1xi32> to vector<16xi32>
      %gather3A_1053 = tpu.dynamic_gather %add3A_1050[%gather3A_1052] in [0] : vector<16xf32>, vector<16xi32> -> vector<16xf32>
      %add3A_1054 = arith.addf %add3A_1050, %gather3A_1053 : vector<16xf32>
      %broadcast_in_dim3A_1055 = vector.shape_cast %and3A_82 : vector<16xi32> to vector<16x1xi32>
      %gather3A_1056 = vector.shape_cast %broadcast_in_dim3A_1055 : vector<16x1xi32> to vector<16xi32>
      %gather3A_1057 = tpu.dynamic_gather %add3A_1054[%gather3A_1056] in [0] : vector<16xf32>, vector<16xi32> -> vector<16xf32>
      %add3A_1058 = arith.addf %add3A_1054, %gather3A_1057 : vector<16xf32>
      %broadcast_in_dim3A_1059 = vector.shape_cast %and3A_88 : vector<16xi32> to vector<16x1xi32>
      %gather3A_1060 = vector.shape_cast %broadcast_in_dim3A_1059 : vector<16x1xi32> to vector<16xi32>
      %gather3A_1061 = tpu.dynamic_gather %add3A_1058[%gather3A_1060] in [0] : vector<16xf32>, vector<16xi32> -> vector<16xf32>
      %add3A_1062 = arith.addf %add3A_1058, %gather3A_1061 : vector<16xf32>
      %mul3A_1063 = arith.mulf %get3A_940, %get3A_948 : vector<16xf32>
      %add3A_1064 = arith.constant 0.000000e+00 : f32
      %add3A_1065 = vector.broadcast %add3A_1064 : f32 to vector<16xf32>
      %add3A_1066 = arith.addf %add3A_1065, %mul3A_1063 : vector<16xf32>
      %mul3A_1067 = arith.mulf %get3A_944, %get3A_952 : vector<16xf32>
      %add3A_1068 = arith.addf %add3A_1066, %mul3A_1067 : vector<16xf32>
      %broadcast_in_dim3A_1069 = vector.shape_cast %and3A_70 : vector<16xi32> to vector<16x1xi32>
      %gather3A_1070 = vector.shape_cast %broadcast_in_dim3A_1069 : vector<16x1xi32> to vector<16xi32>
      %gather3A_1071 = tpu.dynamic_gather %add3A_1068[%gather3A_1070] in [0] : vector<16xf32>, vector<16xi32> -> vector<16xf32>
      %add3A_1072 = arith.addf %add3A_1068, %gather3A_1071 : vector<16xf32>
      %broadcast_in_dim3A_1073 = vector.shape_cast %and3A_76 : vector<16xi32> to vector<16x1xi32>
      %gather3A_1074 = vector.shape_cast %broadcast_in_dim3A_1073 : vector<16x1xi32> to vector<16xi32>
      %gather3A_1075 = tpu.dynamic_gather %add3A_1072[%gather3A_1074] in [0] : vector<16xf32>, vector<16xi32> -> vector<16xf32>
      %add3A_1076 = arith.addf %add3A_1072, %gather3A_1075 : vector<16xf32>
      %broadcast_in_dim3A_1077 = vector.shape_cast %and3A_82 : vector<16xi32> to vector<16x1xi32>
      %gather3A_1078 = vector.shape_cast %broadcast_in_dim3A_1077 : vector<16x1xi32> to vector<16xi32>
      %gather3A_1079 = tpu.dynamic_gather %add3A_1076[%gather3A_1078] in [0] : vector<16xf32>, vector<16xi32> -> vector<16xf32>
      %add3A_1080 = arith.addf %add3A_1076, %gather3A_1079 : vector<16xf32>
      %broadcast_in_dim3A_1081 = vector.shape_cast %and3A_88 : vector<16xi32> to vector<16x1xi32>
      %gather3A_1082 = vector.shape_cast %broadcast_in_dim3A_1081 : vector<16x1xi32> to vector<16xi32>
      %gather3A_1083 = tpu.dynamic_gather %add3A_1080[%gather3A_1082] in [0] : vector<16xf32>, vector<16xi32> -> vector<16xf32>
      %add3A_1084 = arith.addf %add3A_1080, %gather3A_1083 : vector<16xf32>
      %select_n3A_1085 = arith.select %eq3A_35, %add3A_974, %select_n3A_919 : vector<16xi1>, vector<16xf32>
      %select_n3A_1086 = arith.select %eq3A_35, %add3A_996, %select_n3A_920 : vector<16xi1>, vector<16xf32>
      %select_n3A_1087 = arith.select %eq3A_35, %add3A_1018, %select_n3A_921 : vector<16xi1>, vector<16xf32>
      %select_n3A_1088 = arith.select %eq3A_35, %add3A_1040, %select_n3A_922 : vector<16xi1>, vector<16xf32>
      %select_n3A_1089 = arith.select %eq3A_35, %add3A_1062, %select_n3A_923 : vector<16xi1>, vector<16xf32>
      %select_n3A_1090 = arith.select %eq3A_35, %add3A_1084, %select_n3A_924 : vector<16xi1>, vector<16xf32>
      %mul3A_1091 = arith.constant 16 : i32
      %mul3A_1092 = arith.muli %scan3A_95, %mul3A_1091 : i32
      %add3A_1093 = arith.constant 6 : i32
      %add3A_1094 = arith.addi %mul3A_1092, %add3A_1093 : i32
      %get3A_1095 = arith.index_cast %add3A_1094 : i32 to index
      %get3A_1096 = arith.constant 0 : index
      %get3A_1097 = tpu.vector_load %arg11[%get3A_1095, %get3A_1096] {strides = array<i32>} : memref<512x32xf32, #tpu.memory_space<vmem>>, vector<1x16xf32>,
      %get3A_1098 = vector.shape_cast %get3A_1097 : vector<1x16xf32> to vector<16xf32>
      %get3A_1099 = arith.index_cast %add3A_1094 : i32 to index
      %get3A_1100 = arith.constant 16 : index
      %get3A_1101 = tpu.vector_load %arg11[%get3A_1099, %get3A_1100] {strides = array<i32>} : memref<512x32xf32, #tpu.memory_space<vmem>>, vector<1x16xf32>,
      %get3A_1102 = vector.shape_cast %get3A_1101 : vector<1x16xf32> to vector<16xf32>
      %get3A_1103 = arith.index_cast %add3A_1094 : i32 to index
      %get3A_1104 = arith.constant 0 : index
      %get3A_1105 = tpu.vector_load %arg12[%get3A_1103, %get3A_1104] {strides = array<i32>} : memref<512x32xf32, #tpu.memory_space<vmem>>, vector<1x16xf32>,
      %get3A_1106 = vector.shape_cast %get3A_1105 : vector<1x16xf32> to vector<16xf32>
      %get3A_1107 = arith.index_cast %add3A_1094 : i32 to index
      %get3A_1108 = arith.constant 16 : index
      %get3A_1109 = tpu.vector_load %arg12[%get3A_1107, %get3A_1108] {strides = array<i32>} : memref<512x32xf32, #tpu.memory_space<vmem>>, vector<1x16xf32>,
      %get3A_1110 = vector.shape_cast %get3A_1109 : vector<1x16xf32> to vector<16xf32>
      %get3A_1111 = arith.index_cast %add3A_1094 : i32 to index
      %get3A_1112 = arith.constant 0 : index
      %get3A_1113 = tpu.vector_load %arg13[%get3A_1111, %get3A_1112] {strides = array<i32>} : memref<512x32xf32, #tpu.memory_space<vmem>>, vector<1x16xf32>,
      %get3A_1114 = vector.shape_cast %get3A_1113 : vector<1x16xf32> to vector<16xf32>
      %get3A_1115 = arith.index_cast %add3A_1094 : i32 to index
      %get3A_1116 = arith.constant 16 : index
      %get3A_1117 = tpu.vector_load %arg13[%get3A_1115, %get3A_1116] {strides = array<i32>} : memref<512x32xf32, #tpu.memory_space<vmem>>, vector<1x16xf32>,
      %get3A_1118 = vector.shape_cast %get3A_1117 : vector<1x16xf32> to vector<16xf32>
      %mul3A_1119 = arith.mulf %get3A_1098, %get3A_1098 : vector<16xf32>
      %add3A_1120 = arith.constant 0.000000e+00 : f32
      %add3A_1121 = vector.broadcast %add3A_1120 : f32 to vector<16xf32>
      %add3A_1122 = arith.addf %add3A_1121, %mul3A_1119 : vector<16xf32>
      %mul3A_1123 = arith.mulf %get3A_1102, %get3A_1102 : vector<16xf32>
      %add3A_1124 = arith.addf %add3A_1122, %mul3A_1123 : vector<16xf32>
      %broadcast_in_dim3A_1125 = vector.shape_cast %and3A_70 : vector<16xi32> to vector<16x1xi32>
      %gather3A_1126 = vector.shape_cast %broadcast_in_dim3A_1125 : vector<16x1xi32> to vector<16xi32>
      %gather3A_1127 = tpu.dynamic_gather %add3A_1124[%gather3A_1126] in [0] : vector<16xf32>, vector<16xi32> -> vector<16xf32>
      %add3A_1128 = arith.addf %add3A_1124, %gather3A_1127 : vector<16xf32>
      %broadcast_in_dim3A_1129 = vector.shape_cast %and3A_76 : vector<16xi32> to vector<16x1xi32>
      %gather3A_1130 = vector.shape_cast %broadcast_in_dim3A_1129 : vector<16x1xi32> to vector<16xi32>
      %gather3A_1131 = tpu.dynamic_gather %add3A_1128[%gather3A_1130] in [0] : vector<16xf32>, vector<16xi32> -> vector<16xf32>
      %add3A_1132 = arith.addf %add3A_1128, %gather3A_1131 : vector<16xf32>
      %broadcast_in_dim3A_1133 = vector.shape_cast %and3A_82 : vector<16xi32> to vector<16x1xi32>
      %gather3A_1134 = vector.shape_cast %broadcast_in_dim3A_1133 : vector<16x1xi32> to vector<16xi32>
      %gather3A_1135 = tpu.dynamic_gather %add3A_1132[%gather3A_1134] in [0] : vector<16xf32>, vector<16xi32> -> vector<16xf32>
      %add3A_1136 = arith.addf %add3A_1132, %gather3A_1135 : vector<16xf32>
      %broadcast_in_dim3A_1137 = vector.shape_cast %and3A_88 : vector<16xi32> to vector<16x1xi32>
      %gather3A_1138 = vector.shape_cast %broadcast_in_dim3A_1137 : vector<16x1xi32> to vector<16xi32>
      %gather3A_1139 = tpu.dynamic_gather %add3A_1136[%gather3A_1138] in [0] : vector<16xf32>, vector<16xi32> -> vector<16xf32>
      %add3A_1140 = arith.addf %add3A_1136, %gather3A_1139 : vector<16xf32>
      %mul3A_1141 = arith.mulf %get3A_1114, %get3A_1114 : vector<16xf32>
      %add3A_1142 = arith.constant 0.000000e+00 : f32
      %add3A_1143 = vector.broadcast %add3A_1142 : f32 to vector<16xf32>
      %add3A_1144 = arith.addf %add3A_1143, %mul3A_1141 : vector<16xf32>
      %mul3A_1145 = arith.mulf %get3A_1118, %get3A_1118 : vector<16xf32>
      %add3A_1146 = arith.addf %add3A_1144, %mul3A_1145 : vector<16xf32>
      %broadcast_in_dim3A_1147 = vector.shape_cast %and3A_70 : vector<16xi32> to vector<16x1xi32>
      %gather3A_1148 = vector.shape_cast %broadcast_in_dim3A_1147 : vector<16x1xi32> to vector<16xi32>
      %gather3A_1149 = tpu.dynamic_gather %add3A_1146[%gather3A_1148] in [0] : vector<16xf32>, vector<16xi32> -> vector<16xf32>
      %add3A_1150 = arith.addf %add3A_1146, %gather3A_1149 : vector<16xf32>
      %broadcast_in_dim3A_1151 = vector.shape_cast %and3A_76 : vector<16xi32> to vector<16x1xi32>
      %gather3A_1152 = vector.shape_cast %broadcast_in_dim3A_1151 : vector<16x1xi32> to vector<16xi32>
      %gather3A_1153 = tpu.dynamic_gather %add3A_1150[%gather3A_1152] in [0] : vector<16xf32>, vector<16xi32> -> vector<16xf32>
      %add3A_1154 = arith.addf %add3A_1150, %gather3A_1153 : vector<16xf32>
      %broadcast_in_dim3A_1155 = vector.shape_cast %and3A_82 : vector<16xi32> to vector<16x1xi32>
      %gather3A_1156 = vector.shape_cast %broadcast_in_dim3A_1155 : vector<16x1xi32> to vector<16xi32>
      %gather3A_1157 = tpu.dynamic_gather %add3A_1154[%gather3A_1156] in [0] : vector<16xf32>, vector<16xi32> -> vector<16xf32>
      %add3A_1158 = arith.addf %add3A_1154, %gather3A_1157 : vector<16xf32>
      %broadcast_in_dim3A_1159 = vector.shape_cast %and3A_88 : vector<16xi32> to vector<16x1xi32>
      %gather3A_1160 = vector.shape_cast %broadcast_in_dim3A_1159 : vector<16x1xi32> to vector<16xi32>
      %gather3A_1161 = tpu.dynamic_gather %add3A_1158[%gather3A_1160] in [0] : vector<16xf32>, vector<16xi32> -> vector<16xf32>
      %add3A_1162 = arith.addf %add3A_1158, %gather3A_1161 : vector<16xf32>
      %mul3A_1163 = arith.mulf %get3A_1106, %get3A_1106 : vector<16xf32>
      %add3A_1164 = arith.constant 0.000000e+00 : f32
      %add3A_1165 = vector.broadcast %add3A_1164 : f32 to vector<16xf32>
      %add3A_1166 = arith.addf %add3A_1165, %mul3A_1163 : vector<16xf32>
      %mul3A_1167 = arith.mulf %get3A_1110, %get3A_1110 : vector<16xf32>
      %add3A_1168 = arith.addf %add3A_1166, %mul3A_1167 : vector<16xf32>
      %broadcast_in_dim3A_1169 = vector.shape_cast %and3A_70 : vector<16xi32> to vector<16x1xi32>
      %gather3A_1170 = vector.shape_cast %broadcast_in_dim3A_1169 : vector<16x1xi32> to vector<16xi32>
      %gather3A_1171 = tpu.dynamic_gather %add3A_1168[%gather3A_1170] in [0] : vector<16xf32>, vector<16xi32> -> vector<16xf32>
      %add3A_1172 = arith.addf %add3A_1168, %gather3A_1171 : vector<16xf32>
      %broadcast_in_dim3A_1173 = vector.shape_cast %and3A_76 : vector<16xi32> to vector<16x1xi32>
      %gather3A_1174 = vector.shape_cast %broadcast_in_dim3A_1173 : vector<16x1xi32> to vector<16xi32>
      %gather3A_1175 = tpu.dynamic_gather %add3A_1172[%gather3A_1174] in [0] : vector<16xf32>, vector<16xi32> -> vector<16xf32>
      %add3A_1176 = arith.addf %add3A_1172, %gather3A_1175 : vector<16xf32>
      %broadcast_in_dim3A_1177 = vector.shape_cast %and3A_82 : vector<16xi32> to vector<16x1xi32>
      %gather3A_1178 = vector.shape_cast %broadcast_in_dim3A_1177 : vector<16x1xi32> to vector<16xi32>
      %gather3A_1179 = tpu.dynamic_gather %add3A_1176[%gather3A_1178] in [0] : vector<16xf32>, vector<16xi32> -> vector<16xf32>
      %add3A_1180 = arith.addf %add3A_1176, %gather3A_1179 : vector<16xf32>
      %broadcast_in_dim3A_1181 = vector.shape_cast %and3A_88 : vector<16xi32> to vector<16x1xi32>
      %gather3A_1182 = vector.shape_cast %broadcast_in_dim3A_1181 : vector<16x1xi32> to vector<16xi32>
      %gather3A_1183 = tpu.dynamic_gather %add3A_1180[%gather3A_1182] in [0] : vector<16xf32>, vector<16xi32> -> vector<16xf32>
      %add3A_1184 = arith.addf %add3A_1180, %gather3A_1183 : vector<16xf32>
      %mul3A_1185 = arith.mulf %get3A_1098, %get3A_1106 : vector<16xf32>
      %add3A_1186 = arith.constant 0.000000e+00 : f32
      %add3A_1187 = vector.broadcast %add3A_1186 : f32 to vector<16xf32>
      %add3A_1188 = arith.addf %add3A_1187, %mul3A_1185 : vector<16xf32>
      %mul3A_1189 = arith.mulf %get3A_1102, %get3A_1110 : vector<16xf32>
      %add3A_1190 = arith.addf %add3A_1188, %mul3A_1189 : vector<16xf32>
      %broadcast_in_dim3A_1191 = vector.shape_cast %and3A_70 : vector<16xi32> to vector<16x1xi32>
      %gather3A_1192 = vector.shape_cast %broadcast_in_dim3A_1191 : vector<16x1xi32> to vector<16xi32>
      %gather3A_1193 = tpu.dynamic_gather %add3A_1190[%gather3A_1192] in [0] : vector<16xf32>, vector<16xi32> -> vector<16xf32>
      %add3A_1194 = arith.addf %add3A_1190, %gather3A_1193 : vector<16xf32>
      %broadcast_in_dim3A_1195 = vector.shape_cast %and3A_76 : vector<16xi32> to vector<16x1xi32>
      %gather3A_1196 = vector.shape_cast %broadcast_in_dim3A_1195 : vector<16x1xi32> to vector<16xi32>
      %gather3A_1197 = tpu.dynamic_gather %add3A_1194[%gather3A_1196] in [0] : vector<16xf32>, vector<16xi32> -> vector<16xf32>
      %add3A_1198 = arith.addf %add3A_1194, %gather3A_1197 : vector<16xf32>
      %broadcast_in_dim3A_1199 = vector.shape_cast %and3A_82 : vector<16xi32> to vector<16x1xi32>
      %gather3A_1200 = vector.shape_cast %broadcast_in_dim3A_1199 : vector<16x1xi32> to vector<16xi32>
      %gather3A_1201 = tpu.dynamic_gather %add3A_1198[%gather3A_1200] in [0] : vector<16xf32>, vector<16xi32> -> vector<16xf32>
      %add3A_1202 = arith.addf %add3A_1198, %gather3A_1201 : vector<16xf32>
      %broadcast_in_dim3A_1203 = vector.shape_cast %and3A_88 : vector<16xi32> to vector<16x1xi32>
      %gather3A_1204 = vector.shape_cast %broadcast_in_dim3A_1203 : vector<16x1xi32> to vector<16xi32>
      %gather3A_1205 = tpu.dynamic_gather %add3A_1202[%gather3A_1204] in [0] : vector<16xf32>, vector<16xi32> -> vector<16xf32>
      %add3A_1206 = arith.addf %add3A_1202, %gather3A_1205 : vector<16xf32>
      %mul3A_1207 = arith.mulf %get3A_1098, %get3A_1114 : vector<16xf32>
      %add3A_1208 = arith.constant 0.000000e+00 : f32
      %add3A_1209 = vector.broadcast %add3A_1208 : f32 to vector<16xf32>
      %add3A_1210 = arith.addf %add3A_1209, %mul3A_1207 : vector<16xf32>
      %mul3A_1211 = arith.mulf %get3A_1102, %get3A_1118 : vector<16xf32>
      %add3A_1212 = arith.addf %add3A_1210, %mul3A_1211 : vector<16xf32>
      %broadcast_in_dim3A_1213 = vector.shape_cast %and3A_70 : vector<16xi32> to vector<16x1xi32>
      %gather3A_1214 = vector.shape_cast %broadcast_in_dim3A_1213 : vector<16x1xi32> to vector<16xi32>
      %gather3A_1215 = tpu.dynamic_gather %add3A_1212[%gather3A_1214] in [0] : vector<16xf32>, vector<16xi32> -> vector<16xf32>
      %add3A_1216 = arith.addf %add3A_1212, %gather3A_1215 : vector<16xf32>
      %broadcast_in_dim3A_1217 = vector.shape_cast %and3A_76 : vector<16xi32> to vector<16x1xi32>
      %gather3A_1218 = vector.shape_cast %broadcast_in_dim3A_1217 : vector<16x1xi32> to vector<16xi32>
      %gather3A_1219 = tpu.dynamic_gather %add3A_1216[%gather3A_1218] in [0] : vector<16xf32>, vector<16xi32> -> vector<16xf32>
      %add3A_1220 = arith.addf %add3A_1216, %gather3A_1219 : vector<16xf32>
      %broadcast_in_dim3A_1221 = vector.shape_cast %and3A_82 : vector<16xi32> to vector<16x1xi32>
      %gather3A_1222 = vector.shape_cast %broadcast_in_dim3A_1221 : vector<16x1xi32> to vector<16xi32>
      %gather3A_1223 = tpu.dynamic_gather %add3A_1220[%gather3A_1222] in [0] : vector<16xf32>, vector<16xi32> -> vector<16xf32>
      %add3A_1224 = arith.addf %add3A_1220, %gather3A_1223 : vector<16xf32>
      %broadcast_in_dim3A_1225 = vector.shape_cast %and3A_88 : vector<16xi32> to vector<16x1xi32>
      %gather3A_1226 = vector.shape_cast %broadcast_in_dim3A_1225 : vector<16x1xi32> to vector<16xi32>
      %gather3A_1227 = tpu.dynamic_gather %add3A_1224[%gather3A_1226] in [0] : vector<16xf32>, vector<16xi32> -> vector<16xf32>
      %add3A_1228 = arith.addf %add3A_1224, %gather3A_1227 : vector<16xf32>
      %mul3A_1229 = arith.mulf %get3A_1106, %get3A_1114 : vector<16xf32>
      %add3A_1230 = arith.constant 0.000000e+00 : f32
      %add3A_1231 = vector.broadcast %add3A_1230 : f32 to vector<16xf32>
      %add3A_1232 = arith.addf %add3A_1231, %mul3A_1229 : vector<16xf32>
      %mul3A_1233 = arith.mulf %get3A_1110, %get3A_1118 : vector<16xf32>
      %add3A_1234 = arith.addf %add3A_1232, %mul3A_1233 : vector<16xf32>
      %broadcast_in_dim3A_1235 = vector.shape_cast %and3A_70 : vector<16xi32> to vector<16x1xi32>
      %gather3A_1236 = vector.shape_cast %broadcast_in_dim3A_1235 : vector<16x1xi32> to vector<16xi32>
      %gather3A_1237 = tpu.dynamic_gather %add3A_1234[%gather3A_1236] in [0] : vector<16xf32>, vector<16xi32> -> vector<16xf32>
      %add3A_1238 = arith.addf %add3A_1234, %gather3A_1237 : vector<16xf32>
      %broadcast_in_dim3A_1239 = vector.shape_cast %and3A_76 : vector<16xi32> to vector<16x1xi32>
      %gather3A_1240 = vector.shape_cast %broadcast_in_dim3A_1239 : vector<16x1xi32> to vector<16xi32>
      %gather3A_1241 = tpu.dynamic_gather %add3A_1238[%gather3A_1240] in [0] : vector<16xf32>, vector<16xi32> -> vector<16xf32>
      %add3A_1242 = arith.addf %add3A_1238, %gather3A_1241 : vector<16xf32>
      %broadcast_in_dim3A_1243 = vector.shape_cast %and3A_82 : vector<16xi32> to vector<16x1xi32>
      %gather3A_1244 = vector.shape_cast %broadcast_in_dim3A_1243 : vector<16x1xi32> to vector<16xi32>
      %gather3A_1245 = tpu.dynamic_gather %add3A_1242[%gather3A_1244] in [0] : vector<16xf32>, vector<16xi32> -> vector<16xf32>
      %add3A_1246 = arith.addf %add3A_1242, %gather3A_1245 : vector<16xf32>
      %broadcast_in_dim3A_1247 = vector.shape_cast %and3A_88 : vector<16xi32> to vector<16x1xi32>
      %gather3A_1248 = vector.shape_cast %broadcast_in_dim3A_1247 : vector<16x1xi32> to vector<16xi32>
      %gather3A_1249 = tpu.dynamic_gather %add3A_1246[%gather3A_1248] in [0] : vector<16xf32>, vector<16xi32> -> vector<16xf32>
      %add3A_1250 = arith.addf %add3A_1246, %gather3A_1249 : vector<16xf32>
      %select_n3A_1251 = arith.select %eq3A_38, %add3A_1140, %select_n3A_1085 : vector<16xi1>, vector<16xf32>
      %select_n3A_1252 = arith.select %eq3A_38, %add3A_1162, %select_n3A_1086 : vector<16xi1>, vector<16xf32>
      %select_n3A_1253 = arith.select %eq3A_38, %add3A_1184, %select_n3A_1087 : vector<16xi1>, vector<16xf32>
      %select_n3A_1254 = arith.select %eq3A_38, %add3A_1206, %select_n3A_1088 : vector<16xi1>, vector<16xf32>
      %select_n3A_1255 = arith.select %eq3A_38, %add3A_1228, %select_n3A_1089 : vector<16xi1>, vector<16xf32>
      %select_n3A_1256 = arith.select %eq3A_38, %add3A_1250, %select_n3A_1090 : vector<16xi1>, vector<16xf32>
      %mul3A_1257 = arith.constant 16 : i32
      %mul3A_1258 = arith.muli %scan3A_95, %mul3A_1257 : i32
      %add3A_1259 = arith.constant 7 : i32
      %add3A_1260 = arith.addi %mul3A_1258, %add3A_1259 : i32
      %get3A_1261 = arith.index_cast %add3A_1260 : i32 to index
      %get3A_1262 = arith.constant 0 : index
      %get3A_1263 = tpu.vector_load %arg11[%get3A_1261, %get3A_1262] {strides = array<i32>} : memref<512x32xf32, #tpu.memory_space<vmem>>, vector<1x16xf32>,
      %get3A_1264 = vector.shape_cast %get3A_1263 : vector<1x16xf32> to vector<16xf32>
      %get3A_1265 = arith.index_cast %add3A_1260 : i32 to index
      %get3A_1266 = arith.constant 16 : index
      %get3A_1267 = tpu.vector_load %arg11[%get3A_1265, %get3A_1266] {strides = array<i32>} : memref<512x32xf32, #tpu.memory_space<vmem>>, vector<1x16xf32>,
      %get3A_1268 = vector.shape_cast %get3A_1267 : vector<1x16xf32> to vector<16xf32>
      %get3A_1269 = arith.index_cast %add3A_1260 : i32 to index
      %get3A_1270 = arith.constant 0 : index
      %get3A_1271 = tpu.vector_load %arg12[%get3A_1269, %get3A_1270] {strides = array<i32>} : memref<512x32xf32, #tpu.memory_space<vmem>>, vector<1x16xf32>,
      %get3A_1272 = vector.shape_cast %get3A_1271 : vector<1x16xf32> to vector<16xf32>
      %get3A_1273 = arith.index_cast %add3A_1260 : i32 to index
      %get3A_1274 = arith.constant 16 : index
      %get3A_1275 = tpu.vector_load %arg12[%get3A_1273, %get3A_1274] {strides = array<i32>} : memref<512x32xf32, #tpu.memory_space<vmem>>, vector<1x16xf32>,
      %get3A_1276 = vector.shape_cast %get3A_1275 : vector<1x16xf32> to vector<16xf32>
      %get3A_1277 = arith.index_cast %add3A_1260 : i32 to index
      %get3A_1278 = arith.constant 0 : index
      %get3A_1279 = tpu.vector_load %arg13[%get3A_1277, %get3A_1278] {strides = array<i32>} : memref<512x32xf32, #tpu.memory_space<vmem>>, vector<1x16xf32>,
      %get3A_1280 = vector.shape_cast %get3A_1279 : vector<1x16xf32> to vector<16xf32>
      %get3A_1281 = arith.index_cast %add3A_1260 : i32 to index
      %get3A_1282 = arith.constant 16 : index
      %get3A_1283 = tpu.vector_load %arg13[%get3A_1281, %get3A_1282] {strides = array<i32>} : memref<512x32xf32, #tpu.memory_space<vmem>>, vector<1x16xf32>,
      %get3A_1284 = vector.shape_cast %get3A_1283 : vector<1x16xf32> to vector<16xf32>
      %mul3A_1285 = arith.mulf %get3A_1264, %get3A_1264 : vector<16xf32>
      %add3A_1286 = arith.constant 0.000000e+00 : f32
      %add3A_1287 = vector.broadcast %add3A_1286 : f32 to vector<16xf32>
      %add3A_1288 = arith.addf %add3A_1287, %mul3A_1285 : vector<16xf32>
      %mul3A_1289 = arith.mulf %get3A_1268, %get3A_1268 : vector<16xf32>
      %add3A_1290 = arith.addf %add3A_1288, %mul3A_1289 : vector<16xf32>
      %broadcast_in_dim3A_1291 = vector.shape_cast %and3A_70 : vector<16xi32> to vector<16x1xi32>
      %gather3A_1292 = vector.shape_cast %broadcast_in_dim3A_1291 : vector<16x1xi32> to vector<16xi32>
      %gather3A_1293 = tpu.dynamic_gather %add3A_1290[%gather3A_1292] in [0] : vector<16xf32>, vector<16xi32> -> vector<16xf32>
      %add3A_1294 = arith.addf %add3A_1290, %gather3A_1293 : vector<16xf32>
      %broadcast_in_dim3A_1295 = vector.shape_cast %and3A_76 : vector<16xi32> to vector<16x1xi32>
      %gather3A_1296 = vector.shape_cast %broadcast_in_dim3A_1295 : vector<16x1xi32> to vector<16xi32>
      %gather3A_1297 = tpu.dynamic_gather %add3A_1294[%gather3A_1296] in [0] : vector<16xf32>, vector<16xi32> -> vector<16xf32>
      %add3A_1298 = arith.addf %add3A_1294, %gather3A_1297 : vector<16xf32>
      %broadcast_in_dim3A_1299 = vector.shape_cast %and3A_82 : vector<16xi32> to vector<16x1xi32>
      %gather3A_1300 = vector.shape_cast %broadcast_in_dim3A_1299 : vector<16x1xi32> to vector<16xi32>
      %gather3A_1301 = tpu.dynamic_gather %add3A_1298[%gather3A_1300] in [0] : vector<16xf32>, vector<16xi32> -> vector<16xf32>
      %add3A_1302 = arith.addf %add3A_1298, %gather3A_1301 : vector<16xf32>
      %broadcast_in_dim3A_1303 = vector.shape_cast %and3A_88 : vector<16xi32> to vector<16x1xi32>
      %gather3A_1304 = vector.shape_cast %broadcast_in_dim3A_1303 : vector<16x1xi32> to vector<16xi32>
      %gather3A_1305 = tpu.dynamic_gather %add3A_1302[%gather3A_1304] in [0] : vector<16xf32>, vector<16xi32> -> vector<16xf32>
      %add3A_1306 = arith.addf %add3A_1302, %gather3A_1305 : vector<16xf32>
      %mul3A_1307 = arith.mulf %get3A_1280, %get3A_1280 : vector<16xf32>
      %add3A_1308 = arith.constant 0.000000e+00 : f32
      %add3A_1309 = vector.broadcast %add3A_1308 : f32 to vector<16xf32>
      %add3A_1310 = arith.addf %add3A_1309, %mul3A_1307 : vector<16xf32>
      %mul3A_1311 = arith.mulf %get3A_1284, %get3A_1284 : vector<16xf32>
      %add3A_1312 = arith.addf %add3A_1310, %mul3A_1311 : vector<16xf32>
      %broadcast_in_dim3A_1313 = vector.shape_cast %and3A_70 : vector<16xi32> to vector<16x1xi32>
      %gather3A_1314 = vector.shape_cast %broadcast_in_dim3A_1313 : vector<16x1xi32> to vector<16xi32>
      %gather3A_1315 = tpu.dynamic_gather %add3A_1312[%gather3A_1314] in [0] : vector<16xf32>, vector<16xi32> -> vector<16xf32>
      %add3A_1316 = arith.addf %add3A_1312, %gather3A_1315 : vector<16xf32>
      %broadcast_in_dim3A_1317 = vector.shape_cast %and3A_76 : vector<16xi32> to vector<16x1xi32>
      %gather3A_1318 = vector.shape_cast %broadcast_in_dim3A_1317 : vector<16x1xi32> to vector<16xi32>
      %gather3A_1319 = tpu.dynamic_gather %add3A_1316[%gather3A_1318] in [0] : vector<16xf32>, vector<16xi32> -> vector<16xf32>
      %add3A_1320 = arith.addf %add3A_1316, %gather3A_1319 : vector<16xf32>
      %broadcast_in_dim3A_1321 = vector.shape_cast %and3A_82 : vector<16xi32> to vector<16x1xi32>
      %gather3A_1322 = vector.shape_cast %broadcast_in_dim3A_1321 : vector<16x1xi32> to vector<16xi32>
      %gather3A_1323 = tpu.dynamic_gather %add3A_1320[%gather3A_1322] in [0] : vector<16xf32>, vector<16xi32> -> vector<16xf32>
      %add3A_1324 = arith.addf %add3A_1320, %gather3A_1323 : vector<16xf32>
      %broadcast_in_dim3A_1325 = vector.shape_cast %and3A_88 : vector<16xi32> to vector<16x1xi32>
      %gather3A_1326 = vector.shape_cast %broadcast_in_dim3A_1325 : vector<16x1xi32> to vector<16xi32>
      %gather3A_1327 = tpu.dynamic_gather %add3A_1324[%gather3A_1326] in [0] : vector<16xf32>, vector<16xi32> -> vector<16xf32>
      %add3A_1328 = arith.addf %add3A_1324, %gather3A_1327 : vector<16xf32>
      %mul3A_1329 = arith.mulf %get3A_1272, %get3A_1272 : vector<16xf32>
      %add3A_1330 = arith.constant 0.000000e+00 : f32
      %add3A_1331 = vector.broadcast %add3A_1330 : f32 to vector<16xf32>
      %add3A_1332 = arith.addf %add3A_1331, %mul3A_1329 : vector<16xf32>
      %mul3A_1333 = arith.mulf %get3A_1276, %get3A_1276 : vector<16xf32>
      %add3A_1334 = arith.addf %add3A_1332, %mul3A_1333 : vector<16xf32>
      %broadcast_in_dim3A_1335 = vector.shape_cast %and3A_70 : vector<16xi32> to vector<16x1xi32>
      %gather3A_1336 = vector.shape_cast %broadcast_in_dim3A_1335 : vector<16x1xi32> to vector<16xi32>
      %gather3A_1337 = tpu.dynamic_gather %add3A_1334[%gather3A_1336] in [0] : vector<16xf32>, vector<16xi32> -> vector<16xf32>
      %add3A_1338 = arith.addf %add3A_1334, %gather3A_1337 : vector<16xf32>
      %broadcast_in_dim3A_1339 = vector.shape_cast %and3A_76 : vector<16xi32> to vector<16x1xi32>
      %gather3A_1340 = vector.shape_cast %broadcast_in_dim3A_1339 : vector<16x1xi32> to vector<16xi32>
      %gather3A_1341 = tpu.dynamic_gather %add3A_1338[%gather3A_1340] in [0] : vector<16xf32>, vector<16xi32> -> vector<16xf32>
      %add3A_1342 = arith.addf %add3A_1338, %gather3A_1341 : vector<16xf32>
      %broadcast_in_dim3A_1343 = vector.shape_cast %and3A_82 : vector<16xi32> to vector<16x1xi32>
      %gather3A_1344 = vector.shape_cast %broadcast_in_dim3A_1343 : vector<16x1xi32> to vector<16xi32>
      %gather3A_1345 = tpu.dynamic_gather %add3A_1342[%gather3A_1344] in [0] : vector<16xf32>, vector<16xi32> -> vector<16xf32>
      %add3A_1346 = arith.addf %add3A_1342, %gather3A_1345 : vector<16xf32>
      %broadcast_in_dim3A_1347 = vector.shape_cast %and3A_88 : vector<16xi32> to vector<16x1xi32>
      %gather3A_1348 = vector.shape_cast %broadcast_in_dim3A_1347 : vector<16x1xi32> to vector<16xi32>
      %gather3A_1349 = tpu.dynamic_gather %add3A_1346[%gather3A_1348] in [0] : vector<16xf32>, vector<16xi32> -> vector<16xf32>
      %add3A_1350 = arith.addf %add3A_1346, %gather3A_1349 : vector<16xf32>
      %mul3A_1351 = arith.mulf %get3A_1264, %get3A_1272 : vector<16xf32>
      %add3A_1352 = arith.constant 0.000000e+00 : f32
      %add3A_1353 = vector.broadcast %add3A_1352 : f32 to vector<16xf32>
      %add3A_1354 = arith.addf %add3A_1353, %mul3A_1351 : vector<16xf32>
      %mul3A_1355 = arith.mulf %get3A_1268, %get3A_1276 : vector<16xf32>
      %add3A_1356 = arith.addf %add3A_1354, %mul3A_1355 : vector<16xf32>
      %broadcast_in_dim3A_1357 = vector.shape_cast %and3A_70 : vector<16xi32> to vector<16x1xi32>
      %gather3A_1358 = vector.shape_cast %broadcast_in_dim3A_1357 : vector<16x1xi32> to vector<16xi32>
      %gather3A_1359 = tpu.dynamic_gather %add3A_1356[%gather3A_1358] in [0] : vector<16xf32>, vector<16xi32> -> vector<16xf32>
      %add3A_1360 = arith.addf %add3A_1356, %gather3A_1359 : vector<16xf32>
      %broadcast_in_dim3A_1361 = vector.shape_cast %and3A_76 : vector<16xi32> to vector<16x1xi32>
      %gather3A_1362 = vector.shape_cast %broadcast_in_dim3A_1361 : vector<16x1xi32> to vector<16xi32>
      %gather3A_1363 = tpu.dynamic_gather %add3A_1360[%gather3A_1362] in [0] : vector<16xf32>, vector<16xi32> -> vector<16xf32>
      %add3A_1364 = arith.addf %add3A_1360, %gather3A_1363 : vector<16xf32>
      %broadcast_in_dim3A_1365 = vector.shape_cast %and3A_82 : vector<16xi32> to vector<16x1xi32>
      %gather3A_1366 = vector.shape_cast %broadcast_in_dim3A_1365 : vector<16x1xi32> to vector<16xi32>
      %gather3A_1367 = tpu.dynamic_gather %add3A_1364[%gather3A_1366] in [0] : vector<16xf32>, vector<16xi32> -> vector<16xf32>
      %add3A_1368 = arith.addf %add3A_1364, %gather3A_1367 : vector<16xf32>
      %broadcast_in_dim3A_1369 = vector.shape_cast %and3A_88 : vector<16xi32> to vector<16x1xi32>
      %gather3A_1370 = vector.shape_cast %broadcast_in_dim3A_1369 : vector<16x1xi32> to vector<16xi32>
      %gather3A_1371 = tpu.dynamic_gather %add3A_1368[%gather3A_1370] in [0] : vector<16xf32>, vector<16xi32> -> vector<16xf32>
      %add3A_1372 = arith.addf %add3A_1368, %gather3A_1371 : vector<16xf32>
      %mul3A_1373 = arith.mulf %get3A_1264, %get3A_1280 : vector<16xf32>
      %add3A_1374 = arith.constant 0.000000e+00 : f32
      %add3A_1375 = vector.broadcast %add3A_1374 : f32 to vector<16xf32>
      %add3A_1376 = arith.addf %add3A_1375, %mul3A_1373 : vector<16xf32>
      %mul3A_1377 = arith.mulf %get3A_1268, %get3A_1284 : vector<16xf32>
      %add3A_1378 = arith.addf %add3A_1376, %mul3A_1377 : vector<16xf32>
      %broadcast_in_dim3A_1379 = vector.shape_cast %and3A_70 : vector<16xi32> to vector<16x1xi32>
      %gather3A_1380 = vector.shape_cast %broadcast_in_dim3A_1379 : vector<16x1xi32> to vector<16xi32>
      %gather3A_1381 = tpu.dynamic_gather %add3A_1378[%gather3A_1380] in [0] : vector<16xf32>, vector<16xi32> -> vector<16xf32>
      %add3A_1382 = arith.addf %add3A_1378, %gather3A_1381 : vector<16xf32>
      %broadcast_in_dim3A_1383 = vector.shape_cast %and3A_76 : vector<16xi32> to vector<16x1xi32>
      %gather3A_1384 = vector.shape_cast %broadcast_in_dim3A_1383 : vector<16x1xi32> to vector<16xi32>
      %gather3A_1385 = tpu.dynamic_gather %add3A_1382[%gather3A_1384] in [0] : vector<16xf32>, vector<16xi32> -> vector<16xf32>
      %add3A_1386 = arith.addf %add3A_1382, %gather3A_1385 : vector<16xf32>
      %broadcast_in_dim3A_1387 = vector.shape_cast %and3A_82 : vector<16xi32> to vector<16x1xi32>
      %gather3A_1388 = vector.shape_cast %broadcast_in_dim3A_1387 : vector<16x1xi32> to vector<16xi32>
      %gather3A_1389 = tpu.dynamic_gather %add3A_1386[%gather3A_1388] in [0] : vector<16xf32>, vector<16xi32> -> vector<16xf32>
      %add3A_1390 = arith.addf %add3A_1386, %gather3A_1389 : vector<16xf32>
      %broadcast_in_dim3A_1391 = vector.shape_cast %and3A_88 : vector<16xi32> to vector<16x1xi32>
      %gather3A_1392 = vector.shape_cast %broadcast_in_dim3A_1391 : vector<16x1xi32> to vector<16xi32>
      %gather3A_1393 = tpu.dynamic_gather %add3A_1390[%gather3A_1392] in [0] : vector<16xf32>, vector<16xi32> -> vector<16xf32>
      %add3A_1394 = arith.addf %add3A_1390, %gather3A_1393 : vector<16xf32>
      %mul3A_1395 = arith.mulf %get3A_1272, %get3A_1280 : vector<16xf32>
      %add3A_1396 = arith.constant 0.000000e+00 : f32
      %add3A_1397 = vector.broadcast %add3A_1396 : f32 to vector<16xf32>
      %add3A_1398 = arith.addf %add3A_1397, %mul3A_1395 : vector<16xf32>
      %mul3A_1399 = arith.mulf %get3A_1276, %get3A_1284 : vector<16xf32>
      %add3A_1400 = arith.addf %add3A_1398, %mul3A_1399 : vector<16xf32>
      %broadcast_in_dim3A_1401 = vector.shape_cast %and3A_70 : vector<16xi32> to vector<16x1xi32>
      %gather3A_1402 = vector.shape_cast %broadcast_in_dim3A_1401 : vector<16x1xi32> to vector<16xi32>
      %gather3A_1403 = tpu.dynamic_gather %add3A_1400[%gather3A_1402] in [0] : vector<16xf32>, vector<16xi32> -> vector<16xf32>
      %add3A_1404 = arith.addf %add3A_1400, %gather3A_1403 : vector<16xf32>
      %broadcast_in_dim3A_1405 = vector.shape_cast %and3A_76 : vector<16xi32> to vector<16x1xi32>
      %gather3A_1406 = vector.shape_cast %broadcast_in_dim3A_1405 : vector<16x1xi32> to vector<16xi32>
      %gather3A_1407 = tpu.dynamic_gather %add3A_1404[%gather3A_1406] in [0] : vector<16xf32>, vector<16xi32> -> vector<16xf32>
      %add3A_1408 = arith.addf %add3A_1404, %gather3A_1407 : vector<16xf32>
      %broadcast_in_dim3A_1409 = vector.shape_cast %and3A_82 : vector<16xi32> to vector<16x1xi32>
      %gather3A_1410 = vector.shape_cast %broadcast_in_dim3A_1409 : vector<16x1xi32> to vector<16xi32>
      %gather3A_1411 = tpu.dynamic_gather %add3A_1408[%gather3A_1410] in [0] : vector<16xf32>, vector<16xi32> -> vector<16xf32>
      %add3A_1412 = arith.addf %add3A_1408, %gather3A_1411 : vector<16xf32>
      %broadcast_in_dim3A_1413 = vector.shape_cast %and3A_88 : vector<16xi32> to vector<16x1xi32>
      %gather3A_1414 = vector.shape_cast %broadcast_in_dim3A_1413 : vector<16x1xi32> to vector<16xi32>
      %gather3A_1415 = tpu.dynamic_gather %add3A_1412[%gather3A_1414] in [0] : vector<16xf32>, vector<16xi32> -> vector<16xf32>
      %add3A_1416 = arith.addf %add3A_1412, %gather3A_1415 : vector<16xf32>
      %select_n3A_1417 = arith.select %eq3A_41, %add3A_1306, %select_n3A_1251 : vector<16xi1>, vector<16xf32>
      %select_n3A_1418 = arith.select %eq3A_41, %add3A_1328, %select_n3A_1252 : vector<16xi1>, vector<16xf32>
      %select_n3A_1419 = arith.select %eq3A_41, %add3A_1350, %select_n3A_1253 : vector<16xi1>, vector<16xf32>
      %select_n3A_1420 = arith.select %eq3A_41, %add3A_1372, %select_n3A_1254 : vector<16xi1>, vector<16xf32>
      %select_n3A_1421 = arith.select %eq3A_41, %add3A_1394, %select_n3A_1255 : vector<16xi1>, vector<16xf32>
      %select_n3A_1422 = arith.select %eq3A_41, %add3A_1416, %select_n3A_1256 : vector<16xi1>, vector<16xf32>
      %mul3A_1423 = arith.constant 16 : i32
      %mul3A_1424 = arith.muli %scan3A_95, %mul3A_1423 : i32
      %add3A_1425 = arith.constant 8 : i32
      %add3A_1426 = arith.addi %mul3A_1424, %add3A_1425 : i32
      %get3A_1427 = arith.index_cast %add3A_1426 : i32 to index
      %get3A_1428 = arith.constant 0 : index
      %get3A_1429 = tpu.vector_load %arg11[%get3A_1427, %get3A_1428] {strides = array<i32>} : memref<512x32xf32, #tpu.memory_space<vmem>>, vector<1x16xf32>,
      %get3A_1430 = vector.shape_cast %get3A_1429 : vector<1x16xf32> to vector<16xf32>
      %get3A_1431 = arith.index_cast %add3A_1426 : i32 to index
      %get3A_1432 = arith.constant 16 : index
      %get3A_1433 = tpu.vector_load %arg11[%get3A_1431, %get3A_1432] {strides = array<i32>} : memref<512x32xf32, #tpu.memory_space<vmem>>, vector<1x16xf32>,
      %get3A_1434 = vector.shape_cast %get3A_1433 : vector<1x16xf32> to vector<16xf32>
      %get3A_1435 = arith.index_cast %add3A_1426 : i32 to index
      %get3A_1436 = arith.constant 0 : index
      %get3A_1437 = tpu.vector_load %arg12[%get3A_1435, %get3A_1436] {strides = array<i32>} : memref<512x32xf32, #tpu.memory_space<vmem>>, vector<1x16xf32>,
      %get3A_1438 = vector.shape_cast %get3A_1437 : vector<1x16xf32> to vector<16xf32>
      %get3A_1439 = arith.index_cast %add3A_1426 : i32 to index
      %get3A_1440 = arith.constant 16 : index
      %get3A_1441 = tpu.vector_load %arg12[%get3A_1439, %get3A_1440] {strides = array<i32>} : memref<512x32xf32, #tpu.memory_space<vmem>>, vector<1x16xf32>,
      %get3A_1442 = vector.shape_cast %get3A_1441 : vector<1x16xf32> to vector<16xf32>
      %get3A_1443 = arith.index_cast %add3A_1426 : i32 to index
      %get3A_1444 = arith.constant 0 : index
      %get3A_1445 = tpu.vector_load %arg13[%get3A_1443, %get3A_1444] {strides = array<i32>} : memref<512x32xf32, #tpu.memory_space<vmem>>, vector<1x16xf32>,
      %get3A_1446 = vector.shape_cast %get3A_1445 : vector<1x16xf32> to vector<16xf32>
      %get3A_1447 = arith.index_cast %add3A_1426 : i32 to index
      %get3A_1448 = arith.constant 16 : index
      %get3A_1449 = tpu.vector_load %arg13[%get3A_1447, %get3A_1448] {strides = array<i32>} : memref<512x32xf32, #tpu.memory_space<vmem>>, vector<1x16xf32>,
      %get3A_1450 = vector.shape_cast %get3A_1449 : vector<1x16xf32> to vector<16xf32>
      %mul3A_1451 = arith.mulf %get3A_1430, %get3A_1430 : vector<16xf32>
      %add3A_1452 = arith.constant 0.000000e+00 : f32
      %add3A_1453 = vector.broadcast %add3A_1452 : f32 to vector<16xf32>
      %add3A_1454 = arith.addf %add3A_1453, %mul3A_1451 : vector<16xf32>
      %mul3A_1455 = arith.mulf %get3A_1434, %get3A_1434 : vector<16xf32>
      %add3A_1456 = arith.addf %add3A_1454, %mul3A_1455 : vector<16xf32>
      %broadcast_in_dim3A_1457 = vector.shape_cast %and3A_70 : vector<16xi32> to vector<16x1xi32>
      %gather3A_1458 = vector.shape_cast %broadcast_in_dim3A_1457 : vector<16x1xi32> to vector<16xi32>
      %gather3A_1459 = tpu.dynamic_gather %add3A_1456[%gather3A_1458] in [0] : vector<16xf32>, vector<16xi32> -> vector<16xf32>
      %add3A_1460 = arith.addf %add3A_1456, %gather3A_1459 : vector<16xf32>
      %broadcast_in_dim3A_1461 = vector.shape_cast %and3A_76 : vector<16xi32> to vector<16x1xi32>
      %gather3A_1462 = vector.shape_cast %broadcast_in_dim3A_1461 : vector<16x1xi32> to vector<16xi32>
      %gather3A_1463 = tpu.dynamic_gather %add3A_1460[%gather3A_1462] in [0] : vector<16xf32>, vector<16xi32> -> vector<16xf32>
      %add3A_1464 = arith.addf %add3A_1460, %gather3A_1463 : vector<16xf32>
      %broadcast_in_dim3A_1465 = vector.shape_cast %and3A_82 : vector<16xi32> to vector<16x1xi32>
      %gather3A_1466 = vector.shape_cast %broadcast_in_dim3A_1465 : vector<16x1xi32> to vector<16xi32>
      %gather3A_1467 = tpu.dynamic_gather %add3A_1464[%gather3A_1466] in [0] : vector<16xf32>, vector<16xi32> -> vector<16xf32>
      %add3A_1468 = arith.addf %add3A_1464, %gather3A_1467 : vector<16xf32>
      %broadcast_in_dim3A_1469 = vector.shape_cast %and3A_88 : vector<16xi32> to vector<16x1xi32>
      %gather3A_1470 = vector.shape_cast %broadcast_in_dim3A_1469 : vector<16x1xi32> to vector<16xi32>
      %gather3A_1471 = tpu.dynamic_gather %add3A_1468[%gather3A_1470] in [0] : vector<16xf32>, vector<16xi32> -> vector<16xf32>
      %add3A_1472 = arith.addf %add3A_1468, %gather3A_1471 : vector<16xf32>
      %mul3A_1473 = arith.mulf %get3A_1446, %get3A_1446 : vector<16xf32>
      %add3A_1474 = arith.constant 0.000000e+00 : f32
      %add3A_1475 = vector.broadcast %add3A_1474 : f32 to vector<16xf32>
      %add3A_1476 = arith.addf %add3A_1475, %mul3A_1473 : vector<16xf32>
      %mul3A_1477 = arith.mulf %get3A_1450, %get3A_1450 : vector<16xf32>
      %add3A_1478 = arith.addf %add3A_1476, %mul3A_1477 : vector<16xf32>
      %broadcast_in_dim3A_1479 = vector.shape_cast %and3A_70 : vector<16xi32> to vector<16x1xi32>
      %gather3A_1480 = vector.shape_cast %broadcast_in_dim3A_1479 : vector<16x1xi32> to vector<16xi32>
      %gather3A_1481 = tpu.dynamic_gather %add3A_1478[%gather3A_1480] in [0] : vector<16xf32>, vector<16xi32> -> vector<16xf32>
      %add3A_1482 = arith.addf %add3A_1478, %gather3A_1481 : vector<16xf32>
      %broadcast_in_dim3A_1483 = vector.shape_cast %and3A_76 : vector<16xi32> to vector<16x1xi32>
      %gather3A_1484 = vector.shape_cast %broadcast_in_dim3A_1483 : vector<16x1xi32> to vector<16xi32>
      %gather3A_1485 = tpu.dynamic_gather %add3A_1482[%gather3A_1484] in [0] : vector<16xf32>, vector<16xi32> -> vector<16xf32>
      %add3A_1486 = arith.addf %add3A_1482, %gather3A_1485 : vector<16xf32>
      %broadcast_in_dim3A_1487 = vector.shape_cast %and3A_82 : vector<16xi32> to vector<16x1xi32>
      %gather3A_1488 = vector.shape_cast %broadcast_in_dim3A_1487 : vector<16x1xi32> to vector<16xi32>
      %gather3A_1489 = tpu.dynamic_gather %add3A_1486[%gather3A_1488] in [0] : vector<16xf32>, vector<16xi32> -> vector<16xf32>
      %add3A_1490 = arith.addf %add3A_1486, %gather3A_1489 : vector<16xf32>
      %broadcast_in_dim3A_1491 = vector.shape_cast %and3A_88 : vector<16xi32> to vector<16x1xi32>
      %gather3A_1492 = vector.shape_cast %broadcast_in_dim3A_1491 : vector<16x1xi32> to vector<16xi32>
      %gather3A_1493 = tpu.dynamic_gather %add3A_1490[%gather3A_1492] in [0] : vector<16xf32>, vector<16xi32> -> vector<16xf32>
      %add3A_1494 = arith.addf %add3A_1490, %gather3A_1493 : vector<16xf32>
      %mul3A_1495 = arith.mulf %get3A_1438, %get3A_1438 : vector<16xf32>
      %add3A_1496 = arith.constant 0.000000e+00 : f32
      %add3A_1497 = vector.broadcast %add3A_1496 : f32 to vector<16xf32>
      %add3A_1498 = arith.addf %add3A_1497, %mul3A_1495 : vector<16xf32>
      %mul3A_1499 = arith.mulf %get3A_1442, %get3A_1442 : vector<16xf32>
      %add3A_1500 = arith.addf %add3A_1498, %mul3A_1499 : vector<16xf32>
      %broadcast_in_dim3A_1501 = vector.shape_cast %and3A_70 : vector<16xi32> to vector<16x1xi32>
      %gather3A_1502 = vector.shape_cast %broadcast_in_dim3A_1501 : vector<16x1xi32> to vector<16xi32>
      %gather3A_1503 = tpu.dynamic_gather %add3A_1500[%gather3A_1502] in [0] : vector<16xf32>, vector<16xi32> -> vector<16xf32>
      %add3A_1504 = arith.addf %add3A_1500, %gather3A_1503 : vector<16xf32>
      %broadcast_in_dim3A_1505 = vector.shape_cast %and3A_76 : vector<16xi32> to vector<16x1xi32>
      %gather3A_1506 = vector.shape_cast %broadcast_in_dim3A_1505 : vector<16x1xi32> to vector<16xi32>
      %gather3A_1507 = tpu.dynamic_gather %add3A_1504[%gather3A_1506] in [0] : vector<16xf32>, vector<16xi32> -> vector<16xf32>
      %add3A_1508 = arith.addf %add3A_1504, %gather3A_1507 : vector<16xf32>
      %broadcast_in_dim3A_1509 = vector.shape_cast %and3A_82 : vector<16xi32> to vector<16x1xi32>
      %gather3A_1510 = vector.shape_cast %broadcast_in_dim3A_1509 : vector<16x1xi32> to vector<16xi32>
      %gather3A_1511 = tpu.dynamic_gather %add3A_1508[%gather3A_1510] in [0] : vector<16xf32>, vector<16xi32> -> vector<16xf32>
      %add3A_1512 = arith.addf %add3A_1508, %gather3A_1511 : vector<16xf32>
      %broadcast_in_dim3A_1513 = vector.shape_cast %and3A_88 : vector<16xi32> to vector<16x1xi32>
      %gather3A_1514 = vector.shape_cast %broadcast_in_dim3A_1513 : vector<16x1xi32> to vector<16xi32>
      %gather3A_1515 = tpu.dynamic_gather %add3A_1512[%gather3A_1514] in [0] : vector<16xf32>, vector<16xi32> -> vector<16xf32>
      %add3A_1516 = arith.addf %add3A_1512, %gather3A_1515 : vector<16xf32>
      %mul3A_1517 = arith.mulf %get3A_1430, %get3A_1438 : vector<16xf32>
      %add3A_1518 = arith.constant 0.000000e+00 : f32
      %add3A_1519 = vector.broadcast %add3A_1518 : f32 to vector<16xf32>
      %add3A_1520 = arith.addf %add3A_1519, %mul3A_1517 : vector<16xf32>
      %mul3A_1521 = arith.mulf %get3A_1434, %get3A_1442 : vector<16xf32>
      %add3A_1522 = arith.addf %add3A_1520, %mul3A_1521 : vector<16xf32>
      %broadcast_in_dim3A_1523 = vector.shape_cast %and3A_70 : vector<16xi32> to vector<16x1xi32>
      %gather3A_1524 = vector.shape_cast %broadcast_in_dim3A_1523 : vector<16x1xi32> to vector<16xi32>
      %gather3A_1525 = tpu.dynamic_gather %add3A_1522[%gather3A_1524] in [0] : vector<16xf32>, vector<16xi32> -> vector<16xf32>
      %add3A_1526 = arith.addf %add3A_1522, %gather3A_1525 : vector<16xf32>
      %broadcast_in_dim3A_1527 = vector.shape_cast %and3A_76 : vector<16xi32> to vector<16x1xi32>
      %gather3A_1528 = vector.shape_cast %broadcast_in_dim3A_1527 : vector<16x1xi32> to vector<16xi32>
      %gather3A_1529 = tpu.dynamic_gather %add3A_1526[%gather3A_1528] in [0] : vector<16xf32>, vector<16xi32> -> vector<16xf32>
      %add3A_1530 = arith.addf %add3A_1526, %gather3A_1529 : vector<16xf32>
      %broadcast_in_dim3A_1531 = vector.shape_cast %and3A_82 : vector<16xi32> to vector<16x1xi32>
      %gather3A_1532 = vector.shape_cast %broadcast_in_dim3A_1531 : vector<16x1xi32> to vector<16xi32>
      %gather3A_1533 = tpu.dynamic_gather %add3A_1530[%gather3A_1532] in [0] : vector<16xf32>, vector<16xi32> -> vector<16xf32>
      %add3A_1534 = arith.addf %add3A_1530, %gather3A_1533 : vector<16xf32>
      %broadcast_in_dim3A_1535 = vector.shape_cast %and3A_88 : vector<16xi32> to vector<16x1xi32>
      %gather3A_1536 = vector.shape_cast %broadcast_in_dim3A_1535 : vector<16x1xi32> to vector<16xi32>
      %gather3A_1537 = tpu.dynamic_gather %add3A_1534[%gather3A_1536] in [0] : vector<16xf32>, vector<16xi32> -> vector<16xf32>
      %add3A_1538 = arith.addf %add3A_1534, %gather3A_1537 : vector<16xf32>
      %mul3A_1539 = arith.mulf %get3A_1430, %get3A_1446 : vector<16xf32>
      %add3A_1540 = arith.constant 0.000000e+00 : f32
      %add3A_1541 = vector.broadcast %add3A_1540 : f32 to vector<16xf32>
      %add3A_1542 = arith.addf %add3A_1541, %mul3A_1539 : vector<16xf32>
      %mul3A_1543 = arith.mulf %get3A_1434, %get3A_1450 : vector<16xf32>
      %add3A_1544 = arith.addf %add3A_1542, %mul3A_1543 : vector<16xf32>
      %broadcast_in_dim3A_1545 = vector.shape_cast %and3A_70 : vector<16xi32> to vector<16x1xi32>
      %gather3A_1546 = vector.shape_cast %broadcast_in_dim3A_1545 : vector<16x1xi32> to vector<16xi32>
      %gather3A_1547 = tpu.dynamic_gather %add3A_1544[%gather3A_1546] in [0] : vector<16xf32>, vector<16xi32> -> vector<16xf32>
      %add3A_1548 = arith.addf %add3A_1544, %gather3A_1547 : vector<16xf32>
      %broadcast_in_dim3A_1549 = vector.shape_cast %and3A_76 : vector<16xi32> to vector<16x1xi32>
      %gather3A_1550 = vector.shape_cast %broadcast_in_dim3A_1549 : vector<16x1xi32> to vector<16xi32>
      %gather3A_1551 = tpu.dynamic_gather %add3A_1548[%gather3A_1550] in [0] : vector<16xf32>, vector<16xi32> -> vector<16xf32>
      %add3A_1552 = arith.addf %add3A_1548, %gather3A_1551 : vector<16xf32>
      %broadcast_in_dim3A_1553 = vector.shape_cast %and3A_82 : vector<16xi32> to vector<16x1xi32>
      %gather3A_1554 = vector.shape_cast %broadcast_in_dim3A_1553 : vector<16x1xi32> to vector<16xi32>
      %gather3A_1555 = tpu.dynamic_gather %add3A_1552[%gather3A_1554] in [0] : vector<16xf32>, vector<16xi32> -> vector<16xf32>
      %add3A_1556 = arith.addf %add3A_1552, %gather3A_1555 : vector<16xf32>
      %broadcast_in_dim3A_1557 = vector.shape_cast %and3A_88 : vector<16xi32> to vector<16x1xi32>
      %gather3A_1558 = vector.shape_cast %broadcast_in_dim3A_1557 : vector<16x1xi32> to vector<16xi32>
      %gather3A_1559 = tpu.dynamic_gather %add3A_1556[%gather3A_1558] in [0] : vector<16xf32>, vector<16xi32> -> vector<16xf32>
      %add3A_1560 = arith.addf %add3A_1556, %gather3A_1559 : vector<16xf32>
      %mul3A_1561 = arith.mulf %get3A_1438, %get3A_1446 : vector<16xf32>
      %add3A_1562 = arith.constant 0.000000e+00 : f32
      %add3A_1563 = vector.broadcast %add3A_1562 : f32 to vector<16xf32>
      %add3A_1564 = arith.addf %add3A_1563, %mul3A_1561 : vector<16xf32>
      %mul3A_1565 = arith.mulf %get3A_1442, %get3A_1450 : vector<16xf32>
      %add3A_1566 = arith.addf %add3A_1564, %mul3A_1565 : vector<16xf32>
      %broadcast_in_dim3A_1567 = vector.shape_cast %and3A_70 : vector<16xi32> to vector<16x1xi32>
      %gather3A_1568 = vector.shape_cast %broadcast_in_dim3A_1567 : vector<16x1xi32> to vector<16xi32>
      %gather3A_1569 = tpu.dynamic_gather %add3A_1566[%gather3A_1568] in [0] : vector<16xf32>, vector<16xi32> -> vector<16xf32>
      %add3A_1570 = arith.addf %add3A_1566, %gather3A_1569 : vector<16xf32>
      %broadcast_in_dim3A_1571 = vector.shape_cast %and3A_76 : vector<16xi32> to vector<16x1xi32>
      %gather3A_1572 = vector.shape_cast %broadcast_in_dim3A_1571 : vector<16x1xi32> to vector<16xi32>
      %gather3A_1573 = tpu.dynamic_gather %add3A_1570[%gather3A_1572] in [0] : vector<16xf32>, vector<16xi32> -> vector<16xf32>
      %add3A_1574 = arith.addf %add3A_1570, %gather3A_1573 : vector<16xf32>
      %broadcast_in_dim3A_1575 = vector.shape_cast %and3A_82 : vector<16xi32> to vector<16x1xi32>
      %gather3A_1576 = vector.shape_cast %broadcast_in_dim3A_1575 : vector<16x1xi32> to vector<16xi32>
      %gather3A_1577 = tpu.dynamic_gather %add3A_1574[%gather3A_1576] in [0] : vector<16xf32>, vector<16xi32> -> vector<16xf32>
      %add3A_1578 = arith.addf %add3A_1574, %gather3A_1577 : vector<16xf32>
      %broadcast_in_dim3A_1579 = vector.shape_cast %and3A_88 : vector<16xi32> to vector<16x1xi32>
      %gather3A_1580 = vector.shape_cast %broadcast_in_dim3A_1579 : vector<16x1xi32> to vector<16xi32>
      %gather3A_1581 = tpu.dynamic_gather %add3A_1578[%gather3A_1580] in [0] : vector<16xf32>, vector<16xi32> -> vector<16xf32>
      %add3A_1582 = arith.addf %add3A_1578, %gather3A_1581 : vector<16xf32>
      %select_n3A_1583 = arith.select %eq3A_44, %add3A_1472, %select_n3A_1417 : vector<16xi1>, vector<16xf32>
      %select_n3A_1584 = arith.select %eq3A_44, %add3A_1494, %select_n3A_1418 : vector<16xi1>, vector<16xf32>
      %select_n3A_1585 = arith.select %eq3A_44, %add3A_1516, %select_n3A_1419 : vector<16xi1>, vector<16xf32>
      %select_n3A_1586 = arith.select %eq3A_44, %add3A_1538, %select_n3A_1420 : vector<16xi1>, vector<16xf32>
      %select_n3A_1587 = arith.select %eq3A_44, %add3A_1560, %select_n3A_1421 : vector<16xi1>, vector<16xf32>
      %select_n3A_1588 = arith.select %eq3A_44, %add3A_1582, %select_n3A_1422 : vector<16xi1>, vector<16xf32>
      %mul3A_1589 = arith.constant 16 : i32
      %mul3A_1590 = arith.muli %scan3A_95, %mul3A_1589 : i32
      %add3A_1591 = arith.constant 9 : i32
      %add3A_1592 = arith.addi %mul3A_1590, %add3A_1591 : i32
      %get3A_1593 = arith.index_cast %add3A_1592 : i32 to index
      %get3A_1594 = arith.constant 0 : index
      %get3A_1595 = tpu.vector_load %arg11[%get3A_1593, %get3A_1594] {strides = array<i32>} : memref<512x32xf32, #tpu.memory_space<vmem>>, vector<1x16xf32>,
      %get3A_1596 = vector.shape_cast %get3A_1595 : vector<1x16xf32> to vector<16xf32>
      %get3A_1597 = arith.index_cast %add3A_1592 : i32 to index
      %get3A_1598 = arith.constant 16 : index
      %get3A_1599 = tpu.vector_load %arg11[%get3A_1597, %get3A_1598] {strides = array<i32>} : memref<512x32xf32, #tpu.memory_space<vmem>>, vector<1x16xf32>,
      %get3A_1600 = vector.shape_cast %get3A_1599 : vector<1x16xf32> to vector<16xf32>
      %get3A_1601 = arith.index_cast %add3A_1592 : i32 to index
      %get3A_1602 = arith.constant 0 : index
      %get3A_1603 = tpu.vector_load %arg12[%get3A_1601, %get3A_1602] {strides = array<i32>} : memref<512x32xf32, #tpu.memory_space<vmem>>, vector<1x16xf32>,
      %get3A_1604 = vector.shape_cast %get3A_1603 : vector<1x16xf32> to vector<16xf32>
      %get3A_1605 = arith.index_cast %add3A_1592 : i32 to index
      %get3A_1606 = arith.constant 16 : index
      %get3A_1607 = tpu.vector_load %arg12[%get3A_1605, %get3A_1606] {strides = array<i32>} : memref<512x32xf32, #tpu.memory_space<vmem>>, vector<1x16xf32>,
      %get3A_1608 = vector.shape_cast %get3A_1607 : vector<1x16xf32> to vector<16xf32>
      %get3A_1609 = arith.index_cast %add3A_1592 : i32 to index
      %get3A_1610 = arith.constant 0 : index
      %get3A_1611 = tpu.vector_load %arg13[%get3A_1609, %get3A_1610] {strides = array<i32>} : memref<512x32xf32, #tpu.memory_space<vmem>>, vector<1x16xf32>,
      %get3A_1612 = vector.shape_cast %get3A_1611 : vector<1x16xf32> to vector<16xf32>
      %get3A_1613 = arith.index_cast %add3A_1592 : i32 to index
      %get3A_1614 = arith.constant 16 : index
      %get3A_1615 = tpu.vector_load %arg13[%get3A_1613, %get3A_1614] {strides = array<i32>} : memref<512x32xf32, #tpu.memory_space<vmem>>, vector<1x16xf32>,
      %get3A_1616 = vector.shape_cast %get3A_1615 : vector<1x16xf32> to vector<16xf32>
      %mul3A_1617 = arith.mulf %get3A_1596, %get3A_1596 : vector<16xf32>
      %add3A_1618 = arith.constant 0.000000e+00 : f32
      %add3A_1619 = vector.broadcast %add3A_1618 : f32 to vector<16xf32>
      %add3A_1620 = arith.addf %add3A_1619, %mul3A_1617 : vector<16xf32>
      %mul3A_1621 = arith.mulf %get3A_1600, %get3A_1600 : vector<16xf32>
      %add3A_1622 = arith.addf %add3A_1620, %mul3A_1621 : vector<16xf32>
      %broadcast_in_dim3A_1623 = vector.shape_cast %and3A_70 : vector<16xi32> to vector<16x1xi32>
      %gather3A_1624 = vector.shape_cast %broadcast_in_dim3A_1623 : vector<16x1xi32> to vector<16xi32>
      %gather3A_1625 = tpu.dynamic_gather %add3A_1622[%gather3A_1624] in [0] : vector<16xf32>, vector<16xi32> -> vector<16xf32>
      %add3A_1626 = arith.addf %add3A_1622, %gather3A_1625 : vector<16xf32>
      %broadcast_in_dim3A_1627 = vector.shape_cast %and3A_76 : vector<16xi32> to vector<16x1xi32>
      %gather3A_1628 = vector.shape_cast %broadcast_in_dim3A_1627 : vector<16x1xi32> to vector<16xi32>
      %gather3A_1629 = tpu.dynamic_gather %add3A_1626[%gather3A_1628] in [0] : vector<16xf32>, vector<16xi32> -> vector<16xf32>
      %add3A_1630 = arith.addf %add3A_1626, %gather3A_1629 : vector<16xf32>
      %broadcast_in_dim3A_1631 = vector.shape_cast %and3A_82 : vector<16xi32> to vector<16x1xi32>
      %gather3A_1632 = vector.shape_cast %broadcast_in_dim3A_1631 : vector<16x1xi32> to vector<16xi32>
      %gather3A_1633 = tpu.dynamic_gather %add3A_1630[%gather3A_1632] in [0] : vector<16xf32>, vector<16xi32> -> vector<16xf32>
      %add3A_1634 = arith.addf %add3A_1630, %gather3A_1633 : vector<16xf32>
      %broadcast_in_dim3A_1635 = vector.shape_cast %and3A_88 : vector<16xi32> to vector<16x1xi32>
      %gather3A_1636 = vector.shape_cast %broadcast_in_dim3A_1635 : vector<16x1xi32> to vector<16xi32>
      %gather3A_1637 = tpu.dynamic_gather %add3A_1634[%gather3A_1636] in [0] : vector<16xf32>, vector<16xi32> -> vector<16xf32>
      %add3A_1638 = arith.addf %add3A_1634, %gather3A_1637 : vector<16xf32>
      %mul3A_1639 = arith.mulf %get3A_1612, %get3A_1612 : vector<16xf32>
      %add3A_1640 = arith.constant 0.000000e+00 : f32
      %add3A_1641 = vector.broadcast %add3A_1640 : f32 to vector<16xf32>
      %add3A_1642 = arith.addf %add3A_1641, %mul3A_1639 : vector<16xf32>
      %mul3A_1643 = arith.mulf %get3A_1616, %get3A_1616 : vector<16xf32>
      %add3A_1644 = arith.addf %add3A_1642, %mul3A_1643 : vector<16xf32>
      %broadcast_in_dim3A_1645 = vector.shape_cast %and3A_70 : vector<16xi32> to vector<16x1xi32>
      %gather3A_1646 = vector.shape_cast %broadcast_in_dim3A_1645 : vector<16x1xi32> to vector<16xi32>
      %gather3A_1647 = tpu.dynamic_gather %add3A_1644[%gather3A_1646] in [0] : vector<16xf32>, vector<16xi32> -> vector<16xf32>
      %add3A_1648 = arith.addf %add3A_1644, %gather3A_1647 : vector<16xf32>
      %broadcast_in_dim3A_1649 = vector.shape_cast %and3A_76 : vector<16xi32> to vector<16x1xi32>
      %gather3A_1650 = vector.shape_cast %broadcast_in_dim3A_1649 : vector<16x1xi32> to vector<16xi32>
      %gather3A_1651 = tpu.dynamic_gather %add3A_1648[%gather3A_1650] in [0] : vector<16xf32>, vector<16xi32> -> vector<16xf32>
      %add3A_1652 = arith.addf %add3A_1648, %gather3A_1651 : vector<16xf32>
      %broadcast_in_dim3A_1653 = vector.shape_cast %and3A_82 : vector<16xi32> to vector<16x1xi32>
      %gather3A_1654 = vector.shape_cast %broadcast_in_dim3A_1653 : vector<16x1xi32> to vector<16xi32>
      %gather3A_1655 = tpu.dynamic_gather %add3A_1652[%gather3A_1654] in [0] : vector<16xf32>, vector<16xi32> -> vector<16xf32>
      %add3A_1656 = arith.addf %add3A_1652, %gather3A_1655 : vector<16xf32>
      %broadcast_in_dim3A_1657 = vector.shape_cast %and3A_88 : vector<16xi32> to vector<16x1xi32>
      %gather3A_1658 = vector.shape_cast %broadcast_in_dim3A_1657 : vector<16x1xi32> to vector<16xi32>
      %gather3A_1659 = tpu.dynamic_gather %add3A_1656[%gather3A_1658] in [0] : vector<16xf32>, vector<16xi32> -> vector<16xf32>
      %add3A_1660 = arith.addf %add3A_1656, %gather3A_1659 : vector<16xf32>
      %mul3A_1661 = arith.mulf %get3A_1604, %get3A_1604 : vector<16xf32>
      %add3A_1662 = arith.constant 0.000000e+00 : f32
      %add3A_1663 = vector.broadcast %add3A_1662 : f32 to vector<16xf32>
      %add3A_1664 = arith.addf %add3A_1663, %mul3A_1661 : vector<16xf32>
      %mul3A_1665 = arith.mulf %get3A_1608, %get3A_1608 : vector<16xf32>
      %add3A_1666 = arith.addf %add3A_1664, %mul3A_1665 : vector<16xf32>
      %broadcast_in_dim3A_1667 = vector.shape_cast %and3A_70 : vector<16xi32> to vector<16x1xi32>
      %gather3A_1668 = vector.shape_cast %broadcast_in_dim3A_1667 : vector<16x1xi32> to vector<16xi32>
      %gather3A_1669 = tpu.dynamic_gather %add3A_1666[%gather3A_1668] in [0] : vector<16xf32>, vector<16xi32> -> vector<16xf32>
      %add3A_1670 = arith.addf %add3A_1666, %gather3A_1669 : vector<16xf32>
      %broadcast_in_dim3A_1671 = vector.shape_cast %and3A_76 : vector<16xi32> to vector<16x1xi32>
      %gather3A_1672 = vector.shape_cast %broadcast_in_dim3A_1671 : vector<16x1xi32> to vector<16xi32>
      %gather3A_1673 = tpu.dynamic_gather %add3A_1670[%gather3A_1672] in [0] : vector<16xf32>, vector<16xi32> -> vector<16xf32>
      %add3A_1674 = arith.addf %add3A_1670, %gather3A_1673 : vector<16xf32>
      %broadcast_in_dim3A_1675 = vector.shape_cast %and3A_82 : vector<16xi32> to vector<16x1xi32>
      %gather3A_1676 = vector.shape_cast %broadcast_in_dim3A_1675 : vector<16x1xi32> to vector<16xi32>
      %gather3A_1677 = tpu.dynamic_gather %add3A_1674[%gather3A_1676] in [0] : vector<16xf32>, vector<16xi32> -> vector<16xf32>
      %add3A_1678 = arith.addf %add3A_1674, %gather3A_1677 : vector<16xf32>
      %broadcast_in_dim3A_1679 = vector.shape_cast %and3A_88 : vector<16xi32> to vector<16x1xi32>
      %gather3A_1680 = vector.shape_cast %broadcast_in_dim3A_1679 : vector<16x1xi32> to vector<16xi32>
      %gather3A_1681 = tpu.dynamic_gather %add3A_1678[%gather3A_1680] in [0] : vector<16xf32>, vector<16xi32> -> vector<16xf32>
      %add3A_1682 = arith.addf %add3A_1678, %gather3A_1681 : vector<16xf32>
      %mul3A_1683 = arith.mulf %get3A_1596, %get3A_1604 : vector<16xf32>
      %add3A_1684 = arith.constant 0.000000e+00 : f32
      %add3A_1685 = vector.broadcast %add3A_1684 : f32 to vector<16xf32>
      %add3A_1686 = arith.addf %add3A_1685, %mul3A_1683 : vector<16xf32>
      %mul3A_1687 = arith.mulf %get3A_1600, %get3A_1608 : vector<16xf32>
      %add3A_1688 = arith.addf %add3A_1686, %mul3A_1687 : vector<16xf32>
      %broadcast_in_dim3A_1689 = vector.shape_cast %and3A_70 : vector<16xi32> to vector<16x1xi32>
      %gather3A_1690 = vector.shape_cast %broadcast_in_dim3A_1689 : vector<16x1xi32> to vector<16xi32>
      %gather3A_1691 = tpu.dynamic_gather %add3A_1688[%gather3A_1690] in [0] : vector<16xf32>, vector<16xi32> -> vector<16xf32>
      %add3A_1692 = arith.addf %add3A_1688, %gather3A_1691 : vector<16xf32>
      %broadcast_in_dim3A_1693 = vector.shape_cast %and3A_76 : vector<16xi32> to vector<16x1xi32>
      %gather3A_1694 = vector.shape_cast %broadcast_in_dim3A_1693 : vector<16x1xi32> to vector<16xi32>
      %gather3A_1695 = tpu.dynamic_gather %add3A_1692[%gather3A_1694] in [0] : vector<16xf32>, vector<16xi32> -> vector<16xf32>
      %add3A_1696 = arith.addf %add3A_1692, %gather3A_1695 : vector<16xf32>
      %broadcast_in_dim3A_1697 = vector.shape_cast %and3A_82 : vector<16xi32> to vector<16x1xi32>
      %gather3A_1698 = vector.shape_cast %broadcast_in_dim3A_1697 : vector<16x1xi32> to vector<16xi32>
      %gather3A_1699 = tpu.dynamic_gather %add3A_1696[%gather3A_1698] in [0] : vector<16xf32>, vector<16xi32> -> vector<16xf32>
      %add3A_1700 = arith.addf %add3A_1696, %gather3A_1699 : vector<16xf32>
      %broadcast_in_dim3A_1701 = vector.shape_cast %and3A_88 : vector<16xi32> to vector<16x1xi32>
      %gather3A_1702 = vector.shape_cast %broadcast_in_dim3A_1701 : vector<16x1xi32> to vector<16xi32>
      %gather3A_1703 = tpu.dynamic_gather %add3A_1700[%gather3A_1702] in [0] : vector<16xf32>, vector<16xi32> -> vector<16xf32>
      %add3A_1704 = arith.addf %add3A_1700, %gather3A_1703 : vector<16xf32>
      %mul3A_1705 = arith.mulf %get3A_1596, %get3A_1612 : vector<16xf32>
      %add3A_1706 = arith.constant 0.000000e+00 : f32
      %add3A_1707 = vector.broadcast %add3A_1706 : f32 to vector<16xf32>
      %add3A_1708 = arith.addf %add3A_1707, %mul3A_1705 : vector<16xf32>
      %mul3A_1709 = arith.mulf %get3A_1600, %get3A_1616 : vector<16xf32>
      %add3A_1710 = arith.addf %add3A_1708, %mul3A_1709 : vector<16xf32>
      %broadcast_in_dim3A_1711 = vector.shape_cast %and3A_70 : vector<16xi32> to vector<16x1xi32>
      %gather3A_1712 = vector.shape_cast %broadcast_in_dim3A_1711 : vector<16x1xi32> to vector<16xi32>
      %gather3A_1713 = tpu.dynamic_gather %add3A_1710[%gather3A_1712] in [0] : vector<16xf32>, vector<16xi32> -> vector<16xf32>
      %add3A_1714 = arith.addf %add3A_1710, %gather3A_1713 : vector<16xf32>
      %broadcast_in_dim3A_1715 = vector.shape_cast %and3A_76 : vector<16xi32> to vector<16x1xi32>
      %gather3A_1716 = vector.shape_cast %broadcast_in_dim3A_1715 : vector<16x1xi32> to vector<16xi32>
      %gather3A_1717 = tpu.dynamic_gather %add3A_1714[%gather3A_1716] in [0] : vector<16xf32>, vector<16xi32> -> vector<16xf32>
      %add3A_1718 = arith.addf %add3A_1714, %gather3A_1717 : vector<16xf32>
      %broadcast_in_dim3A_1719 = vector.shape_cast %and3A_82 : vector<16xi32> to vector<16x1xi32>
      %gather3A_1720 = vector.shape_cast %broadcast_in_dim3A_1719 : vector<16x1xi32> to vector<16xi32>
      %gather3A_1721 = tpu.dynamic_gather %add3A_1718[%gather3A_1720] in [0] : vector<16xf32>, vector<16xi32> -> vector<16xf32>
      %add3A_1722 = arith.addf %add3A_1718, %gather3A_1721 : vector<16xf32>
      %broadcast_in_dim3A_1723 = vector.shape_cast %and3A_88 : vector<16xi32> to vector<16x1xi32>
      %gather3A_1724 = vector.shape_cast %broadcast_in_dim3A_1723 : vector<16x1xi32> to vector<16xi32>
      %gather3A_1725 = tpu.dynamic_gather %add3A_1722[%gather3A_1724] in [0] : vector<16xf32>, vector<16xi32> -> vector<16xf32>
      %add3A_1726 = arith.addf %add3A_1722, %gather3A_1725 : vector<16xf32>
      %mul3A_1727 = arith.mulf %get3A_1604, %get3A_1612 : vector<16xf32>
      %add3A_1728 = arith.constant 0.000000e+00 : f32
      %add3A_1729 = vector.broadcast %add3A_1728 : f32 to vector<16xf32>
      %add3A_1730 = arith.addf %add3A_1729, %mul3A_1727 : vector<16xf32>
      %mul3A_1731 = arith.mulf %get3A_1608, %get3A_1616 : vector<16xf32>
      %add3A_1732 = arith.addf %add3A_1730, %mul3A_1731 : vector<16xf32>
      %broadcast_in_dim3A_1733 = vector.shape_cast %and3A_70 : vector<16xi32> to vector<16x1xi32>
      %gather3A_1734 = vector.shape_cast %broadcast_in_dim3A_1733 : vector<16x1xi32> to vector<16xi32>
      %gather3A_1735 = tpu.dynamic_gather %add3A_1732[%gather3A_1734] in [0] : vector<16xf32>, vector<16xi32> -> vector<16xf32>
      %add3A_1736 = arith.addf %add3A_1732, %gather3A_1735 : vector<16xf32>
      %broadcast_in_dim3A_1737 = vector.shape_cast %and3A_76 : vector<16xi32> to vector<16x1xi32>
      %gather3A_1738 = vector.shape_cast %broadcast_in_dim3A_1737 : vector<16x1xi32> to vector<16xi32>
      %gather3A_1739 = tpu.dynamic_gather %add3A_1736[%gather3A_1738] in [0] : vector<16xf32>, vector<16xi32> -> vector<16xf32>
      %add3A_1740 = arith.addf %add3A_1736, %gather3A_1739 : vector<16xf32>
      %broadcast_in_dim3A_1741 = vector.shape_cast %and3A_82 : vector<16xi32> to vector<16x1xi32>
      %gather3A_1742 = vector.shape_cast %broadcast_in_dim3A_1741 : vector<16x1xi32> to vector<16xi32>
      %gather3A_1743 = tpu.dynamic_gather %add3A_1740[%gather3A_1742] in [0] : vector<16xf32>, vector<16xi32> -> vector<16xf32>
      %add3A_1744 = arith.addf %add3A_1740, %gather3A_1743 : vector<16xf32>
      %broadcast_in_dim3A_1745 = vector.shape_cast %and3A_88 : vector<16xi32> to vector<16x1xi32>
      %gather3A_1746 = vector.shape_cast %broadcast_in_dim3A_1745 : vector<16x1xi32> to vector<16xi32>
      %gather3A_1747 = tpu.dynamic_gather %add3A_1744[%gather3A_1746] in [0] : vector<16xf32>, vector<16xi32> -> vector<16xf32>
      %add3A_1748 = arith.addf %add3A_1744, %gather3A_1747 : vector<16xf32>
      %select_n3A_1749 = arith.select %eq3A_47, %add3A_1638, %select_n3A_1583 : vector<16xi1>, vector<16xf32>
      %select_n3A_1750 = arith.select %eq3A_47, %add3A_1660, %select_n3A_1584 : vector<16xi1>, vector<16xf32>
      %select_n3A_1751 = arith.select %eq3A_47, %add3A_1682, %select_n3A_1585 : vector<16xi1>, vector<16xf32>
      %select_n3A_1752 = arith.select %eq3A_47, %add3A_1704, %select_n3A_1586 : vector<16xi1>, vector<16xf32>
      %select_n3A_1753 = arith.select %eq3A_47, %add3A_1726, %select_n3A_1587 : vector<16xi1>, vector<16xf32>
      %select_n3A_1754 = arith.select %eq3A_47, %add3A_1748, %select_n3A_1588 : vector<16xi1>, vector<16xf32>
      %mul3A_1755 = arith.constant 16 : i32
      %mul3A_1756 = arith.muli %scan3A_95, %mul3A_1755 : i32
      %add3A_1757 = arith.constant 10 : i32
      %add3A_1758 = arith.addi %mul3A_1756, %add3A_1757 : i32
      %get3A_1759 = arith.index_cast %add3A_1758 : i32 to index
      %get3A_1760 = arith.constant 0 : index
      %get3A_1761 = tpu.vector_load %arg11[%get3A_1759, %get3A_1760] {strides = array<i32>} : memref<512x32xf32, #tpu.memory_space<vmem>>, vector<1x16xf32>,
      %get3A_1762 = vector.shape_cast %get3A_1761 : vector<1x16xf32> to vector<16xf32>
      %get3A_1763 = arith.index_cast %add3A_1758 : i32 to index
      %get3A_1764 = arith.constant 16 : index
      %get3A_1765 = tpu.vector_load %arg11[%get3A_1763, %get3A_1764] {strides = array<i32>} : memref<512x32xf32, #tpu.memory_space<vmem>>, vector<1x16xf32>,
      %get3A_1766 = vector.shape_cast %get3A_1765 : vector<1x16xf32> to vector<16xf32>
      %get3A_1767 = arith.index_cast %add3A_1758 : i32 to index
      %get3A_1768 = arith.constant 0 : index
      %get3A_1769 = tpu.vector_load %arg12[%get3A_1767, %get3A_1768] {strides = array<i32>} : memref<512x32xf32, #tpu.memory_space<vmem>>, vector<1x16xf32>,
      %get3A_1770 = vector.shape_cast %get3A_1769 : vector<1x16xf32> to vector<16xf32>
      %get3A_1771 = arith.index_cast %add3A_1758 : i32 to index
      %get3A_1772 = arith.constant 16 : index
      %get3A_1773 = tpu.vector_load %arg12[%get3A_1771, %get3A_1772] {strides = array<i32>} : memref<512x32xf32, #tpu.memory_space<vmem>>, vector<1x16xf32>,
      %get3A_1774 = vector.shape_cast %get3A_1773 : vector<1x16xf32> to vector<16xf32>
      %get3A_1775 = arith.index_cast %add3A_1758 : i32 to index
      %get3A_1776 = arith.constant 0 : index
      %get3A_1777 = tpu.vector_load %arg13[%get3A_1775, %get3A_1776] {strides = array<i32>} : memref<512x32xf32, #tpu.memory_space<vmem>>, vector<1x16xf32>,
      %get3A_1778 = vector.shape_cast %get3A_1777 : vector<1x16xf32> to vector<16xf32>
      %get3A_1779 = arith.index_cast %add3A_1758 : i32 to index
      %get3A_1780 = arith.constant 16 : index
      %get3A_1781 = tpu.vector_load %arg13[%get3A_1779, %get3A_1780] {strides = array<i32>} : memref<512x32xf32, #tpu.memory_space<vmem>>, vector<1x16xf32>,
      %get3A_1782 = vector.shape_cast %get3A_1781 : vector<1x16xf32> to vector<16xf32>
      %mul3A_1783 = arith.mulf %get3A_1762, %get3A_1762 : vector<16xf32>
      %add3A_1784 = arith.constant 0.000000e+00 : f32
      %add3A_1785 = vector.broadcast %add3A_1784 : f32 to vector<16xf32>
      %add3A_1786 = arith.addf %add3A_1785, %mul3A_1783 : vector<16xf32>
      %mul3A_1787 = arith.mulf %get3A_1766, %get3A_1766 : vector<16xf32>
      %add3A_1788 = arith.addf %add3A_1786, %mul3A_1787 : vector<16xf32>
      %broadcast_in_dim3A_1789 = vector.shape_cast %and3A_70 : vector<16xi32> to vector<16x1xi32>
      %gather3A_1790 = vector.shape_cast %broadcast_in_dim3A_1789 : vector<16x1xi32> to vector<16xi32>
      %gather3A_1791 = tpu.dynamic_gather %add3A_1788[%gather3A_1790] in [0] : vector<16xf32>, vector<16xi32> -> vector<16xf32>
      %add3A_1792 = arith.addf %add3A_1788, %gather3A_1791 : vector<16xf32>
      %broadcast_in_dim3A_1793 = vector.shape_cast %and3A_76 : vector<16xi32> to vector<16x1xi32>
      %gather3A_1794 = vector.shape_cast %broadcast_in_dim3A_1793 : vector<16x1xi32> to vector<16xi32>
      %gather3A_1795 = tpu.dynamic_gather %add3A_1792[%gather3A_1794] in [0] : vector<16xf32>, vector<16xi32> -> vector<16xf32>
      %add3A_1796 = arith.addf %add3A_1792, %gather3A_1795 : vector<16xf32>
      %broadcast_in_dim3A_1797 = vector.shape_cast %and3A_82 : vector<16xi32> to vector<16x1xi32>
      %gather3A_1798 = vector.shape_cast %broadcast_in_dim3A_1797 : vector<16x1xi32> to vector<16xi32>
      %gather3A_1799 = tpu.dynamic_gather %add3A_1796[%gather3A_1798] in [0] : vector<16xf32>, vector<16xi32> -> vector<16xf32>
      %add3A_1800 = arith.addf %add3A_1796, %gather3A_1799 : vector<16xf32>
      %broadcast_in_dim3A_1801 = vector.shape_cast %and3A_88 : vector<16xi32> to vector<16x1xi32>
      %gather3A_1802 = vector.shape_cast %broadcast_in_dim3A_1801 : vector<16x1xi32> to vector<16xi32>
      %gather3A_1803 = tpu.dynamic_gather %add3A_1800[%gather3A_1802] in [0] : vector<16xf32>, vector<16xi32> -> vector<16xf32>
      %add3A_1804 = arith.addf %add3A_1800, %gather3A_1803 : vector<16xf32>
      %mul3A_1805 = arith.mulf %get3A_1778, %get3A_1778 : vector<16xf32>
      %add3A_1806 = arith.constant 0.000000e+00 : f32
      %add3A_1807 = vector.broadcast %add3A_1806 : f32 to vector<16xf32>
      %add3A_1808 = arith.addf %add3A_1807, %mul3A_1805 : vector<16xf32>
      %mul3A_1809 = arith.mulf %get3A_1782, %get3A_1782 : vector<16xf32>
      %add3A_1810 = arith.addf %add3A_1808, %mul3A_1809 : vector<16xf32>
      %broadcast_in_dim3A_1811 = vector.shape_cast %and3A_70 : vector<16xi32> to vector<16x1xi32>
      %gather3A_1812 = vector.shape_cast %broadcast_in_dim3A_1811 : vector<16x1xi32> to vector<16xi32>
      %gather3A_1813 = tpu.dynamic_gather %add3A_1810[%gather3A_1812] in [0] : vector<16xf32>, vector<16xi32> -> vector<16xf32>
      %add3A_1814 = arith.addf %add3A_1810, %gather3A_1813 : vector<16xf32>
      %broadcast_in_dim3A_1815 = vector.shape_cast %and3A_76 : vector<16xi32> to vector<16x1xi32>
      %gather3A_1816 = vector.shape_cast %broadcast_in_dim3A_1815 : vector<16x1xi32> to vector<16xi32>
      %gather3A_1817 = tpu.dynamic_gather %add3A_1814[%gather3A_1816] in [0] : vector<16xf32>, vector<16xi32> -> vector<16xf32>
      %add3A_1818 = arith.addf %add3A_1814, %gather3A_1817 : vector<16xf32>
      %broadcast_in_dim3A_1819 = vector.shape_cast %and3A_82 : vector<16xi32> to vector<16x1xi32>
      %gather3A_1820 = vector.shape_cast %broadcast_in_dim3A_1819 : vector<16x1xi32> to vector<16xi32>
      %gather3A_1821 = tpu.dynamic_gather %add3A_1818[%gather3A_1820] in [0] : vector<16xf32>, vector<16xi32> -> vector<16xf32>
      %add3A_1822 = arith.addf %add3A_1818, %gather3A_1821 : vector<16xf32>
      %broadcast_in_dim3A_1823 = vector.shape_cast %and3A_88 : vector<16xi32> to vector<16x1xi32>
      %gather3A_1824 = vector.shape_cast %broadcast_in_dim3A_1823 : vector<16x1xi32> to vector<16xi32>
      %gather3A_1825 = tpu.dynamic_gather %add3A_1822[%gather3A_1824] in [0] : vector<16xf32>, vector<16xi32> -> vector<16xf32>
      %add3A_1826 = arith.addf %add3A_1822, %gather3A_1825 : vector<16xf32>
      %mul3A_1827 = arith.mulf %get3A_1770, %get3A_1770 : vector<16xf32>
      %add3A_1828 = arith.constant 0.000000e+00 : f32
      %add3A_1829 = vector.broadcast %add3A_1828 : f32 to vector<16xf32>
      %add3A_1830 = arith.addf %add3A_1829, %mul3A_1827 : vector<16xf32>
      %mul3A_1831 = arith.mulf %get3A_1774, %get3A_1774 : vector<16xf32>
      %add3A_1832 = arith.addf %add3A_1830, %mul3A_1831 : vector<16xf32>
      %broadcast_in_dim3A_1833 = vector.shape_cast %and3A_70 : vector<16xi32> to vector<16x1xi32>
      %gather3A_1834 = vector.shape_cast %broadcast_in_dim3A_1833 : vector<16x1xi32> to vector<16xi32>
      %gather3A_1835 = tpu.dynamic_gather %add3A_1832[%gather3A_1834] in [0] : vector<16xf32>, vector<16xi32> -> vector<16xf32>
      %add3A_1836 = arith.addf %add3A_1832, %gather3A_1835 : vector<16xf32>
      %broadcast_in_dim3A_1837 = vector.shape_cast %and3A_76 : vector<16xi32> to vector<16x1xi32>
      %gather3A_1838 = vector.shape_cast %broadcast_in_dim3A_1837 : vector<16x1xi32> to vector<16xi32>
      %gather3A_1839 = tpu.dynamic_gather %add3A_1836[%gather3A_1838] in [0] : vector<16xf32>, vector<16xi32> -> vector<16xf32>
      %add3A_1840 = arith.addf %add3A_1836, %gather3A_1839 : vector<16xf32>
      %broadcast_in_dim3A_1841 = vector.shape_cast %and3A_82 : vector<16xi32> to vector<16x1xi32>
      %gather3A_1842 = vector.shape_cast %broadcast_in_dim3A_1841 : vector<16x1xi32> to vector<16xi32>
      %gather3A_1843 = tpu.dynamic_gather %add3A_1840[%gather3A_1842] in [0] : vector<16xf32>, vector<16xi32> -> vector<16xf32>
      %add3A_1844 = arith.addf %add3A_1840, %gather3A_1843 : vector<16xf32>
      %broadcast_in_dim3A_1845 = vector.shape_cast %and3A_88 : vector<16xi32> to vector<16x1xi32>
      %gather3A_1846 = vector.shape_cast %broadcast_in_dim3A_1845 : vector<16x1xi32> to vector<16xi32>
      %gather3A_1847 = tpu.dynamic_gather %add3A_1844[%gather3A_1846] in [0] : vector<16xf32>, vector<16xi32> -> vector<16xf32>
      %add3A_1848 = arith.addf %add3A_1844, %gather3A_1847 : vector<16xf32>
      %mul3A_1849 = arith.mulf %get3A_1762, %get3A_1770 : vector<16xf32>
      %add3A_1850 = arith.constant 0.000000e+00 : f32
      %add3A_1851 = vector.broadcast %add3A_1850 : f32 to vector<16xf32>
      %add3A_1852 = arith.addf %add3A_1851, %mul3A_1849 : vector<16xf32>
      %mul3A_1853 = arith.mulf %get3A_1766, %get3A_1774 : vector<16xf32>
      %add3A_1854 = arith.addf %add3A_1852, %mul3A_1853 : vector<16xf32>
      %broadcast_in_dim3A_1855 = vector.shape_cast %and3A_70 : vector<16xi32> to vector<16x1xi32>
      %gather3A_1856 = vector.shape_cast %broadcast_in_dim3A_1855 : vector<16x1xi32> to vector<16xi32>
      %gather3A_1857 = tpu.dynamic_gather %add3A_1854[%gather3A_1856] in [0] : vector<16xf32>, vector<16xi32> -> vector<16xf32>
      %add3A_1858 = arith.addf %add3A_1854, %gather3A_1857 : vector<16xf32>
      %broadcast_in_dim3A_1859 = vector.shape_cast %and3A_76 : vector<16xi32> to vector<16x1xi32>
      %gather3A_1860 = vector.shape_cast %broadcast_in_dim3A_1859 : vector<16x1xi32> to vector<16xi32>
      %gather3A_1861 = tpu.dynamic_gather %add3A_1858[%gather3A_1860] in [0] : vector<16xf32>, vector<16xi32> -> vector<16xf32>
      %add3A_1862 = arith.addf %add3A_1858, %gather3A_1861 : vector<16xf32>
      %broadcast_in_dim3A_1863 = vector.shape_cast %and3A_82 : vector<16xi32> to vector<16x1xi32>
      %gather3A_1864 = vector.shape_cast %broadcast_in_dim3A_1863 : vector<16x1xi32> to vector<16xi32>
      %gather3A_1865 = tpu.dynamic_gather %add3A_1862[%gather3A_1864] in [0] : vector<16xf32>, vector<16xi32> -> vector<16xf32>
      %add3A_1866 = arith.addf %add3A_1862, %gather3A_1865 : vector<16xf32>
      %broadcast_in_dim3A_1867 = vector.shape_cast %and3A_88 : vector<16xi32> to vector<16x1xi32>
      %gather3A_1868 = vector.shape_cast %broadcast_in_dim3A_1867 : vector<16x1xi32> to vector<16xi32>
      %gather3A_1869 = tpu.dynamic_gather %add3A_1866[%gather3A_1868] in [0] : vector<16xf32>, vector<16xi32> -> vector<16xf32>
      %add3A_1870 = arith.addf %add3A_1866, %gather3A_1869 : vector<16xf32>
      %mul3A_1871 = arith.mulf %get3A_1762, %get3A_1778 : vector<16xf32>
      %add3A_1872 = arith.constant 0.000000e+00 : f32
      %add3A_1873 = vector.broadcast %add3A_1872 : f32 to vector<16xf32>
      %add3A_1874 = arith.addf %add3A_1873, %mul3A_1871 : vector<16xf32>
      %mul3A_1875 = arith.mulf %get3A_1766, %get3A_1782 : vector<16xf32>
      %add3A_1876 = arith.addf %add3A_1874, %mul3A_1875 : vector<16xf32>
      %broadcast_in_dim3A_1877 = vector.shape_cast %and3A_70 : vector<16xi32> to vector<16x1xi32>
      %gather3A_1878 = vector.shape_cast %broadcast_in_dim3A_1877 : vector<16x1xi32> to vector<16xi32>
      %gather3A_1879 = tpu.dynamic_gather %add3A_1876[%gather3A_1878] in [0] : vector<16xf32>, vector<16xi32> -> vector<16xf32>
      %add3A_1880 = arith.addf %add3A_1876, %gather3A_1879 : vector<16xf32>
      %broadcast_in_dim3A_1881 = vector.shape_cast %and3A_76 : vector<16xi32> to vector<16x1xi32>
      %gather3A_1882 = vector.shape_cast %broadcast_in_dim3A_1881 : vector<16x1xi32> to vector<16xi32>
      %gather3A_1883 = tpu.dynamic_gather %add3A_1880[%gather3A_1882] in [0] : vector<16xf32>, vector<16xi32> -> vector<16xf32>
      %add3A_1884 = arith.addf %add3A_1880, %gather3A_1883 : vector<16xf32>
      %broadcast_in_dim3A_1885 = vector.shape_cast %and3A_82 : vector<16xi32> to vector<16x1xi32>
      %gather3A_1886 = vector.shape_cast %broadcast_in_dim3A_1885 : vector<16x1xi32> to vector<16xi32>
      %gather3A_1887 = tpu.dynamic_gather %add3A_1884[%gather3A_1886] in [0] : vector<16xf32>, vector<16xi32> -> vector<16xf32>
      %add3A_1888 = arith.addf %add3A_1884, %gather3A_1887 : vector<16xf32>
      %broadcast_in_dim3A_1889 = vector.shape_cast %and3A_88 : vector<16xi32> to vector<16x1xi32>
      %gather3A_1890 = vector.shape_cast %broadcast_in_dim3A_1889 : vector<16x1xi32> to vector<16xi32>
      %gather3A_1891 = tpu.dynamic_gather %add3A_1888[%gather3A_1890] in [0] : vector<16xf32>, vector<16xi32> -> vector<16xf32>
      %add3A_1892 = arith.addf %add3A_1888, %gather3A_1891 : vector<16xf32>
      %mul3A_1893 = arith.mulf %get3A_1770, %get3A_1778 : vector<16xf32>
      %add3A_1894 = arith.constant 0.000000e+00 : f32
      %add3A_1895 = vector.broadcast %add3A_1894 : f32 to vector<16xf32>
      %add3A_1896 = arith.addf %add3A_1895, %mul3A_1893 : vector<16xf32>
      %mul3A_1897 = arith.mulf %get3A_1774, %get3A_1782 : vector<16xf32>
      %add3A_1898 = arith.addf %add3A_1896, %mul3A_1897 : vector<16xf32>
      %broadcast_in_dim3A_1899 = vector.shape_cast %and3A_70 : vector<16xi32> to vector<16x1xi32>
      %gather3A_1900 = vector.shape_cast %broadcast_in_dim3A_1899 : vector<16x1xi32> to vector<16xi32>
      %gather3A_1901 = tpu.dynamic_gather %add3A_1898[%gather3A_1900] in [0] : vector<16xf32>, vector<16xi32> -> vector<16xf32>
      %add3A_1902 = arith.addf %add3A_1898, %gather3A_1901 : vector<16xf32>
      %broadcast_in_dim3A_1903 = vector.shape_cast %and3A_76 : vector<16xi32> to vector<16x1xi32>
      %gather3A_1904 = vector.shape_cast %broadcast_in_dim3A_1903 : vector<16x1xi32> to vector<16xi32>
      %gather3A_1905 = tpu.dynamic_gather %add3A_1902[%gather3A_1904] in [0] : vector<16xf32>, vector<16xi32> -> vector<16xf32>
      %add3A_1906 = arith.addf %add3A_1902, %gather3A_1905 : vector<16xf32>
      %broadcast_in_dim3A_1907 = vector.shape_cast %and3A_82 : vector<16xi32> to vector<16x1xi32>
      %gather3A_1908 = vector.shape_cast %broadcast_in_dim3A_1907 : vector<16x1xi32> to vector<16xi32>
      %gather3A_1909 = tpu.dynamic_gather %add3A_1906[%gather3A_1908] in [0] : vector<16xf32>, vector<16xi32> -> vector<16xf32>
      %add3A_1910 = arith.addf %add3A_1906, %gather3A_1909 : vector<16xf32>
      %broadcast_in_dim3A_1911 = vector.shape_cast %and3A_88 : vector<16xi32> to vector<16x1xi32>
      %gather3A_1912 = vector.shape_cast %broadcast_in_dim3A_1911 : vector<16x1xi32> to vector<16xi32>
      %gather3A_1913 = tpu.dynamic_gather %add3A_1910[%gather3A_1912] in [0] : vector<16xf32>, vector<16xi32> -> vector<16xf32>
      %add3A_1914 = arith.addf %add3A_1910, %gather3A_1913 : vector<16xf32>
      %select_n3A_1915 = arith.select %eq3A_50, %add3A_1804, %select_n3A_1749 : vector<16xi1>, vector<16xf32>
      %select_n3A_1916 = arith.select %eq3A_50, %add3A_1826, %select_n3A_1750 : vector<16xi1>, vector<16xf32>
      %select_n3A_1917 = arith.select %eq3A_50, %add3A_1848, %select_n3A_1751 : vector<16xi1>, vector<16xf32>
      %select_n3A_1918 = arith.select %eq3A_50, %add3A_1870, %select_n3A_1752 : vector<16xi1>, vector<16xf32>
      %select_n3A_1919 = arith.select %eq3A_50, %add3A_1892, %select_n3A_1753 : vector<16xi1>, vector<16xf32>
      %select_n3A_1920 = arith.select %eq3A_50, %add3A_1914, %select_n3A_1754 : vector<16xi1>, vector<16xf32>
      %mul3A_1921 = arith.constant 16 : i32
      %mul3A_1922 = arith.muli %scan3A_95, %mul3A_1921 : i32
      %add3A_1923 = arith.constant 11 : i32
      %add3A_1924 = arith.addi %mul3A_1922, %add3A_1923 : i32
      %get3A_1925 = arith.index_cast %add3A_1924 : i32 to index
      %get3A_1926 = arith.constant 0 : index
      %get3A_1927 = tpu.vector_load %arg11[%get3A_1925, %get3A_1926] {strides = array<i32>} : memref<512x32xf32, #tpu.memory_space<vmem>>, vector<1x16xf32>,
      %get3A_1928 = vector.shape_cast %get3A_1927 : vector<1x16xf32> to vector<16xf32>
      %get3A_1929 = arith.index_cast %add3A_1924 : i32 to index
      %get3A_1930 = arith.constant 16 : index
      %get3A_1931 = tpu.vector_load %arg11[%get3A_1929, %get3A_1930] {strides = array<i32>} : memref<512x32xf32, #tpu.memory_space<vmem>>, vector<1x16xf32>,
      %get3A_1932 = vector.shape_cast %get3A_1931 : vector<1x16xf32> to vector<16xf32>
      %get3A_1933 = arith.index_cast %add3A_1924 : i32 to index
      %get3A_1934 = arith.constant 0 : index
      %get3A_1935 = tpu.vector_load %arg12[%get3A_1933, %get3A_1934] {strides = array<i32>} : memref<512x32xf32, #tpu.memory_space<vmem>>, vector<1x16xf32>,
      %get3A_1936 = vector.shape_cast %get3A_1935 : vector<1x16xf32> to vector<16xf32>
      %get3A_1937 = arith.index_cast %add3A_1924 : i32 to index
      %get3A_1938 = arith.constant 16 : index
      %get3A_1939 = tpu.vector_load %arg12[%get3A_1937, %get3A_1938] {strides = array<i32>} : memref<512x32xf32, #tpu.memory_space<vmem>>, vector<1x16xf32>,
      %get3A_1940 = vector.shape_cast %get3A_1939 : vector<1x16xf32> to vector<16xf32>
      %get3A_1941 = arith.index_cast %add3A_1924 : i32 to index
      %get3A_1942 = arith.constant 0 : index
      %get3A_1943 = tpu.vector_load %arg13[%get3A_1941, %get3A_1942] {strides = array<i32>} : memref<512x32xf32, #tpu.memory_space<vmem>>, vector<1x16xf32>,
      %get3A_1944 = vector.shape_cast %get3A_1943 : vector<1x16xf32> to vector<16xf32>
      %get3A_1945 = arith.index_cast %add3A_1924 : i32 to index
      %get3A_1946 = arith.constant 16 : index
      %get3A_1947 = tpu.vector_load %arg13[%get3A_1945, %get3A_1946] {strides = array<i32>} : memref<512x32xf32, #tpu.memory_space<vmem>>, vector<1x16xf32>,
      %get3A_1948 = vector.shape_cast %get3A_1947 : vector<1x16xf32> to vector<16xf32>
      %mul3A_1949 = arith.mulf %get3A_1928, %get3A_1928 : vector<16xf32>
      %add3A_1950 = arith.constant 0.000000e+00 : f32
      %add3A_1951 = vector.broadcast %add3A_1950 : f32 to vector<16xf32>
      %add3A_1952 = arith.addf %add3A_1951, %mul3A_1949 : vector<16xf32>
      %mul3A_1953 = arith.mulf %get3A_1932, %get3A_1932 : vector<16xf32>
      %add3A_1954 = arith.addf %add3A_1952, %mul3A_1953 : vector<16xf32>
      %broadcast_in_dim3A_1955 = vector.shape_cast %and3A_70 : vector<16xi32> to vector<16x1xi32>
      %gather3A_1956 = vector.shape_cast %broadcast_in_dim3A_1955 : vector<16x1xi32> to vector<16xi32>
      %gather3A_1957 = tpu.dynamic_gather %add3A_1954[%gather3A_1956] in [0] : vector<16xf32>, vector<16xi32> -> vector<16xf32>
      %add3A_1958 = arith.addf %add3A_1954, %gather3A_1957 : vector<16xf32>
      %broadcast_in_dim3A_1959 = vector.shape_cast %and3A_76 : vector<16xi32> to vector<16x1xi32>
      %gather3A_1960 = vector.shape_cast %broadcast_in_dim3A_1959 : vector<16x1xi32> to vector<16xi32>
      %gather3A_1961 = tpu.dynamic_gather %add3A_1958[%gather3A_1960] in [0] : vector<16xf32>, vector<16xi32> -> vector<16xf32>
      %add3A_1962 = arith.addf %add3A_1958, %gather3A_1961 : vector<16xf32>
      %broadcast_in_dim3A_1963 = vector.shape_cast %and3A_82 : vector<16xi32> to vector<16x1xi32>
      %gather3A_1964 = vector.shape_cast %broadcast_in_dim3A_1963 : vector<16x1xi32> to vector<16xi32>
      %gather3A_1965 = tpu.dynamic_gather %add3A_1962[%gather3A_1964] in [0] : vector<16xf32>, vector<16xi32> -> vector<16xf32>
      %add3A_1966 = arith.addf %add3A_1962, %gather3A_1965 : vector<16xf32>
      %broadcast_in_dim3A_1967 = vector.shape_cast %and3A_88 : vector<16xi32> to vector<16x1xi32>
      %gather3A_1968 = vector.shape_cast %broadcast_in_dim3A_1967 : vector<16x1xi32> to vector<16xi32>
      %gather3A_1969 = tpu.dynamic_gather %add3A_1966[%gather3A_1968] in [0] : vector<16xf32>, vector<16xi32> -> vector<16xf32>
      %add3A_1970 = arith.addf %add3A_1966, %gather3A_1969 : vector<16xf32>
      %mul3A_1971 = arith.mulf %get3A_1944, %get3A_1944 : vector<16xf32>
      %add3A_1972 = arith.constant 0.000000e+00 : f32
      %add3A_1973 = vector.broadcast %add3A_1972 : f32 to vector<16xf32>
      %add3A_1974 = arith.addf %add3A_1973, %mul3A_1971 : vector<16xf32>
      %mul3A_1975 = arith.mulf %get3A_1948, %get3A_1948 : vector<16xf32>
      %add3A_1976 = arith.addf %add3A_1974, %mul3A_1975 : vector<16xf32>
      %broadcast_in_dim3A_1977 = vector.shape_cast %and3A_70 : vector<16xi32> to vector<16x1xi32>
      %gather3A_1978 = vector.shape_cast %broadcast_in_dim3A_1977 : vector<16x1xi32> to vector<16xi32>
      %gather3A_1979 = tpu.dynamic_gather %add3A_1976[%gather3A_1978] in [0] : vector<16xf32>, vector<16xi32> -> vector<16xf32>
      %add3A_1980 = arith.addf %add3A_1976, %gather3A_1979 : vector<16xf32>
      %broadcast_in_dim3A_1981 = vector.shape_cast %and3A_76 : vector<16xi32> to vector<16x1xi32>
      %gather3A_1982 = vector.shape_cast %broadcast_in_dim3A_1981 : vector<16x1xi32> to vector<16xi32>
      %gather3A_1983 = tpu.dynamic_gather %add3A_1980[%gather3A_1982] in [0] : vector<16xf32>, vector<16xi32> -> vector<16xf32>
      %add3A_1984 = arith.addf %add3A_1980, %gather3A_1983 : vector<16xf32>
      %broadcast_in_dim3A_1985 = vector.shape_cast %and3A_82 : vector<16xi32> to vector<16x1xi32>
      %gather3A_1986 = vector.shape_cast %broadcast_in_dim3A_1985 : vector<16x1xi32> to vector<16xi32>
      %gather3A_1987 = tpu.dynamic_gather %add3A_1984[%gather3A_1986] in [0] : vector<16xf32>, vector<16xi32> -> vector<16xf32>
      %add3A_1988 = arith.addf %add3A_1984, %gather3A_1987 : vector<16xf32>
      %broadcast_in_dim3A_1989 = vector.shape_cast %and3A_88 : vector<16xi32> to vector<16x1xi32>
      %gather3A_1990 = vector.shape_cast %broadcast_in_dim3A_1989 : vector<16x1xi32> to vector<16xi32>
      %gather3A_1991 = tpu.dynamic_gather %add3A_1988[%gather3A_1990] in [0] : vector<16xf32>, vector<16xi32> -> vector<16xf32>
      %add3A_1992 = arith.addf %add3A_1988, %gather3A_1991 : vector<16xf32>
      %mul3A_1993 = arith.mulf %get3A_1936, %get3A_1936 : vector<16xf32>
      %add3A_1994 = arith.constant 0.000000e+00 : f32
      %add3A_1995 = vector.broadcast %add3A_1994 : f32 to vector<16xf32>
      %add3A_1996 = arith.addf %add3A_1995, %mul3A_1993 : vector<16xf32>
      %mul3A_1997 = arith.mulf %get3A_1940, %get3A_1940 : vector<16xf32>
      %add3A_1998 = arith.addf %add3A_1996, %mul3A_1997 : vector<16xf32>
      %broadcast_in_dim3A_1999 = vector.shape_cast %and3A_70 : vector<16xi32> to vector<16x1xi32>
      %gather3A_2000 = vector.shape_cast %broadcast_in_dim3A_1999 : vector<16x1xi32> to vector<16xi32>
      %gather3A_2001 = tpu.dynamic_gather %add3A_1998[%gather3A_2000] in [0] : vector<16xf32>, vector<16xi32> -> vector<16xf32>
      %add3A_2002 = arith.addf %add3A_1998, %gather3A_2001 : vector<16xf32>
      %broadcast_in_dim3A_2003 = vector.shape_cast %and3A_76 : vector<16xi32> to vector<16x1xi32>
      %gather3A_2004 = vector.shape_cast %broadcast_in_dim3A_2003 : vector<16x1xi32> to vector<16xi32>
      %gather3A_2005 = tpu.dynamic_gather %add3A_2002[%gather3A_2004] in [0] : vector<16xf32>, vector<16xi32> -> vector<16xf32>
      %add3A_2006 = arith.addf %add3A_2002, %gather3A_2005 : vector<16xf32>
      %broadcast_in_dim3A_2007 = vector.shape_cast %and3A_82 : vector<16xi32> to vector<16x1xi32>
      %gather3A_2008 = vector.shape_cast %broadcast_in_dim3A_2007 : vector<16x1xi32> to vector<16xi32>
      %gather3A_2009 = tpu.dynamic_gather %add3A_2006[%gather3A_2008] in [0] : vector<16xf32>, vector<16xi32> -> vector<16xf32>
      %add3A_2010 = arith.addf %add3A_2006, %gather3A_2009 : vector<16xf32>
      %broadcast_in_dim3A_2011 = vector.shape_cast %and3A_88 : vector<16xi32> to vector<16x1xi32>
      %gather3A_2012 = vector.shape_cast %broadcast_in_dim3A_2011 : vector<16x1xi32> to vector<16xi32>
      %gather3A_2013 = tpu.dynamic_gather %add3A_2010[%gather3A_2012] in [0] : vector<16xf32>, vector<16xi32> -> vector<16xf32>
      %add3A_2014 = arith.addf %add3A_2010, %gather3A_2013 : vector<16xf32>
      %mul3A_2015 = arith.mulf %get3A_1928, %get3A_1936 : vector<16xf32>
      %add3A_2016 = arith.constant 0.000000e+00 : f32
      %add3A_2017 = vector.broadcast %add3A_2016 : f32 to vector<16xf32>
      %add3A_2018 = arith.addf %add3A_2017, %mul3A_2015 : vector<16xf32>
      %mul3A_2019 = arith.mulf %get3A_1932, %get3A_1940 : vector<16xf32>
      %add3A_2020 = arith.addf %add3A_2018, %mul3A_2019 : vector<16xf32>
      %broadcast_in_dim3A_2021 = vector.shape_cast %and3A_70 : vector<16xi32> to vector<16x1xi32>
      %gather3A_2022 = vector.shape_cast %broadcast_in_dim3A_2021 : vector<16x1xi32> to vector<16xi32>
      %gather3A_2023 = tpu.dynamic_gather %add3A_2020[%gather3A_2022] in [0] : vector<16xf32>, vector<16xi32> -> vector<16xf32>
      %add3A_2024 = arith.addf %add3A_2020, %gather3A_2023 : vector<16xf32>
      %broadcast_in_dim3A_2025 = vector.shape_cast %and3A_76 : vector<16xi32> to vector<16x1xi32>
      %gather3A_2026 = vector.shape_cast %broadcast_in_dim3A_2025 : vector<16x1xi32> to vector<16xi32>
      %gather3A_2027 = tpu.dynamic_gather %add3A_2024[%gather3A_2026] in [0] : vector<16xf32>, vector<16xi32> -> vector<16xf32>
      %add3A_2028 = arith.addf %add3A_2024, %gather3A_2027 : vector<16xf32>
      %broadcast_in_dim3A_2029 = vector.shape_cast %and3A_82 : vector<16xi32> to vector<16x1xi32>
      %gather3A_2030 = vector.shape_cast %broadcast_in_dim3A_2029 : vector<16x1xi32> to vector<16xi32>
      %gather3A_2031 = tpu.dynamic_gather %add3A_2028[%gather3A_2030] in [0] : vector<16xf32>, vector<16xi32> -> vector<16xf32>
      %add3A_2032 = arith.addf %add3A_2028, %gather3A_2031 : vector<16xf32>
      %broadcast_in_dim3A_2033 = vector.shape_cast %and3A_88 : vector<16xi32> to vector<16x1xi32>
      %gather3A_2034 = vector.shape_cast %broadcast_in_dim3A_2033 : vector<16x1xi32> to vector<16xi32>
      %gather3A_2035 = tpu.dynamic_gather %add3A_2032[%gather3A_2034] in [0] : vector<16xf32>, vector<16xi32> -> vector<16xf32>
      %add3A_2036 = arith.addf %add3A_2032, %gather3A_2035 : vector<16xf32>
      %mul3A_2037 = arith.mulf %get3A_1928, %get3A_1944 : vector<16xf32>
      %add3A_2038 = arith.constant 0.000000e+00 : f32
      %add3A_2039 = vector.broadcast %add3A_2038 : f32 to vector<16xf32>
      %add3A_2040 = arith.addf %add3A_2039, %mul3A_2037 : vector<16xf32>
      %mul3A_2041 = arith.mulf %get3A_1932, %get3A_1948 : vector<16xf32>
      %add3A_2042 = arith.addf %add3A_2040, %mul3A_2041 : vector<16xf32>
      %broadcast_in_dim3A_2043 = vector.shape_cast %and3A_70 : vector<16xi32> to vector<16x1xi32>
      %gather3A_2044 = vector.shape_cast %broadcast_in_dim3A_2043 : vector<16x1xi32> to vector<16xi32>
      %gather3A_2045 = tpu.dynamic_gather %add3A_2042[%gather3A_2044] in [0] : vector<16xf32>, vector<16xi32> -> vector<16xf32>
      %add3A_2046 = arith.addf %add3A_2042, %gather3A_2045 : vector<16xf32>
      %broadcast_in_dim3A_2047 = vector.shape_cast %and3A_76 : vector<16xi32> to vector<16x1xi32>
      %gather3A_2048 = vector.shape_cast %broadcast_in_dim3A_2047 : vector<16x1xi32> to vector<16xi32>
      %gather3A_2049 = tpu.dynamic_gather %add3A_2046[%gather3A_2048] in [0] : vector<16xf32>, vector<16xi32> -> vector<16xf32>
      %add3A_2050 = arith.addf %add3A_2046, %gather3A_2049 : vector<16xf32>
      %broadcast_in_dim3A_2051 = vector.shape_cast %and3A_82 : vector<16xi32> to vector<16x1xi32>
      %gather3A_2052 = vector.shape_cast %broadcast_in_dim3A_2051 : vector<16x1xi32> to vector<16xi32>
      %gather3A_2053 = tpu.dynamic_gather %add3A_2050[%gather3A_2052] in [0] : vector<16xf32>, vector<16xi32> -> vector<16xf32>
      %add3A_2054 = arith.addf %add3A_2050, %gather3A_2053 : vector<16xf32>
      %broadcast_in_dim3A_2055 = vector.shape_cast %and3A_88 : vector<16xi32> to vector<16x1xi32>
      %gather3A_2056 = vector.shape_cast %broadcast_in_dim3A_2055 : vector<16x1xi32> to vector<16xi32>
      %gather3A_2057 = tpu.dynamic_gather %add3A_2054[%gather3A_2056] in [0] : vector<16xf32>, vector<16xi32> -> vector<16xf32>
      %add3A_2058 = arith.addf %add3A_2054, %gather3A_2057 : vector<16xf32>
      %mul3A_2059 = arith.mulf %get3A_1936, %get3A_1944 : vector<16xf32>
      %add3A_2060 = arith.constant 0.000000e+00 : f32
      %add3A_2061 = vector.broadcast %add3A_2060 : f32 to vector<16xf32>
      %add3A_2062 = arith.addf %add3A_2061, %mul3A_2059 : vector<16xf32>
      %mul3A_2063 = arith.mulf %get3A_1940, %get3A_1948 : vector<16xf32>
      %add3A_2064 = arith.addf %add3A_2062, %mul3A_2063 : vector<16xf32>
      %broadcast_in_dim3A_2065 = vector.shape_cast %and3A_70 : vector<16xi32> to vector<16x1xi32>
      %gather3A_2066 = vector.shape_cast %broadcast_in_dim3A_2065 : vector<16x1xi32> to vector<16xi32>
      %gather3A_2067 = tpu.dynamic_gather %add3A_2064[%gather3A_2066] in [0] : vector<16xf32>, vector<16xi32> -> vector<16xf32>
      %add3A_2068 = arith.addf %add3A_2064, %gather3A_2067 : vector<16xf32>
      %broadcast_in_dim3A_2069 = vector.shape_cast %and3A_76 : vector<16xi32> to vector<16x1xi32>
      %gather3A_2070 = vector.shape_cast %broadcast_in_dim3A_2069 : vector<16x1xi32> to vector<16xi32>
      %gather3A_2071 = tpu.dynamic_gather %add3A_2068[%gather3A_2070] in [0] : vector<16xf32>, vector<16xi32> -> vector<16xf32>
      %add3A_2072 = arith.addf %add3A_2068, %gather3A_2071 : vector<16xf32>
      %broadcast_in_dim3A_2073 = vector.shape_cast %and3A_82 : vector<16xi32> to vector<16x1xi32>
      %gather3A_2074 = vector.shape_cast %broadcast_in_dim3A_2073 : vector<16x1xi32> to vector<16xi32>
      %gather3A_2075 = tpu.dynamic_gather %add3A_2072[%gather3A_2074] in [0] : vector<16xf32>, vector<16xi32> -> vector<16xf32>
      %add3A_2076 = arith.addf %add3A_2072, %gather3A_2075 : vector<16xf32>
      %broadcast_in_dim3A_2077 = vector.shape_cast %and3A_88 : vector<16xi32> to vector<16x1xi32>
      %gather3A_2078 = vector.shape_cast %broadcast_in_dim3A_2077 : vector<16x1xi32> to vector<16xi32>
      %gather3A_2079 = tpu.dynamic_gather %add3A_2076[%gather3A_2078] in [0] : vector<16xf32>, vector<16xi32> -> vector<16xf32>
      %add3A_2080 = arith.addf %add3A_2076, %gather3A_2079 : vector<16xf32>
      %select_n3A_2081 = arith.select %eq3A_53, %add3A_1970, %select_n3A_1915 : vector<16xi1>, vector<16xf32>
      %select_n3A_2082 = arith.select %eq3A_53, %add3A_1992, %select_n3A_1916 : vector<16xi1>, vector<16xf32>
      %select_n3A_2083 = arith.select %eq3A_53, %add3A_2014, %select_n3A_1917 : vector<16xi1>, vector<16xf32>
      %select_n3A_2084 = arith.select %eq3A_53, %add3A_2036, %select_n3A_1918 : vector<16xi1>, vector<16xf32>
      %select_n3A_2085 = arith.select %eq3A_53, %add3A_2058, %select_n3A_1919 : vector<16xi1>, vector<16xf32>
      %select_n3A_2086 = arith.select %eq3A_53, %add3A_2080, %select_n3A_1920 : vector<16xi1>, vector<16xf32>
      %mul3A_2087 = arith.constant 16 : i32
      %mul3A_2088 = arith.muli %scan3A_95, %mul3A_2087 : i32
      %add3A_2089 = arith.constant 12 : i32
      %add3A_2090 = arith.addi %mul3A_2088, %add3A_2089 : i32
      %get3A_2091 = arith.index_cast %add3A_2090 : i32 to index
      %get3A_2092 = arith.constant 0 : index
      %get3A_2093 = tpu.vector_load %arg11[%get3A_2091, %get3A_2092] {strides = array<i32>} : memref<512x32xf32, #tpu.memory_space<vmem>>, vector<1x16xf32>,
      %get3A_2094 = vector.shape_cast %get3A_2093 : vector<1x16xf32> to vector<16xf32>
      %get3A_2095 = arith.index_cast %add3A_2090 : i32 to index
      %get3A_2096 = arith.constant 16 : index
      %get3A_2097 = tpu.vector_load %arg11[%get3A_2095, %get3A_2096] {strides = array<i32>} : memref<512x32xf32, #tpu.memory_space<vmem>>, vector<1x16xf32>,
      %get3A_2098 = vector.shape_cast %get3A_2097 : vector<1x16xf32> to vector<16xf32>
      %get3A_2099 = arith.index_cast %add3A_2090 : i32 to index
      %get3A_2100 = arith.constant 0 : index
      %get3A_2101 = tpu.vector_load %arg12[%get3A_2099, %get3A_2100] {strides = array<i32>} : memref<512x32xf32, #tpu.memory_space<vmem>>, vector<1x16xf32>,
      %get3A_2102 = vector.shape_cast %get3A_2101 : vector<1x16xf32> to vector<16xf32>
      %get3A_2103 = arith.index_cast %add3A_2090 : i32 to index
      %get3A_2104 = arith.constant 16 : index
      %get3A_2105 = tpu.vector_load %arg12[%get3A_2103, %get3A_2104] {strides = array<i32>} : memref<512x32xf32, #tpu.memory_space<vmem>>, vector<1x16xf32>,
      %get3A_2106 = vector.shape_cast %get3A_2105 : vector<1x16xf32> to vector<16xf32>
      %get3A_2107 = arith.index_cast %add3A_2090 : i32 to index
      %get3A_2108 = arith.constant 0 : index
      %get3A_2109 = tpu.vector_load %arg13[%get3A_2107, %get3A_2108] {strides = array<i32>} : memref<512x32xf32, #tpu.memory_space<vmem>>, vector<1x16xf32>,
      %get3A_2110 = vector.shape_cast %get3A_2109 : vector<1x16xf32> to vector<16xf32>
      %get3A_2111 = arith.index_cast %add3A_2090 : i32 to index
      %get3A_2112 = arith.constant 16 : index
      %get3A_2113 = tpu.vector_load %arg13[%get3A_2111, %get3A_2112] {strides = array<i32>} : memref<512x32xf32, #tpu.memory_space<vmem>>, vector<1x16xf32>,
      %get3A_2114 = vector.shape_cast %get3A_2113 : vector<1x16xf32> to vector<16xf32>
      %mul3A_2115 = arith.mulf %get3A_2094, %get3A_2094 : vector<16xf32>
      %add3A_2116 = arith.constant 0.000000e+00 : f32
      %add3A_2117 = vector.broadcast %add3A_2116 : f32 to vector<16xf32>
      %add3A_2118 = arith.addf %add3A_2117, %mul3A_2115 : vector<16xf32>
      %mul3A_2119 = arith.mulf %get3A_2098, %get3A_2098 : vector<16xf32>
      %add3A_2120 = arith.addf %add3A_2118, %mul3A_2119 : vector<16xf32>
      %broadcast_in_dim3A_2121 = vector.shape_cast %and3A_70 : vector<16xi32> to vector<16x1xi32>
      %gather3A_2122 = vector.shape_cast %broadcast_in_dim3A_2121 : vector<16x1xi32> to vector<16xi32>
      %gather3A_2123 = tpu.dynamic_gather %add3A_2120[%gather3A_2122] in [0] : vector<16xf32>, vector<16xi32> -> vector<16xf32>
      %add3A_2124 = arith.addf %add3A_2120, %gather3A_2123 : vector<16xf32>
      %broadcast_in_dim3A_2125 = vector.shape_cast %and3A_76 : vector<16xi32> to vector<16x1xi32>
      %gather3A_2126 = vector.shape_cast %broadcast_in_dim3A_2125 : vector<16x1xi32> to vector<16xi32>
      %gather3A_2127 = tpu.dynamic_gather %add3A_2124[%gather3A_2126] in [0] : vector<16xf32>, vector<16xi32> -> vector<16xf32>
      %add3A_2128 = arith.addf %add3A_2124, %gather3A_2127 : vector<16xf32>
      %broadcast_in_dim3A_2129 = vector.shape_cast %and3A_82 : vector<16xi32> to vector<16x1xi32>
      %gather3A_2130 = vector.shape_cast %broadcast_in_dim3A_2129 : vector<16x1xi32> to vector<16xi32>
      %gather3A_2131 = tpu.dynamic_gather %add3A_2128[%gather3A_2130] in [0] : vector<16xf32>, vector<16xi32> -> vector<16xf32>
      %add3A_2132 = arith.addf %add3A_2128, %gather3A_2131 : vector<16xf32>
      %broadcast_in_dim3A_2133 = vector.shape_cast %and3A_88 : vector<16xi32> to vector<16x1xi32>
      %gather3A_2134 = vector.shape_cast %broadcast_in_dim3A_2133 : vector<16x1xi32> to vector<16xi32>
      %gather3A_2135 = tpu.dynamic_gather %add3A_2132[%gather3A_2134] in [0] : vector<16xf32>, vector<16xi32> -> vector<16xf32>
      %add3A_2136 = arith.addf %add3A_2132, %gather3A_2135 : vector<16xf32>
      %mul3A_2137 = arith.mulf %get3A_2110, %get3A_2110 : vector<16xf32>
      %add3A_2138 = arith.constant 0.000000e+00 : f32
      %add3A_2139 = vector.broadcast %add3A_2138 : f32 to vector<16xf32>
      %add3A_2140 = arith.addf %add3A_2139, %mul3A_2137 : vector<16xf32>
      %mul3A_2141 = arith.mulf %get3A_2114, %get3A_2114 : vector<16xf32>
      %add3A_2142 = arith.addf %add3A_2140, %mul3A_2141 : vector<16xf32>
      %broadcast_in_dim3A_2143 = vector.shape_cast %and3A_70 : vector<16xi32> to vector<16x1xi32>
      %gather3A_2144 = vector.shape_cast %broadcast_in_dim3A_2143 : vector<16x1xi32> to vector<16xi32>
      %gather3A_2145 = tpu.dynamic_gather %add3A_2142[%gather3A_2144] in [0] : vector<16xf32>, vector<16xi32> -> vector<16xf32>
      %add3A_2146 = arith.addf %add3A_2142, %gather3A_2145 : vector<16xf32>
      %broadcast_in_dim3A_2147 = vector.shape_cast %and3A_76 : vector<16xi32> to vector<16x1xi32>
      %gather3A_2148 = vector.shape_cast %broadcast_in_dim3A_2147 : vector<16x1xi32> to vector<16xi32>
      %gather3A_2149 = tpu.dynamic_gather %add3A_2146[%gather3A_2148] in [0] : vector<16xf32>, vector<16xi32> -> vector<16xf32>
      %add3A_2150 = arith.addf %add3A_2146, %gather3A_2149 : vector<16xf32>
      %broadcast_in_dim3A_2151 = vector.shape_cast %and3A_82 : vector<16xi32> to vector<16x1xi32>
      %gather3A_2152 = vector.shape_cast %broadcast_in_dim3A_2151 : vector<16x1xi32> to vector<16xi32>
      %gather3A_2153 = tpu.dynamic_gather %add3A_2150[%gather3A_2152] in [0] : vector<16xf32>, vector<16xi32> -> vector<16xf32>
      %add3A_2154 = arith.addf %add3A_2150, %gather3A_2153 : vector<16xf32>
      %broadcast_in_dim3A_2155 = vector.shape_cast %and3A_88 : vector<16xi32> to vector<16x1xi32>
      %gather3A_2156 = vector.shape_cast %broadcast_in_dim3A_2155 : vector<16x1xi32> to vector<16xi32>
      %gather3A_2157 = tpu.dynamic_gather %add3A_2154[%gather3A_2156] in [0] : vector<16xf32>, vector<16xi32> -> vector<16xf32>
      %add3A_2158 = arith.addf %add3A_2154, %gather3A_2157 : vector<16xf32>
      %mul3A_2159 = arith.mulf %get3A_2102, %get3A_2102 : vector<16xf32>
      %add3A_2160 = arith.constant 0.000000e+00 : f32
      %add3A_2161 = vector.broadcast %add3A_2160 : f32 to vector<16xf32>
      %add3A_2162 = arith.addf %add3A_2161, %mul3A_2159 : vector<16xf32>
      %mul3A_2163 = arith.mulf %get3A_2106, %get3A_2106 : vector<16xf32>
      %add3A_2164 = arith.addf %add3A_2162, %mul3A_2163 : vector<16xf32>
      %broadcast_in_dim3A_2165 = vector.shape_cast %and3A_70 : vector<16xi32> to vector<16x1xi32>
      %gather3A_2166 = vector.shape_cast %broadcast_in_dim3A_2165 : vector<16x1xi32> to vector<16xi32>
      %gather3A_2167 = tpu.dynamic_gather %add3A_2164[%gather3A_2166] in [0] : vector<16xf32>, vector<16xi32> -> vector<16xf32>
      %add3A_2168 = arith.addf %add3A_2164, %gather3A_2167 : vector<16xf32>
      %broadcast_in_dim3A_2169 = vector.shape_cast %and3A_76 : vector<16xi32> to vector<16x1xi32>
      %gather3A_2170 = vector.shape_cast %broadcast_in_dim3A_2169 : vector<16x1xi32> to vector<16xi32>
      %gather3A_2171 = tpu.dynamic_gather %add3A_2168[%gather3A_2170] in [0] : vector<16xf32>, vector<16xi32> -> vector<16xf32>
      %add3A_2172 = arith.addf %add3A_2168, %gather3A_2171 : vector<16xf32>
      %broadcast_in_dim3A_2173 = vector.shape_cast %and3A_82 : vector<16xi32> to vector<16x1xi32>
      %gather3A_2174 = vector.shape_cast %broadcast_in_dim3A_2173 : vector<16x1xi32> to vector<16xi32>
      %gather3A_2175 = tpu.dynamic_gather %add3A_2172[%gather3A_2174] in [0] : vector<16xf32>, vector<16xi32> -> vector<16xf32>
      %add3A_2176 = arith.addf %add3A_2172, %gather3A_2175 : vector<16xf32>
      %broadcast_in_dim3A_2177 = vector.shape_cast %and3A_88 : vector<16xi32> to vector<16x1xi32>
      %gather3A_2178 = vector.shape_cast %broadcast_in_dim3A_2177 : vector<16x1xi32> to vector<16xi32>
      %gather3A_2179 = tpu.dynamic_gather %add3A_2176[%gather3A_2178] in [0] : vector<16xf32>, vector<16xi32> -> vector<16xf32>
      %add3A_2180 = arith.addf %add3A_2176, %gather3A_2179 : vector<16xf32>
      %mul3A_2181 = arith.mulf %get3A_2094, %get3A_2102 : vector<16xf32>
      %add3A_2182 = arith.constant 0.000000e+00 : f32
      %add3A_2183 = vector.broadcast %add3A_2182 : f32 to vector<16xf32>
      %add3A_2184 = arith.addf %add3A_2183, %mul3A_2181 : vector<16xf32>
      %mul3A_2185 = arith.mulf %get3A_2098, %get3A_2106 : vector<16xf32>
      %add3A_2186 = arith.addf %add3A_2184, %mul3A_2185 : vector<16xf32>
      %broadcast_in_dim3A_2187 = vector.shape_cast %and3A_70 : vector<16xi32> to vector<16x1xi32>
      %gather3A_2188 = vector.shape_cast %broadcast_in_dim3A_2187 : vector<16x1xi32> to vector<16xi32>
      %gather3A_2189 = tpu.dynamic_gather %add3A_2186[%gather3A_2188] in [0] : vector<16xf32>, vector<16xi32> -> vector<16xf32>
      %add3A_2190 = arith.addf %add3A_2186, %gather3A_2189 : vector<16xf32>
      %broadcast_in_dim3A_2191 = vector.shape_cast %and3A_76 : vector<16xi32> to vector<16x1xi32>
      %gather3A_2192 = vector.shape_cast %broadcast_in_dim3A_2191 : vector<16x1xi32> to vector<16xi32>
      %gather3A_2193 = tpu.dynamic_gather %add3A_2190[%gather3A_2192] in [0] : vector<16xf32>, vector<16xi32> -> vector<16xf32>
      %add3A_2194 = arith.addf %add3A_2190, %gather3A_2193 : vector<16xf32>
      %broadcast_in_dim3A_2195 = vector.shape_cast %and3A_82 : vector<16xi32> to vector<16x1xi32>
      %gather3A_2196 = vector.shape_cast %broadcast_in_dim3A_2195 : vector<16x1xi32> to vector<16xi32>
      %gather3A_2197 = tpu.dynamic_gather %add3A_2194[%gather3A_2196] in [0] : vector<16xf32>, vector<16xi32> -> vector<16xf32>
      %add3A_2198 = arith.addf %add3A_2194, %gather3A_2197 : vector<16xf32>
      %broadcast_in_dim3A_2199 = vector.shape_cast %and3A_88 : vector<16xi32> to vector<16x1xi32>
      %gather3A_2200 = vector.shape_cast %broadcast_in_dim3A_2199 : vector<16x1xi32> to vector<16xi32>
      %gather3A_2201 = tpu.dynamic_gather %add3A_2198[%gather3A_2200] in [0] : vector<16xf32>, vector<16xi32> -> vector<16xf32>
      %add3A_2202 = arith.addf %add3A_2198, %gather3A_2201 : vector<16xf32>
      %mul3A_2203 = arith.mulf %get3A_2094, %get3A_2110 : vector<16xf32>
      %add3A_2204 = arith.constant 0.000000e+00 : f32
      %add3A_2205 = vector.broadcast %add3A_2204 : f32 to vector<16xf32>
      %add3A_2206 = arith.addf %add3A_2205, %mul3A_2203 : vector<16xf32>
      %mul3A_2207 = arith.mulf %get3A_2098, %get3A_2114 : vector<16xf32>
      %add3A_2208 = arith.addf %add3A_2206, %mul3A_2207 : vector<16xf32>
      %broadcast_in_dim3A_2209 = vector.shape_cast %and3A_70 : vector<16xi32> to vector<16x1xi32>
      %gather3A_2210 = vector.shape_cast %broadcast_in_dim3A_2209 : vector<16x1xi32> to vector<16xi32>
      %gather3A_2211 = tpu.dynamic_gather %add3A_2208[%gather3A_2210] in [0] : vector<16xf32>, vector<16xi32> -> vector<16xf32>
      %add3A_2212 = arith.addf %add3A_2208, %gather3A_2211 : vector<16xf32>
      %broadcast_in_dim3A_2213 = vector.shape_cast %and3A_76 : vector<16xi32> to vector<16x1xi32>
      %gather3A_2214 = vector.shape_cast %broadcast_in_dim3A_2213 : vector<16x1xi32> to vector<16xi32>
      %gather3A_2215 = tpu.dynamic_gather %add3A_2212[%gather3A_2214] in [0] : vector<16xf32>, vector<16xi32> -> vector<16xf32>
      %add3A_2216 = arith.addf %add3A_2212, %gather3A_2215 : vector<16xf32>
      %broadcast_in_dim3A_2217 = vector.shape_cast %and3A_82 : vector<16xi32> to vector<16x1xi32>
      %gather3A_2218 = vector.shape_cast %broadcast_in_dim3A_2217 : vector<16x1xi32> to vector<16xi32>
      %gather3A_2219 = tpu.dynamic_gather %add3A_2216[%gather3A_2218] in [0] : vector<16xf32>, vector<16xi32> -> vector<16xf32>
      %add3A_2220 = arith.addf %add3A_2216, %gather3A_2219 : vector<16xf32>
      %broadcast_in_dim3A_2221 = vector.shape_cast %and3A_88 : vector<16xi32> to vector<16x1xi32>
      %gather3A_2222 = vector.shape_cast %broadcast_in_dim3A_2221 : vector<16x1xi32> to vector<16xi32>
      %gather3A_2223 = tpu.dynamic_gather %add3A_2220[%gather3A_2222] in [0] : vector<16xf32>, vector<16xi32> -> vector<16xf32>
      %add3A_2224 = arith.addf %add3A_2220, %gather3A_2223 : vector<16xf32>
      %mul3A_2225 = arith.mulf %get3A_2102, %get3A_2110 : vector<16xf32>
      %add3A_2226 = arith.constant 0.000000e+00 : f32
      %add3A_2227 = vector.broadcast %add3A_2226 : f32 to vector<16xf32>
      %add3A_2228 = arith.addf %add3A_2227, %mul3A_2225 : vector<16xf32>
      %mul3A_2229 = arith.mulf %get3A_2106, %get3A_2114 : vector<16xf32>
      %add3A_2230 = arith.addf %add3A_2228, %mul3A_2229 : vector<16xf32>
      %broadcast_in_dim3A_2231 = vector.shape_cast %and3A_70 : vector<16xi32> to vector<16x1xi32>
      %gather3A_2232 = vector.shape_cast %broadcast_in_dim3A_2231 : vector<16x1xi32> to vector<16xi32>
      %gather3A_2233 = tpu.dynamic_gather %add3A_2230[%gather3A_2232] in [0] : vector<16xf32>, vector<16xi32> -> vector<16xf32>
      %add3A_2234 = arith.addf %add3A_2230, %gather3A_2233 : vector<16xf32>
      %broadcast_in_dim3A_2235 = vector.shape_cast %and3A_76 : vector<16xi32> to vector<16x1xi32>
      %gather3A_2236 = vector.shape_cast %broadcast_in_dim3A_2235 : vector<16x1xi32> to vector<16xi32>
      %gather3A_2237 = tpu.dynamic_gather %add3A_2234[%gather3A_2236] in [0] : vector<16xf32>, vector<16xi32> -> vector<16xf32>
      %add3A_2238 = arith.addf %add3A_2234, %gather3A_2237 : vector<16xf32>
      %broadcast_in_dim3A_2239 = vector.shape_cast %and3A_82 : vector<16xi32> to vector<16x1xi32>
      %gather3A_2240 = vector.shape_cast %broadcast_in_dim3A_2239 : vector<16x1xi32> to vector<16xi32>
      %gather3A_2241 = tpu.dynamic_gather %add3A_2238[%gather3A_2240] in [0] : vector<16xf32>, vector<16xi32> -> vector<16xf32>
      %add3A_2242 = arith.addf %add3A_2238, %gather3A_2241 : vector<16xf32>
      %broadcast_in_dim3A_2243 = vector.shape_cast %and3A_88 : vector<16xi32> to vector<16x1xi32>
      %gather3A_2244 = vector.shape_cast %broadcast_in_dim3A_2243 : vector<16x1xi32> to vector<16xi32>
      %gather3A_2245 = tpu.dynamic_gather %add3A_2242[%gather3A_2244] in [0] : vector<16xf32>, vector<16xi32> -> vector<16xf32>
      %add3A_2246 = arith.addf %add3A_2242, %gather3A_2245 : vector<16xf32>
      %select_n3A_2247 = arith.select %eq3A_56, %add3A_2136, %select_n3A_2081 : vector<16xi1>, vector<16xf32>
      %select_n3A_2248 = arith.select %eq3A_56, %add3A_2158, %select_n3A_2082 : vector<16xi1>, vector<16xf32>
      %select_n3A_2249 = arith.select %eq3A_56, %add3A_2180, %select_n3A_2083 : vector<16xi1>, vector<16xf32>
      %select_n3A_2250 = arith.select %eq3A_56, %add3A_2202, %select_n3A_2084 : vector<16xi1>, vector<16xf32>
      %select_n3A_2251 = arith.select %eq3A_56, %add3A_2224, %select_n3A_2085 : vector<16xi1>, vector<16xf32>
      %select_n3A_2252 = arith.select %eq3A_56, %add3A_2246, %select_n3A_2086 : vector<16xi1>, vector<16xf32>
      %mul3A_2253 = arith.constant 16 : i32
      %mul3A_2254 = arith.muli %scan3A_95, %mul3A_2253 : i32
      %add3A_2255 = arith.constant 13 : i32
      %add3A_2256 = arith.addi %mul3A_2254, %add3A_2255 : i32
      %get3A_2257 = arith.index_cast %add3A_2256 : i32 to index
      %get3A_2258 = arith.constant 0 : index
      %get3A_2259 = tpu.vector_load %arg11[%get3A_2257, %get3A_2258] {strides = array<i32>} : memref<512x32xf32, #tpu.memory_space<vmem>>, vector<1x16xf32>,
      %get3A_2260 = vector.shape_cast %get3A_2259 : vector<1x16xf32> to vector<16xf32>
      %get3A_2261 = arith.index_cast %add3A_2256 : i32 to index
      %get3A_2262 = arith.constant 16 : index
      %get3A_2263 = tpu.vector_load %arg11[%get3A_2261, %get3A_2262] {strides = array<i32>} : memref<512x32xf32, #tpu.memory_space<vmem>>, vector<1x16xf32>,
      %get3A_2264 = vector.shape_cast %get3A_2263 : vector<1x16xf32> to vector<16xf32>
      %get3A_2265 = arith.index_cast %add3A_2256 : i32 to index
      %get3A_2266 = arith.constant 0 : index
      %get3A_2267 = tpu.vector_load %arg12[%get3A_2265, %get3A_2266] {strides = array<i32>} : memref<512x32xf32, #tpu.memory_space<vmem>>, vector<1x16xf32>,
      %get3A_2268 = vector.shape_cast %get3A_2267 : vector<1x16xf32> to vector<16xf32>
      %get3A_2269 = arith.index_cast %add3A_2256 : i32 to index
      %get3A_2270 = arith.constant 16 : index
      %get3A_2271 = tpu.vector_load %arg12[%get3A_2269, %get3A_2270] {strides = array<i32>} : memref<512x32xf32, #tpu.memory_space<vmem>>, vector<1x16xf32>,
      %get3A_2272 = vector.shape_cast %get3A_2271 : vector<1x16xf32> to vector<16xf32>
      %get3A_2273 = arith.index_cast %add3A_2256 : i32 to index
      %get3A_2274 = arith.constant 0 : index
      %get3A_2275 = tpu.vector_load %arg13[%get3A_2273, %get3A_2274] {strides = array<i32>} : memref<512x32xf32, #tpu.memory_space<vmem>>, vector<1x16xf32>,
      %get3A_2276 = vector.shape_cast %get3A_2275 : vector<1x16xf32> to vector<16xf32>
      %get3A_2277 = arith.index_cast %add3A_2256 : i32 to index
      %get3A_2278 = arith.constant 16 : index
      %get3A_2279 = tpu.vector_load %arg13[%get3A_2277, %get3A_2278] {strides = array<i32>} : memref<512x32xf32, #tpu.memory_space<vmem>>, vector<1x16xf32>,
      %get3A_2280 = vector.shape_cast %get3A_2279 : vector<1x16xf32> to vector<16xf32>
      %mul3A_2281 = arith.mulf %get3A_2260, %get3A_2260 : vector<16xf32>
      %add3A_2282 = arith.constant 0.000000e+00 : f32
      %add3A_2283 = vector.broadcast %add3A_2282 : f32 to vector<16xf32>
      %add3A_2284 = arith.addf %add3A_2283, %mul3A_2281 : vector<16xf32>
      %mul3A_2285 = arith.mulf %get3A_2264, %get3A_2264 : vector<16xf32>
      %add3A_2286 = arith.addf %add3A_2284, %mul3A_2285 : vector<16xf32>
      %broadcast_in_dim3A_2287 = vector.shape_cast %and3A_70 : vector<16xi32> to vector<16x1xi32>
      %gather3A_2288 = vector.shape_cast %broadcast_in_dim3A_2287 : vector<16x1xi32> to vector<16xi32>
      %gather3A_2289 = tpu.dynamic_gather %add3A_2286[%gather3A_2288] in [0] : vector<16xf32>, vector<16xi32> -> vector<16xf32>
      %add3A_2290 = arith.addf %add3A_2286, %gather3A_2289 : vector<16xf32>
      %broadcast_in_dim3A_2291 = vector.shape_cast %and3A_76 : vector<16xi32> to vector<16x1xi32>
      %gather3A_2292 = vector.shape_cast %broadcast_in_dim3A_2291 : vector<16x1xi32> to vector<16xi32>
      %gather3A_2293 = tpu.dynamic_gather %add3A_2290[%gather3A_2292] in [0] : vector<16xf32>, vector<16xi32> -> vector<16xf32>
      %add3A_2294 = arith.addf %add3A_2290, %gather3A_2293 : vector<16xf32>
      %broadcast_in_dim3A_2295 = vector.shape_cast %and3A_82 : vector<16xi32> to vector<16x1xi32>
      %gather3A_2296 = vector.shape_cast %broadcast_in_dim3A_2295 : vector<16x1xi32> to vector<16xi32>
      %gather3A_2297 = tpu.dynamic_gather %add3A_2294[%gather3A_2296] in [0] : vector<16xf32>, vector<16xi32> -> vector<16xf32>
      %add3A_2298 = arith.addf %add3A_2294, %gather3A_2297 : vector<16xf32>
      %broadcast_in_dim3A_2299 = vector.shape_cast %and3A_88 : vector<16xi32> to vector<16x1xi32>
      %gather3A_2300 = vector.shape_cast %broadcast_in_dim3A_2299 : vector<16x1xi32> to vector<16xi32>
      %gather3A_2301 = tpu.dynamic_gather %add3A_2298[%gather3A_2300] in [0] : vector<16xf32>, vector<16xi32> -> vector<16xf32>
      %add3A_2302 = arith.addf %add3A_2298, %gather3A_2301 : vector<16xf32>
      %mul3A_2303 = arith.mulf %get3A_2276, %get3A_2276 : vector<16xf32>
      %add3A_2304 = arith.constant 0.000000e+00 : f32
      %add3A_2305 = vector.broadcast %add3A_2304 : f32 to vector<16xf32>
      %add3A_2306 = arith.addf %add3A_2305, %mul3A_2303 : vector<16xf32>
      %mul3A_2307 = arith.mulf %get3A_2280, %get3A_2280 : vector<16xf32>
      %add3A_2308 = arith.addf %add3A_2306, %mul3A_2307 : vector<16xf32>
      %broadcast_in_dim3A_2309 = vector.shape_cast %and3A_70 : vector<16xi32> to vector<16x1xi32>
      %gather3A_2310 = vector.shape_cast %broadcast_in_dim3A_2309 : vector<16x1xi32> to vector<16xi32>
      %gather3A_2311 = tpu.dynamic_gather %add3A_2308[%gather3A_2310] in [0] : vector<16xf32>, vector<16xi32> -> vector<16xf32>
      %add3A_2312 = arith.addf %add3A_2308, %gather3A_2311 : vector<16xf32>
      %broadcast_in_dim3A_2313 = vector.shape_cast %and3A_76 : vector<16xi32> to vector<16x1xi32>
      %gather3A_2314 = vector.shape_cast %broadcast_in_dim3A_2313 : vector<16x1xi32> to vector<16xi32>
      %gather3A_2315 = tpu.dynamic_gather %add3A_2312[%gather3A_2314] in [0] : vector<16xf32>, vector<16xi32> -> vector<16xf32>
      %add3A_2316 = arith.addf %add3A_2312, %gather3A_2315 : vector<16xf32>
      %broadcast_in_dim3A_2317 = vector.shape_cast %and3A_82 : vector<16xi32> to vector<16x1xi32>
      %gather3A_2318 = vector.shape_cast %broadcast_in_dim3A_2317 : vector<16x1xi32> to vector<16xi32>
      %gather3A_2319 = tpu.dynamic_gather %add3A_2316[%gather3A_2318] in [0] : vector<16xf32>, vector<16xi32> -> vector<16xf32>
      %add3A_2320 = arith.addf %add3A_2316, %gather3A_2319 : vector<16xf32>
      %broadcast_in_dim3A_2321 = vector.shape_cast %and3A_88 : vector<16xi32> to vector<16x1xi32>
      %gather3A_2322 = vector.shape_cast %broadcast_in_dim3A_2321 : vector<16x1xi32> to vector<16xi32>
      %gather3A_2323 = tpu.dynamic_gather %add3A_2320[%gather3A_2322] in [0] : vector<16xf32>, vector<16xi32> -> vector<16xf32>
      %add3A_2324 = arith.addf %add3A_2320, %gather3A_2323 : vector<16xf32>
      %mul3A_2325 = arith.mulf %get3A_2268, %get3A_2268 : vector<16xf32>
      %add3A_2326 = arith.constant 0.000000e+00 : f32
      %add3A_2327 = vector.broadcast %add3A_2326 : f32 to vector<16xf32>
      %add3A_2328 = arith.addf %add3A_2327, %mul3A_2325 : vector<16xf32>
      %mul3A_2329 = arith.mulf %get3A_2272, %get3A_2272 : vector<16xf32>
      %add3A_2330 = arith.addf %add3A_2328, %mul3A_2329 : vector<16xf32>
      %broadcast_in_dim3A_2331 = vector.shape_cast %and3A_70 : vector<16xi32> to vector<16x1xi32>
      %gather3A_2332 = vector.shape_cast %broadcast_in_dim3A_2331 : vector<16x1xi32> to vector<16xi32>
      %gather3A_2333 = tpu.dynamic_gather %add3A_2330[%gather3A_2332] in [0] : vector<16xf32>, vector<16xi32> -> vector<16xf32>
      %add3A_2334 = arith.addf %add3A_2330, %gather3A_2333 : vector<16xf32>
      %broadcast_in_dim3A_2335 = vector.shape_cast %and3A_76 : vector<16xi32> to vector<16x1xi32>
      %gather3A_2336 = vector.shape_cast %broadcast_in_dim3A_2335 : vector<16x1xi32> to vector<16xi32>
      %gather3A_2337 = tpu.dynamic_gather %add3A_2334[%gather3A_2336] in [0] : vector<16xf32>, vector<16xi32> -> vector<16xf32>
      %add3A_2338 = arith.addf %add3A_2334, %gather3A_2337 : vector<16xf32>
      %broadcast_in_dim3A_2339 = vector.shape_cast %and3A_82 : vector<16xi32> to vector<16x1xi32>
      %gather3A_2340 = vector.shape_cast %broadcast_in_dim3A_2339 : vector<16x1xi32> to vector<16xi32>
      %gather3A_2341 = tpu.dynamic_gather %add3A_2338[%gather3A_2340] in [0] : vector<16xf32>, vector<16xi32> -> vector<16xf32>
      %add3A_2342 = arith.addf %add3A_2338, %gather3A_2341 : vector<16xf32>
      %broadcast_in_dim3A_2343 = vector.shape_cast %and3A_88 : vector<16xi32> to vector<16x1xi32>
      %gather3A_2344 = vector.shape_cast %broadcast_in_dim3A_2343 : vector<16x1xi32> to vector<16xi32>
      %gather3A_2345 = tpu.dynamic_gather %add3A_2342[%gather3A_2344] in [0] : vector<16xf32>, vector<16xi32> -> vector<16xf32>
      %add3A_2346 = arith.addf %add3A_2342, %gather3A_2345 : vector<16xf32>
      %mul3A_2347 = arith.mulf %get3A_2260, %get3A_2268 : vector<16xf32>
      %add3A_2348 = arith.constant 0.000000e+00 : f32
      %add3A_2349 = vector.broadcast %add3A_2348 : f32 to vector<16xf32>
      %add3A_2350 = arith.addf %add3A_2349, %mul3A_2347 : vector<16xf32>
      %mul3A_2351 = arith.mulf %get3A_2264, %get3A_2272 : vector<16xf32>
      %add3A_2352 = arith.addf %add3A_2350, %mul3A_2351 : vector<16xf32>
      %broadcast_in_dim3A_2353 = vector.shape_cast %and3A_70 : vector<16xi32> to vector<16x1xi32>
      %gather3A_2354 = vector.shape_cast %broadcast_in_dim3A_2353 : vector<16x1xi32> to vector<16xi32>
      %gather3A_2355 = tpu.dynamic_gather %add3A_2352[%gather3A_2354] in [0] : vector<16xf32>, vector<16xi32> -> vector<16xf32>
      %add3A_2356 = arith.addf %add3A_2352, %gather3A_2355 : vector<16xf32>
      %broadcast_in_dim3A_2357 = vector.shape_cast %and3A_76 : vector<16xi32> to vector<16x1xi32>
      %gather3A_2358 = vector.shape_cast %broadcast_in_dim3A_2357 : vector<16x1xi32> to vector<16xi32>
      %gather3A_2359 = tpu.dynamic_gather %add3A_2356[%gather3A_2358] in [0] : vector<16xf32>, vector<16xi32> -> vector<16xf32>
      %add3A_2360 = arith.addf %add3A_2356, %gather3A_2359 : vector<16xf32>
      %broadcast_in_dim3A_2361 = vector.shape_cast %and3A_82 : vector<16xi32> to vector<16x1xi32>
      %gather3A_2362 = vector.shape_cast %broadcast_in_dim3A_2361 : vector<16x1xi32> to vector<16xi32>
      %gather3A_2363 = tpu.dynamic_gather %add3A_2360[%gather3A_2362] in [0] : vector<16xf32>, vector<16xi32> -> vector<16xf32>
      %add3A_2364 = arith.addf %add3A_2360, %gather3A_2363 : vector<16xf32>
      %broadcast_in_dim3A_2365 = vector.shape_cast %and3A_88 : vector<16xi32> to vector<16x1xi32>
      %gather3A_2366 = vector.shape_cast %broadcast_in_dim3A_2365 : vector<16x1xi32> to vector<16xi32>
      %gather3A_2367 = tpu.dynamic_gather %add3A_2364[%gather3A_2366] in [0] : vector<16xf32>, vector<16xi32> -> vector<16xf32>
      %add3A_2368 = arith.addf %add3A_2364, %gather3A_2367 : vector<16xf32>
      %mul3A_2369 = arith.mulf %get3A_2260, %get3A_2276 : vector<16xf32>
      %add3A_2370 = arith.constant 0.000000e+00 : f32
      %add3A_2371 = vector.broadcast %add3A_2370 : f32 to vector<16xf32>
      %add3A_2372 = arith.addf %add3A_2371, %mul3A_2369 : vector<16xf32>
      %mul3A_2373 = arith.mulf %get3A_2264, %get3A_2280 : vector<16xf32>
      %add3A_2374 = arith.addf %add3A_2372, %mul3A_2373 : vector<16xf32>
      %broadcast_in_dim3A_2375 = vector.shape_cast %and3A_70 : vector<16xi32> to vector<16x1xi32>
      %gather3A_2376 = vector.shape_cast %broadcast_in_dim3A_2375 : vector<16x1xi32> to vector<16xi32>
      %gather3A_2377 = tpu.dynamic_gather %add3A_2374[%gather3A_2376] in [0] : vector<16xf32>, vector<16xi32> -> vector<16xf32>
      %add3A_2378 = arith.addf %add3A_2374, %gather3A_2377 : vector<16xf32>
      %broadcast_in_dim3A_2379 = vector.shape_cast %and3A_76 : vector<16xi32> to vector<16x1xi32>
      %gather3A_2380 = vector.shape_cast %broadcast_in_dim3A_2379 : vector<16x1xi32> to vector<16xi32>
      %gather3A_2381 = tpu.dynamic_gather %add3A_2378[%gather3A_2380] in [0] : vector<16xf32>, vector<16xi32> -> vector<16xf32>
      %add3A_2382 = arith.addf %add3A_2378, %gather3A_2381 : vector<16xf32>
      %broadcast_in_dim3A_2383 = vector.shape_cast %and3A_82 : vector<16xi32> to vector<16x1xi32>
      %gather3A_2384 = vector.shape_cast %broadcast_in_dim3A_2383 : vector<16x1xi32> to vector<16xi32>
      %gather3A_2385 = tpu.dynamic_gather %add3A_2382[%gather3A_2384] in [0] : vector<16xf32>, vector<16xi32> -> vector<16xf32>
      %add3A_2386 = arith.addf %add3A_2382, %gather3A_2385 : vector<16xf32>
      %broadcast_in_dim3A_2387 = vector.shape_cast %and3A_88 : vector<16xi32> to vector<16x1xi32>
      %gather3A_2388 = vector.shape_cast %broadcast_in_dim3A_2387 : vector<16x1xi32> to vector<16xi32>
      %gather3A_2389 = tpu.dynamic_gather %add3A_2386[%gather3A_2388] in [0] : vector<16xf32>, vector<16xi32> -> vector<16xf32>
      %add3A_2390 = arith.addf %add3A_2386, %gather3A_2389 : vector<16xf32>
      %mul3A_2391 = arith.mulf %get3A_2268, %get3A_2276 : vector<16xf32>
      %add3A_2392 = arith.constant 0.000000e+00 : f32
      %add3A_2393 = vector.broadcast %add3A_2392 : f32 to vector<16xf32>
      %add3A_2394 = arith.addf %add3A_2393, %mul3A_2391 : vector<16xf32>
      %mul3A_2395 = arith.mulf %get3A_2272, %get3A_2280 : vector<16xf32>
      %add3A_2396 = arith.addf %add3A_2394, %mul3A_2395 : vector<16xf32>
      %broadcast_in_dim3A_2397 = vector.shape_cast %and3A_70 : vector<16xi32> to vector<16x1xi32>
      %gather3A_2398 = vector.shape_cast %broadcast_in_dim3A_2397 : vector<16x1xi32> to vector<16xi32>
      %gather3A_2399 = tpu.dynamic_gather %add3A_2396[%gather3A_2398] in [0] : vector<16xf32>, vector<16xi32> -> vector<16xf32>
      %add3A_2400 = arith.addf %add3A_2396, %gather3A_2399 : vector<16xf32>
      %broadcast_in_dim3A_2401 = vector.shape_cast %and3A_76 : vector<16xi32> to vector<16x1xi32>
      %gather3A_2402 = vector.shape_cast %broadcast_in_dim3A_2401 : vector<16x1xi32> to vector<16xi32>
      %gather3A_2403 = tpu.dynamic_gather %add3A_2400[%gather3A_2402] in [0] : vector<16xf32>, vector<16xi32> -> vector<16xf32>
      %add3A_2404 = arith.addf %add3A_2400, %gather3A_2403 : vector<16xf32>
      %broadcast_in_dim3A_2405 = vector.shape_cast %and3A_82 : vector<16xi32> to vector<16x1xi32>
      %gather3A_2406 = vector.shape_cast %broadcast_in_dim3A_2405 : vector<16x1xi32> to vector<16xi32>
      %gather3A_2407 = tpu.dynamic_gather %add3A_2404[%gather3A_2406] in [0] : vector<16xf32>, vector<16xi32> -> vector<16xf32>
      %add3A_2408 = arith.addf %add3A_2404, %gather3A_2407 : vector<16xf32>
      %broadcast_in_dim3A_2409 = vector.shape_cast %and3A_88 : vector<16xi32> to vector<16x1xi32>
      %gather3A_2410 = vector.shape_cast %broadcast_in_dim3A_2409 : vector<16x1xi32> to vector<16xi32>
      %gather3A_2411 = tpu.dynamic_gather %add3A_2408[%gather3A_2410] in [0] : vector<16xf32>, vector<16xi32> -> vector<16xf32>
      %add3A_2412 = arith.addf %add3A_2408, %gather3A_2411 : vector<16xf32>
      %select_n3A_2413 = arith.select %eq3A_59, %add3A_2302, %select_n3A_2247 : vector<16xi1>, vector<16xf32>
      %select_n3A_2414 = arith.select %eq3A_59, %add3A_2324, %select_n3A_2248 : vector<16xi1>, vector<16xf32>
      %select_n3A_2415 = arith.select %eq3A_59, %add3A_2346, %select_n3A_2249 : vector<16xi1>, vector<16xf32>
      %select_n3A_2416 = arith.select %eq3A_59, %add3A_2368, %select_n3A_2250 : vector<16xi1>, vector<16xf32>
      %select_n3A_2417 = arith.select %eq3A_59, %add3A_2390, %select_n3A_2251 : vector<16xi1>, vector<16xf32>
      %select_n3A_2418 = arith.select %eq3A_59, %add3A_2412, %select_n3A_2252 : vector<16xi1>, vector<16xf32>
      %mul3A_2419 = arith.constant 16 : i32
      %mul3A_2420 = arith.muli %scan3A_95, %mul3A_2419 : i32
      %add3A_2421 = arith.constant 14 : i32
      %add3A_2422 = arith.addi %mul3A_2420, %add3A_2421 : i32
      %get3A_2423 = arith.index_cast %add3A_2422 : i32 to index
      %get3A_2424 = arith.constant 0 : index
      %get3A_2425 = tpu.vector_load %arg11[%get3A_2423, %get3A_2424] {strides = array<i32>} : memref<512x32xf32, #tpu.memory_space<vmem>>, vector<1x16xf32>,
      %get3A_2426 = vector.shape_cast %get3A_2425 : vector<1x16xf32> to vector<16xf32>
      %get3A_2427 = arith.index_cast %add3A_2422 : i32 to index
      %get3A_2428 = arith.constant 16 : index
      %get3A_2429 = tpu.vector_load %arg11[%get3A_2427, %get3A_2428] {strides = array<i32>} : memref<512x32xf32, #tpu.memory_space<vmem>>, vector<1x16xf32>,
      %get3A_2430 = vector.shape_cast %get3A_2429 : vector<1x16xf32> to vector<16xf32>
      %get3A_2431 = arith.index_cast %add3A_2422 : i32 to index
      %get3A_2432 = arith.constant 0 : index
      %get3A_2433 = tpu.vector_load %arg12[%get3A_2431, %get3A_2432] {strides = array<i32>} : memref<512x32xf32, #tpu.memory_space<vmem>>, vector<1x16xf32>,
      %get3A_2434 = vector.shape_cast %get3A_2433 : vector<1x16xf32> to vector<16xf32>
      %get3A_2435 = arith.index_cast %add3A_2422 : i32 to index
      %get3A_2436 = arith.constant 16 : index
      %get3A_2437 = tpu.vector_load %arg12[%get3A_2435, %get3A_2436] {strides = array<i32>} : memref<512x32xf32, #tpu.memory_space<vmem>>, vector<1x16xf32>,
      %get3A_2438 = vector.shape_cast %get3A_2437 : vector<1x16xf32> to vector<16xf32>
      %get3A_2439 = arith.index_cast %add3A_2422 : i32 to index
      %get3A_2440 = arith.constant 0 : index
      %get3A_2441 = tpu.vector_load %arg13[%get3A_2439, %get3A_2440] {strides = array<i32>} : memref<512x32xf32, #tpu.memory_space<vmem>>, vector<1x16xf32>,
      %get3A_2442 = vector.shape_cast %get3A_2441 : vector<1x16xf32> to vector<16xf32>
      %get3A_2443 = arith.index_cast %add3A_2422 : i32 to index
      %get3A_2444 = arith.constant 16 : index
      %get3A_2445 = tpu.vector_load %arg13[%get3A_2443, %get3A_2444] {strides = array<i32>} : memref<512x32xf32, #tpu.memory_space<vmem>>, vector<1x16xf32>,
      %get3A_2446 = vector.shape_cast %get3A_2445 : vector<1x16xf32> to vector<16xf32>
      %mul3A_2447 = arith.mulf %get3A_2426, %get3A_2426 : vector<16xf32>
      %add3A_2448 = arith.constant 0.000000e+00 : f32
      %add3A_2449 = vector.broadcast %add3A_2448 : f32 to vector<16xf32>
      %add3A_2450 = arith.addf %add3A_2449, %mul3A_2447 : vector<16xf32>
      %mul3A_2451 = arith.mulf %get3A_2430, %get3A_2430 : vector<16xf32>
      %add3A_2452 = arith.addf %add3A_2450, %mul3A_2451 : vector<16xf32>
      %broadcast_in_dim3A_2453 = vector.shape_cast %and3A_70 : vector<16xi32> to vector<16x1xi32>
      %gather3A_2454 = vector.shape_cast %broadcast_in_dim3A_2453 : vector<16x1xi32> to vector<16xi32>
      %gather3A_2455 = tpu.dynamic_gather %add3A_2452[%gather3A_2454] in [0] : vector<16xf32>, vector<16xi32> -> vector<16xf32>
      %add3A_2456 = arith.addf %add3A_2452, %gather3A_2455 : vector<16xf32>
      %broadcast_in_dim3A_2457 = vector.shape_cast %and3A_76 : vector<16xi32> to vector<16x1xi32>
      %gather3A_2458 = vector.shape_cast %broadcast_in_dim3A_2457 : vector<16x1xi32> to vector<16xi32>
      %gather3A_2459 = tpu.dynamic_gather %add3A_2456[%gather3A_2458] in [0] : vector<16xf32>, vector<16xi32> -> vector<16xf32>
      %add3A_2460 = arith.addf %add3A_2456, %gather3A_2459 : vector<16xf32>
      %broadcast_in_dim3A_2461 = vector.shape_cast %and3A_82 : vector<16xi32> to vector<16x1xi32>
      %gather3A_2462 = vector.shape_cast %broadcast_in_dim3A_2461 : vector<16x1xi32> to vector<16xi32>
      %gather3A_2463 = tpu.dynamic_gather %add3A_2460[%gather3A_2462] in [0] : vector<16xf32>, vector<16xi32> -> vector<16xf32>
      %add3A_2464 = arith.addf %add3A_2460, %gather3A_2463 : vector<16xf32>
      %broadcast_in_dim3A_2465 = vector.shape_cast %and3A_88 : vector<16xi32> to vector<16x1xi32>
      %gather3A_2466 = vector.shape_cast %broadcast_in_dim3A_2465 : vector<16x1xi32> to vector<16xi32>
      %gather3A_2467 = tpu.dynamic_gather %add3A_2464[%gather3A_2466] in [0] : vector<16xf32>, vector<16xi32> -> vector<16xf32>
      %add3A_2468 = arith.addf %add3A_2464, %gather3A_2467 : vector<16xf32>
      %mul3A_2469 = arith.mulf %get3A_2442, %get3A_2442 : vector<16xf32>
      %add3A_2470 = arith.constant 0.000000e+00 : f32
      %add3A_2471 = vector.broadcast %add3A_2470 : f32 to vector<16xf32>
      %add3A_2472 = arith.addf %add3A_2471, %mul3A_2469 : vector<16xf32>
      %mul3A_2473 = arith.mulf %get3A_2446, %get3A_2446 : vector<16xf32>
      %add3A_2474 = arith.addf %add3A_2472, %mul3A_2473 : vector<16xf32>
      %broadcast_in_dim3A_2475 = vector.shape_cast %and3A_70 : vector<16xi32> to vector<16x1xi32>
      %gather3A_2476 = vector.shape_cast %broadcast_in_dim3A_2475 : vector<16x1xi32> to vector<16xi32>
      %gather3A_2477 = tpu.dynamic_gather %add3A_2474[%gather3A_2476] in [0] : vector<16xf32>, vector<16xi32> -> vector<16xf32>
      %add3A_2478 = arith.addf %add3A_2474, %gather3A_2477 : vector<16xf32>
      %broadcast_in_dim3A_2479 = vector.shape_cast %and3A_76 : vector<16xi32> to vector<16x1xi32>
      %gather3A_2480 = vector.shape_cast %broadcast_in_dim3A_2479 : vector<16x1xi32> to vector<16xi32>
      %gather3A_2481 = tpu.dynamic_gather %add3A_2478[%gather3A_2480] in [0] : vector<16xf32>, vector<16xi32> -> vector<16xf32>
      %add3A_2482 = arith.addf %add3A_2478, %gather3A_2481 : vector<16xf32>
      %broadcast_in_dim3A_2483 = vector.shape_cast %and3A_82 : vector<16xi32> to vector<16x1xi32>
      %gather3A_2484 = vector.shape_cast %broadcast_in_dim3A_2483 : vector<16x1xi32> to vector<16xi32>
      %gather3A_2485 = tpu.dynamic_gather %add3A_2482[%gather3A_2484] in [0] : vector<16xf32>, vector<16xi32> -> vector<16xf32>
      %add3A_2486 = arith.addf %add3A_2482, %gather3A_2485 : vector<16xf32>
      %broadcast_in_dim3A_2487 = vector.shape_cast %and3A_88 : vector<16xi32> to vector<16x1xi32>
      %gather3A_2488 = vector.shape_cast %broadcast_in_dim3A_2487 : vector<16x1xi32> to vector<16xi32>
      %gather3A_2489 = tpu.dynamic_gather %add3A_2486[%gather3A_2488] in [0] : vector<16xf32>, vector<16xi32> -> vector<16xf32>
      %add3A_2490 = arith.addf %add3A_2486, %gather3A_2489 : vector<16xf32>
      %mul3A_2491 = arith.mulf %get3A_2434, %get3A_2434 : vector<16xf32>
      %add3A_2492 = arith.constant 0.000000e+00 : f32
      %add3A_2493 = vector.broadcast %add3A_2492 : f32 to vector<16xf32>
      %add3A_2494 = arith.addf %add3A_2493, %mul3A_2491 : vector<16xf32>
      %mul3A_2495 = arith.mulf %get3A_2438, %get3A_2438 : vector<16xf32>
      %add3A_2496 = arith.addf %add3A_2494, %mul3A_2495 : vector<16xf32>
      %broadcast_in_dim3A_2497 = vector.shape_cast %and3A_70 : vector<16xi32> to vector<16x1xi32>
      %gather3A_2498 = vector.shape_cast %broadcast_in_dim3A_2497 : vector<16x1xi32> to vector<16xi32>
      %gather3A_2499 = tpu.dynamic_gather %add3A_2496[%gather3A_2498] in [0] : vector<16xf32>, vector<16xi32> -> vector<16xf32>
      %add3A_2500 = arith.addf %add3A_2496, %gather3A_2499 : vector<16xf32>
      %broadcast_in_dim3A_2501 = vector.shape_cast %and3A_76 : vector<16xi32> to vector<16x1xi32>
      %gather3A_2502 = vector.shape_cast %broadcast_in_dim3A_2501 : vector<16x1xi32> to vector<16xi32>
      %gather3A_2503 = tpu.dynamic_gather %add3A_2500[%gather3A_2502] in [0] : vector<16xf32>, vector<16xi32> -> vector<16xf32>
      %add3A_2504 = arith.addf %add3A_2500, %gather3A_2503 : vector<16xf32>
      %broadcast_in_dim3A_2505 = vector.shape_cast %and3A_82 : vector<16xi32> to vector<16x1xi32>
      %gather3A_2506 = vector.shape_cast %broadcast_in_dim3A_2505 : vector<16x1xi32> to vector<16xi32>
      %gather3A_2507 = tpu.dynamic_gather %add3A_2504[%gather3A_2506] in [0] : vector<16xf32>, vector<16xi32> -> vector<16xf32>
      %add3A_2508 = arith.addf %add3A_2504, %gather3A_2507 : vector<16xf32>
      %broadcast_in_dim3A_2509 = vector.shape_cast %and3A_88 : vector<16xi32> to vector<16x1xi32>
      %gather3A_2510 = vector.shape_cast %broadcast_in_dim3A_2509 : vector<16x1xi32> to vector<16xi32>
      %gather3A_2511 = tpu.dynamic_gather %add3A_2508[%gather3A_2510] in [0] : vector<16xf32>, vector<16xi32> -> vector<16xf32>
      %add3A_2512 = arith.addf %add3A_2508, %gather3A_2511 : vector<16xf32>
      %mul3A_2513 = arith.mulf %get3A_2426, %get3A_2434 : vector<16xf32>
      %add3A_2514 = arith.constant 0.000000e+00 : f32
      %add3A_2515 = vector.broadcast %add3A_2514 : f32 to vector<16xf32>
      %add3A_2516 = arith.addf %add3A_2515, %mul3A_2513 : vector<16xf32>
      %mul3A_2517 = arith.mulf %get3A_2430, %get3A_2438 : vector<16xf32>
      %add3A_2518 = arith.addf %add3A_2516, %mul3A_2517 : vector<16xf32>
      %broadcast_in_dim3A_2519 = vector.shape_cast %and3A_70 : vector<16xi32> to vector<16x1xi32>
      %gather3A_2520 = vector.shape_cast %broadcast_in_dim3A_2519 : vector<16x1xi32> to vector<16xi32>
      %gather3A_2521 = tpu.dynamic_gather %add3A_2518[%gather3A_2520] in [0] : vector<16xf32>, vector<16xi32> -> vector<16xf32>
      %add3A_2522 = arith.addf %add3A_2518, %gather3A_2521 : vector<16xf32>
      %broadcast_in_dim3A_2523 = vector.shape_cast %and3A_76 : vector<16xi32> to vector<16x1xi32>
      %gather3A_2524 = vector.shape_cast %broadcast_in_dim3A_2523 : vector<16x1xi32> to vector<16xi32>
      %gather3A_2525 = tpu.dynamic_gather %add3A_2522[%gather3A_2524] in [0] : vector<16xf32>, vector<16xi32> -> vector<16xf32>
      %add3A_2526 = arith.addf %add3A_2522, %gather3A_2525 : vector<16xf32>
      %broadcast_in_dim3A_2527 = vector.shape_cast %and3A_82 : vector<16xi32> to vector<16x1xi32>
      %gather3A_2528 = vector.shape_cast %broadcast_in_dim3A_2527 : vector<16x1xi32> to vector<16xi32>
      %gather3A_2529 = tpu.dynamic_gather %add3A_2526[%gather3A_2528] in [0] : vector<16xf32>, vector<16xi32> -> vector<16xf32>
      %add3A_2530 = arith.addf %add3A_2526, %gather3A_2529 : vector<16xf32>
      %broadcast_in_dim3A_2531 = vector.shape_cast %and3A_88 : vector<16xi32> to vector<16x1xi32>
      %gather3A_2532 = vector.shape_cast %broadcast_in_dim3A_2531 : vector<16x1xi32> to vector<16xi32>
      %gather3A_2533 = tpu.dynamic_gather %add3A_2530[%gather3A_2532] in [0] : vector<16xf32>, vector<16xi32> -> vector<16xf32>
      %add3A_2534 = arith.addf %add3A_2530, %gather3A_2533 : vector<16xf32>
      %mul3A_2535 = arith.mulf %get3A_2426, %get3A_2442 : vector<16xf32>
      %add3A_2536 = arith.constant 0.000000e+00 : f32
      %add3A_2537 = vector.broadcast %add3A_2536 : f32 to vector<16xf32>
      %add3A_2538 = arith.addf %add3A_2537, %mul3A_2535 : vector<16xf32>
      %mul3A_2539 = arith.mulf %get3A_2430, %get3A_2446 : vector<16xf32>
      %add3A_2540 = arith.addf %add3A_2538, %mul3A_2539 : vector<16xf32>
      %broadcast_in_dim3A_2541 = vector.shape_cast %and3A_70 : vector<16xi32> to vector<16x1xi32>
      %gather3A_2542 = vector.shape_cast %broadcast_in_dim3A_2541 : vector<16x1xi32> to vector<16xi32>
      %gather3A_2543 = tpu.dynamic_gather %add3A_2540[%gather3A_2542] in [0] : vector<16xf32>, vector<16xi32> -> vector<16xf32>
      %add3A_2544 = arith.addf %add3A_2540, %gather3A_2543 : vector<16xf32>
      %broadcast_in_dim3A_2545 = vector.shape_cast %and3A_76 : vector<16xi32> to vector<16x1xi32>
      %gather3A_2546 = vector.shape_cast %broadcast_in_dim3A_2545 : vector<16x1xi32> to vector<16xi32>
      %gather3A_2547 = tpu.dynamic_gather %add3A_2544[%gather3A_2546] in [0] : vector<16xf32>, vector<16xi32> -> vector<16xf32>
      %add3A_2548 = arith.addf %add3A_2544, %gather3A_2547 : vector<16xf32>
      %broadcast_in_dim3A_2549 = vector.shape_cast %and3A_82 : vector<16xi32> to vector<16x1xi32>
      %gather3A_2550 = vector.shape_cast %broadcast_in_dim3A_2549 : vector<16x1xi32> to vector<16xi32>
      %gather3A_2551 = tpu.dynamic_gather %add3A_2548[%gather3A_2550] in [0] : vector<16xf32>, vector<16xi32> -> vector<16xf32>
      %add3A_2552 = arith.addf %add3A_2548, %gather3A_2551 : vector<16xf32>
      %broadcast_in_dim3A_2553 = vector.shape_cast %and3A_88 : vector<16xi32> to vector<16x1xi32>
      %gather3A_2554 = vector.shape_cast %broadcast_in_dim3A_2553 : vector<16x1xi32> to vector<16xi32>
      %gather3A_2555 = tpu.dynamic_gather %add3A_2552[%gather3A_2554] in [0] : vector<16xf32>, vector<16xi32> -> vector<16xf32>
      %add3A_2556 = arith.addf %add3A_2552, %gather3A_2555 : vector<16xf32>
      %mul3A_2557 = arith.mulf %get3A_2434, %get3A_2442 : vector<16xf32>
      %add3A_2558 = arith.constant 0.000000e+00 : f32
      %add3A_2559 = vector.broadcast %add3A_2558 : f32 to vector<16xf32>
      %add3A_2560 = arith.addf %add3A_2559, %mul3A_2557 : vector<16xf32>
      %mul3A_2561 = arith.mulf %get3A_2438, %get3A_2446 : vector<16xf32>
      %add3A_2562 = arith.addf %add3A_2560, %mul3A_2561 : vector<16xf32>
      %broadcast_in_dim3A_2563 = vector.shape_cast %and3A_70 : vector<16xi32> to vector<16x1xi32>
      %gather3A_2564 = vector.shape_cast %broadcast_in_dim3A_2563 : vector<16x1xi32> to vector<16xi32>
      %gather3A_2565 = tpu.dynamic_gather %add3A_2562[%gather3A_2564] in [0] : vector<16xf32>, vector<16xi32> -> vector<16xf32>
      %add3A_2566 = arith.addf %add3A_2562, %gather3A_2565 : vector<16xf32>
      %broadcast_in_dim3A_2567 = vector.shape_cast %and3A_76 : vector<16xi32> to vector<16x1xi32>
      %gather3A_2568 = vector.shape_cast %broadcast_in_dim3A_2567 : vector<16x1xi32> to vector<16xi32>
      %gather3A_2569 = tpu.dynamic_gather %add3A_2566[%gather3A_2568] in [0] : vector<16xf32>, vector<16xi32> -> vector<16xf32>
      %add3A_2570 = arith.addf %add3A_2566, %gather3A_2569 : vector<16xf32>
      %broadcast_in_dim3A_2571 = vector.shape_cast %and3A_82 : vector<16xi32> to vector<16x1xi32>
      %gather3A_2572 = vector.shape_cast %broadcast_in_dim3A_2571 : vector<16x1xi32> to vector<16xi32>
      %gather3A_2573 = tpu.dynamic_gather %add3A_2570[%gather3A_2572] in [0] : vector<16xf32>, vector<16xi32> -> vector<16xf32>
      %add3A_2574 = arith.addf %add3A_2570, %gather3A_2573 : vector<16xf32>
      %broadcast_in_dim3A_2575 = vector.shape_cast %and3A_88 : vector<16xi32> to vector<16x1xi32>
      %gather3A_2576 = vector.shape_cast %broadcast_in_dim3A_2575 : vector<16x1xi32> to vector<16xi32>
      %gather3A_2577 = tpu.dynamic_gather %add3A_2574[%gather3A_2576] in [0] : vector<16xf32>, vector<16xi32> -> vector<16xf32>
      %add3A_2578 = arith.addf %add3A_2574, %gather3A_2577 : vector<16xf32>
      %select_n3A_2579 = arith.select %eq3A_62, %add3A_2468, %select_n3A_2413 : vector<16xi1>, vector<16xf32>
      %select_n3A_2580 = arith.select %eq3A_62, %add3A_2490, %select_n3A_2414 : vector<16xi1>, vector<16xf32>
      %select_n3A_2581 = arith.select %eq3A_62, %add3A_2512, %select_n3A_2415 : vector<16xi1>, vector<16xf32>
      %select_n3A_2582 = arith.select %eq3A_62, %add3A_2534, %select_n3A_2416 : vector<16xi1>, vector<16xf32>
      %select_n3A_2583 = arith.select %eq3A_62, %add3A_2556, %select_n3A_2417 : vector<16xi1>, vector<16xf32>
      %select_n3A_2584 = arith.select %eq3A_62, %add3A_2578, %select_n3A_2418 : vector<16xi1>, vector<16xf32>
      %mul3A_2585 = arith.constant 16 : i32
      %mul3A_2586 = arith.muli %scan3A_95, %mul3A_2585 : i32
      %add3A_2587 = arith.constant 15 : i32
      %add3A_2588 = arith.addi %mul3A_2586, %add3A_2587 : i32
      %get3A_2589 = arith.index_cast %add3A_2588 : i32 to index
      %get3A_2590 = arith.constant 0 : index
      %get3A_2591 = tpu.vector_load %arg11[%get3A_2589, %get3A_2590] {strides = array<i32>} : memref<512x32xf32, #tpu.memory_space<vmem>>, vector<1x16xf32>,
      %get3A_2592 = vector.shape_cast %get3A_2591 : vector<1x16xf32> to vector<16xf32>
      %get3A_2593 = arith.index_cast %add3A_2588 : i32 to index
      %get3A_2594 = arith.constant 16 : index
      %get3A_2595 = tpu.vector_load %arg11[%get3A_2593, %get3A_2594] {strides = array<i32>} : memref<512x32xf32, #tpu.memory_space<vmem>>, vector<1x16xf32>,
      %get3A_2596 = vector.shape_cast %get3A_2595 : vector<1x16xf32> to vector<16xf32>
      %get3A_2597 = arith.index_cast %add3A_2588 : i32 to index
      %get3A_2598 = arith.constant 0 : index
      %get3A_2599 = tpu.vector_load %arg12[%get3A_2597, %get3A_2598] {strides = array<i32>} : memref<512x32xf32, #tpu.memory_space<vmem>>, vector<1x16xf32>,
      %get3A_2600 = vector.shape_cast %get3A_2599 : vector<1x16xf32> to vector<16xf32>
      %get3A_2601 = arith.index_cast %add3A_2588 : i32 to index
      %get3A_2602 = arith.constant 16 : index
      %get3A_2603 = tpu.vector_load %arg12[%get3A_2601, %get3A_2602] {strides = array<i32>} : memref<512x32xf32, #tpu.memory_space<vmem>>, vector<1x16xf32>,
      %get3A_2604 = vector.shape_cast %get3A_2603 : vector<1x16xf32> to vector<16xf32>
      %get3A_2605 = arith.index_cast %add3A_2588 : i32 to index
      %get3A_2606 = arith.constant 0 : index
      %get3A_2607 = tpu.vector_load %arg13[%get3A_2605, %get3A_2606] {strides = array<i32>} : memref<512x32xf32, #tpu.memory_space<vmem>>, vector<1x16xf32>,
      %get3A_2608 = vector.shape_cast %get3A_2607 : vector<1x16xf32> to vector<16xf32>
      %get3A_2609 = arith.index_cast %add3A_2588 : i32 to index
      %get3A_2610 = arith.constant 16 : index
      %get3A_2611 = tpu.vector_load %arg13[%get3A_2609, %get3A_2610] {strides = array<i32>} : memref<512x32xf32, #tpu.memory_space<vmem>>, vector<1x16xf32>,
      %get3A_2612 = vector.shape_cast %get3A_2611 : vector<1x16xf32> to vector<16xf32>
      %mul3A_2613 = arith.mulf %get3A_2592, %get3A_2592 : vector<16xf32>
      %add3A_2614 = arith.constant 0.000000e+00 : f32
      %add3A_2615 = vector.broadcast %add3A_2614 : f32 to vector<16xf32>
      %add3A_2616 = arith.addf %add3A_2615, %mul3A_2613 : vector<16xf32>
      %mul3A_2617 = arith.mulf %get3A_2596, %get3A_2596 : vector<16xf32>
      %add3A_2618 = arith.addf %add3A_2616, %mul3A_2617 : vector<16xf32>
      %broadcast_in_dim3A_2619 = vector.shape_cast %and3A_70 : vector<16xi32> to vector<16x1xi32>
      %gather3A_2620 = vector.shape_cast %broadcast_in_dim3A_2619 : vector<16x1xi32> to vector<16xi32>
      %gather3A_2621 = tpu.dynamic_gather %add3A_2618[%gather3A_2620] in [0] : vector<16xf32>, vector<16xi32> -> vector<16xf32>
      %add3A_2622 = arith.addf %add3A_2618, %gather3A_2621 : vector<16xf32>
      %broadcast_in_dim3A_2623 = vector.shape_cast %and3A_76 : vector<16xi32> to vector<16x1xi32>
      %gather3A_2624 = vector.shape_cast %broadcast_in_dim3A_2623 : vector<16x1xi32> to vector<16xi32>
      %gather3A_2625 = tpu.dynamic_gather %add3A_2622[%gather3A_2624] in [0] : vector<16xf32>, vector<16xi32> -> vector<16xf32>
      %add3A_2626 = arith.addf %add3A_2622, %gather3A_2625 : vector<16xf32>
      %broadcast_in_dim3A_2627 = vector.shape_cast %and3A_82 : vector<16xi32> to vector<16x1xi32>
      %gather3A_2628 = vector.shape_cast %broadcast_in_dim3A_2627 : vector<16x1xi32> to vector<16xi32>
      %gather3A_2629 = tpu.dynamic_gather %add3A_2626[%gather3A_2628] in [0] : vector<16xf32>, vector<16xi32> -> vector<16xf32>
      %add3A_2630 = arith.addf %add3A_2626, %gather3A_2629 : vector<16xf32>
      %broadcast_in_dim3A_2631 = vector.shape_cast %and3A_88 : vector<16xi32> to vector<16x1xi32>
      %gather3A_2632 = vector.shape_cast %broadcast_in_dim3A_2631 : vector<16x1xi32> to vector<16xi32>
      %gather3A_2633 = tpu.dynamic_gather %add3A_2630[%gather3A_2632] in [0] : vector<16xf32>, vector<16xi32> -> vector<16xf32>
      %add3A_2634 = arith.addf %add3A_2630, %gather3A_2633 : vector<16xf32>
      %mul3A_2635 = arith.mulf %get3A_2608, %get3A_2608 : vector<16xf32>
      %add3A_2636 = arith.constant 0.000000e+00 : f32
      %add3A_2637 = vector.broadcast %add3A_2636 : f32 to vector<16xf32>
      %add3A_2638 = arith.addf %add3A_2637, %mul3A_2635 : vector<16xf32>
      %mul3A_2639 = arith.mulf %get3A_2612, %get3A_2612 : vector<16xf32>
      %add3A_2640 = arith.addf %add3A_2638, %mul3A_2639 : vector<16xf32>
      %broadcast_in_dim3A_2641 = vector.shape_cast %and3A_70 : vector<16xi32> to vector<16x1xi32>
      %gather3A_2642 = vector.shape_cast %broadcast_in_dim3A_2641 : vector<16x1xi32> to vector<16xi32>
      %gather3A_2643 = tpu.dynamic_gather %add3A_2640[%gather3A_2642] in [0] : vector<16xf32>, vector<16xi32> -> vector<16xf32>
      %add3A_2644 = arith.addf %add3A_2640, %gather3A_2643 : vector<16xf32>
      %broadcast_in_dim3A_2645 = vector.shape_cast %and3A_76 : vector<16xi32> to vector<16x1xi32>
      %gather3A_2646 = vector.shape_cast %broadcast_in_dim3A_2645 : vector<16x1xi32> to vector<16xi32>
      %gather3A_2647 = tpu.dynamic_gather %add3A_2644[%gather3A_2646] in [0] : vector<16xf32>, vector<16xi32> -> vector<16xf32>
      %add3A_2648 = arith.addf %add3A_2644, %gather3A_2647 : vector<16xf32>
      %broadcast_in_dim3A_2649 = vector.shape_cast %and3A_82 : vector<16xi32> to vector<16x1xi32>
      %gather3A_2650 = vector.shape_cast %broadcast_in_dim3A_2649 : vector<16x1xi32> to vector<16xi32>
      %gather3A_2651 = tpu.dynamic_gather %add3A_2648[%gather3A_2650] in [0] : vector<16xf32>, vector<16xi32> -> vector<16xf32>
      %add3A_2652 = arith.addf %add3A_2648, %gather3A_2651 : vector<16xf32>
      %broadcast_in_dim3A_2653 = vector.shape_cast %and3A_88 : vector<16xi32> to vector<16x1xi32>
      %gather3A_2654 = vector.shape_cast %broadcast_in_dim3A_2653 : vector<16x1xi32> to vector<16xi32>
      %gather3A_2655 = tpu.dynamic_gather %add3A_2652[%gather3A_2654] in [0] : vector<16xf32>, vector<16xi32> -> vector<16xf32>
      %add3A_2656 = arith.addf %add3A_2652, %gather3A_2655 : vector<16xf32>
      %mul3A_2657 = arith.mulf %get3A_2600, %get3A_2600 : vector<16xf32>
      %add3A_2658 = arith.constant 0.000000e+00 : f32
      %add3A_2659 = vector.broadcast %add3A_2658 : f32 to vector<16xf32>
      %add3A_2660 = arith.addf %add3A_2659, %mul3A_2657 : vector<16xf32>
      %mul3A_2661 = arith.mulf %get3A_2604, %get3A_2604 : vector<16xf32>
      %add3A_2662 = arith.addf %add3A_2660, %mul3A_2661 : vector<16xf32>
      %broadcast_in_dim3A_2663 = vector.shape_cast %and3A_70 : vector<16xi32> to vector<16x1xi32>
      %gather3A_2664 = vector.shape_cast %broadcast_in_dim3A_2663 : vector<16x1xi32> to vector<16xi32>
      %gather3A_2665 = tpu.dynamic_gather %add3A_2662[%gather3A_2664] in [0] : vector<16xf32>, vector<16xi32> -> vector<16xf32>
      %add3A_2666 = arith.addf %add3A_2662, %gather3A_2665 : vector<16xf32>
      %broadcast_in_dim3A_2667 = vector.shape_cast %and3A_76 : vector<16xi32> to vector<16x1xi32>
      %gather3A_2668 = vector.shape_cast %broadcast_in_dim3A_2667 : vector<16x1xi32> to vector<16xi32>
      %gather3A_2669 = tpu.dynamic_gather %add3A_2666[%gather3A_2668] in [0] : vector<16xf32>, vector<16xi32> -> vector<16xf32>
      %add3A_2670 = arith.addf %add3A_2666, %gather3A_2669 : vector<16xf32>
      %broadcast_in_dim3A_2671 = vector.shape_cast %and3A_82 : vector<16xi32> to vector<16x1xi32>
      %gather3A_2672 = vector.shape_cast %broadcast_in_dim3A_2671 : vector<16x1xi32> to vector<16xi32>
      %gather3A_2673 = tpu.dynamic_gather %add3A_2670[%gather3A_2672] in [0] : vector<16xf32>, vector<16xi32> -> vector<16xf32>
      %add3A_2674 = arith.addf %add3A_2670, %gather3A_2673 : vector<16xf32>
      %broadcast_in_dim3A_2675 = vector.shape_cast %and3A_88 : vector<16xi32> to vector<16x1xi32>
      %gather3A_2676 = vector.shape_cast %broadcast_in_dim3A_2675 : vector<16x1xi32> to vector<16xi32>
      %gather3A_2677 = tpu.dynamic_gather %add3A_2674[%gather3A_2676] in [0] : vector<16xf32>, vector<16xi32> -> vector<16xf32>
      %add3A_2678 = arith.addf %add3A_2674, %gather3A_2677 : vector<16xf32>
      %mul3A_2679 = arith.mulf %get3A_2592, %get3A_2600 : vector<16xf32>
      %add3A_2680 = arith.constant 0.000000e+00 : f32
      %add3A_2681 = vector.broadcast %add3A_2680 : f32 to vector<16xf32>
      %add3A_2682 = arith.addf %add3A_2681, %mul3A_2679 : vector<16xf32>
      %mul3A_2683 = arith.mulf %get3A_2596, %get3A_2604 : vector<16xf32>
      %add3A_2684 = arith.addf %add3A_2682, %mul3A_2683 : vector<16xf32>
      %broadcast_in_dim3A_2685 = vector.shape_cast %and3A_70 : vector<16xi32> to vector<16x1xi32>
      %gather3A_2686 = vector.shape_cast %broadcast_in_dim3A_2685 : vector<16x1xi32> to vector<16xi32>
      %gather3A_2687 = tpu.dynamic_gather %add3A_2684[%gather3A_2686] in [0] : vector<16xf32>, vector<16xi32> -> vector<16xf32>
      %add3A_2688 = arith.addf %add3A_2684, %gather3A_2687 : vector<16xf32>
      %broadcast_in_dim3A_2689 = vector.shape_cast %and3A_76 : vector<16xi32> to vector<16x1xi32>
      %gather3A_2690 = vector.shape_cast %broadcast_in_dim3A_2689 : vector<16x1xi32> to vector<16xi32>
      %gather3A_2691 = tpu.dynamic_gather %add3A_2688[%gather3A_2690] in [0] : vector<16xf32>, vector<16xi32> -> vector<16xf32>
      %add3A_2692 = arith.addf %add3A_2688, %gather3A_2691 : vector<16xf32>
      %broadcast_in_dim3A_2693 = vector.shape_cast %and3A_82 : vector<16xi32> to vector<16x1xi32>
      %gather3A_2694 = vector.shape_cast %broadcast_in_dim3A_2693 : vector<16x1xi32> to vector<16xi32>
      %gather3A_2695 = tpu.dynamic_gather %add3A_2692[%gather3A_2694] in [0] : vector<16xf32>, vector<16xi32> -> vector<16xf32>
      %add3A_2696 = arith.addf %add3A_2692, %gather3A_2695 : vector<16xf32>
      %broadcast_in_dim3A_2697 = vector.shape_cast %and3A_88 : vector<16xi32> to vector<16x1xi32>
      %gather3A_2698 = vector.shape_cast %broadcast_in_dim3A_2697 : vector<16x1xi32> to vector<16xi32>
      %gather3A_2699 = tpu.dynamic_gather %add3A_2696[%gather3A_2698] in [0] : vector<16xf32>, vector<16xi32> -> vector<16xf32>
      %add3A_2700 = arith.addf %add3A_2696, %gather3A_2699 : vector<16xf32>
      %mul3A_2701 = arith.mulf %get3A_2592, %get3A_2608 : vector<16xf32>
      %add3A_2702 = arith.constant 0.000000e+00 : f32
      %add3A_2703 = vector.broadcast %add3A_2702 : f32 to vector<16xf32>
      %add3A_2704 = arith.addf %add3A_2703, %mul3A_2701 : vector<16xf32>
      %mul3A_2705 = arith.mulf %get3A_2596, %get3A_2612 : vector<16xf32>
      %add3A_2706 = arith.addf %add3A_2704, %mul3A_2705 : vector<16xf32>
      %broadcast_in_dim3A_2707 = vector.shape_cast %and3A_70 : vector<16xi32> to vector<16x1xi32>
      %gather3A_2708 = vector.shape_cast %broadcast_in_dim3A_2707 : vector<16x1xi32> to vector<16xi32>
      %gather3A_2709 = tpu.dynamic_gather %add3A_2706[%gather3A_2708] in [0] : vector<16xf32>, vector<16xi32> -> vector<16xf32>
      %add3A_2710 = arith.addf %add3A_2706, %gather3A_2709 : vector<16xf32>
      %broadcast_in_dim3A_2711 = vector.shape_cast %and3A_76 : vector<16xi32> to vector<16x1xi32>
      %gather3A_2712 = vector.shape_cast %broadcast_in_dim3A_2711 : vector<16x1xi32> to vector<16xi32>
      %gather3A_2713 = tpu.dynamic_gather %add3A_2710[%gather3A_2712] in [0] : vector<16xf32>, vector<16xi32> -> vector<16xf32>
      %add3A_2714 = arith.addf %add3A_2710, %gather3A_2713 : vector<16xf32>
      %broadcast_in_dim3A_2715 = vector.shape_cast %and3A_82 : vector<16xi32> to vector<16x1xi32>
      %gather3A_2716 = vector.shape_cast %broadcast_in_dim3A_2715 : vector<16x1xi32> to vector<16xi32>
      %gather3A_2717 = tpu.dynamic_gather %add3A_2714[%gather3A_2716] in [0] : vector<16xf32>, vector<16xi32> -> vector<16xf32>
      %add3A_2718 = arith.addf %add3A_2714, %gather3A_2717 : vector<16xf32>
      %broadcast_in_dim3A_2719 = vector.shape_cast %and3A_88 : vector<16xi32> to vector<16x1xi32>
      %gather3A_2720 = vector.shape_cast %broadcast_in_dim3A_2719 : vector<16x1xi32> to vector<16xi32>
      %gather3A_2721 = tpu.dynamic_gather %add3A_2718[%gather3A_2720] in [0] : vector<16xf32>, vector<16xi32> -> vector<16xf32>
      %add3A_2722 = arith.addf %add3A_2718, %gather3A_2721 : vector<16xf32>
      %mul3A_2723 = arith.mulf %get3A_2600, %get3A_2608 : vector<16xf32>
      %add3A_2724 = arith.constant 0.000000e+00 : f32
      %add3A_2725 = vector.broadcast %add3A_2724 : f32 to vector<16xf32>
      %add3A_2726 = arith.addf %add3A_2725, %mul3A_2723 : vector<16xf32>
      %mul3A_2727 = arith.mulf %get3A_2604, %get3A_2612 : vector<16xf32>
      %add3A_2728 = arith.addf %add3A_2726, %mul3A_2727 : vector<16xf32>
      %broadcast_in_dim3A_2729 = vector.shape_cast %and3A_70 : vector<16xi32> to vector<16x1xi32>
      %gather3A_2730 = vector.shape_cast %broadcast_in_dim3A_2729 : vector<16x1xi32> to vector<16xi32>
      %gather3A_2731 = tpu.dynamic_gather %add3A_2728[%gather3A_2730] in [0] : vector<16xf32>, vector<16xi32> -> vector<16xf32>
      %add3A_2732 = arith.addf %add3A_2728, %gather3A_2731 : vector<16xf32>
      %broadcast_in_dim3A_2733 = vector.shape_cast %and3A_76 : vector<16xi32> to vector<16x1xi32>
      %gather3A_2734 = vector.shape_cast %broadcast_in_dim3A_2733 : vector<16x1xi32> to vector<16xi32>
      %gather3A_2735 = tpu.dynamic_gather %add3A_2732[%gather3A_2734] in [0] : vector<16xf32>, vector<16xi32> -> vector<16xf32>
      %add3A_2736 = arith.addf %add3A_2732, %gather3A_2735 : vector<16xf32>
      %broadcast_in_dim3A_2737 = vector.shape_cast %and3A_82 : vector<16xi32> to vector<16x1xi32>
      %gather3A_2738 = vector.shape_cast %broadcast_in_dim3A_2737 : vector<16x1xi32> to vector<16xi32>
      %gather3A_2739 = tpu.dynamic_gather %add3A_2736[%gather3A_2738] in [0] : vector<16xf32>, vector<16xi32> -> vector<16xf32>
      %add3A_2740 = arith.addf %add3A_2736, %gather3A_2739 : vector<16xf32>
      %broadcast_in_dim3A_2741 = vector.shape_cast %and3A_88 : vector<16xi32> to vector<16x1xi32>
      %gather3A_2742 = vector.shape_cast %broadcast_in_dim3A_2741 : vector<16x1xi32> to vector<16xi32>
      %gather3A_2743 = tpu.dynamic_gather %add3A_2740[%gather3A_2742] in [0] : vector<16xf32>, vector<16xi32> -> vector<16xf32>
      %add3A_2744 = arith.addf %add3A_2740, %gather3A_2743 : vector<16xf32>
      %select_n3A_2745 = arith.select %eq3A_65, %add3A_2634, %select_n3A_2579 : vector<16xi1>, vector<16xf32>
      %select_n3A_2746 = arith.select %eq3A_65, %add3A_2656, %select_n3A_2580 : vector<16xi1>, vector<16xf32>
      %select_n3A_2747 = arith.select %eq3A_65, %add3A_2678, %select_n3A_2581 : vector<16xi1>, vector<16xf32>
      %select_n3A_2748 = arith.select %eq3A_65, %add3A_2700, %select_n3A_2582 : vector<16xi1>, vector<16xf32>
      %select_n3A_2749 = arith.select %eq3A_65, %add3A_2722, %select_n3A_2583 : vector<16xi1>, vector<16xf32>
      %select_n3A_2750 = arith.select %eq3A_65, %add3A_2744, %select_n3A_2584 : vector<16xi1>, vector<16xf32>
      %max3A = arith.constant 1.000000e-30 : f32
      %max3A_2751 = vector.broadcast %max3A : f32 to vector<16xf32>
      %max3A_2752 = arith.maximumf %select_n3A_2745, %max3A_2751 : vector<16xf32>
      %bitcast_convert_type3A = tpu.bitcast %max3A_2752 : vector<16xf32> -> vector<16xi32>
      %shift_right_arithmetic3A = arith.constant 1 : i32
      %shift_right_arithmetic3A_2753 = vector.broadcast %shift_right_arithmetic3A : i32 to vector<16xi32>
      %shift_right_arithmetic3A_2754 = arith.shrsi %bitcast_convert_type3A, %shift_right_arithmetic3A_2753 : vector<16xi32>
      %sub3A = arith.constant 1597463007 : i32
      %sub3A_2755 = vector.broadcast %sub3A : i32 to vector<16xi32>
      %sub3A_2756 = arith.subi %sub3A_2755, %shift_right_arithmetic3A_2754 : vector<16xi32>
      %bitcast_convert_type3A_2757 = tpu.bitcast %sub3A_2756 : vector<16xi32> -> vector<16xf32>
      %mul3A_2758 = arith.constant 5.000000e-01 : f32
      %mul3A_2759 = vector.broadcast %mul3A_2758 : f32 to vector<16xf32>
      %mul3A_2760 = arith.mulf %mul3A_2759, %max3A_2752 : vector<16xf32>
      %mul3A_2761 = arith.mulf %mul3A_2760, %bitcast_convert_type3A_2757 : vector<16xf32>
      %mul3A_2762 = arith.mulf %mul3A_2761, %bitcast_convert_type3A_2757 : vector<16xf32>
      %sub3A_2763 = arith.constant 1.500000e+00 : f32
      %sub3A_2764 = vector.broadcast %sub3A_2763 : f32 to vector<16xf32>
      %sub3A_2765 = arith.subf %sub3A_2764, %mul3A_2762 : vector<16xf32>
      %mul3A_2766 = arith.mulf %bitcast_convert_type3A_2757, %sub3A_2765 : vector<16xf32>
      %mul3A_2767 = arith.constant 5.000000e-01 : f32
      %mul3A_2768 = vector.broadcast %mul3A_2767 : f32 to vector<16xf32>
      %mul3A_2769 = arith.mulf %mul3A_2768, %max3A_2752 : vector<16xf32>
      %mul3A_2770 = arith.mulf %mul3A_2769, %mul3A_2766 : vector<16xf32>
      %mul3A_2771 = arith.mulf %mul3A_2770, %mul3A_2766 : vector<16xf32>
      %sub3A_2772 = arith.constant 1.500000e+00 : f32
      %sub3A_2773 = vector.broadcast %sub3A_2772 : f32 to vector<16xf32>
      %sub3A_2774 = arith.subf %sub3A_2773, %mul3A_2771 : vector<16xf32>
      %mul3A_2775 = arith.mulf %mul3A_2766, %sub3A_2774 : vector<16xf32>
      %mul3A_2776 = arith.constant 5.000000e-01 : f32
      %mul3A_2777 = vector.broadcast %mul3A_2776 : f32 to vector<16xf32>
      %mul3A_2778 = arith.mulf %mul3A_2777, %max3A_2752 : vector<16xf32>
      %mul3A_2779 = arith.mulf %mul3A_2778, %mul3A_2775 : vector<16xf32>
      %mul3A_2780 = arith.mulf %mul3A_2779, %mul3A_2775 : vector<16xf32>
      %sub3A_2781 = arith.constant 1.500000e+00 : f32
      %sub3A_2782 = vector.broadcast %sub3A_2781 : f32 to vector<16xf32>
      %sub3A_2783 = arith.subf %sub3A_2782, %mul3A_2780 : vector<16xf32>
      %mul3A_2784 = arith.mulf %mul3A_2775, %sub3A_2783 : vector<16xf32>
      %mul3A_2785 = arith.constant 0.999989986 : f32
      %mul3A_2786 = vector.broadcast %mul3A_2785 : f32 to vector<16xf32>
      %mul3A_2787 = arith.mulf %mul3A_2786, %mul3A_2784 : vector<16xf32>
      %min3A = arith.constant 1.000000e+00 : f32
      %min3A_2788 = vector.broadcast %min3A : f32 to vector<16xf32>
      %min3A_2789 = arith.minimumf %min3A_2788, %mul3A_2787 : vector<16xf32>
      %mul3A_2790 = arith.mulf %select_n3A_2745, %min3A_2789 : vector<16xf32>
      %mul3A_2791 = arith.mulf %mul3A_2790, %min3A_2789 : vector<16xf32>
      %mul3A_2792 = arith.mulf %select_n3A_2748, %min3A_2789 : vector<16xf32>
      %mul3A_2793 = arith.mulf %select_n3A_2749, %min3A_2789 : vector<16xf32>
      %max3A_2794 = arith.constant 1.000000e-30 : f32
      %max3A_2795 = vector.broadcast %max3A_2794 : f32 to vector<16xf32>
      %max3A_2796 = arith.maximumf %select_n3A_2746, %max3A_2795 : vector<16xf32>
      %bitcast_convert_type3A_2797 = tpu.bitcast %max3A_2796 : vector<16xf32> -> vector<16xi32>
      %shift_right_arithmetic3A_2798 = arith.constant 1 : i32
      %shift_right_arithmetic3A_2799 = vector.broadcast %shift_right_arithmetic3A_2798 : i32 to vector<16xi32>
      %shift_right_arithmetic3A_2800 = arith.shrsi %bitcast_convert_type3A_2797, %shift_right_arithmetic3A_2799 : vector<16xi32>
      %sub3A_2801 = arith.constant 1597463007 : i32
      %sub3A_2802 = vector.broadcast %sub3A_2801 : i32 to vector<16xi32>
      %sub3A_2803 = arith.subi %sub3A_2802, %shift_right_arithmetic3A_2800 : vector<16xi32>
      %bitcast_convert_type3A_2804 = tpu.bitcast %sub3A_2803 : vector<16xi32> -> vector<16xf32>
      %mul3A_2805 = arith.constant 5.000000e-01 : f32
      %mul3A_2806 = vector.broadcast %mul3A_2805 : f32 to vector<16xf32>
      %mul3A_2807 = arith.mulf %mul3A_2806, %max3A_2796 : vector<16xf32>
      %mul3A_2808 = arith.mulf %mul3A_2807, %bitcast_convert_type3A_2804 : vector<16xf32>
      %mul3A_2809 = arith.mulf %mul3A_2808, %bitcast_convert_type3A_2804 : vector<16xf32>
      %sub3A_2810 = arith.constant 1.500000e+00 : f32
      %sub3A_2811 = vector.broadcast %sub3A_2810 : f32 to vector<16xf32>
      %sub3A_2812 = arith.subf %sub3A_2811, %mul3A_2809 : vector<16xf32>
      %mul3A_2813 = arith.mulf %bitcast_convert_type3A_2804, %sub3A_2812 : vector<16xf32>
      %mul3A_2814 = arith.constant 5.000000e-01 : f32
      %mul3A_2815 = vector.broadcast %mul3A_2814 : f32 to vector<16xf32>
      %mul3A_2816 = arith.mulf %mul3A_2815, %max3A_2796 : vector<16xf32>
      %mul3A_2817 = arith.mulf %mul3A_2816, %mul3A_2813 : vector<16xf32>
      %mul3A_2818 = arith.mulf %mul3A_2817, %mul3A_2813 : vector<16xf32>
      %sub3A_2819 = arith.constant 1.500000e+00 : f32
      %sub3A_2820 = vector.broadcast %sub3A_2819 : f32 to vector<16xf32>
      %sub3A_2821 = arith.subf %sub3A_2820, %mul3A_2818 : vector<16xf32>
      %mul3A_2822 = arith.mulf %mul3A_2813, %sub3A_2821 : vector<16xf32>
      %mul3A_2823 = arith.constant 5.000000e-01 : f32
      %mul3A_2824 = vector.broadcast %mul3A_2823 : f32 to vector<16xf32>
      %mul3A_2825 = arith.mulf %mul3A_2824, %max3A_2796 : vector<16xf32>
      %mul3A_2826 = arith.mulf %mul3A_2825, %mul3A_2822 : vector<16xf32>
      %mul3A_2827 = arith.mulf %mul3A_2826, %mul3A_2822 : vector<16xf32>
      %sub3A_2828 = arith.constant 1.500000e+00 : f32
      %sub3A_2829 = vector.broadcast %sub3A_2828 : f32 to vector<16xf32>
      %sub3A_2830 = arith.subf %sub3A_2829, %mul3A_2827 : vector<16xf32>
      %mul3A_2831 = arith.mulf %mul3A_2822, %sub3A_2830 : vector<16xf32>
      %mul3A_2832 = arith.constant 0.999989986 : f32
      %mul3A_2833 = vector.broadcast %mul3A_2832 : f32 to vector<16xf32>
      %mul3A_2834 = arith.mulf %mul3A_2833, %mul3A_2831 : vector<16xf32>
      %min3A_2835 = arith.constant 1.000000e+00 : f32
      %min3A_2836 = vector.broadcast %min3A_2835 : f32 to vector<16xf32>
      %min3A_2837 = arith.minimumf %min3A_2836, %mul3A_2834 : vector<16xf32>
      %mul3A_2838 = arith.mulf %select_n3A_2746, %min3A_2837 : vector<16xf32>
      %mul3A_2839 = arith.mulf %mul3A_2838, %min3A_2837 : vector<16xf32>
      %mul3A_2840 = arith.mulf %select_n3A_2750, %min3A_2837 : vector<16xf32>
      %mul3A_2841 = arith.mulf %mul3A_2793, %min3A_2837 : vector<16xf32>
      %mul3A_2842 = arith.constant 0.00999999977 : f32
      %mul3A_2843 = vector.broadcast %mul3A_2842 : f32 to vector<16xf32>
      %mul3A_2844 = arith.mulf %mul3A_2843, %select_n3A_2747 : vector<16xf32>
      %mul3A_2845 = arith.constant 1.000000e-01 : f32
      %mul3A_2846 = vector.broadcast %mul3A_2845 : f32 to vector<16xf32>
      %mul3A_2847 = arith.mulf %mul3A_2846, %mul3A_2792 : vector<16xf32>
      %mul3A_2848 = arith.constant 1.000000e-01 : f32
      %mul3A_2849 = vector.broadcast %mul3A_2848 : f32 to vector<16xf32>
      %mul3A_2850 = arith.mulf %mul3A_2849, %mul3A_2840 : vector<16xf32>
      %max3A_2851 = arith.constant 1.000000e-30 : f32
      %max3A_2852 = vector.broadcast %max3A_2851 : f32 to vector<16xf32>
      %max3A_2853 = arith.maximumf %mul3A_2844, %max3A_2852 : vector<16xf32>
      %max3A_2854 = arith.constant 1.000000e-30 : f32
      %max3A_2855 = vector.broadcast %max3A_2854 : f32 to vector<16xf32>
      %max3A_2856 = arith.maximumf %max3A_2853, %max3A_2855 : vector<16xf32>
      %bitcast_convert_type3A_2857 = tpu.bitcast %max3A_2856 : vector<16xf32> -> vector<16xi32>
      %shift_right_arithmetic3A_2858 = arith.constant 1 : i32
      %shift_right_arithmetic3A_2859 = vector.broadcast %shift_right_arithmetic3A_2858 : i32 to vector<16xi32>
      %shift_right_arithmetic3A_2860 = arith.shrsi %bitcast_convert_type3A_2857, %shift_right_arithmetic3A_2859 : vector<16xi32>
      %sub3A_2861 = arith.constant 1597463007 : i32
      %sub3A_2862 = vector.broadcast %sub3A_2861 : i32 to vector<16xi32>
      %sub3A_2863 = arith.subi %sub3A_2862, %shift_right_arithmetic3A_2860 : vector<16xi32>
      %bitcast_convert_type3A_2864 = tpu.bitcast %sub3A_2863 : vector<16xi32> -> vector<16xf32>
      %mul3A_2865 = arith.constant 5.000000e-01 : f32
      %mul3A_2866 = vector.broadcast %mul3A_2865 : f32 to vector<16xf32>
      %mul3A_2867 = arith.mulf %mul3A_2866, %max3A_2856 : vector<16xf32>
      %mul3A_2868 = arith.mulf %mul3A_2867, %bitcast_convert_type3A_2864 : vector<16xf32>
      %mul3A_2869 = arith.mulf %mul3A_2868, %bitcast_convert_type3A_2864 : vector<16xf32>
      %sub3A_2870 = arith.constant 1.500000e+00 : f32
      %sub3A_2871 = vector.broadcast %sub3A_2870 : f32 to vector<16xf32>
      %sub3A_2872 = arith.subf %sub3A_2871, %mul3A_2869 : vector<16xf32>
      %mul3A_2873 = arith.mulf %bitcast_convert_type3A_2864, %sub3A_2872 : vector<16xf32>
      %mul3A_2874 = arith.constant 5.000000e-01 : f32
      %mul3A_2875 = vector.broadcast %mul3A_2874 : f32 to vector<16xf32>
      %mul3A_2876 = arith.mulf %mul3A_2875, %max3A_2856 : vector<16xf32>
      %mul3A_2877 = arith.mulf %mul3A_2876, %mul3A_2873 : vector<16xf32>
      %mul3A_2878 = arith.mulf %mul3A_2877, %mul3A_2873 : vector<16xf32>
      %sub3A_2879 = arith.constant 1.500000e+00 : f32
      %sub3A_2880 = vector.broadcast %sub3A_2879 : f32 to vector<16xf32>
      %sub3A_2881 = arith.subf %sub3A_2880, %mul3A_2878 : vector<16xf32>
      %mul3A_2882 = arith.mulf %mul3A_2873, %sub3A_2881 : vector<16xf32>
      %mul3A_2883 = arith.constant 5.000000e-01 : f32
      %mul3A_2884 = vector.broadcast %mul3A_2883 : f32 to vector<16xf32>
      %mul3A_2885 = arith.mulf %mul3A_2884, %max3A_2856 : vector<16xf32>
      %mul3A_2886 = arith.mulf %mul3A_2885, %mul3A_2882 : vector<16xf32>
      %mul3A_2887 = arith.mulf %mul3A_2886, %mul3A_2882 : vector<16xf32>
      %sub3A_2888 = arith.constant 1.500000e+00 : f32
      %sub3A_2889 = vector.broadcast %sub3A_2888 : f32 to vector<16xf32>
      %sub3A_2890 = arith.subf %sub3A_2889, %mul3A_2887 : vector<16xf32>
      %mul3A_2891 = arith.mulf %mul3A_2882, %sub3A_2890 : vector<16xf32>
      %mul3A_2892 = arith.mulf %max3A_2853, %mul3A_2891 : vector<16xf32>
      %sub3A_2893 = arith.constant 1.000000e+00 : f32
      %sub3A_2894 = vector.broadcast %sub3A_2893 : f32 to vector<16xf32>
      %sub3A_2895 = arith.subf %sub3A_2894, %mul3A_2791 : vector<16xf32>
      %max3A_2896 = arith.constant 1.000000e-15 : f32
      %max3A_2897 = vector.broadcast %max3A_2896 : f32 to vector<16xf32>
      %max3A_2898 = arith.maximumf %sub3A_2895, %max3A_2897 : vector<16xf32>
      %div3A = arith.divf %mul3A_2892, %max3A_2898 : vector<16xf32>
      %mul3A_2899 = arith.constant 2.000000e+00 : f32
      %mul3A_2900 = vector.broadcast %mul3A_2899 : f32 to vector<16xf32>
      %mul3A_2901 = arith.mulf %mul3A_2900, %div3A : vector<16xf32>
      %min3A_2902 = arith.constant 8.800000e+01 : f32
      %min3A_2903 = vector.broadcast %min3A_2902 : f32 to vector<16xf32>
      %min3A_2904 = arith.minimumf %mul3A_2901, %min3A_2903 : vector<16xf32>
      %exp3A = math.exp %min3A_2904 : vector<16xf32>
      %add3A_2905 = arith.constant 1.000000e+00 : f32
      %add3A_2906 = vector.broadcast %add3A_2905 : f32 to vector<16xf32>
      %add3A_2907 = arith.addf %exp3A, %add3A_2906 : vector<16xf32>
      %div3A_2908 = arith.constant 2.000000e+00 : f32
      %div3A_2909 = vector.broadcast %div3A_2908 : f32 to vector<16xf32>
      %div3A_2910 = arith.divf %div3A_2909, %add3A_2907 : vector<16xf32>
      %sub3A_2911 = arith.constant 1.000000e+00 : f32
      %sub3A_2912 = vector.broadcast %sub3A_2911 : f32 to vector<16xf32>
      %sub3A_2913 = arith.subf %sub3A_2912, %div3A_2910 : vector<16xf32>
      %div3A_2914 = arith.divf %sub3A_2913, %mul3A_2892 : vector<16xf32>
      %mul3A_2915 = arith.mulf %div3A_2914, %div3A_2914 : vector<16xf32>
      %mul3A_2916 = arith.mulf %mul3A_2915, %mul3A_2844 : vector<16xf32>
      %mul3A_2917 = arith.mulf %div3A_2914, %mul3A_2847 : vector<16xf32>
      %mul3A_2918 = arith.mulf %div3A_2914, %mul3A_2850 : vector<16xf32>
      %mul3A_2919 = arith.constant 2.000000e+00 : f32
      %mul3A_2920 = vector.broadcast %mul3A_2919 : f32 to vector<16xf32>
      %mul3A_2921 = arith.mulf %mul3A_2920, %mul3A_2917 : vector<16xf32>
      %add3A_2922 = arith.constant 1.000000e+00 : f32
      %add3A_2923 = vector.broadcast %add3A_2922 : f32 to vector<16xf32>
      %add3A_2924 = arith.addf %add3A_2923, %mul3A_2921 : vector<16xf32>
      %add3A_2925 = arith.addf %add3A_2924, %mul3A_2916 : vector<16xf32>
      %sub3A_2926 = arith.constant 1.000000e+00 : f32
      %sub3A_2927 = vector.broadcast %sub3A_2926 : f32 to vector<16xf32>
      %sub3A_2928 = arith.subf %sub3A_2927, %mul3A_2791 : vector<16xf32>
      %mul3A_2929 = arith.constant 2.000000e+00 : f32
      %mul3A_2930 = vector.broadcast %mul3A_2929 : f32 to vector<16xf32>
      %mul3A_2931 = arith.mulf %mul3A_2930, %mul3A_2917 : vector<16xf32>
      %add3A_2932 = arith.constant 1.000000e+00 : f32
      %add3A_2933 = vector.broadcast %add3A_2932 : f32 to vector<16xf32>
      %add3A_2934 = arith.addf %add3A_2933, %mul3A_2931 : vector<16xf32>
      %mul3A_2935 = arith.mulf %mul3A_2791, %mul3A_2916 : vector<16xf32>
      %add3A_2936 = arith.addf %add3A_2934, %mul3A_2935 : vector<16xf32>
      %max3A_2937 = arith.constant 1.000000e-15 : f32
      %max3A_2938 = vector.broadcast %max3A_2937 : f32 to vector<16xf32>
      %max3A_2939 = arith.maximumf %add3A_2936, %max3A_2938 : vector<16xf32>
      %div3A_2940 = arith.constant 1.000000e+00 : f32
      %div3A_2941 = vector.broadcast %div3A_2940 : f32 to vector<16xf32>
      %div3A_2942 = arith.divf %div3A_2941, %max3A_2939 : vector<16xf32>
      %mul3A_2943 = arith.mulf %add3A_2925, %add3A_2925 : vector<16xf32>
      %mul3A_2944 = arith.mulf %mul3A_2943, %mul3A_2791 : vector<16xf32>
      %mul3A_2945 = arith.constant 2.000000e+00 : f32
      %mul3A_2946 = vector.broadcast %mul3A_2945 : f32 to vector<16xf32>
      %mul3A_2947 = arith.mulf %mul3A_2946, %add3A_2925 : vector<16xf32>
      %mul3A_2948 = arith.mulf %mul3A_2947, %sub3A_2928 : vector<16xf32>
      %mul3A_2949 = arith.mulf %mul3A_2948, %mul3A_2917 : vector<16xf32>
      %add3A_2950 = arith.addf %mul3A_2944, %mul3A_2949 : vector<16xf32>
      %mul3A_2951 = arith.mulf %sub3A_2928, %sub3A_2928 : vector<16xf32>
      %mul3A_2952 = arith.mulf %mul3A_2951, %mul3A_2916 : vector<16xf32>
      %add3A_2953 = arith.addf %add3A_2950, %mul3A_2952 : vector<16xf32>
      %mul3A_2954 = arith.mulf %add3A_2953, %div3A_2942 : vector<16xf32>
      %mul3A_2955 = arith.mulf %mul3A_2954, %div3A_2942 : vector<16xf32>
      %mul3A_2956 = arith.mulf %add3A_2925, %mul3A_2841 : vector<16xf32>
      %mul3A_2957 = arith.mulf %sub3A_2928, %mul3A_2918 : vector<16xf32>
      %add3A_2958 = arith.addf %mul3A_2956, %mul3A_2957 : vector<16xf32>
      %mul3A_2959 = arith.mulf %add3A_2958, %div3A_2942 : vector<16xf32>
      %max3A_2960 = arith.constant 1.000000e-30 : f32
      %max3A_2961 = vector.broadcast %max3A_2960 : f32 to vector<16xf32>
      %max3A_2962 = arith.maximumf %mul3A_2955, %max3A_2961 : vector<16xf32>
      %bitcast_convert_type3A_2963 = tpu.bitcast %max3A_2962 : vector<16xf32> -> vector<16xi32>
      %shift_right_arithmetic3A_2964 = arith.constant 1 : i32
      %shift_right_arithmetic3A_2965 = vector.broadcast %shift_right_arithmetic3A_2964 : i32 to vector<16xi32>
      %shift_right_arithmetic3A_2966 = arith.shrsi %bitcast_convert_type3A_2963, %shift_right_arithmetic3A_2965 : vector<16xi32>
      %sub3A_2967 = arith.constant 1597463007 : i32
      %sub3A_2968 = vector.broadcast %sub3A_2967 : i32 to vector<16xi32>
      %sub3A_2969 = arith.subi %sub3A_2968, %shift_right_arithmetic3A_2966 : vector<16xi32>
      %bitcast_convert_type3A_2970 = tpu.bitcast %sub3A_2969 : vector<16xi32> -> vector<16xf32>
      %mul3A_2971 = arith.constant 5.000000e-01 : f32
      %mul3A_2972 = vector.broadcast %mul3A_2971 : f32 to vector<16xf32>
      %mul3A_2973 = arith.mulf %mul3A_2972, %max3A_2962 : vector<16xf32>
      %mul3A_2974 = arith.mulf %mul3A_2973, %bitcast_convert_type3A_2970 : vector<16xf32>
      %mul3A_2975 = arith.mulf %mul3A_2974, %bitcast_convert_type3A_2970 : vector<16xf32>
      %sub3A_2976 = arith.constant 1.500000e+00 : f32
      %sub3A_2977 = vector.broadcast %sub3A_2976 : f32 to vector<16xf32>
      %sub3A_2978 = arith.subf %sub3A_2977, %mul3A_2975 : vector<16xf32>
      %mul3A_2979 = arith.mulf %bitcast_convert_type3A_2970, %sub3A_2978 : vector<16xf32>
      %mul3A_2980 = arith.constant 5.000000e-01 : f32
      %mul3A_2981 = vector.broadcast %mul3A_2980 : f32 to vector<16xf32>
      %mul3A_2982 = arith.mulf %mul3A_2981, %max3A_2962 : vector<16xf32>
      %mul3A_2983 = arith.mulf %mul3A_2982, %mul3A_2979 : vector<16xf32>
      %mul3A_2984 = arith.mulf %mul3A_2983, %mul3A_2979 : vector<16xf32>
      %sub3A_2985 = arith.constant 1.500000e+00 : f32
      %sub3A_2986 = vector.broadcast %sub3A_2985 : f32 to vector<16xf32>
      %sub3A_2987 = arith.subf %sub3A_2986, %mul3A_2984 : vector<16xf32>
      %mul3A_2988 = arith.mulf %mul3A_2979, %sub3A_2987 : vector<16xf32>
      %mul3A_2989 = arith.constant 5.000000e-01 : f32
      %mul3A_2990 = vector.broadcast %mul3A_2989 : f32 to vector<16xf32>
      %mul3A_2991 = arith.mulf %mul3A_2990, %max3A_2962 : vector<16xf32>
      %mul3A_2992 = arith.mulf %mul3A_2991, %mul3A_2988 : vector<16xf32>
      %mul3A_2993 = arith.mulf %mul3A_2992, %mul3A_2988 : vector<16xf32>
      %sub3A_2994 = arith.constant 1.500000e+00 : f32
      %sub3A_2995 = vector.broadcast %sub3A_2994 : f32 to vector<16xf32>
      %sub3A_2996 = arith.subf %sub3A_2995, %mul3A_2993 : vector<16xf32>
      %mul3A_2997 = arith.mulf %mul3A_2988, %sub3A_2996 : vector<16xf32>
      %mul3A_2998 = arith.constant 0.999989986 : f32
      %mul3A_2999 = vector.broadcast %mul3A_2998 : f32 to vector<16xf32>
      %mul3A_3000 = arith.mulf %mul3A_2999, %mul3A_2997 : vector<16xf32>
      %min3A_3001 = arith.constant 1.000000e+00 : f32
      %min3A_3002 = vector.broadcast %min3A_3001 : f32 to vector<16xf32>
      %min3A_3003 = arith.minimumf %min3A_3002, %mul3A_3000 : vector<16xf32>
      %mul3A_3004 = arith.mulf %mul3A_2955, %min3A_3003 : vector<16xf32>
      %mul3A_3005 = arith.mulf %mul3A_3004, %min3A_3003 : vector<16xf32>
      %mul3A_3006 = arith.mulf %mul3A_2959, %min3A_3003 : vector<16xf32>
      %mul3A_3007 = arith.constant 2.000000e+00 : f32
      %mul3A_3008 = vector.broadcast %mul3A_3007 : f32 to vector<16xf32>
      %mul3A_3009 = arith.mulf %mul3A_3008, %mul3A_3006 : vector<16xf32>
      %sub3A_3010 = arith.constant 1.000000e+00 : f32
      %sub3A_3011 = vector.broadcast %sub3A_3010 : f32 to vector<16xf32>
      %sub3A_3012 = arith.subf %sub3A_3011, %mul3A_3009 : vector<16xf32>
      %add3A_3013 = arith.addf %sub3A_3012, %mul3A_2839 : vector<16xf32>
      %sub3A_3014 = arith.constant 1.000000e+00 : f32
      %sub3A_3015 = vector.broadcast %sub3A_3014 : f32 to vector<16xf32>
      %sub3A_3016 = arith.subf %sub3A_3015, %mul3A_3005 : vector<16xf32>
      %mul3A_3017 = arith.constant 2.000000e+00 : f32
      %mul3A_3018 = vector.broadcast %mul3A_3017 : f32 to vector<16xf32>
      %mul3A_3019 = arith.mulf %mul3A_3018, %mul3A_3006 : vector<16xf32>
      %sub3A_3020 = arith.constant 1.000000e+00 : f32
      %sub3A_3021 = vector.broadcast %sub3A_3020 : f32 to vector<16xf32>
      %sub3A_3022 = arith.subf %sub3A_3021, %mul3A_3019 : vector<16xf32>
      %mul3A_3023 = arith.mulf %mul3A_3005, %mul3A_2839 : vector<16xf32>
      %add3A_3024 = arith.addf %sub3A_3022, %mul3A_3023 : vector<16xf32>
      %max3A_3025 = arith.constant 1.000000e-15 : f32
      %max3A_3026 = vector.broadcast %max3A_3025 : f32 to vector<16xf32>
      %max3A_3027 = arith.maximumf %add3A_3024, %max3A_3026 : vector<16xf32>
      %div3A_3028 = arith.constant 1.000000e+00 : f32
      %div3A_3029 = vector.broadcast %div3A_3028 : f32 to vector<16xf32>
      %div3A_3030 = arith.divf %div3A_3029, %max3A_3027 : vector<16xf32>
      %mul3A_3031 = arith.mulf %add3A_3013, %add3A_3013 : vector<16xf32>
      %mul3A_3032 = arith.mulf %mul3A_3031, %mul3A_3005 : vector<16xf32>
      %mul3A_3033 = arith.constant 2.000000e+00 : f32
      %mul3A_3034 = vector.broadcast %mul3A_3033 : f32 to vector<16xf32>
      %mul3A_3035 = arith.mulf %mul3A_3034, %add3A_3013 : vector<16xf32>
      %mul3A_3036 = arith.mulf %mul3A_3035, %sub3A_3016 : vector<16xf32>
      %mul3A_3037 = arith.mulf %mul3A_3036, %mul3A_3006 : vector<16xf32>
      %sub3A_3038 = arith.subf %mul3A_3032, %mul3A_3037 : vector<16xf32>
      %mul3A_3039 = arith.mulf %sub3A_3016, %sub3A_3016 : vector<16xf32>
      %mul3A_3040 = arith.mulf %mul3A_3039, %mul3A_2839 : vector<16xf32>
      %add3A_3041 = arith.addf %sub3A_3038, %mul3A_3040 : vector<16xf32>
      %mul3A_3042 = arith.mulf %add3A_3041, %div3A_3030 : vector<16xf32>
      %mul3A_3043 = arith.mulf %mul3A_3042, %div3A_3030 : vector<16xf32>
      %max3A_3044 = arith.constant 0.000000e+00 : f32
      %max3A_3045 = vector.broadcast %max3A_3044 : f32 to vector<16xf32>
      %max3A_3046 = arith.maximumf %mul3A_3043, %max3A_3045 : vector<16xf32>
      %max3A_3047 = arith.constant 1.000000e-30 : f32
      %max3A_3048 = vector.broadcast %max3A_3047 : f32 to vector<16xf32>
      %max3A_3049 = arith.maximumf %max3A_3046, %max3A_3048 : vector<16xf32>
      %bitcast_convert_type3A_3050 = tpu.bitcast %max3A_3049 : vector<16xf32> -> vector<16xi32>
      %shift_right_arithmetic3A_3051 = arith.constant 1 : i32
      %shift_right_arithmetic3A_3052 = vector.broadcast %shift_right_arithmetic3A_3051 : i32 to vector<16xi32>
      %shift_right_arithmetic3A_3053 = arith.shrsi %bitcast_convert_type3A_3050, %shift_right_arithmetic3A_3052 : vector<16xi32>
      %sub3A_3054 = arith.constant 1597463007 : i32
      %sub3A_3055 = vector.broadcast %sub3A_3054 : i32 to vector<16xi32>
      %sub3A_3056 = arith.subi %sub3A_3055, %shift_right_arithmetic3A_3053 : vector<16xi32>
      %bitcast_convert_type3A_3057 = tpu.bitcast %sub3A_3056 : vector<16xi32> -> vector<16xf32>
      %mul3A_3058 = arith.constant 5.000000e-01 : f32
      %mul3A_3059 = vector.broadcast %mul3A_3058 : f32 to vector<16xf32>
      %mul3A_3060 = arith.mulf %mul3A_3059, %max3A_3049 : vector<16xf32>
      %mul3A_3061 = arith.mulf %mul3A_3060, %bitcast_convert_type3A_3057 : vector<16xf32>
      %mul3A_3062 = arith.mulf %mul3A_3061, %bitcast_convert_type3A_3057 : vector<16xf32>
      %sub3A_3063 = arith.constant 1.500000e+00 : f32
      %sub3A_3064 = vector.broadcast %sub3A_3063 : f32 to vector<16xf32>
      %sub3A_3065 = arith.subf %sub3A_3064, %mul3A_3062 : vector<16xf32>
      %mul3A_3066 = arith.mulf %bitcast_convert_type3A_3057, %sub3A_3065 : vector<16xf32>
      %mul3A_3067 = arith.constant 5.000000e-01 : f32
      %mul3A_3068 = vector.broadcast %mul3A_3067 : f32 to vector<16xf32>
      %mul3A_3069 = arith.mulf %mul3A_3068, %max3A_3049 : vector<16xf32>
      %mul3A_3070 = arith.mulf %mul3A_3069, %mul3A_3066 : vector<16xf32>
      %mul3A_3071 = arith.mulf %mul3A_3070, %mul3A_3066 : vector<16xf32>
      %sub3A_3072 = arith.constant 1.500000e+00 : f32
      %sub3A_3073 = vector.broadcast %sub3A_3072 : f32 to vector<16xf32>
      %sub3A_3074 = arith.subf %sub3A_3073, %mul3A_3071 : vector<16xf32>
      %mul3A_3075 = arith.mulf %mul3A_3066, %sub3A_3074 : vector<16xf32>
      %mul3A_3076 = arith.constant 5.000000e-01 : f32
      %mul3A_3077 = vector.broadcast %mul3A_3076 : f32 to vector<16xf32>
      %mul3A_3078 = arith.mulf %mul3A_3077, %max3A_3049 : vector<16xf32>
      %mul3A_3079 = arith.mulf %mul3A_3078, %mul3A_3075 : vector<16xf32>
      %mul3A_3080 = arith.mulf %mul3A_3079, %mul3A_3075 : vector<16xf32>
      %sub3A_3081 = arith.constant 1.500000e+00 : f32
      %sub3A_3082 = vector.broadcast %sub3A_3081 : f32 to vector<16xf32>
      %sub3A_3083 = arith.subf %sub3A_3082, %mul3A_3080 : vector<16xf32>
      %mul3A_3084 = arith.mulf %mul3A_3075, %sub3A_3083 : vector<16xf32>
      %mul3A_3085 = arith.mulf %max3A_3046, %mul3A_3084 : vector<16xf32>
      %min3A_3086 = arith.constant 0.999989986 : f32
      %min3A_3087 = vector.broadcast %min3A_3086 : f32 to vector<16xf32>
      %min3A_3088 = arith.minimumf %mul3A_3085, %min3A_3087 : vector<16xf32>
      %add3A_3089 = arith.constant 1.000000e+00 : f32
      %add3A_3090 = vector.broadcast %add3A_3089 : f32 to vector<16xf32>
      %add3A_3091 = arith.addf %add3A_3090, %min3A_3088 : vector<16xf32>
      %sub3A_3092 = arith.constant 1.000000e+00 : f32
      %sub3A_3093 = vector.broadcast %sub3A_3092 : f32 to vector<16xf32>
      %sub3A_3094 = arith.subf %sub3A_3093, %min3A_3088 : vector<16xf32>
      %div3A_3095 = arith.divf %add3A_3091, %sub3A_3094 : vector<16xf32>
      %bitcast_convert_type3A_3096 = tpu.bitcast %div3A_3095 : vector<16xf32> -> vector<16xi32>
      %shift_right_arithmetic3A_3097 = arith.constant 23 : i32
      %shift_right_arithmetic3A_3098 = vector.broadcast %shift_right_arithmetic3A_3097 : i32 to vector<16xi32>
      %shift_right_arithmetic3A_3099 = arith.shrsi %bitcast_convert_type3A_3096, %shift_right_arithmetic3A_3098 : vector<16xi32>
      %sub3A_3100 = arith.constant 127 : i32
      %sub3A_3101 = vector.broadcast %sub3A_3100 : i32 to vector<16xi32>
      %sub3A_3102 = arith.subi %shift_right_arithmetic3A_3099, %sub3A_3101 : vector<16xi32>
      %and3A_3103 = arith.constant 8388607 : i32
      %and3A_3104 = vector.broadcast %and3A_3103 : i32 to vector<16xi32>
      %and3A_3105 = arith.andi %bitcast_convert_type3A_3096, %and3A_3104 : vector<16xi32>
      %or3A = arith.constant 1065353216 : i32
      %or3A_3106 = vector.broadcast %or3A : i32 to vector<16xi32>
      %or3A_3107 = arith.ori %and3A_3105, %or3A_3106 : vector<16xi32>
      %bitcast_convert_type3A_3108 = tpu.bitcast %or3A_3107 : vector<16xi32> -> vector<16xf32>
      %gt3A = arith.constant 1.41421354 : f32
      %gt3A_3109 = vector.broadcast %gt3A : f32 to vector<16xf32>
      %gt3A_3110 = arith.cmpf ogt, %bitcast_convert_type3A_3108, %gt3A_3109 : vector<16xf32>
      %mul3A_3111 = arith.constant 5.000000e-01 : f32
      %mul3A_3112 = vector.broadcast %mul3A_3111 : f32 to vector<16xf32>
      %mul3A_3113 = arith.mulf %bitcast_convert_type3A_3108, %mul3A_3112 : vector<16xf32>
      %select_n3A_3114 = arith.select %gt3A_3110, %mul3A_3113, %bitcast_convert_type3A_3108 : vector<16xi1>, vector<16xf32>
      %add3A_3115 = arith.constant 1 : i32
      %add3A_3116 = vector.broadcast %add3A_3115 : i32 to vector<16xi32>
      %add3A_3117 = arith.addi %sub3A_3102, %add3A_3116 : vector<16xi32>
      %select_n3A_3118 = arith.select %gt3A_3110, %add3A_3117, %sub3A_3102 : vector<16xi1>, vector<16xi32>
      %sub3A_3119 = arith.constant 1.000000e+00 : f32
      %sub3A_3120 = vector.broadcast %sub3A_3119 : f32 to vector<16xf32>
      %sub3A_3121 = arith.subf %select_n3A_3114, %sub3A_3120 : vector<16xf32>
      %add3A_3122 = arith.constant 1.000000e+00 : f32
      %add3A_3123 = vector.broadcast %add3A_3122 : f32 to vector<16xf32>
      %add3A_3124 = arith.addf %select_n3A_3114, %add3A_3123 : vector<16xf32>
      %div3A_3125 = arith.divf %sub3A_3121, %add3A_3124 : vector<16xf32>
      %mul3A_3126 = arith.mulf %div3A_3125, %div3A_3125 : vector<16xf32>
      %mul3A_3127 = arith.constant 2.000000e+00 : f32
      %mul3A_3128 = vector.broadcast %mul3A_3127 : f32 to vector<16xf32>
      %mul3A_3129 = arith.mulf %mul3A_3128, %div3A_3125 : vector<16xf32>
      %div3A_3130 = arith.constant 9.000000e+00 : f32
      %div3A_3131 = vector.broadcast %div3A_3130 : f32 to vector<16xf32>
      %div3A_3132 = arith.divf %mul3A_3126, %div3A_3131 : vector<16xf32>
      %add3A_3133 = arith.constant 0.142857149 : f32
      %add3A_3134 = vector.broadcast %add3A_3133 : f32 to vector<16xf32>
      %add3A_3135 = arith.addf %add3A_3134, %div3A_3132 : vector<16xf32>
      %mul3A_3136 = arith.mulf %mul3A_3126, %add3A_3135 : vector<16xf32>
      %add3A_3137 = arith.constant 2.000000e-01 : f32
      %add3A_3138 = vector.broadcast %add3A_3137 : f32 to vector<16xf32>
      %add3A_3139 = arith.addf %add3A_3138, %mul3A_3136 : vector<16xf32>
      %mul3A_3140 = arith.mulf %mul3A_3126, %add3A_3139 : vector<16xf32>
      %add3A_3141 = arith.constant 0.333333343 : f32
      %add3A_3142 = vector.broadcast %add3A_3141 : f32 to vector<16xf32>
      %add3A_3143 = arith.addf %add3A_3142, %mul3A_3140 : vector<16xf32>
      %mul3A_3144 = arith.mulf %mul3A_3126, %add3A_3143 : vector<16xf32>
      %add3A_3145 = arith.constant 1.000000e+00 : f32
      %add3A_3146 = vector.broadcast %add3A_3145 : f32 to vector<16xf32>
      %add3A_3147 = arith.addf %add3A_3146, %mul3A_3144 : vector<16xf32>
      %mul3A_3148 = arith.mulf %mul3A_3129, %add3A_3147 : vector<16xf32>
      %convert_element_type3A = arith.sitofp %select_n3A_3118 : vector<16xi32> to vector<16xf32>
      %mul3A_3149 = arith.constant 0.693147182 : f32
      %mul3A_3150 = vector.broadcast %mul3A_3149 : f32 to vector<16xf32>
      %mul3A_3151 = arith.mulf %convert_element_type3A, %mul3A_3150 : vector<16xf32>
      %add3A_3152 = arith.addf %mul3A_3151, %mul3A_3148 : vector<16xf32>
      %neg3A = arith.constant 0.000000e+00 : f32
      %neg3A_3153 = vector.broadcast %neg3A : f32 to vector<16xf32>
      %neg3A_3154 = arith.subf %neg3A_3153, %add3A_3152 : vector<16xf32>
      %mul3A_3155 = arith.constant 16 : i32
      %mul3A_3156 = arith.muli %scan3A_95, %mul3A_3155 : i32
      %swap3A = arith.index_cast %mul3A_3156 : i32 to index
      %swap3A_3157 = tpu.vector_load %arg14[%swap3A] {strides = array<i32>} : memref<512xf32, #tpu.memory_space<vmem>>, vector<16xf32>,
      %swap3A_3158 = vector.shape_cast %swap3A_3157 : vector<16xf32> to vector<16xf32>
      %swap3A_3159 = vector.shape_cast %neg3A_3154 : vector<16xf32> to vector<16xf32>
      tpu.vector_store %arg14[%swap3A], %swap3A_3159 {strides = array<i32>} : memref<512xf32, #tpu.memory_space<vmem>>, vector<16xf32>,
      %scan3A_3160 = arith.constant 0 : i32
      scf.yield %scan3A_3160 : i32
    }
    %scan3A_94 = arith.constant 32 : i32
    "tpu.region"() ({
      %run_scoped3A = tpu.sem_alloc : memref<!tpu.dma_semaphore, #tpu.memory_space<semaphore_mem>>
      %dma_start3A_95 = tpu.memref_slice %arg7[%mul3A_2] : memref<16384xf32, #tpu.memory_space<hbm>> -> memref<512xf32, #tpu.memory_space<hbm>>
      %dma_start3A_96 = tpu.memref_slice %arg7[%mul3A_2] : memref<16384xf32, #tpu.memory_space<hbm>> -> memref<512xf32, #tpu.memory_space<hbm>>
      tpu.enqueue_dma source(%arg14 : memref<512xf32, #tpu.memory_space<vmem>>) target(%dma_start3A_96 : memref<512xf32, #tpu.memory_space<hbm>>) target_semaphore(%run_scoped3A : memref<!tpu.dma_semaphore, #tpu.memory_space<semaphore_mem>>)
      %dma_wait3A_97 = tpu.memref_slice %arg7[%mul3A_2] : memref<16384xf32, #tpu.memory_space<hbm>> -> memref<512xf32, #tpu.memory_space<hbm>>
      %dma_wait3A_98 = tpu.memref_slice %arg7[%mul3A_2] : memref<16384xf32, #tpu.memory_space<hbm>> -> memref<512xf32, #tpu.memory_space<hbm>>
      tpu.wait_dma2 semaphore(%run_scoped3A : memref<!tpu.dma_semaphore, #tpu.memory_space<semaphore_mem>>) src(%arg14 : memref<512xf32, #tpu.memory_space<vmem>>) dst(%dma_wait3A_98 : memref<512xf32, #tpu.memory_space<hbm>>)
      tpu.yield
    }) : () -> ()
    return
  }
}

</mosaic_0001>

<sc_bundles>
// kernel: kernel.3.cloned.1.call-start
scs
__scs_entry_jumppad:
0x0: {  	(pc) =	sbr.rel $0x88, $3  }
0x1: {  	(tag) =	ssettag $0x0;
	lr =	simm.s32 $0x1  }
0x2: {  	[smem:$0x3F9C] =	sst lr;
	_ =	strace $0xD0000000  }
0x3: {  	_ = 	snop  }
0x4: {  	_ = 	snop  }
0x5: {  	_ = 	snop  }
0x6: {  	_ = 	snop  }
0x7: {  	_ = 	snop  }
__scs_overlays_trampoline_lowered:
0x8: {  	[smem:$0x3FAB] =	sst s0  }
0x9: {  	[smem:$0x3FAC] =	sst s1  }
0xa: {  	[smem:$0x3FAD] =	sst s2  }
0xb: {  	[smem:$0x3FAE] =	sst s3  }
0xc: {  	[smem:$0x3FAF] =	sst s4  }
0xd: {  	[smem:$0x3FB0] =	sst s5  }
0xe: {  	[smem:$0x3FB1] =	sst s6  }
0xf: {  	[smem:$0x3FB2] =	sst s7  }
0x10: {  	[smem:$0x3FB3] =	sst s8  }
0x11: {  	[smem:$0x3FB4] =	sst s9;
	s0 =	simm.s32 @!p0 $0x0  }
0x12: {  	s1 =	sld [smem:$0x3F9A];
	s0 =	simm.s32 @p0 $0x1  }
0x13: {  	[smem:$0x3FB5] =	sst s0;
	s0 =	simm.s32 @!p1 $0x0  }
0x14: {  	s2 =	sld [smem:$0x3F99];
	s0 =	simm.s32 @p1 $0x1  }
0x15: {  	[smem:$0x3FB6] =	sst s0;
	s0 =	simm.s32 @!p2 $0x0  }
0x16: {  	s3 =	sld [smem:$0x3FDB];
	s0 =	simm.s32 @p2 $0x1  }
0x17: {  	s4 =	simm.s32 $0x1BF5;
	[smem:$0x3FB8] =	sst s0  }
0x18: {  	s0 =	sld [smem:$0x3F9B];
	_ =	swait.ge [sflag:s4], $0x0  }
0x19: {  	s7 =	sld [smem:$0x3F9C]  }
0x1a: {  	s8 =	sadd.s32 $0xFFFFE003, lr  }
0x1b: {  	s9 =	sadd.s32 $0xFFFFFEF7, lr;
	s5 =	simm.s32 $0xFFFFFFFF;
	p2 =	slt.u32 s8, $0xFFFFF086  }
0x1c: {  	p1 =	slt.u32 s9, $0xF7A;
	s5 =	simm.s32 @!p2 $0x0  }
0x1d: {  	s5 =	simm.s32 @p1 $0x1;
	p0 =	seq.s32 s7, s2  }
0x1e: {  	s7 =	smul.u32 @!p0 $0xF7A, s2;
	p2 =	seq.s32 @!p0 s5, $0x0  }
0x1f: {  	s9 =	smul.u32 $0xF7A, s1;
	s8 =	simm.s32 @!p0 $0x1BF5;
	p2 =	por !p2, p0  }
0x20: {  	[sflag:s8] =	ssyncset.s32 @!p0 $0xFFFFF086;
	s6 =	sadd.s32 @!p0 s3, s7;
	s7 =	simm.s32 @!p0 $0x108  }
0x21: {  	s3 =	sadd.s32 s3, s9;
	s6 =	sadd.s32 @!p0 $0x88, s6;
	s7 =	simm.s32 @p2 $0x1082  }
0x22: {  	[simem:s7], [sflag:s8] =	dma.local @!p0 [hbm:s6], $0xF7A  }
0x23: {  	s9 =	sor.u32 $0xD0000000, s2;
	s6 =	simm.s32 $0x108;
	_ =	swait.ge @!p0 [sflag:s8], $0x0  }
0x24: {  	s3 =	sadd.s32 $0x88, s3;
	s6 =	simm.s32 @!p1 $0x1082;
	[sflag:s4] =	ssyncset.s32 $0xFFFFF086  }
0x25: {  	[simem:s6], [sflag:s4] =	dma.local [hbm:s3], $0xF7A  }
0x26: {  	[smem:$0x3F9C] =	sst s1;
	(tag) =	ssettag s2;
	_ =	strace s9  }
0x27: {  	s1 =	sld [smem:$0x3FAC]  }
0x28: {  	s2 =	sld [smem:$0x3FAD]  }
0x29: {  	s4 =	sld [smem:$0x3FAF]  }
0x2a: {  	p0 =	seq.s32 s5, $0x0;
	s5 =	sld [smem:$0x3FB0]  }
0x2b: {  	s6 =	sld [smem:$0x3FB1]  }
0x2c: {  	s7 =	sld [smem:$0x3FB2]  }
0x2d: {  	s3 =	simm.s32 $0x108;
	s8 =	sld [smem:$0x3FB3]  }
0x2e: {  	s3 =	simm.s32 @!p0 $0x1082;
	s9 =	sld [smem:$0x3FB4]  }
0x2f: {  	lr =	sadd.s32 s0, s3;
	s0 =	sld [smem:$0x3FAB]  }
0x30: {  	s3 =	sld [smem:$0x3FAE]  }
0x31: {  	[smem:$0x3FB7] =	sst s10  }
0x32: {  	s10 =	sld [smem:$0x3FB5];
	_ =	sdelay $0x3  }
0x33: {  	p0 =	seq.s32 s10, $0x1;
	s10 =	sld [smem:$0x3FB7];
	_ =	sdelay $0x3  }
0x34: {  	[smem:$0x3FB7] =	sst s10  }
0x35: {  	s10 =	sld [smem:$0x3FB6];
	_ =	sdelay $0x3  }
0x36: {  	p1 =	seq.s32 s10, $0x1;
	s10 =	sld [smem:$0x3FB7];
	_ =	sdelay $0x3  }
0x37: {  	[smem:$0x3FB7] =	sst s10  }
0x38: {  	s10 =	sld [smem:$0x3FB8]  }
0x39: {  	_ = 	snop;
	(pc) =	sbr.ind lr, $3  }
0x3a: {  	_ = 	snop  }
0x3b: {  	_ = 	snop  }
0x3c: {  	p2 =	seq.s32 s10, $0x1;
	s10 =	sld [smem:$0x3FB7]  }
0x3d: {  	_ =	shalt  }
0x3e: {  	_ =	shalt  }
0x3f: {  	_ =	shalt  }
0x40: {  	_ =	shalt  }
0x41: {  	_ =	shalt  }
0x42: {  	_ =	shalt  }
0x43: {  	_ =	shalt  }
0x44: {  	_ =	shalt  }
0x45: {  	_ =	shalt  }
0x46: {  	_ =	shalt  }
0x47: {  	_ =	shalt  }
0x48: {  	_ =	shalt  }
0x49: {  	_ =	shalt  }
0x4a: {  	_ =	shalt  }
0x4b: {  	_ =	shalt  }
0x4c: {  	_ =	shalt  }
0x4d: {  	_ =	shalt  }
0x4e: {  	_ =	shalt  }
0x4f: {  	_ =	shalt  }
0x50: {  	_ =	shalt  }
0x51: {  	_ =	shalt  }
0x52: {  	_ =	shalt  }
0x53: {  	_ =	shalt  }
0x54: {  	_ =	shalt  }
0x55: {  	_ =	shalt  }
0x56: {  	_ =	shalt  }
0x57: {  	_ =	shalt  }
0x58: {  	_ =	shalt  }
0x59: {  	_ =	shalt  }
0x5a: {  	_ =	shalt  }
0x5b: {  	_ =	shalt  }
0x5c: {  	_ =	shalt  }
0x5d: {  	_ =	shalt  }
0x5e: {  	_ =	shalt  }
0x5f: {  	_ =	shalt  }
0x60: {  	_ =	shalt  }
0x61: {  	_ =	shalt  }
0x62: {  	_ =	shalt  }
0x63: {  	_ =	shalt  }
0x64: {  	_ =	shalt  }
0x65: {  	_ =	shalt  }
0x66: {  	_ =	shalt  }
0x67: {  	_ =	shalt  }
0x68: {  	_ =	shalt  }
0x69: {  	_ =	shalt  }
0x6a: {  	_ =	shalt  }
0x6b: {  	_ =	shalt  }
0x6c: {  	_ =	shalt  }
0x6d: {  	_ =	shalt  }
0x6e: {  	_ =	shalt  }
0x6f: {  	_ =	shalt  }
0x70: {  	_ =	shalt  }
0x71: {  	_ =	shalt  }
0x72: {  	_ =	shalt  }
0x73: {  	_ =	shalt  }
0x74: {  	_ =	shalt  }
0x75: {  	_ =	shalt  }
0x76: {  	_ =	shalt  }
0x77: {  	_ =	shalt  }
0x78: {  	_ =	shalt  }
0x79: {  	_ =	shalt  }
0x7a: {  	_ =	shalt  }
0x7b: {  	_ =	shalt  }
0x7c: {  	_ =	shalt  }
0x7d: {  	_ =	shalt  }
0x7e: {  	_ =	shalt  }
0x7f: {  	_ =	shalt  }
0x80: {  	_ =	shalt  }
0x81: {  	_ =	shalt  }
0x82: {  	_ =	shalt  }
0x83: {  	_ =	shalt  }
0x84: {  	_ =	shalt  }
0x85: {  	_ =	shalt  }
0x86: {  	_ =	shalt  }
0x87: {  	_ =	shalt  }
.Lfunc_end0:
.L_simem_size_0:
called_computation_lowered:
.L_overlay_start_0:
0x88: {  	s2 =	sld [smem:$0x3FD9]  }
0x89: {  	s3 =	sld [smem:$0x3FFE];
	_ =	sdelay $0x1  }
0x8a: {  	s1 =	srdreg.scid  }
0x8b: {  	s0 =	sand.u32 $0x1, s1  }
0x8c: {  	s17 =	sshll.u32 s0, $0xA;
	s2 =	sadd.s32 s3, s2  }
0x8d: {  	s2 =	sadd.s32 s2, s17  }
0x8e: {  	[smem:$0x3FC3] =	sst s2  }
0x8f: {  	_ = 	snop  }
0x90: {  	s2 =	sld [smem:$0x3FC7]  }
0x91: {  	s18 =	sld [smem:$0x3FC6]  }
0x92: {  	s4 =	sld [smem:$0x3FC5]  }
0x93: {  	s5 =	sld [smem:$0x3FD0];
	(tm) =	ssettm $0x1  }
0x94: {  	s6 =	sld [smem:$0x3FFB];
	_ =	sdelay $0x3  }
0x95: {  	_ =	strace s6  }
0x96: {  	s6 =	sld [smem:$0x3FFC];
	_ =	sdelay $0x3  }
0x97: {  	_ =	strace s6  }
0x98: {  	s6 =	sld [smem:$0x3FFD];
	_ =	sdelay $0x3  }
0x99: {  	_ =	strace s6  }
0x9a: {  	_ =	strace $0x8FFFFFFF  }
0x9b: {  	s19 =	sld [smem:$0x3FDB];
	_ =	sdelay $0x1  }
0x9c: {  	s7 =	simm.s32 $_scs_section_size  }
0x9d: {  	s8 =	simm.s32 $_size__tile_overlayer_lowered;
	s9 =	simm.s32 $_tile_overlayer_lowered  }
0x9e: {  	s22 =	simm.s32 $0x1BFF;
	s21 =	sshll.u32 s9, $0x1;
	s6 =	sadd.s32 s7, s19  }
0x9f: {  	s10 =	simm.s32 $0x0;
	s20 =	sshll.u32 s8, $0x1;
	s8 =	sadd.s32 s21, s6  }
0xa0: {  	[timem:s10], [sflag:s22] =	dma.local [hbm:s8], s20  }
0xa1: {  	_ =	swait.ge [sflag:s22], s20  }
0xa2: {  	s7 =	ssub.s32 $0x0, s20;
	[sflag:s22] =	ssyncset.done $0x0  }
0xa3: {  	[sflag:s22] =	ssyncadd.s32 s7;
	_ =	sdelay $0x1  }
0xa4: {  	s23 =	simm.s32 $0x1B8B  }
0xa5: {  	_ =	swait.ge [sflag:s23], $0x1  }
0xa6: {  	[sflag:s23] =	ssyncset.done $0x0  }
0xa7: {  	s25 =	simm.s32 $0x1B8E;
	s24 =	sld [smem:$0x3FFE];
	[sflag:s23] =	ssyncadd.s32 $0xFFFFFFFF  }
0xa8: {  	s26 =	simm.s32 $execute0_lowered;
	[smem:$0x3FD2] =	sst s25  }
0xa9: {  	s8 =	sshll.u32 s26, $0x1;
	_ =	strace $0x80000046;
	[dreg:$0x1] =	wrdreg $0xFFFFFFFF  }
0xaa: {  	s28 =	simm.s32 $_size_execute0_lowered;
	s6 =	sadd.s32 s6, s8;
	[dreg:$0x0] =	wrdreg $0x0  }
0xab: {  	s8 =	sshll.u32 s28, $0x1;
	[dreg:$0x2] =	wrdreg s6  }
0xac: {  	[dreg:$0x3] =	wrdreg s8  }
0xad: {  	[dreg:$0x4] =	wrdreg $0xC0  }
0xae: {  	_ =	task [dreg:s10], $0x5FFFF  }
0xaf: {  	[dreg:$0x1] =	wrdreg $0xFFFFFFFF  }
0xb0: {  	[dreg:$0x0] =	wrdreg $0x60  }
0xb1: {  	[dreg:$0x2] =	wrdreg s24  }
0xb2: {  	[dreg:$0x3] =	wrdreg s2  }
0xb3: {  	[dreg:$0x4] =	wrdreg s18  }
0xb4: {  	[dreg:$0x5] =	wrdreg s4  }
0xb5: {  	[dreg:$0x6] =	wrdreg s5  }
0xb6: {  	[dreg:$0x7] =	wrdreg $0x9  }
0xb7: {  	_ =	task.clear_ibuf [dreg:s10], $0x8FFFF;
	_ =	strace $0x90000046  }
0xb8: {  	s29 =	simm.s32 $0x9;
	_ =	strace $0x80000048  }
0xb9: {  	_ =	swait.ge [sflag:s29], $0x1  }
0xba: {  	[sflag:s29] =	ssyncadd.s32 $0xFFFFFFFF  }
0xbb: {  	_ =	strace $0x90000048  }
0xbc: {  	_ =	sfence  }
0xbd: {  	s30 =	sld [smem:$0x0];
	_ =	sdelay $0x2  }
0xbe: {  	s31 =	sshll.u32 s1, $0xD;
	s1 =	sshrl.u32 s1, $0x2  }
0xbf: {  	s3 =	sand.u32 $0x4000, s31;
	s1 =	sadd.s32 s1, s30  }
0xc0: {  	s0 =	sor.u32 s3, s0;
	s1 =	sshll.u32 s1, $0x11  }
0xc1: {  	s0 =	sor.u32 s1, s0  }
0xc2: {  	s0 =	sadd.s32 $0x8F2B, s0  }
0xc3: {  	[sflag:s0] =	ssyncadd.remote.s32 $0x1  }
0xc4: {  	_ =	sfence.sel $0xFFFF  }
0xc5: {  	[dreg:$0x0] =	wrdreg $0xFFFFFFFF;
	(pc) =	sbr.abs _section_cstart, $3  }
0xc6: {  	[dreg:$0x1] =	wrdreg $0xFFFFFFFF  }
0xc7: {  	_ =	task.clear_ibuf [dreg:s10], $0x2FFFF;
	_ =	strace $0x9FFFFFFF  }
0xc8: {  	(tm) =	ssettm $0x7FFFFFFF  }
0xc9: {  	_ =	shalt  }
tec
execute0_lowered:
.L_overlay_start_1:
0x0: {  	(tag) =	ssettag $0x1  }
0x1: {  	s4 =	rddreg [dreg:$0x0]  }
0x2: {  	s5 =	rddreg [dreg:$0x1];
	v0 =	vimm.s32 $0xFEDCBA98;
	v1 =	vimm.f32 $9.000000000e+00  }
0x3: {  	s6 =	rddreg [dreg:$0x2];
	v2 =	vimm.s32 $0x76543210;
	v3 =	vimm.s32 $0xBA987654;
	v4 =	vimm.s32 $0x10FEDCBA  }
0x4: {  	s7 =	rddreg [dreg:$0x3];
	v5 =	vimm.s32 $0x98765432;
	v6 =	vimm.s32 $0xFEDCBA9;
	v7 =	vimm.s32 $0x87654321  }
0x5: {  	s8 =	rddreg [dreg:$0x4];
	s1 =	simm.s32 $0x0;
	vm0 =	vmmov $0x1;
	vm1 =	vmmov $0x3;
	vm2 =	vmmov $0x7  }
0x6: {  	vm3 =	vmmov $0xf;
	vm4 =	vmmov $0x1f;
	vm5 =	vmmov $0x3f;
	[smem:$0x7FF] =	sst s1  }
0x7: {  	s0 =	rddreg [dreg:$0x5];
	vm6 =	vmmov $0x7f;
	vm7 =	vmmov $0xff;
	v0 =	vunpack.c.l.s4.s8 v0;
	_ =	strace $0x80000047  }
0x8: {  	(erf) = vrcp.f32 v1;
	v1 =	vunpack.c.l.s4.s8 v2;
	v2 =	vimm.s32 $0x3210FEDC  }
0x9: {  	v3 =	vunpack.c.l.s4.s8 v3;
	v4 =	vunpack.c.l.s4.s8 v4;
	v2 =	vunpack.c.l.s4.s8 v2  }
0xa: {  	s3 =	srdreg.scid;
	s2 =	stileid.u32;
	s13 =	simm.s32 $0x600;
	v5 =	vunpack.c.l.s4.s8 v5;
	v6 =	vunpack.c.l.s4.s8 v6;
	v7 =	vunpack.c.l.s4.s8 v7  }
0xb: {  	s14 =	simm.s32 $0x4600;
	s15 =	simm.s32 $0x8600;
	s16 =	simm.s32 $0x1;
	v3 =	vunpack.c.0.s8.s32 v3;
	v4 =	vunpack.c.0.s8.s32 v4;
	v2 =	vunpack.c.0.s8.s32 v2  }
0xc: {  	s17 =	simm.s32 $0x2;
	s18 =	simm.s32 $0x3;
	s19 =	simm.s32 $0xC600;
	v5 =	vunpack.c.0.s8.s32 v5;
	v6 =	vunpack.c.0.s8.s32 v6;
	v7 =	vunpack.c.0.s8.s32 v7  }
0xd: {  	vm8 =	vmmov $0x1ff;
	vm9 =	vmmov $0x3ff;
	s20 =	simm.s32 $0x0;
	s3 =	sand.u32 $0x1, s3;
	s10 =	sshll.u32 s2, $0x7;
	v2 =	vcombine.low v3, v2  }
0xe: {  	s9 =	ssub.s32 $0x2, s3;
	s11 =	sshll.u32 s3, $0x6;
	s3 =	sadd.s32 $0xF42A00, s4;
	v0 =	vunpack.c.0.s8.s32 v0;
	v3 =	vcombine.low v5, v4;
	v4 =	vcombine.low v7, v6  }
0xf: {  	vm10 =	vmmov $0x7ff;
	vm11 =	vmmov $0xfff;
	s4 =	sadd.s32 $0x600, s4;
	s12 =	sshrl.u32 s9, $0x1;
	s10 =	sor.u32 s11, s10;
	v1 =	vunpack.c.0.s8.s32 v1  }
0x10: {  	vm12 =	vmmov $0x1fff;
	vm13 =	vmmov $0x3fff;
	s11 =	simm.s32 $0x200;
	s9 =	ssub.s32 s9, s12;
	s5 =	sadd.s32 s5, s10;
	v0 =	vand.u32 $0xF, v0  }
0x11: {  	vm14 =	vmmov $0x7fff;
	s6 =	sadd.s32 s6, s10;
	s7 =	sadd.s32 s7, s10;
	s8 =	sadd.s32 s8, s10;
	v0 =	vcombine.low v0, v1;
	v5 =	vimm.s32 $0xFFFFFF81  }
0x12: {  	s10 =	simm.s32 $0x4;
	s12 =	simm.s32 $0x400;
	s9 =	smax.u32 s9, $0x1;
	v1 =	vand.u32 $0xF, v2;
	v2 =	vand.u32 $0xF, v3;
	v3 =	vand.u32 $0xF, v4;
	v4 =	vpop (erf)  }
.LBB2_1:
0x13: {  	[tilespmem:s1], [sflag:$0x4] =	stream.linear.gather [hbm4b:s5+s1], $0x200, $0x38;
	[tilespmem:$0xC800] =	vst v63  }
0x14: {  	_ =	swait.ge [sflag:s10], $0x200  }
0x15: {  	[sflag:s10] =	ssyncset.done $0x0  }
0x16: {  	[sflag:s10] =	ssyncadd.s32 $0xFFFFFE00  }
0x17: {  	[tilespmem:s11], [sflag:$0x4] =	stream.linear.gather [hbm4b:s6+s1], $0x200, $0x38;
	[tilespmem:$0xC800] =	vst v63  }
0x18: {  	_ =	swait.ge [sflag:s10], $0x200  }
0x19: {  	[sflag:s10] =	ssyncset.done $0x0  }
0x1a: {  	[sflag:s10] =	ssyncadd.s32 $0xFFFFFE00  }
0x1b: {  	[tilespmem:s12], [sflag:$0x4] =	stream.linear.gather [hbm4b:s7+s1], $0x200, $0x38;
	[tilespmem:$0xC800] =	vst v63  }
0x1c: {  	_ =	swait.ge [sflag:s10], $0x200  }
0x1d: {  	[sflag:s10] =	ssyncset.done $0x0  }
0x1e: {  	[sflag:s10] =	ssyncadd.s32 $0xFFFFFE00  }
0x1f: {  	[tilespmem:s13], [sflag:$0x1] =	stream.indirect.gather [hbm4b:s3+s11], $0x20, s1, s11, $0xb8;
	[tilespmem:$0xC800] =	vst v63  }
0x20: {  	_ = 	snop  }
0x21: {  	[tilespmem:s14], [sflag:$0x2] =	stream.indirect.gather [hbm4b:s4+s11], $0x20, s11, s11, $0xb8;
	[tilespmem:$0xC800] =	vst v63  }
0x22: {  	_ = 	snop  }
0x23: {  	[tilespmem:s15], [sflag:$0x3] =	stream.indirect.gather [hbm4b:s3+s11], $0x20, s12, s11, $0xb8;
	[tilespmem:$0xC800] =	vst v63  }
0x24: {  	_ =	swait.ge [sflag:s16], $0x4000  }
0x25: {  	[sflag:s16] =	ssyncset.done $0x0  }
0x26: {  	[sflag:s16] =	ssyncadd.s32 $0xFFFFC000  }
0x27: {  	_ =	swait.ge [sflag:s17], $0x4000  }
0x28: {  	[sflag:s17] =	ssyncset.done $0x0  }
0x29: {  	[sflag:s17] =	ssyncadd.s32 $0xFFFFC000  }
0x2a: {  	_ =	swait.ge [sflag:s18], $0x4000  }
0x2b: {  	[sflag:s18] =	ssyncset.done $0x0  }
0x2c: {  	s21 =	simm.s32 $0xC600;
	s22 =	simm.s32 $0x0;
	[sflag:s18] =	ssyncadd.s32 $0xFFFFC000  }
.LBB2_2:
0x2d: {  	s23 =	sshra.s32 s22, $0x2  }
0x2e: {  	v6 =	vld [tilespmem:s23+$0x600]  }
0x2f: {  	v7 =	vld [tilespmem:s23+$0x610]  }
0x30: {  	v8 =	vld [tilespmem:s23+$0x8600]  }
0x31: {  	v9 =	vld [tilespmem:s23+$0x8610]  }
0x32: {  	v12 =	vld [tilespmem:s23+$0x4600]  }
0x33: {  	v13 =	vld [tilespmem:s23+$0x4610]  }
0x34: {  	v63 =	vld [tilespmem:s23+$0x620]  }
0x35: {  	v25 =	vld [tilespmem:s23+$0x630];
	v10 =	vmul.f32 v6, v6  }
0x36: {  	v27 =	vld [tilespmem:s23+$0x4620];
	v11 =	vmul.f32 v7, v7;
	v14 =	vmul.f32 v8, v8  }
0x37: {  	v30 =	vld [tilespmem:s23+$0x8620];
	v15 =	vmul.f32 v9, v9;
	v16 =	vmul.f32 v12, v12  }
0x38: {  	v31 =	vld [tilespmem:s23+$0x8630];
	v17 =	vmul.f32 v12, v6;
	v48 =	vmul.f32 v13, v13  }
0x39: {  	v6 =	vmul.f32 v8, v6;
	v18 =	vmul.f32 v13, v7  }
0x3a: {  	v34 =	vld [tilespmem:s23+$0x4630];
	v8 =	vmul.f32 v8, v12;
	v7 =	vmul.f32 v9, v7  }
0x3b: {  	v9 =	vmul.f32 v9, v13;
	v36 =	vmul.f32 v63, v63  }
0x3c: {  	v21 =	vmul.f32 v25, v25;
	v22 =	vmul.f32 v30, v30  }
0x3d: {  	v37 =	vmul.f32 v31, v31;
	v38 =	vmul.f32 v27, v27  }
0x3e: {  	v39 =	vmul.f32 v27, v63;
	v13 =	vmul.f32 v30, v63  }
0x3f: {  	v40 =	vmul.f32 v34, v34;
	v10 =	vadd.f32 v11, v10;
	v14 =	vadd.f32 v15, v14  }
0x40: {  	v42 =	vmul.f32 v34, v25;
	v17 =	vadd.f32 $0.0e+00, v17;
	v49 =	vadd.f32 v48, v16  }
0x41: {  	v12 =	vmul.f32 v31, v25;
	v6 =	vadd.f32 $0.0e+00, v6;
	v8 =	vadd.f32 $0.0e+00, v8  }
0x42: {  	v41 =	vadd.f32 $0.0e+00, v39;
	v13 =	vadd.f32 $0.0e+00, v13;
	v11 =	vperm.xlane v10, v0  }
0x43: {  	v50 =	vadd.f32 v18, v17;
	v51 =	vperm.xlane v14, v0;
	v6 =	vadd.f32 v7, v6  }
0x44: {  	v16 =	vperm.xlane v49, v0;
	v8 =	vadd.f32 v9, v8;
	v17 =	vadd.f32 v40, v38  }
0x45: {  	v18 =	vadd.f32 v42, v41;
	v12 =	vadd.f32 v12, v13;
	v52 =	vperm.xlane v50, v0  }
0x46: {  	v7 =	vadd.f32 v11, v10;
	v55 =	vperm.xlane v6, v0;
	v57 =	vperm.xlane v8, v0  }
0x47: {  	v53 =	vadd.f32 v51, v14;
	v47 =	vperm.xlane v17, v0;
	v48 =	vperm.xlane v18, v0  }
0x48: {  	v54 =	vadd.f32 v16, v49;
	v49 =	vperm.xlane v12, v0;
	v56 =	vperm.xlane v7, v1  }
0x49: {  	v10 =	vadd.f32 v52, v50;
	v58 =	vperm.xlane v53, v1;
	v6 =	vadd.f32 v55, v6  }
0x4a: {  	v16 =	vperm.xlane v54, v1;
	v8 =	vadd.f32 v57, v8;
	v52 =	vadd.f32 v48, v18  }
0x4b: {  	v12 =	vadd.f32 v49, v12;
	v7 =	vadd.f32 v56, v7;
	v59 =	vperm.xlane v10, v1  }
0x4c: {  	v9 =	vadd.f32 v58, v53;
	v60 =	vperm.xlane v6, v1;
	v62 =	vperm.xlane v8, v1  }
0x4d: {  	v11 =	vadd.f32 v16, v54;
	v55 =	vperm.xlane v52, v1;
	v56 =	vperm.xlane v12, v1  }
0x4e: {  	v61 =	vperm.xlane v7, v2;
	v10 =	vadd.f32 v59, v10;
	v15 =	vperm.xlane v9, v2  }
0x4f: {  	v16 =	vperm.xlane v11, v2;
	v6 =	vadd.f32 v60, v6;
	v8 =	vadd.f32 v62, v8  }
0x50: {  	v63 =	vld [tilespmem:s23+$0x4640];
	v12 =	vadd.f32 v56, v12;
	v7 =	vadd.f32 v61, v7;
	v24 =	vperm.xlane v10, v2  }
0x51: {  	v60 =	vld [tilespmem:s23+$0x640];
	v9 =	vadd.f32 v15, v9;
	v26 =	vperm.xlane v6, v2;
	v29 =	vperm.xlane v8, v2  }
0x52: {  	v11 =	vadd.f32 v16, v11;
	v16 =	vmul.f32 v30, v27;
	v15 =	vmul.f32 v31, v34  }
0x53: {  	v59 =	vperm.xlane v12, v2;
	v28 =	vperm.xlane v7, v3;
	v10 =	vadd.f32 v24, v10  }
0x54: {  	v61 =	vld [tilespmem:s23+$0x650];
	v19 =	vperm.xlane v9, v3;
	v6 =	vadd.f32 v26, v6;
	v8 =	vadd.f32 v29, v8  }
0x55: {  	v31 =	vld [tilespmem:s23+$0x4650];
	v20 =	vperm.xlane v11, v3;
	v16 =	vadd.f32 $0.0e+00, v16;
	v12 =	vadd.f32 v59, v12  }
0x56: {  	v38 =	vmul.f32 v63, v60;
	v7 =	vadd.f32 v28, v7;
	v32 =	vperm.xlane v10, v3  }
0x57: {  	v9 =	vadd.f32 v19, v9;
	v11 =	vadd.f32 v20, v11;
	v33 =	vperm.xlane v6, v3  }
0x58: {  	v24 =	vld [tilespmem:s23+$0x8640];
	v35 =	vperm.xlane v8, v3;
	v20 =	vadd.f32 v21, v36;
	v45 =	vadd.f32 v15, v16  }
0x59: {  	v26 =	vld [tilespmem:s23+$0x8650];
	v16 =	vadd.f32 v47, v17;
	v30 =	vperm.xlane v12, v3;
	v34 =	vmul.f32 v61, v61  }
0x5a: {  	v17 =	vadd.f32 v55, v52;
	v40 =	vmul.f32 v31, v31;
	v41 =	vmul.f32 v31, v61  }
0x5b: {  	v14 =	vadd.f32 v33, v6;
	v43 =	vperm.xlane v20, v0;
	v50 =	vperm.xlane v45, v0  }
0x5c: {  	v6 =	vadd.f32 v35, v8;
	v54 =	vperm.xlane v16, v1;
	v33 =	vmul.f32 v60, v60  }
0x5d: {  	v27 =	vld [tilespmem:s23+$0x8670];
	v8 =	vadd.f32 v37, v22;
	v37 =	vmul.f32 v63, v63;
	v35 =	vmul.f32 v24, v24  }
0x5e: {  	v10 =	vadd.f32 v32, v10;
	v36 =	vmul.f32 v26, v26;
	v39 =	vmul.f32 v24, v60  }
0x5f: {  	v12 =	vadd.f32 v30, v12;
	v19 =	vmul.f32 v24, v63;
	v18 =	vmul.f32 v26, v61  }
0x60: {  	v44 =	vperm.xlane v8, v0;
	v46 =	vadd.f32 v43, v20;
	v13 =	vadd.f32 v50, v45  }
0x61: {  	v16 =	vadd.f32 v54, v16;
	v20 =	vperm.xlane v17, v2;
	v12 =	vsel vm0, v14, v12  }
0x62: {  	v14 =	vadd.f32 v36, v35;
	v19 =	vadd.f32 $0.0e+00, v19;
	v35 =	vmul.f32 v27, v27  }
0x63: {  	v8 =	vadd.f32 v44, v8;
	v51 =	vperm.xlane v46, v1;
	v21 =	vperm.xlane v13, v1  }
0x64: {  	v58 =	vperm.xlane v16, v2;
	v17 =	vadd.f32 v20, v17;
	v43 =	vperm.xlane v14, v0  }
0x65: {  	v61 =	vld [tilespmem:s23+$0x8660];
	v53 =	vperm.xlane v8, v1;
	v15 =	vadd.f32 v51, v46;
	v13 =	vadd.f32 v21, v13  }
0x66: {  	v16 =	vadd.f32 v58, v16;
	v29 =	vperm.xlane v17, v3;
	v58 =	vld [tilespmem:s23+$0x4660];
	v14 =	vadd.f32 v43, v14  }
0x67: {  	v54 =	vld [tilespmem:s23+$0x660];
	v8 =	vadd.f32 v53, v8;
	v22 =	vperm.xlane v15, v2;
	v21 =	vperm.xlane v13, v2  }
0x68: {  	v28 =	vperm.xlane v16, v3;
	v17 =	vadd.f32 v29, v17;
	v48 =	vperm.xlane v14, v1  }
0x69: {  	v57 =	vperm.xlane v8, v2;
	v15 =	vadd.f32 v22, v15;
	v13 =	vadd.f32 v21, v13  }
0x6a: {  	v56 =	vld [tilespmem:s23+$0x670];
	v16 =	vadd.f32 v28, v16;
	v10 =	vsel vm0, v10, v17;
	v21 =	vadd.f32 $0.0e+00, v39  }
0x6b: {  	v17 =	vadd.f32 v40, v37;
	v14 =	vadd.f32 v48, v14;
	v36 =	vmul.f32 v58, v58  }
0x6c: {  	v37 =	vmul.f32 v58, v54;
	v20 =	vmul.f32 v61, v58;
	v8 =	vadd.f32 v57, v8  }
0x6d: {  	v23 =	vperm.xlane v15, v3;
	v25 =	vperm.xlane v13, v3;
	v32 =	vsel vm0, v11, v16  }
0x6e: {  	v11 =	vadd.f32 v34, v33;
	v16 =	vadd.f32 $0.0e+00, v38;
	v44 =	vperm.xlane v17, v0  }
0x6f: {  	v18 =	vadd.f32 v18, v21;
	v33 =	vmul.f32 v56, v56;
	v34 =	vmul.f32 v61, v61  }
0x70: {  	v38 =	vmul.f32 v61, v54;
	v51 =	vperm.xlane v14, v2;
	v20 =	vadd.f32 $0.0e+00, v20  }
0x71: {  	v62 =	vperm.xlane v8, v3;
	v15 =	vadd.f32 v23, v15;
	v13 =	vadd.f32 v25, v13  }
0x72: {  	v42 =	vperm.xlane v11, v0;
	v16 =	vadd.f32 v41, v16;
	v17 =	vadd.f32 v44, v17  }
0x73: {  	v46 =	vperm.xlane v18, v0;
	v14 =	vadd.f32 v51, v14;
	v8 =	vadd.f32 v62, v8  }
0x74: {  	v7 =	vsel vm0, v7, v15;
	v15 =	vmul.f32 v26, v31;
	v11 =	vadd.f32 v42, v11  }
0x75: {  	v45 =	vperm.xlane v16, v0;
	v18 =	vadd.f32 v46, v18;
	v49 =	vperm.xlane v17, v1  }
0x76: {  	v6 =	vsel vm0, v6, v13;
	v31 =	vld [tilespmem:s23+$0x4670];
	v57 =	vperm.xlane v14, v3;
	v8 =	vsel vm0, v9, v8  }
0x77: {  	v15 =	vadd.f32 v15, v19;
	v23 =	vperm.xlane v11, v1;
	v16 =	vadd.f32 v45, v16  }
0x78: {  	v50 =	vperm.xlane v18, v1;
	v17 =	vadd.f32 v49, v17;
	v19 =	vmul.f32 v27, v56  }
0x79: {  	v14 =	vadd.f32 v57, v14;
	v47 =	vperm.xlane v15, v0;
	v11 =	vadd.f32 v23, v11  }
0x7a: {  	v21 =	vperm.xlane v16, v1;
	v18 =	vadd.f32 v50, v18;
	v52 =	vperm.xlane v17, v2  }
0x7b: {  	v8 =	vsel vm1, v8, v14;
	v39 =	vmul.f32 v31, v31;
	v14 =	vadd.f32 $0.0e+00, v37  }
0x7c: {  	v40 =	vmul.f32 v31, v56;
	v15 =	vadd.f32 v47, v15;
	v23 =	vperm.xlane v11, v2  }
0x7d: {  	v57 =	vld [tilespmem:s23+$0x4680];
	v16 =	vadd.f32 v21, v16;
	v53 =	vperm.xlane v18, v2;
	v17 =	vadd.f32 v52, v17  }
0x7e: {  	v14 =	vadd.f32 v40, v14;
	v22 =	vperm.xlane v15, v1;
	v11 =	vadd.f32 v23, v11  }
0x7f: {  	v21 =	vperm.xlane v16, v2;
	v18 =	vadd.f32 v53, v18;
	v59 =	vperm.xlane v17, v3  }
0x80: {  	v44 =	vperm.xlane v14, v0;
	v15 =	vadd.f32 v22, v15;
	v55 =	vperm.xlane v11, v3  }
0x81: {  	v53 =	vld [tilespmem:s23+$0x680];
	v16 =	vadd.f32 v21, v16;
	v62 =	vperm.xlane v18, v3;
	v29 =	vadd.f32 v59, v17  }
0x82: {  	v21 =	vadd.f32 $0.0e+00, v38;
	v17 =	vadd.f32 v39, v36;
	v36 =	vmul.f32 v57, v57  }
0x83: {  	v14 =	vadd.f32 v44, v14;
	v22 =	vperm.xlane v15, v2;
	v11 =	vadd.f32 v55, v11  }
0x84: {  	v60 =	vperm.xlane v16, v3;
	v30 =	vadd.f32 v62, v18;
	v9 =	vsel vm1, v32, v29  }
0x85: {  	v32 =	vmul.f32 v54, v54;
	v19 =	vadd.f32 v19, v21;
	v43 =	vperm.xlane v17, v0  }
0x86: {  	v21 =	vperm.xlane v14, v1;
	v37 =	vmul.f32 v57, v53;
	v15 =	vadd.f32 v22, v15  }
0x87: {  	v55 =	vld [tilespmem:s23+$0x690];
	v16 =	vadd.f32 v60, v16;
	v7 =	vsel vm1, v7, v11;
	v12 =	vsel vm1, v12, v30  }
0x88: {  	v13 =	vadd.f32 v33, v32;
	v11 =	vmul.f32 v27, v31;
	v45 =	vperm.xlane v19, v0  }
0x89: {  	v17 =	vadd.f32 v43, v17;
	v60 =	vld [tilespmem:s23+$0x8680];
	v32 =	vmul.f32 v53, v53;
	v14 =	vadd.f32 v21, v14  }
0x8a: {  	v31 =	vld [tilespmem:s23+$0x4690];
	v63 =	vperm.xlane v15, v3;
	v10 =	vsel vm1, v10, v16;
	v16 =	vadd.f32 v35, v34  }
0x8b: {  	v41 =	vperm.xlane v13, v0;
	v11 =	vadd.f32 v11, v20;
	v48 =	vperm.xlane v17, v1  }
0x8c: {  	v18 =	vadd.f32 v45, v19;
	v21 =	vperm.xlane v14, v2;
	v33 =	vmul.f32 v55, v55  }
0x8d: {  	v15 =	vadd.f32 v63, v15;
	v42 =	vperm.xlane v16, v0;
	v46 =	vperm.xlane v11, v0  }
0x8e: {  	v13 =	vadd.f32 v41, v13;
	v49 =	vperm.xlane v18, v1;
	v34 =	vmul.f32 v60, v60  }
0x8f: {  	v17 =	vadd.f32 v48, v17;
	v38 =	vmul.f32 v60, v53;
	v39 =	vmul.f32 v31, v31  }
0x90: {  	v14 =	vadd.f32 v21, v14;
	v19 =	vmul.f32 v60, v57;
	v40 =	vmul.f32 v31, v55  }
0x91: {  	v63 =	vld [tilespmem:s23+$0x8690];
	v16 =	vadd.f32 v42, v16;
	v23 =	vperm.xlane v13, v1;
	v11 =	vadd.f32 v46, v11  }
0x92: {  	v18 =	vadd.f32 v49, v18;
	v51 =	vperm.xlane v17, v2;
	v6 =	vsel vm1, v6, v15  }
0x93: {  	v15 =	vadd.f32 $0.0e+00, v37;
	v59 =	vperm.xlane v14, v3;
	v21 =	vadd.f32 $0.0e+00, v38  }
0x94: {  	v19 =	vadd.f32 $0.0e+00, v19;
	v47 =	vperm.xlane v16, v1;
	v13 =	vadd.f32 v23, v13  }
0x95: {  	v57 =	vld [tilespmem:s23+$0x46A0];
	v22 =	vperm.xlane v11, v1;
	v52 =	vperm.xlane v18, v2;
	v17 =	vadd.f32 v51, v17  }
0x96: {  	v15 =	vadd.f32 v40, v15;
	v14 =	vadd.f32 v59, v14;
	v35 =	vmul.f32 v63, v63  }
0x97: {  	v28 =	vld [tilespmem:s23+$0x46B0];
	v20 =	vmul.f32 v63, v55;
	v16 =	vadd.f32 v47, v16;
	v23 =	vperm.xlane v13, v2  }
0x98: {  	v11 =	vadd.f32 v22, v11;
	v18 =	vadd.f32 v52, v18;
	v58 =	vperm.xlane v17, v3  }
0x99: {  	v44 =	vperm.xlane v15, v0;
	v10 =	vsel vm2, v10, v14;
	v14 =	vadd.f32 v33, v32  }
0x9a: {  	v53 =	vld [tilespmem:s23+$0x6A0];
	v20 =	vadd.f32 v20, v21;
	v33 =	vmul.f32 v57, v57;
	v50 =	vperm.xlane v16, v2  }
0x9b: {  	v55 =	vld [tilespmem:s23+$0x6B0];
	v13 =	vadd.f32 v23, v13;
	v22 =	vperm.xlane v11, v2;
	v61 =	vperm.xlane v18, v3  }
0x9c: {  	v60 =	vld [tilespmem:s23+$0x86A0];
	v29 =	vadd.f32 v58, v17;
	v17 =	vadd.f32 v39, v36;
	v36 =	vmul.f32 v28, v28  }
0x9d: {  	v15 =	vadd.f32 v44, v15;
	v41 =	vperm.xlane v14, v0;
	v45 =	vperm.xlane v20, v0  }
0x9e: {  	v16 =	vadd.f32 v50, v16;
	v54 =	vperm.xlane v13, v3;
	v11 =	vadd.f32 v22, v11  }
0x9f: {  	v30 =	vadd.f32 v61, v18;
	v43 =	vperm.xlane v17, v0;
	v21 =	vperm.xlane v15, v1  }
0xa0: {  	v9 =	vsel vm2, v9, v29;
	v29 =	vmul.f32 v53, v53;
	v37 =	vmul.f32 v28, v55  }
0xa1: {  	v14 =	vadd.f32 v41, v14;
	v18 =	vadd.f32 v45, v20;
	v20 =	vmul.f32 v60, v57  }
0xa2: {  	v56 =	vperm.xlane v16, v3;
	v13 =	vadd.f32 v54, v13;
	v62 =	vperm.xlane v11, v3  }
0xa3: {  	v12 =	vsel vm2, v12, v30;
	v17 =	vadd.f32 v43, v17;
	v30 =	vmul.f32 v55, v55  }
0xa4: {  	v15 =	vadd.f32 v21, v15;
	v23 =	vperm.xlane v14, v1;
	v49 =	vperm.xlane v18, v1  }
0xa5: {  	v16 =	vadd.f32 v56, v16;
	v7 =	vsel vm2, v7, v13;
	v13 =	vmul.f32 v63, v31  }
0xa6: {  	v11 =	vadd.f32 v62, v11;
	v48 =	vperm.xlane v17, v1;
	v21 =	vperm.xlane v15, v2  }
0xa7: {  	v31 =	vmul.f32 v60, v60;
	v14 =	vadd.f32 v23, v14;
	v18 =	vadd.f32 v49, v18  }
0xa8: {  	v8 =	vsel vm2, v8, v16;
	v16 =	vadd.f32 v35, v34;
	v13 =	vadd.f32 v13, v19  }
0xa9: {  	v63 =	vld [tilespmem:s23+$0x86B0];
	v17 =	vadd.f32 v48, v17;
	v15 =	vadd.f32 v21, v15;
	v34 =	vmul.f32 v57, v53  }
0xaa: {  	v6 =	vsel vm2, v6, v11;
	v35 =	vmul.f32 v60, v53;
	v23 =	vperm.xlane v14, v2  }
0xab: {  	v11 =	vadd.f32 v30, v29;
	v52 =	vperm.xlane v18, v2;
	v42 =	vperm.xlane v16, v0  }
0xac: {  	v20 =	vadd.f32 $0.0e+00, v20;
	v60 =	vld [tilespmem:s23+$0x86D0];
	v46 =	vperm.xlane v13, v0;
	v51 =	vperm.xlane v17, v2  }
0xad: {  	v59 =	vperm.xlane v15, v3;
	v21 =	vadd.f32 $0.0e+00, v35;
	v38 =	vperm.xlane v11, v0  }
0xae: {  	v14 =	vadd.f32 v23, v14;
	v18 =	vadd.f32 v52, v18;
	v32 =	vmul.f32 v63, v63  }
0xaf: {  	v19 =	vmul.f32 v63, v55;
	v16 =	vadd.f32 v42, v16;
	v13 =	vadd.f32 v46, v13  }
0xb0: {  	v17 =	vadd.f32 v51, v17;
	v15 =	vadd.f32 v59, v15;
	v54 =	vperm.xlane v14, v3  }
0xb1: {  	v52 =	vld [tilespmem:s23+$0x6D0];
	v11 =	vadd.f32 v38, v11;
	v61 =	vperm.xlane v18, v3;
	v29 =	vmul.f32 v60, v60  }
0xb2: {  	v57 =	vld [tilespmem:s23+$0x86C0];
	v19 =	vadd.f32 v19, v21;
	v47 =	vperm.xlane v16, v1;
	v22 =	vperm.xlane v13, v1  }
0xb3: {  	v58 =	vperm.xlane v17, v3;
	v10 =	vsel vm3, v10, v15;
	v15 =	vadd.f32 $0.0e+00, v34  }
0xb4: {  	v23 =	vperm.xlane v11, v1;
	v14 =	vadd.f32 v54, v14;
	v24 =	vadd.f32 v61, v18  }
0xb5: {  	v42 =	vperm.xlane v19, v0;
	v16 =	vadd.f32 v47, v16;
	v13 =	vadd.f32 v22, v13  }
0xb6: {  	v15 =	vadd.f32 v37, v15;
	v11 =	vadd.f32 v23, v11;
	v26 =	vmul.f32 v52, v52  }
0xb7: {  	v54 =	vld [tilespmem:s23+$0x46C0];
	v7 =	vsel vm3, v7, v14;
	v14 =	vmul.f32 v63, v28;
	v28 =	vmul.f32 v57, v57  }
0xb8: {  	v18 =	vadd.f32 v42, v19;
	v50 =	vperm.xlane v16, v2;
	v22 =	vperm.xlane v13, v2  }
0xb9: {  	v12 =	vsel vm3, v12, v24;
	v41 =	vperm.xlane v15, v0;
	v23 =	vperm.xlane v11, v2  }
0xba: {  	v14 =	vadd.f32 v14, v20;
	v46 =	vperm.xlane v18, v1;
	v16 =	vadd.f32 v50, v16  }
0xbb: {  	v63 =	vld [tilespmem:s23+$0x46D0];
	v20 =	vmul.f32 v60, v52;
	v13 =	vadd.f32 v22, v13;
	v22 =	vadd.f32 v58, v17  }
0xbc: {  	v17 =	vadd.f32 v36, v33;
	v15 =	vadd.f32 v41, v15;
	v30 =	vmul.f32 v54, v54  }
0xbd: {  	v11 =	vadd.f32 v23, v11;
	v19 =	vmul.f32 v57, v54;
	v43 =	vperm.xlane v14, v0  }
0xbe: {  	v18 =	vadd.f32 v46, v18;
	v56 =	vperm.xlane v16, v3;
	v62 =	vperm.xlane v13, v3  }
0xbf: {  	v50 =	vld [tilespmem:s23+$0x6C0];
	v9 =	vsel vm3, v9, v22;
	v40 =	vperm.xlane v17, v0;
	v21 =	vperm.xlane v15, v1  }
0xc0: {  	v51 =	vperm.xlane v11, v3;
	v33 =	vmul.f32 v63, v63;
	v19 =	vadd.f32 $0.0e+00, v19  }
0xc1: {  	v34 =	vmul.f32 v63, v52;
	v14 =	vadd.f32 v43, v14;
	v16 =	vadd.f32 v56, v16  }
0xc2: {  	v49 =	vperm.xlane v18, v2;
	v13 =	vadd.f32 v62, v13;
	v17 =	vadd.f32 v40, v17  }
0xc3: {  	v15 =	vadd.f32 v21, v15;
	v11 =	vadd.f32 v51, v11;
	v22 =	vperm.xlane v14, v1  }
0xc4: {  	v18 =	vadd.f32 v49, v18;
	v24 =	vmul.f32 v50, v50;
	v8 =	vsel vm3, v8, v16  }
0xc5: {  	v16 =	vadd.f32 v32, v31;
	v45 =	vperm.xlane v17, v1;
	v21 =	vperm.xlane v15, v2  }
0xc6: {  	v51 =	vld [tilespmem:s23+$0x46E0];
	v6 =	vsel vm3, v6, v13;
	v7 =	vsel vm4, v7, v11;
	v31 =	vmul.f32 v54, v50  }
0xc7: {  	v49 =	vld [tilespmem:s23+$0x6F0];
	v32 =	vmul.f32 v57, v50;
	v11 =	vmul.f32 v60, v63;
	v14 =	vadd.f32 v22, v14  }
0xc8: {  	v54 =	vld [tilespmem:s23+$0x86E0];
	v58 =	vperm.xlane v18, v3;
	v13 =	vadd.f32 v26, v24;
	v17 =	vadd.f32 v45, v17  }
0xc9: {  	v57 =	vld [tilespmem:s23+$0x86F0];
	v39 =	vperm.xlane v16, v0;
	v15 =	vadd.f32 v21, v15;
	v21 =	vadd.f32 $0.0e+00, v32  }
0xca: {  	v11 =	vadd.f32 v11, v19;
	v22 =	vperm.xlane v14, v2;
	v62 =	vadd.f32 v58, v18  }
0xcb: {  	v35 =	vperm.xlane v13, v0;
	v26 =	vmul.f32 v51, v51;
	v16 =	vadd.f32 v39, v16  }
0xcc: {  	v48 =	vperm.xlane v17, v2;
	v56 =	vperm.xlane v15, v3;
	v20 =	vadd.f32 v20, v21  }
0xcd: {  	v40 =	vperm.xlane v11, v0;
	v12 =	vsel vm4, v12, v62;
	v62 =	vmul.f32 v49, v49  }
0xce: {  	v14 =	vadd.f32 v22, v14;
	v63 =	vmul.f32 v54, v54;
	v24 =	vmul.f32 v57, v57  }
0xcf: {  	v60 =	vld [tilespmem:s23+$0x46F0];
	v13 =	vadd.f32 v35, v13;
	v19 =	vmul.f32 v57, v49;
	v44 =	vperm.xlane v16, v1  }
0xd0: {  	v17 =	vadd.f32 v48, v17;
	v15 =	vadd.f32 v56, v15;
	v39 =	vperm.xlane v20, v0  }
0xd1: {  	v11 =	vadd.f32 v40, v11;
	v59 =	vperm.xlane v14, v3;
	v23 =	vperm.xlane v13, v1  }
0xd2: {  	v16 =	vadd.f32 v44, v16;
	v55 =	vperm.xlane v17, v3;
	v10 =	vsel vm4, v10, v15  }
0xd3: {  	v15 =	vadd.f32 $0.0e+00, v31;
	v18 =	vadd.f32 v39, v20;
	v22 =	vperm.xlane v11, v1  }
0xd4: {  	v20 =	vmul.f32 v54, v51;
	v31 =	vmul.f32 v60, v49;
	v14 =	vadd.f32 v59, v14  }
0xd5: {  	v13 =	vadd.f32 v23, v13;
	v47 =	vperm.xlane v16, v2;
	v61 =	vadd.f32 v55, v17  }
0xd6: {  	v17 =	vadd.f32 v33, v30;
	v15 =	vadd.f32 v34, v15;
	v43 =	vperm.xlane v18, v1  }
0xd7: {  	v11 =	vadd.f32 v22, v11;
	v30 =	vmul.f32 v60, v60;
	v20 =	vadd.f32 $0.0e+00, v20  }
0xd8: {  	v23 =	vperm.xlane v13, v2;
	v6 =	vsel vm4, v6, v14;
	v16 =	vadd.f32 v47, v16  }
0xd9: {  	v9 =	vsel vm4, v9, v61;
	v37 =	vperm.xlane v17, v0;
	v38 =	vperm.xlane v15, v0  }
0xda: {  	v18 =	vadd.f32 v43, v18;
	v22 =	vperm.xlane v11, v2;
	v47 =	vld [tilespmem:s23+$0x6E0];
	v13 =	vadd.f32 v23, v13  }
0xdb: {  	v53 =	vperm.xlane v16, v3;
	v17 =	vadd.f32 v37, v17;
	v15 =	vadd.f32 v38, v15  }
0xdc: {  	v46 =	vperm.xlane v18, v2;
	v11 =	vadd.f32 v22, v11;
	v48 =	vperm.xlane v13, v3  }
0xdd: {  	v16 =	vadd.f32 v53, v16;
	v42 =	vperm.xlane v17, v1;
	v21 =	vperm.xlane v15, v1  }
0xde: {  	v18 =	vadd.f32 v46, v18;
	v56 =	vperm.xlane v11, v3;
	v13 =	vadd.f32 v48, v13  }
0xdf: {  	v43 =	vld [tilespmem:s23+$0x700];
	v61 =	vmul.f32 v47, v47;
	v8 =	vsel vm4, v8, v16;
	v16 =	vadd.f32 v29, v28  }
0xe0: {  	v17 =	vadd.f32 v42, v17;
	v15 =	vadd.f32 v21, v15;
	v55 =	vperm.xlane v18, v3  }
0xe1: {  	v11 =	vadd.f32 v56, v11;
	v28 =	vmul.f32 v51, v47;
	v29 =	vmul.f32 v54, v47  }
0xe2: {  	v7 =	vsel vm5, v7, v13;
	v13 =	vmul.f32 v57, v60;
	v36 =	vperm.xlane v16, v0  }
0xe3: {  	v14 =	vadd.f32 v62, v61;
	v45 =	vperm.xlane v17, v2;
	v21 =	vperm.xlane v15, v2  }
0xe4: {  	v59 =	vadd.f32 v55, v18;
	v55 =	vmul.f32 v43, v43;
	v13 =	vadd.f32 v13, v20  }
0xe5: {  	v54 =	vld [tilespmem:s23+$0x8710];
	v32 =	vperm.xlane v14, v0;
	v16 =	vadd.f32 v36, v16;
	v17 =	vadd.f32 v45, v17  }
0xe6: {  	v15 =	vadd.f32 v21, v15;
	v12 =	vsel vm5, v12, v59;
	v21 =	vadd.f32 $0.0e+00, v29  }
0xe7: {  	v14 =	vadd.f32 v32, v14;
	v37 =	vperm.xlane v13, v0;
	v41 =	vperm.xlane v16, v1  }
0xe8: {  	v52 =	vperm.xlane v17, v3;
	v53 =	vperm.xlane v15, v3;
	v19 =	vadd.f32 v19, v21  }
0xe9: {  	v46 =	vld [tilespmem:s23+$0x710];
	v23 =	vperm.xlane v14, v1;
	v13 =	vadd.f32 v37, v13;
	v16 =	vadd.f32 v41, v16  }
0xea: {  	v62 =	vmul.f32 v54, v54;
	v58 =	vadd.f32 v52, v17;
	v15 =	vadd.f32 v53, v15  }
0xeb: {  	v17 =	vadd.f32 v30, v26;
	v36 =	vperm.xlane v19, v0;
	v14 =	vadd.f32 v23, v14  }
0xec: {  	v53 =	vld [tilespmem:s23+$0x8700];
	v22 =	vperm.xlane v13, v1;
	v44 =	vperm.xlane v16, v2;
	v9 =	vsel vm5, v9, v58  }
0xed: {  	v10 =	vsel vm5, v10, v15;
	v15 =	vadd.f32 $0.0e+00, v28;
	v34 =	vperm.xlane v17, v0  }
0xee: {  	v18 =	vadd.f32 v36, v19;
	v28 =	vmul.f32 v46, v46;
	v13 =	vadd.f32 v22, v13  }
0xef: {  	v23 =	vperm.xlane v14, v2;
	v16 =	vadd.f32 v44, v16;
	v15 =	vadd.f32 v31, v15  }
0xf0: {  	v58 =	vld [tilespmem:s23+$0x4710];
	v17 =	vadd.f32 v34, v17;
	v40 =	vperm.xlane v18, v1;
	v31 =	vmul.f32 v54, v46  }
0xf1: {  	v59 =	vadd.f32 v28, v55;
	v45 =	vperm.xlane v13, v2;
	v61 =	vmul.f32 v53, v53  }
0xf2: {  	v14 =	vadd.f32 v23, v14;
	v27 =	vmul.f32 v53, v43;
	v50 =	vperm.xlane v16, v3  }
0xf3: {  	v6 =	vsel vm5, v6, v11;
	v35 =	vperm.xlane v15, v0;
	v39 =	vperm.xlane v17, v1  }
0xf4: {  	v18 =	vadd.f32 v40, v18;
	v60 =	vperm.xlane v59, v0;
	v47 =	vperm.xlane v14, v3  }
0xf5: {  	v13 =	vadd.f32 v45, v13;
	v28 =	vmul.f32 v58, v58;
	v16 =	vadd.f32 v50, v16  }
0xf6: {  	v30 =	vmul.f32 v58, v46;
	v45 =	vld [tilespmem:s23+$0x730];
	v15 =	vadd.f32 v35, v15;
	v17 =	vadd.f32 v39, v17  }
0xf7: {  	v44 =	vperm.xlane v18, v2;
	v50 =	vld [tilespmem:s23+$0x4700];
	v14 =	vadd.f32 v47, v14;
	v52 =	vperm.xlane v13, v3  }
0xf8: {  	v8 =	vsel vm5, v8, v16;
	v16 =	vadd.f32 v24, v63;
	v21 =	vperm.xlane v15, v1  }
0xf9: {  	v42 =	vperm.xlane v17, v2;
	v18 =	vadd.f32 v44, v18;
	v13 =	vadd.f32 v52, v13  }
0xfa: {  	v7 =	vsel vm6, v7, v14;
	v14 =	vmul.f32 v54, v58;
	v33 =	vperm.xlane v16, v0  }
0xfb: {  	v15 =	vadd.f32 v21, v15;
	v17 =	vadd.f32 v42, v17;
	v51 =	vperm.xlane v18, v3  }
0xfc: {  	v55 =	vmul.f32 v45, v45;
	v6 =	vsel vm6, v6, v13;
	v63 =	vmul.f32 v50, v50  }
0xfd: {  	v13 =	vadd.f32 v62, v61;
	v29 =	vmul.f32 v53, v50;
	v16 =	vadd.f32 v33, v16  }
0xfe: {  	v42 =	vld [tilespmem:s23+$0x720];
	v21 =	vperm.xlane v15, v2;
	v49 =	vperm.xlane v17, v3;
	v57 =	vadd.f32 v51, v18  }
0xff: {  	v18 =	vadd.f32 $0.0e+00, v27;
	v20 =	vadd.f32 $0.0e+00, v29;
	v34 =	vperm.xlane v13, v0  }
0x100: {  	v53 =	vld [tilespmem:s23+$0x8730];
	v38 =	vperm.xlane v16, v1;
	v15 =	vadd.f32 v21, v15;
	v17 =	vadd.f32 v49, v17  }
0x101: {  	v11 =	vsel vm6, v12, v57;
	v12 =	vadd.f32 v60, v59;
	v18 =	vadd.f32 v31, v18  }
0x102: {  	v25 =	vmul.f32 v50, v43;
	v14 =	vadd.f32 v14, v20;
	v13 =	vadd.f32 v34, v13  }
0x103: {  	v52 =	vld [tilespmem:s23+$0x8720];
	v54 =	vmul.f32 v42, v42;
	v16 =	vadd.f32 v38, v16;
	v21 =	vperm.xlane v15, v3  }
0x104: {  	v49 =	vld [tilespmem:s23+$0x4720];
	v9 =	vsel vm6, v9, v17;
	v32 =	vperm.xlane v12, v1;
	v37 =	vperm.xlane v18, v0  }
0x105: {  	v57 =	vld [tilespmem:s23+$0x4730];
	v17 =	vadd.f32 $0.0e+00, v25;
	v29 =	vmul.f32 v53, v53;
	v38 =	vperm.xlane v14, v0  }
0x106: {  	v40 =	vperm.xlane v13, v1;
	v59 =	vadd.f32 v55, v54;
	v56 =	vadd.f32 v21, v15  }
0x107: {  	v41 =	vperm.xlane v16, v2;
	v15 =	vadd.f32 v28, v63;
	v33 =	vadd.f32 v30, v17  }
0x108: {  	v12 =	vadd.f32 v32, v12;
	v17 =	vadd.f32 v37, v18;
	v21 =	vmul.f32 v52, v42  }
0x109: {  	v14 =	vadd.f32 v38, v14;
	v63 =	vperm.xlane v59, v0;
	v34 =	vmul.f32 v49, v49  }
0x10a: {  	v13 =	vadd.f32 v40, v13;
	v30 =	vmul.f32 v57, v57;
	v18 =	vmul.f32 v53, v57  }
0x10b: {  	v16 =	vadd.f32 v41, v16;
	v35 =	vperm.xlane v15, v0;
	v36 =	vperm.xlane v33, v0  }
0x10c: {  	v19 =	vld [tilespmem:s23+$0x740];
	v10 =	vsel vm6, v10, v56;
	v39 =	vperm.xlane v12, v2;
	v43 =	vperm.xlane v17, v1  }
0x10d: {  	v21 =	vadd.f32 $0.0e+00, v21;
	v44 =	vperm.xlane v14, v1;
	v47 =	vperm.xlane v13, v2  }
0x10e: {  	v37 =	vadd.f32 v30, v34;
	v48 =	vperm.xlane v16, v3;
	v15 =	vadd.f32 v35, v15  }
0x10f: {  	v12 =	vadd.f32 v39, v12;
	v17 =	vadd.f32 v43, v17;
	v43 =	vmul.f32 v52, v49  }
0x110: {  	v14 =	vadd.f32 v44, v14;
	v40 =	vperm.xlane v37, v0;
	v44 =	vmul.f32 v57, v45  }
0x111: {  	v35 =	vadd.f32 v63, v59;
	v45 =	vmul.f32 v53, v45;
	v57 =	vmul.f32 v19, v19  }
0x112: {  	v13 =	vadd.f32 v47, v13;
	v41 =	vperm.xlane v15, v1;
	v46 =	vperm.xlane v12, v3  }
0x113: {  	v16 =	vadd.f32 v48, v16;
	v50 =	vperm.xlane v17, v2;
	v38 =	vperm.xlane v35, v1  }
0x114: {  	v51 =	vperm.xlane v14, v2;
	v56 =	vperm.xlane v13, v3;
	v21 =	vadd.f32 v45, v21  }
0x115: {  	v24 =	vld [tilespmem:s23+$0x8740];
	v8 =	vsel vm6, v8, v16;
	v16 =	vadd.f32 v36, v33;
	v15 =	vadd.f32 v41, v15  }
0x116: {  	v27 =	vld [tilespmem:s23+$0x770];
	v12 =	vadd.f32 v46, v12;
	v17 =	vadd.f32 v50, v17;
	v33 =	vmul.f32 v52, v52  }
0x117: {  	v41 =	vmul.f32 v49, v42;
	v42 =	vadd.f32 v40, v37;
	v14 =	vadd.f32 v51, v14  }
0x118: {  	v13 =	vadd.f32 v56, v13;
	v50 =	vperm.xlane v21, v0;
	v20 =	vperm.xlane v16, v1  }
0x119: {  	v48 =	vperm.xlane v15, v2;
	v61 =	vperm.xlane v17, v3;
	v7 =	vsel vm7, v7, v12  }
0x11a: {  	v36 =	vadd.f32 v29, v33;
	v12 =	vadd.f32 v38, v35;
	v38 =	vmul.f32 v24, v24  }
0x11b: {  	v33 =	vmul.f32 v27, v27;
	v62 =	vperm.xlane v14, v3;
	v8 =	vsel vm7, v8, v13  }
0x11c: {  	v16 =	vadd.f32 v20, v16;
	v15 =	vadd.f32 v48, v15;
	v39 =	vperm.xlane v36, v0  }
0x11d: {  	v23 =	vld [tilespmem:s23+$0x750];
	v17 =	vadd.f32 v61, v17;
	v46 =	vperm.xlane v12, v2;
	v48 =	vperm.xlane v42, v1  }
0x11e: {  	v61 =	vld [tilespmem:s23+$0x4740];
	v14 =	vadd.f32 v62, v14;
	v20 =	vperm.xlane v16, v2;
	v58 =	vperm.xlane v15, v3  }
0x11f: {  	v11 =	vsel vm7, v11, v17;
	v13 =	vadd.f32 v39, v36;
	v17 =	vadd.f32 $0.0e+00, v43  }
0x120: {  	v12 =	vadd.f32 v46, v12;
	v6 =	vsel vm7, v6, v14;
	v16 =	vadd.f32 v20, v16  }
0x121: {  	v15 =	vadd.f32 v58, v15;
	v47 =	vperm.xlane v13, v1;
	v17 =	vadd.f32 v18, v17  }
0x122: {  	v52 =	vperm.xlane v12, v3;
	v20 =	vadd.f32 v50, v21;
	v58 =	vmul.f32 v23, v23  }
0x123: {  	v63 =	vld [tilespmem:s23+$0x4750];
	v43 =	vmul.f32 v61, v61;
	v60 =	vperm.xlane v16, v3;
	v9 =	vsel vm7, v9, v15  }
0x124: {  	v15 =	vadd.f32 $0.0e+00, v41;
	v13 =	vadd.f32 v47, v13;
	v51 =	vperm.xlane v17, v0  }
0x125: {  	v21 =	vld [tilespmem:s23+$0x8750];
	v12 =	vadd.f32 v52, v12;
	v56 =	vperm.xlane v20, v1;
	v25 =	vadd.f32 v58, v57  }
0x126: {  	v52 =	vmul.f32 v61, v19;
	v58 =	vmul.f32 v24, v61;
	v16 =	vadd.f32 v60, v16  }
0x127: {  	v15 =	vadd.f32 v44, v15;
	v53 =	vperm.xlane v13, v2;
	v17 =	vadd.f32 v51, v17  }
0x128: {  	v18 =	vadd.f32 v56, v20;
	v37 =	vperm.xlane v25, v0;
	v44 =	vmul.f32 v63, v63  }
0x129: {  	v7 =	vsel vm8, v7, v12;
	v56 =	vmul.f32 v24, v19;
	v61 =	vadd.f32 $0.0e+00, v58  }
0x12a: {  	v39 =	vmul.f32 v21, v21;
	v10 =	vsel vm7, v10, v16;
	v16 =	vadd.f32 v48, v42  }
0x12b: {  	v49 =	vperm.xlane v15, v0;
	v13 =	vadd.f32 v53, v13;
	v41 =	vadd.f32 v37, v25  }
0x12c: {  	v22 =	vperm.xlane v17, v1;
	v26 =	vadd.f32 v44, v43;
	v14 =	vadd.f32 $0.0e+00, v56  }
0x12d: {  	v28 =	vld [tilespmem:s23+$0x8760];
	v35 =	vperm.xlane v18, v2;
	v42 =	vadd.f32 v39, v38;
	v15 =	vadd.f32 v49, v15  }
0x12e: {  	v29 =	vld [tilespmem:s23+$0x760];
	v54 =	vperm.xlane v16, v2;
	v59 =	vperm.xlane v13, v3;
	v17 =	vadd.f32 v22, v17  }
0x12f: {  	v18 =	vadd.f32 v35, v18;
	v46 =	vperm.xlane v41, v1;
	v48 =	vperm.xlane v26, v0  }
0x130: {  	v32 =	vperm.xlane v42, v0;
	v55 =	vperm.xlane v15, v1;
	v16 =	vadd.f32 v54, v16  }
0x131: {  	v22 =	vld [tilespmem:s23+$0x4770];
	v13 =	vadd.f32 v59, v13;
	v36 =	vperm.xlane v17, v2;
	v45 =	vperm.xlane v18, v3  }
0x132: {  	v20 =	vadd.f32 v46, v41;
	v51 =	vadd.f32 v48, v26;
	v41 =	vmul.f32 v28, v28  }
0x133: {  	v25 =	vadd.f32 v32, v42;
	v32 =	vmul.f32 v29, v29;
	v15 =	vadd.f32 v55, v15  }
0x134: {  	v26 =	vld [tilespmem:s23+$0x8770];
	v60 =	vperm.xlane v16, v3;
	v17 =	vadd.f32 v36, v17;
	v49 =	vperm.xlane v20, v2  }
0x135: {  	v47 =	vadd.f32 v45, v18;
	v53 =	vperm.xlane v51, v1;
	v55 =	vmul.f32 v63, v23  }
0x136: {  	v12 =	vsel vm8, v8, v13;
	v50 =	vperm.xlane v25, v1;
	v39 =	vmul.f32 v22, v22  }
0x137: {  	v62 =	vperm.xlane v15, v2;
	v16 =	vadd.f32 v60, v16;
	v31 =	vperm.xlane v17, v3  }
0x138: {  	v8 =	vadd.f32 v49, v20;
	v20 =	vsel vm8, v11, v47;
	v60 =	vmul.f32 v21, v23;
	v23 =	vld [tilespmem:s23+$0x4760]  }
0x139: {  	v11 =	vadd.f32 v53, v51;
	v42 =	vmul.f32 v26, v26;
	v15 =	vadd.f32 v62, v15  }
0x13a: {  	v17 =	vadd.f32 v31, v17;
	v13 =	vsel vm8, v9, v16;
	v9 =	vadd.f32 v50, v25  }
0x13b: {  	v54 =	vperm.xlane v8, v3;
	v57 =	vperm.xlane v11, v2;
	v14 =	vadd.f32 v60, v14  }
0x13c: {  	v24 =	vld [tilespmem:s23+$0x790];
	v62 =	vmul.f32 v21, v63;
	v45 =	vadd.f32 v42, v41;
	v40 =	vperm.xlane v15, v3  }
0x13d: {  	v16 =	vadd.f32 v33, v32;
	v36 =	vperm.xlane v14, v0;
	v38 =	vmul.f32 v23, v23  }
0x13e: {  	v8 =	vadd.f32 v54, v8;
	v49 =	vperm.xlane v45, v0;
	v41 =	vmul.f32 v23, v29  }
0x13f: {  	v29 =	vmul.f32 v28, v29;
	v23 =	vmul.f32 v28, v23;
	v15 =	vadd.f32 v40, v15  }
0x140: {  	v14 =	vadd.f32 v36, v14;
	v40 =	vperm.xlane v16, v0;
	v60 =	vsel vm9, v7, v8  }
0x141: {  	v36 =	vmul.f32 v24, v24;
	v18 =	vsel vm8, v10, v15;
	v10 =	vadd.f32 $0.0e+00, v52  }
0x142: {  	v21 =	vadd.f32 v49, v45;
	v15 =	vsel vm8, v6, v17;
	v6 =	vperm.xlane v9, v2  }
0x143: {  	v43 =	vperm.xlane v14, v1;
	v16 =	vadd.f32 v40, v16;
	v10 =	vadd.f32 v55, v10  }
0x144: {  	v56 =	vperm.xlane v21, v1;
	v6 =	vadd.f32 v6, v9;
	v9 =	vadd.f32 v57, v11  }
0x145: {  	v11 =	vadd.f32 v62, v61;
	v14 =	vadd.f32 v43, v14;
	v48 =	vperm.xlane v16, v1  }
0x146: {  	v25 =	vld [tilespmem:s23+$0x780];
	v30 =	vadd.f32 v56, v21;
	v59 =	vperm.xlane v10, v0;
	v34 =	vperm.xlane v9, v3  }
0x147: {  	v63 =	vperm.xlane v6, v3;
	v37 =	vperm.xlane v11, v0;
	v19 =	vadd.f32 v48, v16  }
0x148: {  	v50 =	vperm.xlane v14, v2;
	v17 =	vadd.f32 v34, v9;
	v9 =	vadd.f32 v39, v38  }
0x149: {  	v61 =	vperm.xlane v30, v2;
	v10 =	vadd.f32 v59, v10;
	v11 =	vadd.f32 v37, v11  }
0x14a: {  	v16 =	vld [tilespmem:s23+$0x7A0];
	v54 =	vadd.f32 v50, v14;
	v55 =	vperm.xlane v19, v2;
	v46 =	vperm.xlane v9, v0  }
0x14b: {  	v6 =	vadd.f32 v63, v6;
	v63 =	vmul.f32 v25, v25;
	v35 =	vperm.xlane v10, v1  }
0x14c: {  	v14 =	vld [tilespmem:s23+$0x7B0];
	v44 =	vperm.xlane v11, v1;
	v57 =	vperm.xlane v54, v3;
	v9 =	vadd.f32 v46, v9  }
0x14d: {  	v19 =	vadd.f32 v55, v19;
	v21 =	vsel vm9, v12, v6;
	v37 =	vsel vm9, v13, v17  }
0x14e: {  	v6 =	vld [tilespmem:s23+$0x7E0];
	v12 =	vadd.f32 v36, v63;
	v11 =	vadd.f32 v44, v11;
	v52 =	vperm.xlane v9, v1  }
0x14f: {  	v42 =	vmul.f32 v16, v16;
	v10 =	vadd.f32 v35, v10;
	v7 =	vperm.xlane v19, v3  }
0x150: {  	v39 =	vperm.xlane v12, v0;
	v51 =	vperm.xlane v11, v2;
	v34 =	vadd.f32 v52, v9  }
0x151: {  	v8 =	vld [tilespmem:s23+$0x7D0];
	v43 =	vmul.f32 v14, v14;
	v47 =	vperm.xlane v10, v2;
	v38 =	vadd.f32 v7, v19  }
0x152: {  	v7 =	vld [tilespmem:s23+$0x7F0];
	v12 =	vadd.f32 v39, v12;
	v11 =	vadd.f32 v51, v11;
	v59 =	vperm.xlane v34, v2  }
0x153: {  	v13 =	vadd.f32 v43, v42;
	v46 =	vmul.f32 v6, v6;
	v10 =	vadd.f32 v47, v10;
	v9 =	vld [tilespmem:s23+$0x7C0]  }
0x154: {  	v48 =	vperm.xlane v12, v1;
	v58 =	vperm.xlane v11, v3;
	v62 =	vadd.f32 v59, v34  }
0x155: {  	v29 =	vadd.f32 $0.0e+00, v29;
	v47 =	vperm.xlane v13, v0;
	v53 =	vperm.xlane v10, v3  }
0x156: {  	v31 =	vld [tilespmem:s23+$0x4780];
	v12 =	vadd.f32 v48, v12;
	v32 =	vadd.f32 v58, v11;
	v40 =	vperm.xlane v62, v3  }
0x157: {  	v34 =	vadd.f32 v61, v30;
	v11 =	vadd.f32 $0.0e+00, v41;
	v41 =	vmul.f32 v7, v7  }
0x158: {  	v30 =	vld [tilespmem:s23+$0x4790];
	v45 =	vmul.f32 v9, v9;
	v36 =	vadd.f32 v40, v62;
	v40 =	vmul.f32 v8, v8  }
0x159: {  	v44 =	vmul.f32 v22, v27;
	v13 =	vadd.f32 v47, v13;
	v33 =	vadd.f32 v53, v10  }
0x15a: {  	v19 =	vld [tilespmem:s23+$0x47A0];
	v53 =	vperm.xlane v12, v2;
	v39 =	vadd.f32 v41, v46;
	v17 =	vadd.f32 v40, v45  }
0x15b: {  	v42 =	vmul.f32 v31, v31;
	v52 =	vperm.xlane v13, v1;
	v11 =	vadd.f32 v44, v11  }
0x15c: {  	v46 =	vadd.f32 v53, v12;
	v12 =	vld [tilespmem:s23+$0x47D0];
	v51 =	vperm.xlane v39, v0;
	v50 =	vperm.xlane v17, v0  }
0x15d: {  	v35 =	vadd.f32 v57, v54;
	v43 =	vperm.xlane v11, v0;
	v49 =	vmul.f32 v30, v30  }
0x15e: {  	v10 =	vld [tilespmem:s23+$0x47F0];
	v57 =	vperm.xlane v46, v3;
	v39 =	vadd.f32 v51, v39;
	v44 =	vadd.f32 v50, v17  }
0x15f: {  	v62 =	vmul.f32 v19, v19;
	v11 =	vadd.f32 v43, v11;
	v41 =	vadd.f32 v49, v42  }
0x160: {  	v42 =	vadd.f32 v52, v13;
	v13 =	vld [tilespmem:s23+$0x47C0];
	v47 =	vperm.xlane v39, v1;
	v55 =	vperm.xlane v44, v1  }
0x161: {  	v38 =	vsel vm10, v60, v38;
	v53 =	vmul.f32 v12, v12;
	v54 =	vperm.xlane v41, v0;
	v17 =	vld [tilespmem:s23+$0x47B0]  }
0x162: {  	v45 =	vperm.xlane v11, v1;
	v39 =	vadd.f32 v47, v39;
	v43 =	vadd.f32 v55, v44  }
0x163: {  	v56 =	vperm.xlane v42, v2;
	v50 =	vmul.f32 v10, v10;
	v40 =	vadd.f32 v54, v41  }
0x164: {  	v60 =	vperm.xlane v39, v2;
	v44 =	vadd.f32 v45, v11;
	v11 =	vld [tilespmem:s23+$0x47E0];
	v59 =	vperm.xlane v43, v2  }
0x165: {  	v41 =	vadd.f32 v56, v42;
	v52 =	vmul.f32 v13, v13;
	v58 =	vperm.xlane v40, v1  }
0x166: {  	v45 =	vadd.f32 v57, v46;
	v48 =	vmul.f32 v17, v17;
	v42 =	vadd.f32 v59, v43  }
0x167: {  	v61 =	vperm.xlane v41, v3;
	v39 =	vadd.f32 v60, v39;
	v55 =	vadd.f32 v53, v52  }
0x168: {  	v40 =	vadd.f32 v58, v40;
	v43 =	vadd.f32 v48, v62;
	v63 =	vperm.xlane v42, v3  }
0x169: {  	v41 =	vadd.f32 v61, v41;
	v49 =	vperm.xlane v39, v3;
	v54 =	vmul.f32 v11, v11  }
0x16a: {  	v38 =	vsel vm11, v38, v45;
	v56 =	vperm.xlane v43, v0;
	v42 =	vadd.f32 v63, v42  }
0x16b: {  	v38 =	vsel vm12, v38, v41;
	v39 =	vadd.f32 v49, v39;
	v57 =	vadd.f32 v50, v54  }
0x16c: {  	v58 =	vperm.xlane v55, v0;
	v43 =	vadd.f32 v56, v43;
	v38 =	vsel vm13, v38, v42  }
0x16d: {  	v23 =	vadd.f32 $0.0e+00, v23;
	v47 =	vperm.xlane v57, v0;
	v38 =	vsel vm14, v38, v39  }
0x16e: {  	v45 =	vadd.f32 v58, v55;
	v60 =	vperm.xlane v43, v1;
	v61 =	vmax.f32 v38, $1.000000000e-30  }
0x16f: {  	v41 =	vadd.f32 v47, v57;
	v62 =	vshra.s32 v61, $0x1;
	v46 =	vmul.f32 $5.000000000e-01, v61  }
0x170: {  	v27 =	vmul.f32 v26, v27;
	v63 =	vperm.xlane v45, v1;
	v47 =	vsub.s32 $0x5F3759DF, v62  }
0x171: {  	v39 =	vadd.f32 v60, v43;
	v52 =	vperm.xlane v41, v1;
	v53 =	vmul.f32 v47, v46  }
0x172: {  	v22 =	vmul.f32 v26, v22;
	v59 =	vperm.xlane v40, v2;
	v54 =	vadd.f32 v63, v45  }
0x173: {  	v56 =	vperm.xlane v39, v2;
	v41 =	vadd.f32 v52, v41;
	v57 =	vmul.f32 v47, v53  }
0x174: {  	v27 =	vadd.f32 v27, v29;
	v40 =	vadd.f32 v59, v40;
	v58 =	vperm.xlane v54, v2  }
0x175: {  	v39 =	vadd.f32 v56, v39;
	v59 =	vperm.xlane v41, v2;
	v45 =	vsub.f32 $1.500000000e+00, v57  }
0x176: {  	v36 =	vsel vm10, v37, v36;
	v55 =	vperm.xlane v40, v3;
	v37 =	vadd.f32 v58, v54  }
0x177: {  	v60 =	vperm.xlane v39, v3;
	v41 =	vadd.f32 v59, v41;
	v61 =	vmul.f32 v47, v45  }
0x178: {  	v35 =	vsel vm9, v20, v35;
	v40 =	vadd.f32 v55, v40;
	v63 =	vperm.xlane v37, v3  }
0x179: {  	v39 =	vadd.f32 v60, v39;
	v48 =	vperm.xlane v41, v3;
	v49 =	vmul.f32 v61, v46  }
0x17a: {  	v51 =	vperm.xlane v27, v0;
	v62 =	vsel vm11, v36, v40;
	v36 =	vadd.f32 v63, v37  }
0x17b: {  	v29 =	vsel vm12, v62, v39;
	v52 =	vadd.f32 v48, v41;
	v53 =	vmul.f32 v49, v61  }
0x17c: {  	v22 =	vadd.f32 v22, v23;
	v50 =	vperm.xlane v44, v2;
	v55 =	vsel vm13, v29, v36  }
0x17d: {  	v37 =	vadd.f32 v51, v27;
	v27 =	vsel vm14, v55, v52;
	v57 =	vsub.f32 $1.500000000e+00, v53  }
0x17e: {  	v33 =	vsel vm9, v18, v33;
	v54 =	vadd.f32 v50, v44;
	v27 =	vmul.f32 $9.999999770e-03, v27  }
0x17f: {  	v32 =	vsel vm9, v15, v32;
	v56 =	vperm.xlane v34, v3;
	v63 =	vld [tilespmem:s23+$0x8790];
	v36 =	vmul.f32 v57, v61  }
0x180: {  	v59 =	vperm.xlane v54, v3;
	v58 =	vperm.xlane v37, v1;
	v28 =	vmax.f32 v27, $1.000000000e-30  }
0x181: {  	v61 =	vshra.s32 v28, $0x1;
	v42 =	vmul.f32 $5.000000000e-01, v28;
	v60 =	vmul.f32 v36, v46  }
0x182: {  	v51 =	vmul.f32 v30, v24;
	v23 =	vadd.f32 v59, v54;
	v62 =	vsub.s32 $0x5F3759DF, v61  }
0x183: {  	v18 =	vadd.f32 v58, v37;
	v37 =	vld [tilespmem:s23+$0x8780];
	v44 =	vmul.f32 v62, v42;
	v43 =	vmul.f32 v60, v36  }
0x184: {  	v47 =	vperm.xlane v22, v0;
	v29 =	vadd.f32 v56, v34;
	v50 =	vmul.f32 v63, v63  }
0x185: {  	v24 =	vmul.f32 v63, v24;
	v46 =	vmul.f32 v62, v44;
	v15 =	vsub.f32 $1.500000000e+00, v43  }
0x186: {  	v22 =	vadd.f32 v47, v22;
	v30 =	vmul.f32 v63, v30;
	v45 =	vperm.xlane v18, v2  }
0x187: {  	v49 =	vmul.f32 v31, v25;
	v20 =	vsub.f32 $1.500000000e+00, v46;
	v15 =	vmul.f32 v15, v36  }
0x188: {  	v23 =	vsel vm10, v33, v23;
	v48 =	vmul.f32 v37, v37;
	v53 =	vperm.xlane v22, v1  }
0x189: {  	v18 =	vadd.f32 v45, v18;
	v26 =	vmul.f32 v62, v20;
	v15 =	vmul.f32 $9.999899860e-01, v15  }
0x18a: {  	v41 =	vadd.f32 $0.0e+00, v49;
	v25 =	vmul.f32 v37, v25;
	v31 =	vmul.f32 v37, v31  }
0x18b: {  	v52 =	vperm.xlane v18, v3;
	v54 =	vmul.f32 v26, v42;
	v15 =	vmin.f32 v15, $1.000000000e+00  }
0x18c: {  	v34 =	vadd.f32 v50, v48;
	v25 =	vadd.f32 $0.0e+00, v25;
	v38 =	vmul.f32 v15, v38  }
0x18d: {  	v22 =	vadd.f32 v53, v22;
	v36 =	vadd.f32 v51, v41;
	v41 =	vmul.f32 v54, v26  }
0x18e: {  	v31 =	vadd.f32 $0.0e+00, v31;
	v24 =	vadd.f32 v24, v25;
	v20 =	vmul.f32 v38, v15  }
0x18f: {  	v56 =	vadd.f32 v52, v18;
	v55 =	vperm.xlane v34, v0;
	v59 =	vsub.f32 $1.500000000e+00, v41  }
0x190: {  	v58 =	vperm.xlane v22, v2;
	v45 =	vperm.xlane v24, v0;
	v18 =	vsub.f32 $1.000000000e+00, v20  }
0x191: {  	v63 =	vadd.f32 v30, v31;
	v35 =	vsel vm10, v35, v56;
	v26 =	vmul.f32 v59, v26  }
0x192: {  	v56 =	vmul.f32 v19, v16;
	v24 =	vadd.f32 v45, v24;
	v61 =	vmax.f32 v18, $1.000000000e-15  }
0x193: {  	v34 =	vadd.f32 v55, v34;
	v38 =	vmul.f32 v26, v42;
	(erf) = vrcp.f32 v61  }
0x194: {  	v21 =	vsel vm10, v21, v29;
	v46 =	vperm.xlane v63, v0;
	v51 =	vperm.xlane v24, v1  }
0x195: {  	v22 =	vadd.f32 v58, v22;
	v60 =	vperm.xlane v34, v1;
	v44 =	vmul.f32 v38, v26  }
0x196: {  	v25 =	vadd.f32 v46, v63;
	v57 =	vperm.xlane v36, v0;
	v24 =	vadd.f32 v51, v24  }
0x197: {  	v40 =	vperm.xlane v22, v3;
	v42 =	vadd.f32 v60, v34;
	v34 =	vsub.f32 $1.500000000e+00, v44  }
0x198: {  	v45 =	vmul.f32 v12, v8;
	v52 =	vperm.xlane v25, v1;
	v36 =	vadd.f32 v57, v36  }
0x199: {  	v31 =	vld [tilespmem:s23+$0x87B0];
	v37 =	vadd.f32 $0.0e+00, v56;
	v57 =	vperm.xlane v24, v2;
	v26 =	vmul.f32 v34, v26  }
0x19a: {  	v22 =	vadd.f32 v40, v22;
	v25 =	vadd.f32 v52, v25;
	v62 =	vperm.xlane v36, v1  }
0x19b: {  	v46 =	vmul.f32 v10, v7;
	v24 =	vadd.f32 v57, v24;
	v26 =	vmul.f32 v26, v28  }
0x19c: {  	v58 =	vperm.xlane v25, v2;
	v36 =	vadd.f32 v62, v36;
	v59 =	vmul.f32 v17, v14;
	v55 =	vpop (erf)  }
0x19d: {  	v22 =	vsel vm10, v32, v22;
	v62 =	vperm.xlane v24, v3;
	v34 =	vmul.f32 v26, v55  }
0x19e: {  	v25 =	vadd.f32 v58, v25;
	v14 =	vmul.f32 v31, v14;
	v48 =	vperm.xlane v36, v2  }
0x19f: {  	v17 =	vmul.f32 v31, v17;
	v37 =	vadd.f32 v59, v37;
	v34 =	vadd.f32 v34, v34  }
0x1a0: {  	v63 =	vperm.xlane v25, v3;
	v47 =	vperm.xlane v42, v2;
	v50 =	vadd.f32 v48, v36;
	v36 =	vld [tilespmem:s23+$0x87A0]  }
0x1a1: {  	v61 =	vmul.f32 v31, v31;
	v41 =	vperm.xlane v37, v0;
	v38 =	vld [tilespmem:s23+$0x87E0];
	v34 =	vmin.f32 v34, $8.800000000e+01  }
0x1a2: {  	v49 =	vadd.f32 v47, v42;
	v54 =	vperm.xlane v50, v3;
	v34 =	vmul.f32 $1.442695020e+00, v34  }
0x1a3: {  	v42 =	vmul.f32 v13, v9;
	v44 =	vmul.f32 v11, v6;
	v37 =	vadd.f32 v41, v37  }
0x1a4: {  	v24 =	vadd.f32 v62, v24;
	v53 =	vperm.xlane v49, v3;
	(erf) = vpow2.f32 v34  }
0x1a5: {  	v25 =	vadd.f32 v63, v25;
	v47 =	vperm.xlane v37, v1;
	v60 =	vmul.f32 v36, v36  }
0x1a6: {  	v30 =	vadd.f32 $0.0e+00, v42;
	v16 =	vmul.f32 v36, v16;
	v62 =	vmul.f32 v38, v38  }
0x1a7: {  	v19 =	vmul.f32 v36, v19;
	v29 =	vadd.f32 v53, v49;
	v34 =	vadd.f32 $0.0e+00, v44  }
0x1a8: {  	v11 =	vmul.f32 v38, v11;
	v28 =	vadd.f32 v54, v50;
	v30 =	vadd.f32 v45, v30  }
0x1a9: {  	v6 =	vmul.f32 v38, v6;
	v33 =	vadd.f32 v47, v37;
	v48 =	vadd.f32 v46, v34  }
0x1aa: {  	v32 =	vadd.f32 v61, v60;
	v16 =	vadd.f32 $0.0e+00, v16;
	v50 =	vperm.xlane v30, v0  }
0x1ab: {  	v37 =	vld [tilespmem:s23+$0x87D0];
	v29 =	vsel vm11, v21, v29;
	v23 =	vsel vm11, v23, v28;
	v51 =	vperm.xlane v48, v0  }
0x1ac: {  	v21 =	vsel vm11, v35, v24;
	v52 =	vperm.xlane v33, v2;
	v30 =	vadd.f32 v50, v30  }
0x1ad: {  	v43 =	vperm.xlane v32, v0;
	v14 =	vadd.f32 v14, v16;
	v24 =	vadd.f32 v51, v48;
	v53 =	vpop (erf)  }
0x1ae: {  	v35 =	vld [tilespmem:s23+$0x87C0];
	v33 =	vadd.f32 v52, v33;
	v54 =	vperm.xlane v30, v1;
	v28 =	vadd.f32 $1.000000000e+00, v53  }
0x1af: {  	v32 =	vadd.f32 v43, v32;
	v58 =	vperm.xlane v14, v0;
	v56 =	vperm.xlane v24, v1  }
0x1b0: {  	v16 =	vld [tilespmem:s23+$0x87F0];
	v60 =	vmul.f32 v37, v37;
	v30 =	vadd.f32 v54, v30;
	(erf) = vrcp.f32 v28  }
0x1b1: {  	v8 =	vmul.f32 v37, v8;
	v57 =	vperm.xlane v33, v3;
	v24 =	vadd.f32 v56, v24  }
0x1b2: {  	v22 =	vsel vm11, v22, v25;
	v49 =	vperm.xlane v32, v1;
	v61 =	vperm.xlane v30, v2  }
0x1b3: {  	v19 =	vadd.f32 $0.0e+00, v19;
	v59 =	vmul.f32 v35, v35;
	v63 =	vperm.xlane v24, v2  }
0x1b4: {  	v14 =	vadd.f32 v58, v14;
	v30 =	vadd.f32 v61, v30;
	(erf) = vrcp.f32 v26  }
0x1b5: {  	v45 =	vmul.f32 v16, v16;
	v33 =	vadd.f32 v57, v33;
	v24 =	vadd.f32 v63, v24  }
0x1b6: {  	v32 =	vadd.f32 v49, v32;
	v34 =	vadd.f32 v60, v59;
	v40 =	vperm.xlane v30, v3  }
0x1b7: {  	v46 =	vperm.xlane v14, v1;
	v26 =	vadd.f32 v45, v62;
	v49 =	vperm.xlane v24, v3  }
0x1b8: {  	v23 =	vsel vm12, v23, v33;
	v30 =	vadd.f32 v40, v30;
	v48 =	vperm.xlane v34, v0  }
0x1b9: {  	v47 =	vadd.f32 v46, v14;
	v50 =	vperm.xlane v26, v0;
	v24 =	vadd.f32 v49, v24;
	v51 =	vpop (erf)  }
0x1ba: {  	v23 =	vsel vm13, v23, v30;
	v14 =	vadd.f32 v48, v34;
	v52 =	vadd.f32 v51, v51  }
0x1bb: {  	v55 =	vperm.xlane v32, v2;
	v26 =	vadd.f32 v50, v26;
	v23 =	vsel vm14, v23, v24  }
0x1bc: {  	v54 =	vperm.xlane v14, v1;
	v23 =	vmul.f32 v15, v23;
	v30 =	vsub.f32 $1.000000000e+00, v52  }
0x1bd: {  	v9 =	vmul.f32 v35, v9;
	v32 =	vadd.f32 v55, v32;
	v55 =	vperm.xlane v26, v1;
	v56 =	vpop (erf)  }
0x1be: {  	v24 =	vadd.f32 v54, v14;
	v23 =	vmul.f32 $1.000000010e-01, v23;
	v14 =	vmul.f32 v30, v56  }
0x1bf: {  	v11 =	vadd.f32 $0.0e+00, v11;
	v13 =	vmul.f32 v35, v13;
	v7 =	vmul.f32 v16, v7  }
0x1c0: {  	v26 =	vadd.f32 v55, v26;
	v30 =	vmul.f32 v14, v14;
	v23 =	vmul.f32 v14, v23  }
0x1c1: {  	v17 =	vadd.f32 v17, v19;
	v10 =	vmul.f32 v16, v10;
	v58 =	vperm.xlane v24, v2  }
0x1c2: {  	v60 =	vperm.xlane v26, v2;
	v27 =	vmul.f32 v30, v27;
	v61 =	vadd.f32 v23, v23  }
0x1c3: {  	v59 =	vperm.xlane v17, v0;
	v53 =	vperm.xlane v32, v3;
	v19 =	vadd.f32 v58, v24  }
0x1c4: {  	v24 =	vadd.f32 v60, v26;
	v36 =	vadd.f32 $1.000000000e+00, v61;
	v39 =	vmul.f32 v27, v20  }
0x1c5: {  	v17 =	vadd.f32 v59, v17;
	v57 =	vperm.xlane v47, v2;
	v63 =	vperm.xlane v19, v3  }
0x1c6: {  	v32 =	vadd.f32 v53, v32;
	v41 =	vperm.xlane v24, v3;
	v30 =	vadd.f32 v39, v36  }
0x1c7: {  	v40 =	vperm.xlane v17, v1;
	v19 =	vadd.f32 v63, v19;
	v26 =	vadd.f32 v36, v27  }
0x1c8: {  	v29 =	vsel vm12, v29, v32;
	v24 =	vadd.f32 v41, v24;
	v42 =	vmax.f32 v30, $1.000000000e-15  }
0x1c9: {  	v19 =	vsel vm13, v29, v19;
	v44 =	vadd.f32 v26, v26;
	(erf) = vrcp.f32 v42  }
0x1ca: {  	v25 =	vadd.f32 v57, v47;
	v17 =	vadd.f32 v40, v17;
	v19 =	vsel vm14, v19, v24  }
0x1cb: {  	v46 =	vmax.f32 v19, $1.000000000e-30;
	v45 =	vmul.f32 v26, v26;
	v28 =	vmul.f32 v44, v18  }
0x1cc: {  	v49 =	vmul.f32 v18, v18;
	v47 =	vmul.f32 $5.000000000e-01, v46;
	v48 =	vshra.s32 v46, $0x1  }
0x1cd: {  	v24 =	vsub.s32 $0x5F3759DF, v48;
	v20 =	vmul.f32 v45, v20;
	v23 =	vmul.f32 v28, v23  }
0x1ce: {  	v6 =	vadd.f32 $0.0e+00, v6;
	v43 =	vperm.xlane v17, v2;
	v52 =	vmul.f32 v24, v47  }
0x1cf: {  	v9 =	vadd.f32 $0.0e+00, v9;
	v51 =	vmul.f32 v27, v49;
	v20 =	vadd.f32 v23, v20  }
0x1d0: {  	v13 =	vadd.f32 $0.0e+00, v13;
	v17 =	vadd.f32 v43, v17;
	v53 =	vmul.f32 v24, v52  }
0x1d1: {  	v12 =	vmul.f32 v37, v12;
	v10 =	vadd.f32 v10, v11;
	v20 =	vadd.f32 v20, v51  }
0x1d2: {  	v6 =	vadd.f32 v7, v6;
	v50 =	vperm.xlane v17, v3;
	v56 =	vsub.f32 $1.500000000e+00, v53;
	v55 =	vpop (erf)  }
0x1d3: {  	v62 =	vperm.xlane v25, v3;
	v54 =	vadd.f32 v12, v13;
	v20 =	vmul.f32 v20, v55  }
0x1d4: {  	v8 =	vadd.f32 v8, v9;
	v17 =	vadd.f32 v50, v17;
	v13 =	vmul.f32 v24, v56  }
0x1d5: {  	v25 =	vadd.f32 v62, v25;
	v59 =	vperm.xlane v54, v0;
	v57 =	vmul.f32 v20, v55  }
0x1d6: {  	v17 =	vsel vm12, v22, v17;
	v58 =	vperm.xlane v8, v0;
	v7 =	vmul.f32 v13, v47  }
0x1d7: {  	v9 =	vadd.f32 v59, v54;
	v61 =	vperm.xlane v10, v0;
	v60 =	vmax.f32 v57, $1.000000000e-30  }
0x1d8: {  	v7 =	vmul.f32 v7, v13;
	v62 =	vshra.s32 v60, $0x1;
	v11 =	vmul.f32 $5.000000000e-01, v60  }
0x1d9: {  	v32 =	vperm.xlane v9, v1;
	v10 =	vadd.f32 v61, v10;
	v63 =	vsub.s32 $0x5F3759DF, v62  }
0x1da: {  	v30 =	vperm.xlane v6, v0;
	v7 =	vsub.f32 $1.500000000e+00, v7;
	v31 =	vmul.f32 v63, v11  }
0x1db: {  	v8 =	vadd.f32 v58, v8;
	v9 =	vadd.f32 v32, v9;
	v33 =	vperm.xlane v10, v1  }
0x1dc: {  	v6 =	vadd.f32 v30, v6;
	v7 =	vmul.f32 v7, v13;
	v24 =	vmul.f32 v63, v31  }
0x1dd: {  	v34 =	vperm.xlane v8, v1;
	v36 =	vperm.xlane v9, v2;
	v10 =	vadd.f32 v33, v10  }
0x1de: {  	v35 =	vperm.xlane v6, v1;
	v37 =	vmul.f32 v7, v47;
	v24 =	vsub.f32 $1.500000000e+00, v24  }
0x1df: {  	v8 =	vadd.f32 v34, v8;
	v9 =	vadd.f32 v36, v9;
	v39 =	vperm.xlane v10, v2  }
0x1e0: {  	v6 =	vadd.f32 v35, v6;
	v41 =	vmul.f32 v37, v7;
	v38 =	vmul.f32 v63, v24  }
0x1e1: {  	v40 =	vperm.xlane v8, v2;
	v45 =	vperm.xlane v9, v3;
	v10 =	vadd.f32 v39, v10  }
0x1e2: {  	v42 =	vperm.xlane v6, v2;
	v43 =	vsub.f32 $1.500000000e+00, v41;
	v44 =	vmul.f32 v38, v11  }
0x1e3: {  	v8 =	vadd.f32 v40, v8;
	v9 =	vadd.f32 v45, v9;
	v46 =	vperm.xlane v10, v3  }
0x1e4: {  	v6 =	vadd.f32 v42, v6;
	v7 =	vmul.f32 v43, v7;
	v47 =	vmul.f32 v44, v38  }
0x1e5: {  	v48 =	vperm.xlane v8, v3;
	v9 =	vsel vm13, v17, v9;
	v10 =	vadd.f32 v46, v10  }
0x1e6: {  	v49 =	vperm.xlane v6, v3;
	v7 =	vmul.f32 $9.999899860e-01, v7;
	v50 =	vsub.f32 $1.500000000e+00, v47  }
0x1e7: {  	v21 =	vsel vm12, v21, v25;
	v8 =	vadd.f32 v48, v8;
	v9 =	vsel vm14, v9, v10  }
0x1e8: {  	v6 =	vadd.f32 v49, v6;
	v7 =	vmin.f32 v7, $1.000000000e+00;
	v51 =	vmul.f32 v50, v38  }
0x1e9: {  	v8 =	vsel vm13, v21, v8;
	v9 =	vmul.f32 v7, v9  }
0x1ea: {  	v6 =	vsel vm14, v8, v6;
	v52 =	vmul.f32 v51, v11  }
0x1eb: {  	v6 =	vmul.f32 v15, v6;
	v9 =	vmul.f32 $1.000000010e-01, v9  }
0x1ec: {  	v8 =	vmul.f32 v52, v51  }
0x1ed: {  	v6 =	vmul.f32 v7, v6;
	v9 =	vmul.f32 v14, v9  }
0x1ee: {  	v8 =	vsub.f32 $1.500000000e+00, v8  }
0x1ef: {  	v6 =	vmul.f32 v26, v6;
	v9 =	vmul.f32 v9, v18  }
0x1f0: {  	v8 =	vmul.f32 v8, v51  }
0x1f1: {  	v6 =	vadd.f32 v6, v9  }
0x1f2: {  	v8 =	vmul.f32 $9.999899860e-01, v8  }
0x1f3: {  	v6 =	vmul.f32 v55, v6  }
0x1f4: {  	v53 =	vmul.f32 v7, v19;
	v8 =	vmin.f32 v8, $1.000000000e+00  }
0x1f5: {  	v54 =	vmul.f32 v8, v57;
	v6 =	vmul.f32 v8, v6;
	_ =	sdelay $0x1  }
0x1f6: {  	v7 =	vmul.f32 v53, v7;
	v8 =	vmul.f32 v54, v8;
	v55 =	vadd.f32 v6, v6;
	_ =	sdelay $0x1  }
0x1f7: {  	v9 =	vsub.f32 $1.000000000e+00, v55;
	v10 =	vmul.f32 v8, v7;
	_ =	sdelay $0x1  }
0x1f8: {  	v10 =	vadd.f32 v10, v9  }
0x1f9: {  	v9 =	vadd.f32 v9, v7  }
0x1fa: {  	v10 =	vmax.f32 v10, $1.000000000e-15  }
0x1fb: {  	v56 =	vsub.f32 $1.000000000e+00, v8;
	v57 =	vadd.f32 v9, v9;
	(erf) = vrcp.f32 v10;
	_ =	sdelay $0x1  }
0x1fc: {  	v9 =	vmul.f32 v9, v9;
	v10 =	vmul.f32 v57, v56  }
0x1fd: {  	v58 =	vmul.f32 v56, v56  }
0x1fe: {  	v8 =	vmul.f32 v9, v8;
	v6 =	vmul.f32 v10, v6  }
0x1ff: {  	v7 =	vmul.f32 v58, v7  }
0x200: {  	v6 =	vsub.f32 v8, v6;
	_ =	sdelay $0x1  }
0x201: {  	v6 =	vadd.f32 v6, v7  }
0x202: {  	v7 =	vpop (erf)  }
0x203: {  	v6 =	vmul.f32 v6, v7;
	_ =	sdelay $0x1  }
0x204: {  	v6 =	vmul.f32 v6, v7;
	_ =	sdelay $0x1  }
0x205: {  	v7 =	vmax.f32 v6, $1.000000000e-30  }
0x206: {  	v59 =	vshra.s32 v7, $0x1;
	v7 =	vmul.f32 $5.000000000e-01, v7  }
0x207: {  	v8 =	vsub.s32 $0x5F3759DF, v59  }
0x208: {  	v60 =	vmul.f32 v8, v7;
	_ =	sdelay $0x1  }
0x209: {  	v9 =	vmul.f32 v8, v60;
	_ =	sdelay $0x1  }
0x20a: {  	v9 =	vsub.f32 $1.500000000e+00, v9;
	_ =	sdelay $0x1  }
0x20b: {  	v8 =	vmul.f32 v8, v9;
	_ =	sdelay $0x1  }
0x20c: {  	v9 =	vmul.f32 v8, v7;
	_ =	sdelay $0x1  }
0x20d: {  	v9 =	vmul.f32 v9, v8;
	_ =	sdelay $0x1  }
0x20e: {  	v9 =	vsub.f32 $1.500000000e+00, v9;
	_ =	sdelay $0x1  }
0x20f: {  	v8 =	vmul.f32 v9, v8;
	_ =	sdelay $0x1  }
0x210: {  	v7 =	vmul.f32 v8, v7;
	_ =	sdelay $0x1  }
0x211: {  	v7 =	vmul.f32 v7, v8;
	_ =	sdelay $0x1  }
0x212: {  	v7 =	vsub.f32 $1.500000000e+00, v7;
	_ =	sdelay $0x1  }
0x213: {  	v7 =	vmul.f32 v7, v8  }
0x214: {  	v6 =	vmax.f32 v6, $0.0e+00  }
0x215: {  	v6 =	vmul.f32 v7, v6;
	_ =	sdelay $0x1  }
0x216: {  	v6 =	vmin.f32 v6, $9.999899860e-01  }
0x217: {  	v7 =	vsub.f32 $1.000000000e+00, v6;
	_ =	sdelay $0x1  }
0x218: {  	(erf) = vrcp.f32 v7;
	_ =	sdelay $0x7  }
0x219: {  	v6 =	vadd.f32 $1.000000000e+00, v6  }
0x21a: {  	v7 =	vpop (erf)  }
0x21b: {  	v6 =	vmul.f32 v7, v6;
	_ =	sdelay $0x1  }
0x21c: {  	v7 =	vand.u32 $0x7FFFFF, v6  }
0x21d: {  	v7 =	vor.u32 $0x3F800000, v7  }
0x21e: {  	v61 =	vmul.f32 $5.000000000e-01, v7  }
0x21f: {  	vm15 =	vgt.f32 v7, $1.414213540e+00  }
0x220: {  	v7 =	vsel vm15, v61, v7  }
0x221: {  	v8 =	vadd.f32 $1.000000000e+00, v7;
	_ =	sdelay $0x1  }
0x222: {  	(erf) = vrcp.f32 v8;
	_ =	sdelay $0x7  }
0x223: {  	v7 =	vadd.f32 $-1.000000000e+00, v7  }
0x224: {  	v8 =	vpop (erf)  }
0x225: {  	v7 =	vmul.f32 v8, v7;
	_ =	sdelay $0x1  }
0x226: {  	v8 =	vmul.f32 v7, v7;
	_ =	sdelay $0x1  }
0x227: {  	v62 =	vmul.f32 v8, v4;
	_ =	sdelay $0x1  }
0x228: {  	v9 =	vadd.f32 $1.428571490e-01, v62;
	_ =	sdelay $0x1  }
0x229: {  	v9 =	vmul.f32 v9, v8;
	_ =	sdelay $0x1  }
0x22a: {  	v9 =	vadd.f32 $2.000000030e-01, v9;
	_ =	sdelay $0x1  }
0x22b: {  	v9 =	vmul.f32 v9, v8;
	_ =	sdelay $0x1  }
0x22c: {  	v9 =	vadd.f32 $3.333333430e-01, v9;
	_ =	sdelay $0x1  }
0x22d: {  	v6 =	vshra.s32 v6, $0x17;
	v63 =	vsel vm15, $0xFFFFFF82, v5;
	v8 =	vmul.f32 v9, v8  }
0x22e: {  	v6 =	vadd.s32 v6, v63  }
0x22f: {  	v6 =	vcvt.s32.f32 v6;
	v7 =	vadd.f32 v7, v7;
	v8 =	vadd.f32 $1.000000000e+00, v8;
	_ =	sdelay $0x1  }
0x230: {  	v6 =	vmul.f32 $6.931471820e-01, v6;
	v7 =	vmul.f32 v8, v7  }
0x231: {  	p0 =	sne.s32 s22, $0xF800  }
.Ltmp0:
0x232: {  	v6 =	vadd.f32 v7, v6;
	(pc) =	sbr.rel @p0 .LBB2_2-.Ltmp0, $3  }
0x233: {  	_ = 	snop  }
0x234: {  	v6 =	vsub.f32 $0.0e+00, v6;
	_ =	sdelay $0x1  }
0x235: {  	s22 =	sadd.s32 $0x800, s22;
	[tilespmem:s21+$0x0] =	vst v6;
	s21 =	sadd.s32 $0x10, s21  }
0x236: {  	s20 =	sadd.s32 $0x1, s20  }
0x237: {  	p0 =	sne.s32 s20, s9  }
.Ltmp1:
0x238: {  	_ = 	snop;
	(pc) =	sbr.rel @p0 .LBB2_1-.Ltmp1, $4  }
0x239: {  	[hbm4b:s8+s1] =	stream.linear.scatter [tilespmem:s19], [sflag:$0x4], $0x200, $0x38;
	[tilespmem:$0xC800] =	vst v63  }
0x23a: {  	_ =	swait.ge [sflag:s10], $0x200  }
0x23b: {  	[sflag:s10] =	ssyncset.done $0x0  }
0x23c: {  	[sflag:s10] =	ssyncadd.s32 $0xFFFFFE00  }
0x23d: {  	_ =	sfence.sel $0x180000  }
0x23e: {  	[bflag:$0x0] =	sbarrier.arrive $0xFFFF  }
0x23f: {  	p0 =	sne.s32 s2, $0x0;
	_ =	strace $0x90000047  }
0x240: {  	s0 =	sadd.s32 @!p0 $0x100000, s0;
	[bflag:$0x2] =	sbarrier.arrive $0xFFFF  }
0x241: {  	[sflag:s0] =	ssyncadd.tile.s32 @!p0 $0x1;
	_ =	shalt  }
.Lfunc_end2:
_tile_overlayer_lowered:
.L_overlay_start_2:
0x242: {  	(tag) =	ssettag $0x2  }
0x243: {  	s0 =	rddreg [dreg:$0x0];
	s2 =	stileid.u32  }
0x244: {  	s1 =	rddreg [dreg:$0x1];
	p0 =	sne.s32 s2, $0x0  }
0x245: {  	s3 =	rddreg [dreg:$0x2];
	[bflag:$0x3] =	sbarrier.arrive $0xFFFF;
	s2 =	simm.s32 @!p0 $0x1C04  }
0x246: {  	[timem:s3], [sflag:s2] =	dma.local @!p0 [hbm:s0], s1  }
0x247: {  	s0 =	simm.s32 @!p0 $0x4  }
0x248: {  	_ =	swait.ge @!p0 [sflag:s0], s1  }
0x249: {  	s1 =	ssub.s32 @!p0 $0x0, s1;
	[sflag:s0] =	ssyncset.done @!p0 $0x0  }
0x24a: {  	[sflag:s0] =	ssyncadd.s32 @!p0 s1  }
0x24b: {  	[bflag:$0x3] =	sbarrier.arrive $0xFFFF  }
0x24c: {  	_ =	shalt  }

</sc_bundles>
